<compile_context>
chip_gen: v7x
topology: tpu7x:2x2x1
jax: 0.10.2.dev20260603
libtpu: 0.0.44.dev20260713+nightly
codegen_flags: <defaults>
</compile_context>

<pallas_src>
import functools

import jax
import jax.numpy as jnp
from jax import lax
from jax.experimental import pallas as pl
from jax.experimental.pallas import tpu as pltpu
from jax.experimental.pallas import tpu_sc as plsc

_N = 10000
_E = 320000
_EP = 327680
_C = 4
_EC = _EP // _C
_D = 128
_NSUB = 16
_NPAD = 10240
_RPS = _NPAD // _NSUB
_GW = 128
_SW = 128
_BE = 1280
_NBE = _EC // _BE
_BN = 400
_EPS = 1e-5


def _sc_gather(table, gidx_all, c):
    mesh = plsc.VectorSubcoreMesh(core_axis_name="c", subcore_axis_name="s")

    @functools.partial(
        pl.kernel,
        out_type=jax.ShapeDtypeStruct((2 * _EC, _D), jnp.float32),
        mesh=mesh,
    )
    def k(t_hbm, i_hbm, o_hbm):
        def body(i_vmem, o_vmem):
            pltpu.sync_copy(t_hbm.at[i_vmem.at[0]], o_vmem)

        pltpu.emit_pipeline(
            body,
            grid=(2 * _EC // _GW,),
            in_specs=[pl.BlockSpec((1, _GW), lambda i: (c, i))],
            out_specs=[pl.BlockSpec((_GW, _D), lambda i: (i, 0))],
            core_axis_name=("c", "s"),
            dimension_semantics=(pltpu.PARALLEL,),
        )(i_hbm, o_hbm)

    return k(table, gidx_all)


def _sc_segment_sum(deltas, sidx_all, zeros_hbm):
    mesh = plsc.VectorSubcoreMesh(core_axis_name="c", subcore_axis_name="s")

    @functools.partial(
        pl.kernel,
        out_type=jax.ShapeDtypeStruct((2, _NPAD, _D), jnp.float32),
        mesh=mesh,
        scratch_types=[pltpu.VMEM_SHARED((_NPAD, _D), jnp.float32)],
    )
    def k(*refs):
        d_hbms = refs[:_C]
        i_hbm, z_hbm, o_hbm, agg_sh = refs[_C:]
        cid = lax.axis_index("c")
        sid = lax.axis_index("s")
        row0 = sid * _RPS
        pltpu.sync_copy(z_hbm.at[pl.ds(row0, _RPS)], agg_sh.at[pl.ds(row0, _RPS)])
        plsc.subcore_barrier()

        def body(d_vmem, i_vmem):
            pltpu.sync_copy(d_vmem, agg_sh.at[i_vmem.at[0]], add=True)

        for c in range(_C):
            pltpu.emit_pipeline(
                body,
                grid=(_EC // _SW,),
                in_specs=[
                    pl.BlockSpec((_SW, _D), lambda i: (i, 0)),
                    pl.BlockSpec((1, _SW), lambda i, c=c: (c, i)),
                ],
                out_specs=[],
                core_axis_name=("c", "s"),
                dimension_semantics=(pltpu.PARALLEL,),
            )(d_hbms[c], i_hbm)
        plsc.subcore_barrier()
        pltpu.sync_copy(agg_sh.at[pl.ds(row0, _RPS)],
                        o_hbm.at[cid].at[pl.ds(row0, _RPS)])

    return k(*deltas, sidx_all, zeros_hbm)


def _tc_node_proj(node2d, w23):
    def body(x_ref, w_ref, o_ref):
        x = x_ref[...]
        o_ref[0] = jnp.dot(x, w_ref[:_D], preferred_element_type=jnp.float32)
        o_ref[1] = jnp.dot(x, w_ref[_D:], preferred_element_type=jnp.float32)

    return pl.pallas_call(
        body,
        grid=(_N // _BN,),
        in_specs=[
            pl.BlockSpec((_BN, _D), lambda i: (i, 0)),
            pl.BlockSpec((2 * _D, _D), lambda i: (0, 0)),
        ],
        out_specs=pl.BlockSpec((2, _BN, _D), lambda i: (0, i, 0)),
        out_shape=jax.ShapeDtypeStruct((2, _N, _D), jnp.float32),
    )(node2d, w23)


def _tc_edge(edge2d, gpair, w1, g1, b1, c):
    def body(e_ref, g_ref, w_ref, g1_ref, b1_ref, oe_ref, od_ref):
        e = e_ref[...]
        h = jnp.dot(e, w_ref[...], preferred_element_type=jnp.float32)
        h = h + g_ref[0] + g_ref[1]
        t = jnp.tanh(h)
        mu = jnp.mean(t, axis=-1, keepdims=True)
        var = jnp.mean((t - mu) ** 2, axis=-1, keepdims=True)
        d = (t - mu) / jnp.sqrt(var + _EPS) * g1_ref[...] + b1_ref[...]
        od_ref[...] = d
        oe_ref[...] = e + d

    nblk = _NBE if c < _C - 1 else (_E - (_C - 1) * _EC) // _BE
    return pl.pallas_call(
        body,
        grid=(nblk,),
        in_specs=[
            pl.BlockSpec((_BE, _D), lambda i: (i + c * _NBE, 0)),
            pl.BlockSpec((2, _BE, _D), lambda i: (0, i, 0)),
            pl.BlockSpec((_D, _D), lambda i: (0, 0)),
            pl.BlockSpec((1, _D), lambda i: (0, 0)),
            pl.BlockSpec((1, _D), lambda i: (0, 0)),
        ],
        out_specs=[
            pl.BlockSpec((_BE, _D), lambda i: (i, 0)),
            pl.BlockSpec((_BE, _D), lambda i: (i, 0)),
        ],
        out_shape=[
            jax.ShapeDtypeStruct((_EC, _D), jnp.float32),
            jax.ShapeDtypeStruct((_EC, _D), jnp.float32),
        ],
    )(edge2d, gpair, w1, g1, b1)


def _tc_node(node2d, aggp, deg, w, g2, b2):
    def body(x_ref, a_ref, d_ref, w_ref, g_ref, b_ref, o_ref):
        x = x_ref[...]
        agg = (a_ref[0] + a_ref[1]) / d_ref[...]
        h = jnp.dot(x, w_ref[:_D], preferred_element_type=jnp.float32)
        h = h + jnp.dot(agg, w_ref[_D:], preferred_element_type=jnp.float32)
        t = jnp.tanh(h)
        mu = jnp.mean(t, axis=-1, keepdims=True)
        var = jnp.mean((t - mu) ** 2, axis=-1, keepdims=True)
        o_ref[...] = x + (t - mu) / jnp.sqrt(var + _EPS) * g_ref[...] + b_ref[...]

    return pl.pallas_call(
        body,
        grid=(_N // _BN,),
        in_specs=[
            pl.BlockSpec((_BN, _D), lambda i: (i, 0)),
            pl.BlockSpec((2, _BN, _D), lambda i: (0, i, 0)),
            pl.BlockSpec((_BN, 1), lambda i: (i, 0)),
            pl.BlockSpec((2 * _D, _D), lambda i: (0, 0)),
            pl.BlockSpec((1, _D), lambda i: (0, 0)),
            pl.BlockSpec((1, _D), lambda i: (0, 0)),
        ],
        out_specs=pl.BlockSpec((_BN, _D), lambda i: (i, 0)),
        out_shape=jax.ShapeDtypeStruct((_N, _D), jnp.float32),
    )(node2d, aggp, deg, w, g2, b2)


def kernel(mesh_mesh_bond_embedding, mesh_node_embedding, edge_pairs,
           num_of_linked_nodes, W_n2e, g1, b1, W_e2n, g2, b2):
    node2d = mesh_node_embedding.reshape(_N, _D)
    edge2d = mesh_mesh_bond_embedding.reshape(_E, _D)
    src = edge_pairs[:, 0]
    dst = edge_pairs[:, 1]
    ipadn = _N + (jnp.arange(_EP - _E, dtype=jnp.int32) % (_NPAD - _N))
    srcp = jnp.concatenate([src, ipadn]).reshape(_C, _EC)
    dstp = jnp.concatenate([dst + _N, ipadn]).reshape(_C, _EC)
    gidx_all = jnp.concatenate([srcp, dstp], axis=1)
    zeros_hbm = jnp.zeros((_NPAD, _D), jnp.float32)

    proj = _tc_node_proj(node2d, W_n2e[_D:])
    table = proj.reshape(2 * _N, _D)
    w1 = W_n2e[:_D]
    g1r, b1r = g1.reshape(1, _D), b1.reshape(1, _D)

    gpairs = [_sc_gather(table, gidx_all, c).reshape(2, _EC, _D)
              for c in range(_C)]
    edge_outs, deltas = [], []
    for c in range(_C):
        edge_out_c, delta_c = _tc_edge(edge2d, gpairs[c], w1, g1r, b1r, c)
        edge_outs.append(edge_out_c)
        deltas.append(delta_c)
    aggp = _sc_segment_sum(deltas, srcp, zeros_hbm)

    node_out2 = _tc_node(node2d, aggp, num_of_linked_nodes, W_e2n,
                         g2.reshape(1, _D), b2.reshape(1, _D))
    edge_out2 = jnp.concatenate(edge_outs, axis=0)[:_E]
    return (edge_out2.reshape(1, _E, _D), node_out2.reshape(1, _N, _D))

# --- scband reference (transcript-rebuilt; emitter-appended) ---
"""Pipeline reference for scband-mesh2-mesh-32091995635869 (READ-ONLY COPY).

The authoritative reference and input builder live on the scoring server;
editing this copy changes nothing except your own understanding.
"""

import jax, jax.numpy as jnp
import numpy as np

N = 10000
E = 320000
D = 128

def _layer_norm(x, g, b, eps=1e-5):
    mu = jnp.mean(x, axis=-1, keepdims=True)
    var = jnp.mean((x - mu) ** 2, axis=-1, keepdims=True)
    return (x - mu) / jnp.sqrt(var + eps) * g + b

def setup_inputs(seed: int = 0):
    key = jax.random.key(seed)
    ks = jax.random.split(key, 6)
    edge_pairs = jax.random.randint(ks[0], (E, 2), 0, N, dtype=jnp.int32)
    deg = jnp.bincount(edge_pairs[:, 0], length=N)
    num_of_linked_nodes = jnp.maximum(deg, 1).astype(jnp.float32)[:, None]
    mesh_mesh_bond_embedding = jax.random.normal(ks[1], (1, E, D), dtype=jnp.float32)
    mesh_node_embedding = jax.random.normal(ks[2], (1, N, D), dtype=jnp.float32)
    s1 = 1.0 / np.sqrt(3 * D)
    W_n2e = jax.random.uniform(ks[3], (3 * D, D), minval=-s1, maxval=s1, dtype=jnp.float32)
    g1 = jnp.ones((D,), jnp.float32)
    b1 = jnp.zeros((D,), jnp.float32)
    s2 = 1.0 / np.sqrt(2 * D)
    W_e2n = jax.random.uniform(ks[4], (2 * D, D), minval=-s2, maxval=s2, dtype=jnp.float32)
    g2 = jnp.ones((D,), jnp.float32)
    b2 = jnp.zeros((D,), jnp.float32)
    return {
        'mesh_mesh_bond_embedding': mesh_mesh_bond_embedding,
        'mesh_node_embedding': mesh_node_embedding,
        'edge_pairs': edge_pairs,
        'num_of_linked_nodes': num_of_linked_nodes,
        'W_n2e': W_n2e, 'g1': g1, 'b1': b1,
        'W_e2n': W_e2n, 'g2': g2, 'b2': b2,
    }

def reference(mesh_mesh_bond_embedding, mesh_node_embedding, edge_pairs, num_of_linked_nodes, W_n2e, g1, b1, W_e2n, g2, b2):
    src = edge_pairs[:, 0]
    dst = edge_pairs[:, 1]
    # N2E: concat(edge, node[src], node[dst]) -> Linear(no bias) -> tanh -> LayerNorm
    h = jnp.concatenate([
        mesh_mesh_bond_embedding,
        mesh_node_embedding[:, src],
        mesh_node_embedding[:, dst],
    ], axis=-1)
    delta_e = _layer_norm(jnp.tanh(h @ W_n2e), g1, b1)
    # Aggregation: each start_node sums delta_e over its incident edges (padded
    # gather-sum in torch == segment_sum over src here), then divide by degree.
    agg = jax.vmap(lambda d: jax.ops.segment_sum(d, src, num_segments=N))(delta_e)
    agg = agg / num_of_linked_nodes
    # E2N: concat(node, agg) -> Linear(no bias) -> tanh -> LayerNorm
    h2 = jnp.concatenate([mesh_node_embedding, agg], axis=-1)
    delta_n = _layer_norm(jnp.tanh(h2 @ W_e2n), g2, b2)
    edge_out = mesh_mesh_bond_embedding + delta_e
    node_out = mesh_node_embedding + delta_n
    return (edge_out, node_out)

if __name__ == "__main__":
    import jax
    _d = setup_inputs()
    print(jax.jit(kernel)(*tuple(_d.values())))

</pallas_src>

<mosaic_0001>
#map = affine_map<(d0, d1) -> (0, 0)>
module attributes {stable_mosaic.version = 14 : i64} {
  func.func @k(%arg0: i32, %arg1: i32, %arg2: memref<20000x128xf32, #tpu.memory_space<hbm>>, %arg3: memref<4x163840xi32, #tpu.memory_space<hbm>>, %arg4: memref<163840x128xf32, #tpu.memory_space<hbm>>) attributes {dimension_semantics = [#tpu.dimension_semantics<core_parallel>, #tpu.dimension_semantics<subcore_parallel>], iteration_bounds = array<i64: 2, 16>, scalar_prefetch = 0 : i64, scratch_operands = 0 : i64, tpu.core_type = #tpu.core_type<sc_vector_subcore>, window_params = [{transform_indices = #map}, {transform_indices = #map}, {transform_indices = #map}]} {
    %mul3A = arith.constant 1 : i32
    %mul3A_0 = arith.muli %arg1, %mul3A : i32
    %add3A = arith.constant 0 : i32
    %add3A_1 = arith.addi %add3A, %mul3A_0 : i32
    %mul3A_2 = arith.constant 16 : i32
    %mul3A_3 = arith.muli %arg0, %mul3A_2 : i32
    %add3A_4 = arith.addi %add3A_1, %mul3A_3 : i32
    %mul3A_5 = arith.constant 40 : i32
    %mul3A_6 = arith.muli %add3A_4, %mul3A_5 : i32
    "tpu.region"() ({
      %run_scoped3A = memref.alloca() : memref<2x1x128xi32, #tpu.memory_space<vmem>>
      %run_scoped3A_7 = tpu.sem_alloc : memref<2x!tpu.dma_semaphore, #tpu.memory_space<semaphore_mem>>
      %run_scoped3A_8 = memref.alloca() : memref<2x128x128xf32, #tpu.memory_space<vmem>>
      %run_scoped3A_9 = tpu.sem_alloc : memref<2x!tpu.dma_semaphore, #tpu.memory_space<semaphore_mem>>
      %add3A_10 = arith.constant 0 : i32
      %add3A_11 = arith.addi %add3A_10, %mul3A_6 : i32
      %select_n3A = arith.constant true
      %select_n3A_12 = arith.constant 0 : i32
      %select_n3A_13 = arith.constant -1 : i32
      %select_n3A_14 = arith.select %select_n3A, %select_n3A_13, %select_n3A_12 : i32
      %eq3A = arith.constant -1 : i32
      %eq3A_15 = arith.cmpi eq, %select_n3A_14, %eq3A : i32
      %select_n3A_16 = arith.constant 39 : i32
      %select_n3A_17 = arith.select %eq3A_15, %select_n3A_16, %select_n3A_14 : i32
      %add3A_18 = arith.addi %select_n3A_17, %mul3A_6 : i32
      %select_n3A_19 = arith.constant true
      %select_n3A_20 = arith.constant 0 : i32
      %select_n3A_21 = arith.constant 1 : i32
      %select_n3A_22 = arith.select %select_n3A_19, %select_n3A_21, %select_n3A_20 : i32
      %eq3A_23 = arith.constant 40 : i32
      %eq3A_24 = arith.cmpi eq, %select_n3A_22, %eq3A_23 : i32
      %select_n3A_25 = arith.constant 0 : i32
      %select_n3A_26 = arith.select %eq3A_24, %select_n3A_25, %select_n3A_22 : i32
      %add3A_27 = arith.addi %select_n3A_26, %mul3A_6 : i32
      %add3A_28 = arith.constant 1 : i32
      %add3A_29 = arith.addi %select_n3A_26, %add3A_28 : i32
      %select_n3A_30 = arith.constant true
      %select_n3A_31 = arith.select %select_n3A_30, %add3A_29, %select_n3A_26 : i32
      %eq3A_32 = arith.constant 40 : i32
      %eq3A_33 = arith.cmpi eq, %select_n3A_31, %eq3A_32 : i32
      %select_n3A_34 = arith.constant 0 : i32
      %select_n3A_35 = arith.select %eq3A_33, %select_n3A_34, %select_n3A_31 : i32
      %add3A_36 = arith.addi %select_n3A_35, %mul3A_6 : i32
      "tpu.trace_start"() <{level = 10 : i32, message = "ep_initialize_0"}> : () -> ()
      %rem3A = arith.constant 0 : i32
      %rem3A_37 = arith.constant 2 : i32
      %rem3A_38 = arith.remui %rem3A, %rem3A_37 : i32
      %mul3A_39 = arith.constant 128 : i32
      %mul3A_40 = arith.muli %mul3A_39, %add3A_11 : i32
      %dma_start3A = arith.constant 0 : i32
      %dma_start3A_41 = arith.constant 0 : i32
      %dma_start3A_42 = tpu.memref_slice %run_scoped3A[%rem3A_38, %dma_start3A, %dma_start3A_41] : memref<2x1x128xi32, #tpu.memory_space<vmem>> -> memref<1x1x128xi32, #tpu.memory_space<vmem>>
      %dma_start3A_43 = tpu.memref_squeeze %dma_start3A_42 : memref<1x1x128xi32, #tpu.memory_space<vmem>> -> memref<1x128xi32, #tpu.memory_space<vmem>>
      %dma_start3A_44 = arith.constant 3 : i32
      %dma_start3A_45 = tpu.memref_slice %arg3[%dma_start3A_44, %mul3A_40] : memref<4x163840xi32, #tpu.memory_space<hbm>> -> memref<1x128xi32, #tpu.memory_space<hbm>>
      %dma_start3A_46 = tpu.memref_slice %run_scoped3A_7[%rem3A_38] : memref<2x!tpu.dma_semaphore, #tpu.memory_space<semaphore_mem>> -> memref<1x!tpu.dma_semaphore, #tpu.memory_space<semaphore_mem>>
      %dma_start3A_47 = tpu.memref_squeeze %dma_start3A_46 : memref<1x!tpu.dma_semaphore, #tpu.memory_space<semaphore_mem>> -> memref<!tpu.dma_semaphore, #tpu.memory_space<semaphore_mem>>
      %dma_start3A_48 = arith.constant 0 : i32
      %dma_start3A_49 = arith.constant 0 : i32
      %dma_start3A_50 = tpu.memref_slice %run_scoped3A[%rem3A_38, %dma_start3A_48, %dma_start3A_49] : memref<2x1x128xi32, #tpu.memory_space<vmem>> -> memref<1x1x128xi32, #tpu.memory_space<vmem>>
      %dma_start3A_51 = tpu.memref_squeeze %dma_start3A_50 : memref<1x1x128xi32, #tpu.memory_space<vmem>> -> memref<1x128xi32, #tpu.memory_space<vmem>>
      %dma_start3A_52 = arith.constant 3 : i32
      %dma_start3A_53 = tpu.memref_slice %arg3[%dma_start3A_52, %mul3A_40] : memref<4x163840xi32, #tpu.memory_space<hbm>> -> memref<1x128xi32, #tpu.memory_space<hbm>>
      tpu.enqueue_dma source(%dma_start3A_53 : memref<1x128xi32, #tpu.memory_space<hbm>>) target(%dma_start3A_51 : memref<1x128xi32, #tpu.memory_space<vmem>>) target_semaphore(%dma_start3A_47 : memref<!tpu.dma_semaphore, #tpu.memory_space<semaphore_mem>>)
      %add3A_54 = arith.constant 0 : i32
      %add3A_55 = arith.constant 1 : i32
      %add3A_56 = arith.addi %add3A_54, %add3A_55 : i32
      %select_n3A_57 = arith.constant true
      %select_n3A_58 = arith.constant 0 : i32
      %select_n3A_59 = arith.select %select_n3A_57, %add3A_56, %select_n3A_58 : i32
      "tpu.trace_stop"() : () -> ()
      %scan3A = arith.constant 0 : i32
      %scan3A_60 = arith.constant 0 : i32
      %scan3A_61 = arith.constant 0 : i32
      %scan3A_62 = arith.constant 0 : i32
      %scan3A_63 = arith.constant 0 : i32
      %scan3A_64 = arith.constant 40 : i32
      %scan3A_65 = arith.addi %scan3A_63, %scan3A_64 : i32
      %scan3A_66 = arith.constant 1 : i32
      %scan3A_67:5 = scf.for %scan3A_121 = %scan3A_63 to %scan3A_65 step %scan3A_66 iter_args(%scan3A_122 = %select_n3A_59, %scan3A_123 = %scan3A, %scan3A_124 = %scan3A_60, %scan3A_125 = %scan3A_61, %scan3A_126 = %scan3A_62) -> (i32, i32, i32, i32, i32)  : i32 {
        %eq3A_127 = arith.constant 0 : i32
        %eq3A_128 = arith.cmpi eq, %scan3A_121, %eq3A_127 : i32
        %eq3A_129 = arith.constant 39 : i32
        %eq3A_130 = arith.cmpi eq, %scan3A_121, %eq3A_129 : i32
        %add3A_131 = arith.addi %scan3A_126, %mul3A_6 : i32
        %sub3A_132 = arith.constant 1 : i32
        %sub3A_133 = arith.subi %scan3A_126, %sub3A_132 : i32
        %select_n3A_134 = arith.constant true
        %select_n3A_135 = arith.select %select_n3A_134, %sub3A_133, %scan3A_126 : i32
        %eq3A_136 = arith.constant -1 : i32
        %eq3A_137 = arith.cmpi eq, %select_n3A_135, %eq3A_136 : i32
        %select_n3A_138 = arith.constant 39 : i32
        %select_n3A_139 = arith.select %eq3A_137, %select_n3A_138, %select_n3A_135 : i32
        %add3A_140 = arith.addi %select_n3A_139, %mul3A_6 : i32
        %add3A_141 = arith.constant 1 : i32
        %add3A_142 = arith.addi %scan3A_126, %add3A_141 : i32
        %select_n3A_143 = arith.constant true
        %select_n3A_144 = arith.select %select_n3A_143, %add3A_142, %scan3A_126 : i32
        %eq3A_145 = arith.constant 40 : i32
        %eq3A_146 = arith.cmpi eq, %select_n3A_144, %eq3A_145 : i32
        %select_n3A_147 = arith.constant 0 : i32
        %select_n3A_148 = arith.select %eq3A_146, %select_n3A_147, %select_n3A_144 : i32
        %add3A_149 = arith.addi %select_n3A_148, %mul3A_6 : i32
        %add3A_150 = arith.constant 1 : i32
        %add3A_151 = arith.addi %select_n3A_148, %add3A_150 : i32
        %select_n3A_152 = arith.constant true
        %select_n3A_153 = arith.select %select_n3A_152, %add3A_151, %select_n3A_148 : i32
        %eq3A_154 = arith.constant 40 : i32
        %eq3A_155 = arith.cmpi eq, %select_n3A_153, %eq3A_154 : i32
        %select_n3A_156 = arith.constant 0 : i32
        %select_n3A_157 = arith.select %eq3A_155, %select_n3A_156, %select_n3A_153 : i32
        %add3A_158 = arith.addi %select_n3A_157, %mul3A_6 : i32
        %ne3A = arith.cmpi ne, %add3A_131, %add3A_149 : i32
        %or3A = arith.constant false
        %or3A_159 = arith.ori %or3A, %ne3A : i1
        %ge3A = arith.constant 39 : i32
        %ge3A_160 = arith.cmpi sge, %scan3A_121, %ge3A : i32
        %not3A = arith.constant true
        %not3A_161 = arith.xori %ge3A_160, %not3A : i1
        %and3A = arith.andi %or3A_159, %not3A_161 : i1
        %convert_element_type3A = arith.extui %and3A : i1 to i32
        %cond3A = arith.constant 0 : i32
        %cond3A_162 = arith.cmpi ne, %convert_element_type3A, %cond3A : i32
        scf.if %cond3A_162 {
          "tpu.trace_start"() <{level = 10 : i32, message = "ep_copy_in"}> : () -> ()
          %rem3A_264 = arith.constant 2 : i32
          %rem3A_265 = arith.remui %scan3A_122, %rem3A_264 : i32
          %mul3A_266 = arith.constant 128 : i32
          %mul3A_267 = arith.muli %mul3A_266, %add3A_149 : i32
          %dma_start3A_268 = arith.constant 0 : i32
          %dma_start3A_269 = arith.constant 0 : i32
          %dma_start3A_270 = tpu.memref_slice %run_scoped3A[%rem3A_265, %dma_start3A_268, %dma_start3A_269] : memref<2x1x128xi32, #tpu.memory_space<vmem>> -> memref<1x1x128xi32, #tpu.memory_space<vmem>>
          %dma_start3A_271 = tpu.memref_squeeze %dma_start3A_270 : memref<1x1x128xi32, #tpu.memory_space<vmem>> -> memref<1x128xi32, #tpu.memory_space<vmem>>
          %dma_start3A_272 = arith.constant 3 : i32
          %dma_start3A_273 = tpu.memref_slice %arg3[%dma_start3A_272, %mul3A_267] : memref<4x163840xi32, #tpu.memory_space<hbm>> -> memref<1x128xi32, #tpu.memory_space<hbm>>
          %dma_start3A_274 = tpu.memref_slice %run_scoped3A_7[%rem3A_265] : memref<2x!tpu.dma_semaphore, #tpu.memory_space<semaphore_mem>> -> memref<1x!tpu.dma_semaphore, #tpu.memory_space<semaphore_mem>>
          %dma_start3A_275 = tpu.memref_squeeze %dma_start3A_274 : memref<1x!tpu.dma_semaphore, #tpu.memory_space<semaphore_mem>> -> memref<!tpu.dma_semaphore, #tpu.memory_space<semaphore_mem>>
          %dma_start3A_276 = arith.constant 0 : i32
          %dma_start3A_277 = arith.constant 0 : i32
          %dma_start3A_278 = tpu.memref_slice %run_scoped3A[%rem3A_265, %dma_start3A_276, %dma_start3A_277] : memref<2x1x128xi32, #tpu.memory_space<vmem>> -> memref<1x1x128xi32, #tpu.memory_space<vmem>>
          %dma_start3A_279 = tpu.memref_squeeze %dma_start3A_278 : memref<1x1x128xi32, #tpu.memory_space<vmem>> -> memref<1x128xi32, #tpu.memory_space<vmem>>
          %dma_start3A_280 = arith.constant 3 : i32
          %dma_start3A_281 = tpu.memref_slice %arg3[%dma_start3A_280, %mul3A_267] : memref<4x163840xi32, #tpu.memory_space<hbm>> -> memref<1x128xi32, #tpu.memory_space<hbm>>
          tpu.enqueue_dma source(%dma_start3A_281 : memref<1x128xi32, #tpu.memory_space<hbm>>) target(%dma_start3A_279 : memref<1x128xi32, #tpu.memory_space<vmem>>) target_semaphore(%dma_start3A_275 : memref<!tpu.dma_semaphore, #tpu.memory_space<semaphore_mem>>)
          "tpu.trace_stop"() : () -> ()
        } else {
        }
        %and3A_163 = arith.constant true
        %and3A_164 = arith.andi %and3A, %and3A_163 : i1
        %add3A_165 = arith.constant 1 : i32
        %add3A_166 = arith.addi %scan3A_122, %add3A_165 : i32
        %select_n3A_167 = arith.select %and3A_164, %add3A_166, %scan3A_122 : i32
        %ne3A_168 = arith.cmpi ne, %add3A_131, %add3A_149 : i32
        %or3A_169 = arith.constant false
        %or3A_170 = arith.ori %or3A_169, %ne3A_168 : i1
        %or3A_171 = arith.constant false
        %or3A_172 = arith.ori %or3A_170, %or3A_171 : i1
        %ge3A_173 = arith.constant 39 : i32
        %ge3A_174 = arith.cmpi sge, %scan3A_121, %ge3A_173 : i32
        %not3A_175 = arith.constant true
        %not3A_176 = arith.xori %ge3A_174, %not3A_175 : i1
        %and3A_177 = arith.andi %or3A_172, %not3A_176 : i1
        %ne3A_178 = arith.cmpi ne, %add3A_131, %add3A_140 : i32
        %or3A_179 = arith.constant false
        %or3A_180 = arith.ori %or3A_179, %ne3A_178 : i1
        %or3A_181 = arith.ori %or3A_180, %eq3A_128 : i1
        %convert_element_type3A_182 = arith.extui %or3A_181 : i1 to i32
        %cond3A_183 = arith.constant 0 : i32
        %cond3A_184 = arith.cmpi ne, %convert_element_type3A_182, %cond3A_183 : i32
        scf.if %cond3A_184 {
          "tpu.trace_start"() <{level = 10 : i32, message = "ep_wait_in"}> : () -> ()
          %mul3A_264 = arith.constant 128 : i32
          %mul3A_265 = arith.muli %mul3A_264, %add3A_131 : i32
          %rem3A_266 = arith.constant 2 : i32
          %rem3A_267 = arith.remui %scan3A_123, %rem3A_266 : i32
          %dma_wait3A_268 = arith.constant 0 : i32
          %dma_wait3A_269 = arith.constant 0 : i32
          %dma_wait3A_270 = tpu.memref_slice %run_scoped3A[%rem3A_267, %dma_wait3A_268, %dma_wait3A_269] : memref<2x1x128xi32, #tpu.memory_space<vmem>> -> memref<1x1x128xi32, #tpu.memory_space<vmem>>
          %dma_wait3A_271 = tpu.memref_squeeze %dma_wait3A_270 : memref<1x1x128xi32, #tpu.memory_space<vmem>> -> memref<1x128xi32, #tpu.memory_space<vmem>>
          %dma_wait3A_272 = arith.constant 3 : i32
          %dma_wait3A_273 = tpu.memref_slice %arg3[%dma_wait3A_272, %mul3A_265] : memref<4x163840xi32, #tpu.memory_space<hbm>> -> memref<1x128xi32, #tpu.memory_space<hbm>>
          %dma_wait3A_274 = tpu.memref_slice %run_scoped3A_7[%rem3A_267] : memref<2x!tpu.dma_semaphore, #tpu.memory_space<semaphore_mem>> -> memref<1x!tpu.dma_semaphore, #tpu.memory_space<semaphore_mem>>
          %dma_wait3A_275 = tpu.memref_squeeze %dma_wait3A_274 : memref<1x!tpu.dma_semaphore, #tpu.memory_space<semaphore_mem>> -> memref<!tpu.dma_semaphore, #tpu.memory_space<semaphore_mem>>
          %dma_wait3A_276 = arith.constant 0 : i32
          %dma_wait3A_277 = arith.constant 0 : i32
          %dma_wait3A_278 = tpu.memref_slice %run_scoped3A[%rem3A_267, %dma_wait3A_276, %dma_wait3A_277] : memref<2x1x128xi32, #tpu.memory_space<vmem>> -> memref<1x1x128xi32, #tpu.memory_space<vmem>>
          %dma_wait3A_279 = tpu.memref_squeeze %dma_wait3A_278 : memref<1x1x128xi32, #tpu.memory_space<vmem>> -> memref<1x128xi32, #tpu.memory_space<vmem>>
          %dma_wait3A_280 = arith.constant 3 : i32
          %dma_wait3A_281 = tpu.memref_slice %arg3[%dma_wait3A_280, %mul3A_265] : memref<4x163840xi32, #tpu.memory_space<hbm>> -> memref<1x128xi32, #tpu.memory_space<hbm>>
          tpu.wait_dma2 semaphore(%dma_wait3A_275 : memref<!tpu.dma_semaphore, #tpu.memory_space<semaphore_mem>>) src(%dma_wait3A_281 : memref<1x128xi32, #tpu.memory_space<hbm>>) dst(%dma_wait3A_279 : memref<1x128xi32, #tpu.memory_space<vmem>>)
          "tpu.trace_stop"() : () -> ()
        } else {
        }
        %ne3A_185 = arith.cmpi ne, %add3A_131, %add3A_140 : i32
        %or3A_186 = arith.constant false
        %or3A_187 = arith.ori %or3A_186, %ne3A_185 : i1
        %or3A_188 = arith.constant false
        %or3A_189 = arith.ori %or3A_187, %or3A_188 : i1
        %or3A_190 = arith.ori %or3A_189, %eq3A_128 : i1
        %convert_element_type3A_191 = arith.extui %or3A_190 : i1 to i32
        %cond3A_192 = arith.constant 0 : i32
        %cond3A_193 = arith.cmpi ne, %convert_element_type3A_191, %cond3A_192 : i32
        scf.if %cond3A_193 {
        } else {
        }
        %rem3A_194 = arith.constant 2 : i32
        %rem3A_195 = arith.remui %scan3A_123, %rem3A_194 : i32
        %rem3A_196 = arith.constant 2 : i32
        %rem3A_197 = arith.remui %scan3A_124, %rem3A_196 : i32
        %run_scoped3A_198 = arith.constant 0 : i32
        "tpu.trace_start"() <{level = 10 : i32, message = "ep_run_kernel"}> : () -> ()
        "tpu.region"() ({
          %run_scoped3A_264 = tpu.sem_alloc : memref<!tpu.dma_semaphore, #tpu.memory_space<semaphore_mem>>
          %dma_start3A_265 = arith.constant 0 : i32
          %dma_start3A_266 = arith.constant 0 : i32
          %dma_start3A_267 = tpu.memref_slice %run_scoped3A_8[%rem3A_197, %dma_start3A_265, %dma_start3A_266] : memref<2x128x128xf32, #tpu.memory_space<vmem>> -> memref<1x128x128xf32, #tpu.memory_space<vmem>>
          %dma_start3A_268 = tpu.memref_squeeze %dma_start3A_267 : memref<1x128x128xf32, #tpu.memory_space<vmem>> -> memref<128x128xf32, #tpu.memory_space<vmem>>
          %dma_start3A_269 = arith.constant 0 : i32
          %dma_start3A_270 = arith.constant 0 : i32
          %dma_start3A_271 = tpu.memref_slice %run_scoped3A[%rem3A_195, %dma_start3A_269, %dma_start3A_270] : memref<2x1x128xi32, #tpu.memory_space<vmem>> -> memref<1x1x128xi32, #tpu.memory_space<vmem>>
          %dma_start3A_272 = tpu.memref_squeeze %dma_start3A_271 : memref<1x1x128xi32, #tpu.memory_space<vmem>> -> memref<1x128xi32, #tpu.memory_space<vmem>>
          %dma_start3A_273 = arith.constant 0 : i32
          %dma_start3A_274 = tpu.memref_slice %dma_start3A_272[%run_scoped3A_198, %dma_start3A_273] : memref<1x128xi32, #tpu.memory_space<vmem>> -> memref<1x128xi32, #tpu.memory_space<vmem>>
          %dma_start3A_275 = tpu.memref_squeeze %dma_start3A_274 : memref<1x128xi32, #tpu.memory_space<vmem>> -> memref<128xi32, #tpu.memory_space<vmem>>
          %dma_start3A_276 = arith.constant 0 : i32
          %dma_start3A_277 = arith.constant 0 : i32
          %dma_start3A_278 = tpu.memref_slice %arg2[%dma_start3A_276, %dma_start3A_277] : memref<20000x128xf32, #tpu.memory_space<hbm>> -> memref<20000x128xf32, #tpu.memory_space<hbm>>
          tpu.enqueue_indirect_dma source(%dma_start3A_278 : memref<20000x128xf32, #tpu.memory_space<hbm>>) target(%dma_start3A_268 : memref<128x128xf32, #tpu.memory_space<vmem>>) offsets(%dma_start3A_275 : memref<128xi32, #tpu.memory_space<vmem>>) semaphore(%run_scoped3A_264 : memref<!tpu.dma_semaphore, #tpu.memory_space<semaphore_mem>>)
          %dma_wait3A_279 = arith.constant 0 : i32
          %dma_wait3A_280 = arith.constant 0 : i32
          %dma_wait3A_281 = tpu.memref_slice %run_scoped3A_8[%rem3A_197, %dma_wait3A_279, %dma_wait3A_280] : memref<2x128x128xf32, #tpu.memory_space<vmem>> -> memref<1x128x128xf32, #tpu.memory_space<vmem>>
          %dma_wait3A_282 = tpu.memref_squeeze %dma_wait3A_281 : memref<1x128x128xf32, #tpu.memory_space<vmem>> -> memref<128x128xf32, #tpu.memory_space<vmem>>
          %dma_wait3A_283 = arith.constant 0 : i32
          %dma_wait3A_284 = arith.constant 0 : i32
          %dma_wait3A_285 = tpu.memref_slice %run_scoped3A[%rem3A_195, %dma_wait3A_283, %dma_wait3A_284] : memref<2x1x128xi32, #tpu.memory_space<vmem>> -> memref<1x1x128xi32, #tpu.memory_space<vmem>>
          %dma_wait3A_286 = tpu.memref_squeeze %dma_wait3A_285 : memref<1x1x128xi32, #tpu.memory_space<vmem>> -> memref<1x128xi32, #tpu.memory_space<vmem>>
          %dma_wait3A_287 = arith.constant 0 : i32
          %dma_wait3A_288 = tpu.memref_slice %dma_wait3A_286[%run_scoped3A_198, %dma_wait3A_287] : memref<1x128xi32, #tpu.memory_space<vmem>> -> memref<1x128xi32, #tpu.memory_space<vmem>>
          %dma_wait3A_289 = tpu.memref_squeeze %dma_wait3A_288 : memref<1x128xi32, #tpu.memory_space<vmem>> -> memref<128xi32, #tpu.memory_space<vmem>>
          %dma_wait3A_290 = arith.constant 0 : i32
          %dma_wait3A_291 = arith.constant 0 : i32
          %dma_wait3A_292 = tpu.memref_slice %arg2[%dma_wait3A_290, %dma_wait3A_291] : memref<20000x128xf32, #tpu.memory_space<hbm>> -> memref<20000x128xf32, #tpu.memory_space<hbm>>
          tpu.wait_indirect_dma semaphore(%run_scoped3A_264 : memref<!tpu.dma_semaphore, #tpu.memory_space<semaphore_mem>>) src(%dma_wait3A_292 : memref<20000x128xf32, #tpu.memory_space<hbm>>) dst(%dma_wait3A_282 : memref<128x128xf32, #tpu.memory_space<vmem>>)
          tpu.yield
        }) : () -> ()
        "tpu.trace_stop"() : () -> ()
        %ne3A_199 = arith.cmpi ne, %add3A_131, %add3A_149 : i32
        %or3A_200 = arith.constant false
        %or3A_201 = arith.ori %or3A_200, %ne3A_199 : i1
        %or3A_202 = arith.ori %or3A_201, %eq3A_130 : i1
        %convert_element_type3A_203 = arith.extui %or3A_202 : i1 to i32
        %cond3A_204 = arith.constant 0 : i32
        %cond3A_205 = arith.cmpi ne, %convert_element_type3A_203, %cond3A_204 : i32
        scf.if %cond3A_205 {
        } else {
        }
        %and3A_206 = arith.constant false
        %and3A_207 = arith.andi %or3A_202, %and3A_206 : i1
        %ne3A_208 = arith.cmpi ne, %add3A_131, %add3A_149 : i32
        %or3A_209 = arith.constant false
        %or3A_210 = arith.ori %or3A_209, %ne3A_208 : i1
        %or3A_211 = arith.constant false
        %or3A_212 = arith.ori %or3A_210, %or3A_211 : i1
        %or3A_213 = arith.ori %or3A_212, %eq3A_130 : i1
        %convert_element_type3A_214 = arith.extui %or3A_213 : i1 to i32
        %cond3A_215 = arith.constant 0 : i32
        %cond3A_216 = arith.cmpi ne, %convert_element_type3A_214, %cond3A_215 : i32
        scf.if %cond3A_216 {
          "tpu.trace_start"() <{level = 10 : i32, message = "ep_copy_out"}> : () -> ()
          %rem3A_264 = arith.constant 2 : i32
          %rem3A_265 = arith.remui %scan3A_124, %rem3A_264 : i32
          %mul3A_266 = arith.constant 128 : i32
          %mul3A_267 = arith.muli %mul3A_266, %add3A_131 : i32
          %dma_start3A_268 = arith.constant 0 : i32
          %dma_start3A_269 = arith.constant 0 : i32
          %dma_start3A_270 = tpu.memref_slice %run_scoped3A_8[%rem3A_265, %dma_start3A_268, %dma_start3A_269] : memref<2x128x128xf32, #tpu.memory_space<vmem>> -> memref<1x128x128xf32, #tpu.memory_space<vmem>>
          %dma_start3A_271 = tpu.memref_squeeze %dma_start3A_270 : memref<1x128x128xf32, #tpu.memory_space<vmem>> -> memref<128x128xf32, #tpu.memory_space<vmem>>
          %dma_start3A_272 = arith.constant 0 : i32
          %dma_start3A_273 = tpu.memref_slice %arg4[%mul3A_267, %dma_start3A_272] : memref<163840x128xf32, #tpu.memory_space<hbm>> -> memref<128x128xf32, #tpu.memory_space<hbm>>
          %dma_start3A_274 = tpu.memref_slice %run_scoped3A_9[%rem3A_265] : memref<2x!tpu.dma_semaphore, #tpu.memory_space<semaphore_mem>> -> memref<1x!tpu.dma_semaphore, #tpu.memory_space<semaphore_mem>>
          %dma_start3A_275 = tpu.memref_squeeze %dma_start3A_274 : memref<1x!tpu.dma_semaphore, #tpu.memory_space<semaphore_mem>> -> memref<!tpu.dma_semaphore, #tpu.memory_space<semaphore_mem>>
          %dma_start3A_276 = arith.constant 0 : i32
          %dma_start3A_277 = tpu.memref_slice %arg4[%mul3A_267, %dma_start3A_276] : memref<163840x128xf32, #tpu.memory_space<hbm>> -> memref<128x128xf32, #tpu.memory_space<hbm>>
          %dma_start3A_278 = arith.constant 0 : i32
          %dma_start3A_279 = arith.constant 0 : i32
          %dma_start3A_280 = tpu.memref_slice %run_scoped3A_8[%rem3A_265, %dma_start3A_278, %dma_start3A_279] : memref<2x128x128xf32, #tpu.memory_space<vmem>> -> memref<1x128x128xf32, #tpu.memory_space<vmem>>
          %dma_start3A_281 = tpu.memref_squeeze %dma_start3A_280 : memref<1x128x128xf32, #tpu.memory_space<vmem>> -> memref<128x128xf32, #tpu.memory_space<vmem>>
          tpu.enqueue_dma source(%dma_start3A_281 : memref<128x128xf32, #tpu.memory_space<vmem>>) target(%dma_start3A_277 : memref<128x128xf32, #tpu.memory_space<hbm>>) target_semaphore(%dma_start3A_275 : memref<!tpu.dma_semaphore, #tpu.memory_space<semaphore_mem>>)
          "tpu.trace_stop"() : () -> ()
        } else {
        }
        %and3A_217 = arith.constant true
        %and3A_218 = arith.andi %or3A_213, %and3A_217 : i1
        %add3A_219 = arith.constant 1 : i32
        %add3A_220 = arith.addi %scan3A_124, %add3A_219 : i32
        %select_n3A_221 = arith.select %and3A_218, %add3A_220, %scan3A_124 : i32
        %ne3A_222 = arith.cmpi ne, %add3A_131, %add3A_140 : i32
        %or3A_223 = arith.constant false
        %or3A_224 = arith.ori %or3A_223, %ne3A_222 : i1
        %not3A_225 = arith.constant true
        %not3A_226 = arith.xori %eq3A_128, %not3A_225 : i1
        %and3A_227 = arith.andi %or3A_224, %not3A_226 : i1
        %convert_element_type3A_228 = arith.extui %and3A_227 : i1 to i32
        %cond3A_229 = arith.constant 0 : i32
        %cond3A_230 = arith.cmpi ne, %convert_element_type3A_228, %cond3A_229 : i32
        scf.if %cond3A_230 {
        } else {
        }
        %and3A_231 = arith.constant false
        %and3A_232 = arith.andi %and3A_227, %and3A_231 : i1
        %ne3A_233 = arith.cmpi ne, %add3A_131, %add3A_140 : i32
        %or3A_234 = arith.constant false
        %or3A_235 = arith.ori %or3A_234, %ne3A_233 : i1
        %or3A_236 = arith.constant false
        %or3A_237 = arith.ori %or3A_235, %or3A_236 : i1
        %not3A_238 = arith.constant true
        %not3A_239 = arith.xori %eq3A_128, %not3A_238 : i1
        %and3A_240 = arith.andi %or3A_237, %not3A_239 : i1
        %convert_element_type3A_241 = arith.extui %and3A_240 : i1 to i32
        %cond3A_242 = arith.constant 0 : i32
        %cond3A_243 = arith.cmpi ne, %convert_element_type3A_241, %cond3A_242 : i32
        scf.if %cond3A_243 {
          "tpu.trace_start"() <{level = 10 : i32, message = "ep_wait_out"}> : () -> ()
          %rem3A_264 = arith.constant 2 : i32
          %rem3A_265 = arith.remui %scan3A_125, %rem3A_264 : i32
          %mul3A_266 = arith.constant 128 : i32
          %mul3A_267 = arith.muli %mul3A_266, %add3A_140 : i32
          %dma_wait3A_268 = arith.constant 0 : i32
          %dma_wait3A_269 = arith.constant 0 : i32
          %dma_wait3A_270 = tpu.memref_slice %run_scoped3A_8[%rem3A_265, %dma_wait3A_268, %dma_wait3A_269] : memref<2x128x128xf32, #tpu.memory_space<vmem>> -> memref<1x128x128xf32, #tpu.memory_space<vmem>>
          %dma_wait3A_271 = tpu.memref_squeeze %dma_wait3A_270 : memref<1x128x128xf32, #tpu.memory_space<vmem>> -> memref<128x128xf32, #tpu.memory_space<vmem>>
          %dma_wait3A_272 = arith.constant 0 : i32
          %dma_wait3A_273 = tpu.memref_slice %arg4[%mul3A_267, %dma_wait3A_272] : memref<163840x128xf32, #tpu.memory_space<hbm>> -> memref<128x128xf32, #tpu.memory_space<hbm>>
          %dma_wait3A_274 = tpu.memref_slice %run_scoped3A_9[%rem3A_265] : memref<2x!tpu.dma_semaphore, #tpu.memory_space<semaphore_mem>> -> memref<1x!tpu.dma_semaphore, #tpu.memory_space<semaphore_mem>>
          %dma_wait3A_275 = tpu.memref_squeeze %dma_wait3A_274 : memref<1x!tpu.dma_semaphore, #tpu.memory_space<semaphore_mem>> -> memref<!tpu.dma_semaphore, #tpu.memory_space<semaphore_mem>>
          %dma_wait3A_276 = arith.constant 0 : i32
          %dma_wait3A_277 = tpu.memref_slice %arg4[%mul3A_267, %dma_wait3A_276] : memref<163840x128xf32, #tpu.memory_space<hbm>> -> memref<128x128xf32, #tpu.memory_space<hbm>>
          %dma_wait3A_278 = arith.constant 0 : i32
          %dma_wait3A_279 = arith.constant 0 : i32
          %dma_wait3A_280 = tpu.memref_slice %run_scoped3A_8[%rem3A_265, %dma_wait3A_278, %dma_wait3A_279] : memref<2x128x128xf32, #tpu.memory_space<vmem>> -> memref<1x128x128xf32, #tpu.memory_space<vmem>>
          %dma_wait3A_281 = tpu.memref_squeeze %dma_wait3A_280 : memref<1x128x128xf32, #tpu.memory_space<vmem>> -> memref<128x128xf32, #tpu.memory_space<vmem>>
          tpu.wait_dma2 semaphore(%dma_wait3A_275 : memref<!tpu.dma_semaphore, #tpu.memory_space<semaphore_mem>>) src(%dma_wait3A_281 : memref<128x128xf32, #tpu.memory_space<vmem>>) dst(%dma_wait3A_277 : memref<128x128xf32, #tpu.memory_space<hbm>>)
          "tpu.trace_stop"() : () -> ()
        } else {
        }
        %and3A_244 = arith.constant true
        %and3A_245 = arith.andi %and3A_240, %and3A_244 : i1
        %add3A_246 = arith.constant 1 : i32
        %add3A_247 = arith.addi %scan3A_125, %add3A_246 : i32
        %select_n3A_248 = arith.select %and3A_245, %add3A_247, %scan3A_125 : i32
        %ne3A_249 = arith.cmpi ne, %add3A_131, %add3A_149 : i32
        %or3A_250 = arith.constant false
        %or3A_251 = arith.ori %or3A_250, %ne3A_249 : i1
        %or3A_252 = arith.ori %or3A_251, %eq3A_130 : i1
        %add3A_253 = arith.constant 1 : i32
        %add3A_254 = arith.addi %scan3A_123, %add3A_253 : i32
        %select_n3A_255 = arith.select %or3A_252, %add3A_254, %scan3A_123 : i32
        %add3A_256 = arith.constant 1 : i32
        %add3A_257 = arith.addi %scan3A_126, %add3A_256 : i32
        %select_n3A_258 = arith.constant true
        %select_n3A_259 = arith.select %select_n3A_258, %add3A_257, %scan3A_126 : i32
        %eq3A_260 = arith.constant 40 : i32
        %eq3A_261 = arith.cmpi eq, %select_n3A_259, %eq3A_260 : i32
        %select_n3A_262 = arith.constant 0 : i32
        %select_n3A_263 = arith.select %eq3A_261, %select_n3A_262, %select_n3A_259 : i32
        scf.yield %select_n3A_167, %select_n3A_255, %select_n3A_221, %select_n3A_248, %select_n3A_263 : i32, i32, i32, i32, i32
      }
      %scan3A_68 = arith.constant 40 : i32
      %sub3A = arith.constant 1 : i32
      %sub3A_69 = arith.subi %scan3A_67#4, %sub3A : i32
      %select_n3A_70 = arith.constant true
      %select_n3A_71 = arith.select %select_n3A_70, %sub3A_69, %scan3A_67#4 : i32
      %eq3A_72 = arith.constant -1 : i32
      %eq3A_73 = arith.cmpi eq, %select_n3A_71, %eq3A_72 : i32
      %select_n3A_74 = arith.constant 39 : i32
      %select_n3A_75 = arith.select %eq3A_73, %select_n3A_74, %select_n3A_71 : i32
      %add3A_76 = arith.addi %select_n3A_75, %mul3A_6 : i32
      %sub3A_77 = arith.constant 1 : i32
      %sub3A_78 = arith.subi %select_n3A_75, %sub3A_77 : i32
      %select_n3A_79 = arith.constant true
      %select_n3A_80 = arith.select %select_n3A_79, %sub3A_78, %select_n3A_75 : i32
      %eq3A_81 = arith.constant -1 : i32
      %eq3A_82 = arith.cmpi eq, %select_n3A_80, %eq3A_81 : i32
      %select_n3A_83 = arith.constant 39 : i32
      %select_n3A_84 = arith.select %eq3A_82, %select_n3A_83, %select_n3A_80 : i32
      %add3A_85 = arith.addi %select_n3A_84, %mul3A_6 : i32
      %add3A_86 = arith.constant 1 : i32
      %add3A_87 = arith.addi %select_n3A_75, %add3A_86 : i32
      %select_n3A_88 = arith.constant true
      %select_n3A_89 = arith.select %select_n3A_88, %add3A_87, %select_n3A_75 : i32
      %eq3A_90 = arith.constant 40 : i32
      %eq3A_91 = arith.cmpi eq, %select_n3A_89, %eq3A_90 : i32
      %select_n3A_92 = arith.constant 0 : i32
      %select_n3A_93 = arith.select %eq3A_91, %select_n3A_92, %select_n3A_89 : i32
      %add3A_94 = arith.addi %select_n3A_93, %mul3A_6 : i32
      %add3A_95 = arith.constant 1 : i32
      %add3A_96 = arith.addi %select_n3A_93, %add3A_95 : i32
      %select_n3A_97 = arith.constant true
      %select_n3A_98 = arith.select %select_n3A_97, %add3A_96, %select_n3A_93 : i32
      %eq3A_99 = arith.constant 40 : i32
      %eq3A_100 = arith.cmpi eq, %select_n3A_98, %eq3A_99 : i32
      %select_n3A_101 = arith.constant 0 : i32
      %select_n3A_102 = arith.select %eq3A_100, %select_n3A_101, %select_n3A_98 : i32
      %add3A_103 = arith.addi %select_n3A_102, %mul3A_6 : i32
      "tpu.trace_start"() <{level = 10 : i32, message = "ep_finalize"}> : () -> ()
      %rem3A_104 = arith.constant 2 : i32
      %rem3A_105 = arith.remui %scan3A_67#3, %rem3A_104 : i32
      %mul3A_106 = arith.constant 128 : i32
      %mul3A_107 = arith.muli %mul3A_106, %add3A_76 : i32
      %dma_wait3A = arith.constant 0 : i32
      %dma_wait3A_108 = arith.constant 0 : i32
      %dma_wait3A_109 = tpu.memref_slice %run_scoped3A_8[%rem3A_105, %dma_wait3A, %dma_wait3A_108] : memref<2x128x128xf32, #tpu.memory_space<vmem>> -> memref<1x128x128xf32, #tpu.memory_space<vmem>>
      %dma_wait3A_110 = tpu.memref_squeeze %dma_wait3A_109 : memref<1x128x128xf32, #tpu.memory_space<vmem>> -> memref<128x128xf32, #tpu.memory_space<vmem>>
      %dma_wait3A_111 = arith.constant 0 : i32
      %dma_wait3A_112 = tpu.memref_slice %arg4[%mul3A_107, %dma_wait3A_111] : memref<163840x128xf32, #tpu.memory_space<hbm>> -> memref<128x128xf32, #tpu.memory_space<hbm>>
      %dma_wait3A_113 = tpu.memref_slice %run_scoped3A_9[%rem3A_105] : memref<2x!tpu.dma_semaphore, #tpu.memory_space<semaphore_mem>> -> memref<1x!tpu.dma_semaphore, #tpu.memory_space<semaphore_mem>>
      %dma_wait3A_114 = tpu.memref_squeeze %dma_wait3A_113 : memref<1x!tpu.dma_semaphore, #tpu.memory_space<semaphore_mem>> -> memref<!tpu.dma_semaphore, #tpu.memory_space<semaphore_mem>>
      %dma_wait3A_115 = arith.constant 0 : i32
      %dma_wait3A_116 = tpu.memref_slice %arg4[%mul3A_107, %dma_wait3A_115] : memref<163840x128xf32, #tpu.memory_space<hbm>> -> memref<128x128xf32, #tpu.memory_space<hbm>>
      %dma_wait3A_117 = arith.constant 0 : i32
      %dma_wait3A_118 = arith.constant 0 : i32
      %dma_wait3A_119 = tpu.memref_slice %run_scoped3A_8[%rem3A_105, %dma_wait3A_117, %dma_wait3A_118] : memref<2x128x128xf32, #tpu.memory_space<vmem>> -> memref<1x128x128xf32, #tpu.memory_space<vmem>>
      %dma_wait3A_120 = tpu.memref_squeeze %dma_wait3A_119 : memref<1x128x128xf32, #tpu.memory_space<vmem>> -> memref<128x128xf32, #tpu.memory_space<vmem>>
      tpu.wait_dma2 semaphore(%dma_wait3A_114 : memref<!tpu.dma_semaphore, #tpu.memory_space<semaphore_mem>>) src(%dma_wait3A_120 : memref<128x128xf32, #tpu.memory_space<vmem>>) dst(%dma_wait3A_116 : memref<128x128xf32, #tpu.memory_space<hbm>>)
      "tpu.trace_stop"() : () -> ()
      tpu.yield
    }) : () -> ()
    return
  }
}

#map = affine_map<(d0, d1) -> (0, 0)>
module attributes {stable_mosaic.version = 14 : i64} {
  func.func @k(%arg0: i32, %arg1: i32, %arg2: memref<20000x128xf32, #tpu.memory_space<hbm>>, %arg3: memref<4x163840xi32, #tpu.memory_space<hbm>>, %arg4: memref<163840x128xf32, #tpu.memory_space<hbm>>) attributes {dimension_semantics = [#tpu.dimension_semantics<core_parallel>, #tpu.dimension_semantics<subcore_parallel>], iteration_bounds = array<i64: 2, 16>, scalar_prefetch = 0 : i64, scratch_operands = 0 : i64, tpu.core_type = #tpu.core_type<sc_vector_subcore>, window_params = [{transform_indices = #map}, {transform_indices = #map}, {transform_indices = #map}]} {
    %mul3A = arith.constant 1 : i32
    %mul3A_0 = arith.muli %arg1, %mul3A : i32
    %add3A = arith.constant 0 : i32
    %add3A_1 = arith.addi %add3A, %mul3A_0 : i32
    %mul3A_2 = arith.constant 16 : i32
    %mul3A_3 = arith.muli %arg0, %mul3A_2 : i32
    %add3A_4 = arith.addi %add3A_1, %mul3A_3 : i32
    %mul3A_5 = arith.constant 40 : i32
    %mul3A_6 = arith.muli %add3A_4, %mul3A_5 : i32
    "tpu.region"() ({
      %run_scoped3A = memref.alloca() : memref<2x1x128xi32, #tpu.memory_space<vmem>>
      %run_scoped3A_7 = tpu.sem_alloc : memref<2x!tpu.dma_semaphore, #tpu.memory_space<semaphore_mem>>
      %run_scoped3A_8 = memref.alloca() : memref<2x128x128xf32, #tpu.memory_space<vmem>>
      %run_scoped3A_9 = tpu.sem_alloc : memref<2x!tpu.dma_semaphore, #tpu.memory_space<semaphore_mem>>
      %add3A_10 = arith.constant 0 : i32
      %add3A_11 = arith.addi %add3A_10, %mul3A_6 : i32
      %select_n3A = arith.constant true
      %select_n3A_12 = arith.constant 0 : i32
      %select_n3A_13 = arith.constant -1 : i32
      %select_n3A_14 = arith.select %select_n3A, %select_n3A_13, %select_n3A_12 : i32
      %eq3A = arith.constant -1 : i32
      %eq3A_15 = arith.cmpi eq, %select_n3A_14, %eq3A : i32
      %select_n3A_16 = arith.constant 39 : i32
      %select_n3A_17 = arith.select %eq3A_15, %select_n3A_16, %select_n3A_14 : i32
      %add3A_18 = arith.addi %select_n3A_17, %mul3A_6 : i32
      %select_n3A_19 = arith.constant true
      %select_n3A_20 = arith.constant 0 : i32
      %select_n3A_21 = arith.constant 1 : i32
      %select_n3A_22 = arith.select %select_n3A_19, %select_n3A_21, %select_n3A_20 : i32
      %eq3A_23 = arith.constant 40 : i32
      %eq3A_24 = arith.cmpi eq, %select_n3A_22, %eq3A_23 : i32
      %select_n3A_25 = arith.constant 0 : i32
      %select_n3A_26 = arith.select %eq3A_24, %select_n3A_25, %select_n3A_22 : i32
      %add3A_27 = arith.addi %select_n3A_26, %mul3A_6 : i32
      %add3A_28 = arith.constant 1 : i32
      %add3A_29 = arith.addi %select_n3A_26, %add3A_28 : i32
      %select_n3A_30 = arith.constant true
      %select_n3A_31 = arith.select %select_n3A_30, %add3A_29, %select_n3A_26 : i32
      %eq3A_32 = arith.constant 40 : i32
      %eq3A_33 = arith.cmpi eq, %select_n3A_31, %eq3A_32 : i32
      %select_n3A_34 = arith.constant 0 : i32
      %select_n3A_35 = arith.select %eq3A_33, %select_n3A_34, %select_n3A_31 : i32
      %add3A_36 = arith.addi %select_n3A_35, %mul3A_6 : i32
      "tpu.trace_start"() <{level = 10 : i32, message = "ep_initialize_0"}> : () -> ()
      %rem3A = arith.constant 0 : i32
      %rem3A_37 = arith.constant 2 : i32
      %rem3A_38 = arith.remui %rem3A, %rem3A_37 : i32
      %mul3A_39 = arith.constant 128 : i32
      %mul3A_40 = arith.muli %mul3A_39, %add3A_11 : i32
      %dma_start3A = arith.constant 0 : i32
      %dma_start3A_41 = arith.constant 0 : i32
      %dma_start3A_42 = tpu.memref_slice %run_scoped3A[%rem3A_38, %dma_start3A, %dma_start3A_41] : memref<2x1x128xi32, #tpu.memory_space<vmem>> -> memref<1x1x128xi32, #tpu.memory_space<vmem>>
      %dma_start3A_43 = tpu.memref_squeeze %dma_start3A_42 : memref<1x1x128xi32, #tpu.memory_space<vmem>> -> memref<1x128xi32, #tpu.memory_space<vmem>>
      %dma_start3A_44 = arith.constant 1 : i32
      %dma_start3A_45 = tpu.memref_slice %arg3[%dma_start3A_44, %mul3A_40] : memref<4x163840xi32, #tpu.memory_space<hbm>> -> memref<1x128xi32, #tpu.memory_space<hbm>>
      %dma_start3A_46 = tpu.memref_slice %run_scoped3A_7[%rem3A_38] : memref<2x!tpu.dma_semaphore, #tpu.memory_space<semaphore_mem>> -> memref<1x!tpu.dma_semaphore, #tpu.memory_space<semaphore_mem>>
      %dma_start3A_47 = tpu.memref_squeeze %dma_start3A_46 : memref<1x!tpu.dma_semaphore, #tpu.memory_space<semaphore_mem>> -> memref<!tpu.dma_semaphore, #tpu.memory_space<semaphore_mem>>
      %dma_start3A_48 = arith.constant 0 : i32
      %dma_start3A_49 = arith.constant 0 : i32
      %dma_start3A_50 = tpu.memref_slice %run_scoped3A[%rem3A_38, %dma_start3A_48, %dma_start3A_49] : memref<2x1x128xi32, #tpu.memory_space<vmem>> -> memref<1x1x128xi32, #tpu.memory_space<vmem>>
      %dma_start3A_51 = tpu.memref_squeeze %dma_start3A_50 : memref<1x1x128xi32, #tpu.memory_space<vmem>> -> memref<1x128xi32, #tpu.memory_space<vmem>>
      %dma_start3A_52 = arith.constant 1 : i32
      %dma_start3A_53 = tpu.memref_slice %arg3[%dma_start3A_52, %mul3A_40] : memref<4x163840xi32, #tpu.memory_space<hbm>> -> memref<1x128xi32, #tpu.memory_space<hbm>>
      tpu.enqueue_dma source(%dma_start3A_53 : memref<1x128xi32, #tpu.memory_space<hbm>>) target(%dma_start3A_51 : memref<1x128xi32, #tpu.memory_space<vmem>>) target_semaphore(%dma_start3A_47 : memref<!tpu.dma_semaphore, #tpu.memory_space<semaphore_mem>>)
      %add3A_54 = arith.constant 0 : i32
      %add3A_55 = arith.constant 1 : i32
      %add3A_56 = arith.addi %add3A_54, %add3A_55 : i32
      %select_n3A_57 = arith.constant true
      %select_n3A_58 = arith.constant 0 : i32
      %select_n3A_59 = arith.select %select_n3A_57, %add3A_56, %select_n3A_58 : i32
      "tpu.trace_stop"() : () -> ()
      %scan3A = arith.constant 0 : i32
      %scan3A_60 = arith.constant 0 : i32
      %scan3A_61 = arith.constant 0 : i32
      %scan3A_62 = arith.constant 0 : i32
      %scan3A_63 = arith.constant 0 : i32
      %scan3A_64 = arith.constant 40 : i32
      %scan3A_65 = arith.addi %scan3A_63, %scan3A_64 : i32
      %scan3A_66 = arith.constant 1 : i32
      %scan3A_67:5 = scf.for %scan3A_121 = %scan3A_63 to %scan3A_65 step %scan3A_66 iter_args(%scan3A_122 = %select_n3A_59, %scan3A_123 = %scan3A, %scan3A_124 = %scan3A_60, %scan3A_125 = %scan3A_61, %scan3A_126 = %scan3A_62) -> (i32, i32, i32, i32, i32)  : i32 {
        %eq3A_127 = arith.constant 0 : i32
        %eq3A_128 = arith.cmpi eq, %scan3A_121, %eq3A_127 : i32
        %eq3A_129 = arith.constant 39 : i32
        %eq3A_130 = arith.cmpi eq, %scan3A_121, %eq3A_129 : i32
        %add3A_131 = arith.addi %scan3A_126, %mul3A_6 : i32
        %sub3A_132 = arith.constant 1 : i32
        %sub3A_133 = arith.subi %scan3A_126, %sub3A_132 : i32
        %select_n3A_134 = arith.constant true
        %select_n3A_135 = arith.select %select_n3A_134, %sub3A_133, %scan3A_126 : i32
        %eq3A_136 = arith.constant -1 : i32
        %eq3A_137 = arith.cmpi eq, %select_n3A_135, %eq3A_136 : i32
        %select_n3A_138 = arith.constant 39 : i32
        %select_n3A_139 = arith.select %eq3A_137, %select_n3A_138, %select_n3A_135 : i32
        %add3A_140 = arith.addi %select_n3A_139, %mul3A_6 : i32
        %add3A_141 = arith.constant 1 : i32
        %add3A_142 = arith.addi %scan3A_126, %add3A_141 : i32
        %select_n3A_143 = arith.constant true
        %select_n3A_144 = arith.select %select_n3A_143, %add3A_142, %scan3A_126 : i32
        %eq3A_145 = arith.constant 40 : i32
        %eq3A_146 = arith.cmpi eq, %select_n3A_144, %eq3A_145 : i32
        %select_n3A_147 = arith.constant 0 : i32
        %select_n3A_148 = arith.select %eq3A_146, %select_n3A_147, %select_n3A_144 : i32
        %add3A_149 = arith.addi %select_n3A_148, %mul3A_6 : i32
        %add3A_150 = arith.constant 1 : i32
        %add3A_151 = arith.addi %select_n3A_148, %add3A_150 : i32
        %select_n3A_152 = arith.constant true
        %select_n3A_153 = arith.select %select_n3A_152, %add3A_151, %select_n3A_148 : i32
        %eq3A_154 = arith.constant 40 : i32
        %eq3A_155 = arith.cmpi eq, %select_n3A_153, %eq3A_154 : i32
        %select_n3A_156 = arith.constant 0 : i32
        %select_n3A_157 = arith.select %eq3A_155, %select_n3A_156, %select_n3A_153 : i32
        %add3A_158 = arith.addi %select_n3A_157, %mul3A_6 : i32
        %ne3A = arith.cmpi ne, %add3A_131, %add3A_149 : i32
        %or3A = arith.constant false
        %or3A_159 = arith.ori %or3A, %ne3A : i1
        %ge3A = arith.constant 39 : i32
        %ge3A_160 = arith.cmpi sge, %scan3A_121, %ge3A : i32
        %not3A = arith.constant true
        %not3A_161 = arith.xori %ge3A_160, %not3A : i1
        %and3A = arith.andi %or3A_159, %not3A_161 : i1
        %convert_element_type3A = arith.extui %and3A : i1 to i32
        %cond3A = arith.constant 0 : i32
        %cond3A_162 = arith.cmpi ne, %convert_element_type3A, %cond3A : i32
        scf.if %cond3A_162 {
          "tpu.trace_start"() <{level = 10 : i32, message = "ep_copy_in"}> : () -> ()
          %rem3A_264 = arith.constant 2 : i32
          %rem3A_265 = arith.remui %scan3A_122, %rem3A_264 : i32
          %mul3A_266 = arith.constant 128 : i32
          %mul3A_267 = arith.muli %mul3A_266, %add3A_149 : i32
          %dma_start3A_268 = arith.constant 0 : i32
          %dma_start3A_269 = arith.constant 0 : i32
          %dma_start3A_270 = tpu.memref_slice %run_scoped3A[%rem3A_265, %dma_start3A_268, %dma_start3A_269] : memref<2x1x128xi32, #tpu.memory_space<vmem>> -> memref<1x1x128xi32, #tpu.memory_space<vmem>>
          %dma_start3A_271 = tpu.memref_squeeze %dma_start3A_270 : memref<1x1x128xi32, #tpu.memory_space<vmem>> -> memref<1x128xi32, #tpu.memory_space<vmem>>
          %dma_start3A_272 = arith.constant 1 : i32
          %dma_start3A_273 = tpu.memref_slice %arg3[%dma_start3A_272, %mul3A_267] : memref<4x163840xi32, #tpu.memory_space<hbm>> -> memref<1x128xi32, #tpu.memory_space<hbm>>
          %dma_start3A_274 = tpu.memref_slice %run_scoped3A_7[%rem3A_265] : memref<2x!tpu.dma_semaphore, #tpu.memory_space<semaphore_mem>> -> memref<1x!tpu.dma_semaphore, #tpu.memory_space<semaphore_mem>>
          %dma_start3A_275 = tpu.memref_squeeze %dma_start3A_274 : memref<1x!tpu.dma_semaphore, #tpu.memory_space<semaphore_mem>> -> memref<!tpu.dma_semaphore, #tpu.memory_space<semaphore_mem>>
          %dma_start3A_276 = arith.constant 0 : i32
          %dma_start3A_277 = arith.constant 0 : i32
          %dma_start3A_278 = tpu.memref_slice %run_scoped3A[%rem3A_265, %dma_start3A_276, %dma_start3A_277] : memref<2x1x128xi32, #tpu.memory_space<vmem>> -> memref<1x1x128xi32, #tpu.memory_space<vmem>>
          %dma_start3A_279 = tpu.memref_squeeze %dma_start3A_278 : memref<1x1x128xi32, #tpu.memory_space<vmem>> -> memref<1x128xi32, #tpu.memory_space<vmem>>
          %dma_start3A_280 = arith.constant 1 : i32
          %dma_start3A_281 = tpu.memref_slice %arg3[%dma_start3A_280, %mul3A_267] : memref<4x163840xi32, #tpu.memory_space<hbm>> -> memref<1x128xi32, #tpu.memory_space<hbm>>
          tpu.enqueue_dma source(%dma_start3A_281 : memref<1x128xi32, #tpu.memory_space<hbm>>) target(%dma_start3A_279 : memref<1x128xi32, #tpu.memory_space<vmem>>) target_semaphore(%dma_start3A_275 : memref<!tpu.dma_semaphore, #tpu.memory_space<semaphore_mem>>)
          "tpu.trace_stop"() : () -> ()
        } else {
        }
        %and3A_163 = arith.constant true
        %and3A_164 = arith.andi %and3A, %and3A_163 : i1
        %add3A_165 = arith.constant 1 : i32
        %add3A_166 = arith.addi %scan3A_122, %add3A_165 : i32
        %select_n3A_167 = arith.select %and3A_164, %add3A_166, %scan3A_122 : i32
        %ne3A_168 = arith.cmpi ne, %add3A_131, %add3A_149 : i32
        %or3A_169 = arith.constant false
        %or3A_170 = arith.ori %or3A_169, %ne3A_168 : i1
        %or3A_171 = arith.constant false
        %or3A_172 = arith.ori %or3A_170, %or3A_171 : i1
        %ge3A_173 = arith.constant 39 : i32
        %ge3A_174 = arith.cmpi sge, %scan3A_121, %ge3A_173 : i32
        %not3A_175 = arith.constant true
        %not3A_176 = arith.xori %ge3A_174, %not3A_175 : i1
        %and3A_177 = arith.andi %or3A_172, %not3A_176 : i1
        %ne3A_178 = arith.cmpi ne, %add3A_131, %add3A_140 : i32
        %or3A_179 = arith.constant false
        %or3A_180 = arith.ori %or3A_179, %ne3A_178 : i1
        %or3A_181 = arith.ori %or3A_180, %eq3A_128 : i1
        %convert_element_type3A_182 = arith.extui %or3A_181 : i1 to i32
        %cond3A_183 = arith.constant 0 : i32
        %cond3A_184 = arith.cmpi ne, %convert_element_type3A_182, %cond3A_183 : i32
        scf.if %cond3A_184 {
          "tpu.trace_start"() <{level = 10 : i32, message = "ep_wait_in"}> : () -> ()
          %mul3A_264 = arith.constant 128 : i32
          %mul3A_265 = arith.muli %mul3A_264, %add3A_131 : i32
          %rem3A_266 = arith.constant 2 : i32
          %rem3A_267 = arith.remui %scan3A_123, %rem3A_266 : i32
          %dma_wait3A_268 = arith.constant 0 : i32
          %dma_wait3A_269 = arith.constant 0 : i32
          %dma_wait3A_270 = tpu.memref_slice %run_scoped3A[%rem3A_267, %dma_wait3A_268, %dma_wait3A_269] : memref<2x1x128xi32, #tpu.memory_space<vmem>> -> memref<1x1x128xi32, #tpu.memory_space<vmem>>
          %dma_wait3A_271 = tpu.memref_squeeze %dma_wait3A_270 : memref<1x1x128xi32, #tpu.memory_space<vmem>> -> memref<1x128xi32, #tpu.memory_space<vmem>>
          %dma_wait3A_272 = arith.constant 1 : i32
          %dma_wait3A_273 = tpu.memref_slice %arg3[%dma_wait3A_272, %mul3A_265] : memref<4x163840xi32, #tpu.memory_space<hbm>> -> memref<1x128xi32, #tpu.memory_space<hbm>>
          %dma_wait3A_274 = tpu.memref_slice %run_scoped3A_7[%rem3A_267] : memref<2x!tpu.dma_semaphore, #tpu.memory_space<semaphore_mem>> -> memref<1x!tpu.dma_semaphore, #tpu.memory_space<semaphore_mem>>
          %dma_wait3A_275 = tpu.memref_squeeze %dma_wait3A_274 : memref<1x!tpu.dma_semaphore, #tpu.memory_space<semaphore_mem>> -> memref<!tpu.dma_semaphore, #tpu.memory_space<semaphore_mem>>
          %dma_wait3A_276 = arith.constant 0 : i32
          %dma_wait3A_277 = arith.constant 0 : i32
          %dma_wait3A_278 = tpu.memref_slice %run_scoped3A[%rem3A_267, %dma_wait3A_276, %dma_wait3A_277] : memref<2x1x128xi32, #tpu.memory_space<vmem>> -> memref<1x1x128xi32, #tpu.memory_space<vmem>>
          %dma_wait3A_279 = tpu.memref_squeeze %dma_wait3A_278 : memref<1x1x128xi32, #tpu.memory_space<vmem>> -> memref<1x128xi32, #tpu.memory_space<vmem>>
          %dma_wait3A_280 = arith.constant 1 : i32
          %dma_wait3A_281 = tpu.memref_slice %arg3[%dma_wait3A_280, %mul3A_265] : memref<4x163840xi32, #tpu.memory_space<hbm>> -> memref<1x128xi32, #tpu.memory_space<hbm>>
          tpu.wait_dma2 semaphore(%dma_wait3A_275 : memref<!tpu.dma_semaphore, #tpu.memory_space<semaphore_mem>>) src(%dma_wait3A_281 : memref<1x128xi32, #tpu.memory_space<hbm>>) dst(%dma_wait3A_279 : memref<1x128xi32, #tpu.memory_space<vmem>>)
          "tpu.trace_stop"() : () -> ()
        } else {
        }
        %ne3A_185 = arith.cmpi ne, %add3A_131, %add3A_140 : i32
        %or3A_186 = arith.constant false
        %or3A_187 = arith.ori %or3A_186, %ne3A_185 : i1
        %or3A_188 = arith.constant false
        %or3A_189 = arith.ori %or3A_187, %or3A_188 : i1
        %or3A_190 = arith.ori %or3A_189, %eq3A_128 : i1
        %convert_element_type3A_191 = arith.extui %or3A_190 : i1 to i32
        %cond3A_192 = arith.constant 0 : i32
        %cond3A_193 = arith.cmpi ne, %convert_element_type3A_191, %cond3A_192 : i32
        scf.if %cond3A_193 {
        } else {
        }
        %rem3A_194 = arith.constant 2 : i32
        %rem3A_195 = arith.remui %scan3A_123, %rem3A_194 : i32
        %rem3A_196 = arith.constant 2 : i32
        %rem3A_197 = arith.remui %scan3A_124, %rem3A_196 : i32
        %run_scoped3A_198 = arith.constant 0 : i32
        "tpu.trace_start"() <{level = 10 : i32, message = "ep_run_kernel"}> : () -> ()
        "tpu.region"() ({
          %run_scoped3A_264 = tpu.sem_alloc : memref<!tpu.dma_semaphore, #tpu.memory_space<semaphore_mem>>
          %dma_start3A_265 = arith.constant 0 : i32
          %dma_start3A_266 = arith.constant 0 : i32
          %dma_start3A_267 = tpu.memref_slice %run_scoped3A_8[%rem3A_197, %dma_start3A_265, %dma_start3A_266] : memref<2x128x128xf32, #tpu.memory_space<vmem>> -> memref<1x128x128xf32, #tpu.memory_space<vmem>>
          %dma_start3A_268 = tpu.memref_squeeze %dma_start3A_267 : memref<1x128x128xf32, #tpu.memory_space<vmem>> -> memref<128x128xf32, #tpu.memory_space<vmem>>
          %dma_start3A_269 = arith.constant 0 : i32
          %dma_start3A_270 = arith.constant 0 : i32
          %dma_start3A_271 = tpu.memref_slice %run_scoped3A[%rem3A_195, %dma_start3A_269, %dma_start3A_270] : memref<2x1x128xi32, #tpu.memory_space<vmem>> -> memref<1x1x128xi32, #tpu.memory_space<vmem>>
          %dma_start3A_272 = tpu.memref_squeeze %dma_start3A_271 : memref<1x1x128xi32, #tpu.memory_space<vmem>> -> memref<1x128xi32, #tpu.memory_space<vmem>>
          %dma_start3A_273 = arith.constant 0 : i32
          %dma_start3A_274 = tpu.memref_slice %dma_start3A_272[%run_scoped3A_198, %dma_start3A_273] : memref<1x128xi32, #tpu.memory_space<vmem>> -> memref<1x128xi32, #tpu.memory_space<vmem>>
          %dma_start3A_275 = tpu.memref_squeeze %dma_start3A_274 : memref<1x128xi32, #tpu.memory_space<vmem>> -> memref<128xi32, #tpu.memory_space<vmem>>
          %dma_start3A_276 = arith.constant 0 : i32
          %dma_start3A_277 = arith.constant 0 : i32
          %dma_start3A_278 = tpu.memref_slice %arg2[%dma_start3A_276, %dma_start3A_277] : memref<20000x128xf32, #tpu.memory_space<hbm>> -> memref<20000x128xf32, #tpu.memory_space<hbm>>
          tpu.enqueue_indirect_dma source(%dma_start3A_278 : memref<20000x128xf32, #tpu.memory_space<hbm>>) target(%dma_start3A_268 : memref<128x128xf32, #tpu.memory_space<vmem>>) offsets(%dma_start3A_275 : memref<128xi32, #tpu.memory_space<vmem>>) semaphore(%run_scoped3A_264 : memref<!tpu.dma_semaphore, #tpu.memory_space<semaphore_mem>>)
          %dma_wait3A_279 = arith.constant 0 : i32
          %dma_wait3A_280 = arith.constant 0 : i32
          %dma_wait3A_281 = tpu.memref_slice %run_scoped3A_8[%rem3A_197, %dma_wait3A_279, %dma_wait3A_280] : memref<2x128x128xf32, #tpu.memory_space<vmem>> -> memref<1x128x128xf32, #tpu.memory_space<vmem>>
          %dma_wait3A_282 = tpu.memref_squeeze %dma_wait3A_281 : memref<1x128x128xf32, #tpu.memory_space<vmem>> -> memref<128x128xf32, #tpu.memory_space<vmem>>
          %dma_wait3A_283 = arith.constant 0 : i32
          %dma_wait3A_284 = arith.constant 0 : i32
          %dma_wait3A_285 = tpu.memref_slice %run_scoped3A[%rem3A_195, %dma_wait3A_283, %dma_wait3A_284] : memref<2x1x128xi32, #tpu.memory_space<vmem>> -> memref<1x1x128xi32, #tpu.memory_space<vmem>>
          %dma_wait3A_286 = tpu.memref_squeeze %dma_wait3A_285 : memref<1x1x128xi32, #tpu.memory_space<vmem>> -> memref<1x128xi32, #tpu.memory_space<vmem>>
          %dma_wait3A_287 = arith.constant 0 : i32
          %dma_wait3A_288 = tpu.memref_slice %dma_wait3A_286[%run_scoped3A_198, %dma_wait3A_287] : memref<1x128xi32, #tpu.memory_space<vmem>> -> memref<1x128xi32, #tpu.memory_space<vmem>>
          %dma_wait3A_289 = tpu.memref_squeeze %dma_wait3A_288 : memref<1x128xi32, #tpu.memory_space<vmem>> -> memref<128xi32, #tpu.memory_space<vmem>>
          %dma_wait3A_290 = arith.constant 0 : i32
          %dma_wait3A_291 = arith.constant 0 : i32
          %dma_wait3A_292 = tpu.memref_slice %arg2[%dma_wait3A_290, %dma_wait3A_291] : memref<20000x128xf32, #tpu.memory_space<hbm>> -> memref<20000x128xf32, #tpu.memory_space<hbm>>
          tpu.wait_indirect_dma semaphore(%run_scoped3A_264 : memref<!tpu.dma_semaphore, #tpu.memory_space<semaphore_mem>>) src(%dma_wait3A_292 : memref<20000x128xf32, #tpu.memory_space<hbm>>) dst(%dma_wait3A_282 : memref<128x128xf32, #tpu.memory_space<vmem>>)
          tpu.yield
        }) : () -> ()
        "tpu.trace_stop"() : () -> ()
        %ne3A_199 = arith.cmpi ne, %add3A_131, %add3A_149 : i32
        %or3A_200 = arith.constant false
        %or3A_201 = arith.ori %or3A_200, %ne3A_199 : i1
        %or3A_202 = arith.ori %or3A_201, %eq3A_130 : i1
        %convert_element_type3A_203 = arith.extui %or3A_202 : i1 to i32
        %cond3A_204 = arith.constant 0 : i32
        %cond3A_205 = arith.cmpi ne, %convert_element_type3A_203, %cond3A_204 : i32
        scf.if %cond3A_205 {
        } else {
        }
        %and3A_206 = arith.constant false
        %and3A_207 = arith.andi %or3A_202, %and3A_206 : i1
        %ne3A_208 = arith.cmpi ne, %add3A_131, %add3A_149 : i32
        %or3A_209 = arith.constant false
        %or3A_210 = arith.ori %or3A_209, %ne3A_208 : i1
        %or3A_211 = arith.constant false
        %or3A_212 = arith.ori %or3A_210, %or3A_211 : i1
        %or3A_213 = arith.ori %or3A_212, %eq3A_130 : i1
        %convert_element_type3A_214 = arith.extui %or3A_213 : i1 to i32
        %cond3A_215 = arith.constant 0 : i32
        %cond3A_216 = arith.cmpi ne, %convert_element_type3A_214, %cond3A_215 : i32
        scf.if %cond3A_216 {
          "tpu.trace_start"() <{level = 10 : i32, message = "ep_copy_out"}> : () -> ()
          %rem3A_264 = arith.constant 2 : i32
          %rem3A_265 = arith.remui %scan3A_124, %rem3A_264 : i32
          %mul3A_266 = arith.constant 128 : i32
          %mul3A_267 = arith.muli %mul3A_266, %add3A_131 : i32
          %dma_start3A_268 = arith.constant 0 : i32
          %dma_start3A_269 = arith.constant 0 : i32
          %dma_start3A_270 = tpu.memref_slice %run_scoped3A_8[%rem3A_265, %dma_start3A_268, %dma_start3A_269] : memref<2x128x128xf32, #tpu.memory_space<vmem>> -> memref<1x128x128xf32, #tpu.memory_space<vmem>>
          %dma_start3A_271 = tpu.memref_squeeze %dma_start3A_270 : memref<1x128x128xf32, #tpu.memory_space<vmem>> -> memref<128x128xf32, #tpu.memory_space<vmem>>
          %dma_start3A_272 = arith.constant 0 : i32
          %dma_start3A_273 = tpu.memref_slice %arg4[%mul3A_267, %dma_start3A_272] : memref<163840x128xf32, #tpu.memory_space<hbm>> -> memref<128x128xf32, #tpu.memory_space<hbm>>
          %dma_start3A_274 = tpu.memref_slice %run_scoped3A_9[%rem3A_265] : memref<2x!tpu.dma_semaphore, #tpu.memory_space<semaphore_mem>> -> memref<1x!tpu.dma_semaphore, #tpu.memory_space<semaphore_mem>>
          %dma_start3A_275 = tpu.memref_squeeze %dma_start3A_274 : memref<1x!tpu.dma_semaphore, #tpu.memory_space<semaphore_mem>> -> memref<!tpu.dma_semaphore, #tpu.memory_space<semaphore_mem>>
          %dma_start3A_276 = arith.constant 0 : i32
          %dma_start3A_277 = tpu.memref_slice %arg4[%mul3A_267, %dma_start3A_276] : memref<163840x128xf32, #tpu.memory_space<hbm>> -> memref<128x128xf32, #tpu.memory_space<hbm>>
          %dma_start3A_278 = arith.constant 0 : i32
          %dma_start3A_279 = arith.constant 0 : i32
          %dma_start3A_280 = tpu.memref_slice %run_scoped3A_8[%rem3A_265, %dma_start3A_278, %dma_start3A_279] : memref<2x128x128xf32, #tpu.memory_space<vmem>> -> memref<1x128x128xf32, #tpu.memory_space<vmem>>
          %dma_start3A_281 = tpu.memref_squeeze %dma_start3A_280 : memref<1x128x128xf32, #tpu.memory_space<vmem>> -> memref<128x128xf32, #tpu.memory_space<vmem>>
          tpu.enqueue_dma source(%dma_start3A_281 : memref<128x128xf32, #tpu.memory_space<vmem>>) target(%dma_start3A_277 : memref<128x128xf32, #tpu.memory_space<hbm>>) target_semaphore(%dma_start3A_275 : memref<!tpu.dma_semaphore, #tpu.memory_space<semaphore_mem>>)
          "tpu.trace_stop"() : () -> ()
        } else {
        }
        %and3A_217 = arith.constant true
        %and3A_218 = arith.andi %or3A_213, %and3A_217 : i1
        %add3A_219 = arith.constant 1 : i32
        %add3A_220 = arith.addi %scan3A_124, %add3A_219 : i32
        %select_n3A_221 = arith.select %and3A_218, %add3A_220, %scan3A_124 : i32
        %ne3A_222 = arith.cmpi ne, %add3A_131, %add3A_140 : i32
        %or3A_223 = arith.constant false
        %or3A_224 = arith.ori %or3A_223, %ne3A_222 : i1
        %not3A_225 = arith.constant true
        %not3A_226 = arith.xori %eq3A_128, %not3A_225 : i1
        %and3A_227 = arith.andi %or3A_224, %not3A_226 : i1
        %convert_element_type3A_228 = arith.extui %and3A_227 : i1 to i32
        %cond3A_229 = arith.constant 0 : i32
        %cond3A_230 = arith.cmpi ne, %convert_element_type3A_228, %cond3A_229 : i32
        scf.if %cond3A_230 {
        } else {
        }
        %and3A_231 = arith.constant false
        %and3A_232 = arith.andi %and3A_227, %and3A_231 : i1
        %ne3A_233 = arith.cmpi ne, %add3A_131, %add3A_140 : i32
        %or3A_234 = arith.constant false
        %or3A_235 = arith.ori %or3A_234, %ne3A_233 : i1
        %or3A_236 = arith.constant false
        %or3A_237 = arith.ori %or3A_235, %or3A_236 : i1
        %not3A_238 = arith.constant true
        %not3A_239 = arith.xori %eq3A_128, %not3A_238 : i1
        %and3A_240 = arith.andi %or3A_237, %not3A_239 : i1
        %convert_element_type3A_241 = arith.extui %and3A_240 : i1 to i32
        %cond3A_242 = arith.constant 0 : i32
        %cond3A_243 = arith.cmpi ne, %convert_element_type3A_241, %cond3A_242 : i32
        scf.if %cond3A_243 {
          "tpu.trace_start"() <{level = 10 : i32, message = "ep_wait_out"}> : () -> ()
          %rem3A_264 = arith.constant 2 : i32
          %rem3A_265 = arith.remui %scan3A_125, %rem3A_264 : i32
          %mul3A_266 = arith.constant 128 : i32
          %mul3A_267 = arith.muli %mul3A_266, %add3A_140 : i32
          %dma_wait3A_268 = arith.constant 0 : i32
          %dma_wait3A_269 = arith.constant 0 : i32
          %dma_wait3A_270 = tpu.memref_slice %run_scoped3A_8[%rem3A_265, %dma_wait3A_268, %dma_wait3A_269] : memref<2x128x128xf32, #tpu.memory_space<vmem>> -> memref<1x128x128xf32, #tpu.memory_space<vmem>>
          %dma_wait3A_271 = tpu.memref_squeeze %dma_wait3A_270 : memref<1x128x128xf32, #tpu.memory_space<vmem>> -> memref<128x128xf32, #tpu.memory_space<vmem>>
          %dma_wait3A_272 = arith.constant 0 : i32
          %dma_wait3A_273 = tpu.memref_slice %arg4[%mul3A_267, %dma_wait3A_272] : memref<163840x128xf32, #tpu.memory_space<hbm>> -> memref<128x128xf32, #tpu.memory_space<hbm>>
          %dma_wait3A_274 = tpu.memref_slice %run_scoped3A_9[%rem3A_265] : memref<2x!tpu.dma_semaphore, #tpu.memory_space<semaphore_mem>> -> memref<1x!tpu.dma_semaphore, #tpu.memory_space<semaphore_mem>>
          %dma_wait3A_275 = tpu.memref_squeeze %dma_wait3A_274 : memref<1x!tpu.dma_semaphore, #tpu.memory_space<semaphore_mem>> -> memref<!tpu.dma_semaphore, #tpu.memory_space<semaphore_mem>>
          %dma_wait3A_276 = arith.constant 0 : i32
          %dma_wait3A_277 = tpu.memref_slice %arg4[%mul3A_267, %dma_wait3A_276] : memref<163840x128xf32, #tpu.memory_space<hbm>> -> memref<128x128xf32, #tpu.memory_space<hbm>>
          %dma_wait3A_278 = arith.constant 0 : i32
          %dma_wait3A_279 = arith.constant 0 : i32
          %dma_wait3A_280 = tpu.memref_slice %run_scoped3A_8[%rem3A_265, %dma_wait3A_278, %dma_wait3A_279] : memref<2x128x128xf32, #tpu.memory_space<vmem>> -> memref<1x128x128xf32, #tpu.memory_space<vmem>>
          %dma_wait3A_281 = tpu.memref_squeeze %dma_wait3A_280 : memref<1x128x128xf32, #tpu.memory_space<vmem>> -> memref<128x128xf32, #tpu.memory_space<vmem>>
          tpu.wait_dma2 semaphore(%dma_wait3A_275 : memref<!tpu.dma_semaphore, #tpu.memory_space<semaphore_mem>>) src(%dma_wait3A_281 : memref<128x128xf32, #tpu.memory_space<vmem>>) dst(%dma_wait3A_277 : memref<128x128xf32, #tpu.memory_space<hbm>>)
          "tpu.trace_stop"() : () -> ()
        } else {
        }
        %and3A_244 = arith.constant true
        %and3A_245 = arith.andi %and3A_240, %and3A_244 : i1
        %add3A_246 = arith.constant 1 : i32
        %add3A_247 = arith.addi %scan3A_125, %add3A_246 : i32
        %select_n3A_248 = arith.select %and3A_245, %add3A_247, %scan3A_125 : i32
        %ne3A_249 = arith.cmpi ne, %add3A_131, %add3A_149 : i32
        %or3A_250 = arith.constant false
        %or3A_251 = arith.ori %or3A_250, %ne3A_249 : i1
        %or3A_252 = arith.ori %or3A_251, %eq3A_130 : i1
        %add3A_253 = arith.constant 1 : i32
        %add3A_254 = arith.addi %scan3A_123, %add3A_253 : i32
        %select_n3A_255 = arith.select %or3A_252, %add3A_254, %scan3A_123 : i32
        %add3A_256 = arith.constant 1 : i32
        %add3A_257 = arith.addi %scan3A_126, %add3A_256 : i32
        %select_n3A_258 = arith.constant true
        %select_n3A_259 = arith.select %select_n3A_258, %add3A_257, %scan3A_126 : i32
        %eq3A_260 = arith.constant 40 : i32
        %eq3A_261 = arith.cmpi eq, %select_n3A_259, %eq3A_260 : i32
        %select_n3A_262 = arith.constant 0 : i32
        %select_n3A_263 = arith.select %eq3A_261, %select_n3A_262, %select_n3A_259 : i32
        scf.yield %select_n3A_167, %select_n3A_255, %select_n3A_221, %select_n3A_248, %select_n3A_263 : i32, i32, i32, i32, i32
      }
      %scan3A_68 = arith.constant 40 : i32
      %sub3A = arith.constant 1 : i32
      %sub3A_69 = arith.subi %scan3A_67#4, %sub3A : i32
      %select_n3A_70 = arith.constant true
      %select_n3A_71 = arith.select %select_n3A_70, %sub3A_69, %scan3A_67#4 : i32
      %eq3A_72 = arith.constant -1 : i32
      %eq3A_73 = arith.cmpi eq, %select_n3A_71, %eq3A_72 : i32
      %select_n3A_74 = arith.constant 39 : i32
      %select_n3A_75 = arith.select %eq3A_73, %select_n3A_74, %select_n3A_71 : i32
      %add3A_76 = arith.addi %select_n3A_75, %mul3A_6 : i32
      %sub3A_77 = arith.constant 1 : i32
      %sub3A_78 = arith.subi %select_n3A_75, %sub3A_77 : i32
      %select_n3A_79 = arith.constant true
      %select_n3A_80 = arith.select %select_n3A_79, %sub3A_78, %select_n3A_75 : i32
      %eq3A_81 = arith.constant -1 : i32
      %eq3A_82 = arith.cmpi eq, %select_n3A_80, %eq3A_81 : i32
      %select_n3A_83 = arith.constant 39 : i32
      %select_n3A_84 = arith.select %eq3A_82, %select_n3A_83, %select_n3A_80 : i32
      %add3A_85 = arith.addi %select_n3A_84, %mul3A_6 : i32
      %add3A_86 = arith.constant 1 : i32
      %add3A_87 = arith.addi %select_n3A_75, %add3A_86 : i32
      %select_n3A_88 = arith.constant true
      %select_n3A_89 = arith.select %select_n3A_88, %add3A_87, %select_n3A_75 : i32
      %eq3A_90 = arith.constant 40 : i32
      %eq3A_91 = arith.cmpi eq, %select_n3A_89, %eq3A_90 : i32
      %select_n3A_92 = arith.constant 0 : i32
      %select_n3A_93 = arith.select %eq3A_91, %select_n3A_92, %select_n3A_89 : i32
      %add3A_94 = arith.addi %select_n3A_93, %mul3A_6 : i32
      %add3A_95 = arith.constant 1 : i32
      %add3A_96 = arith.addi %select_n3A_93, %add3A_95 : i32
      %select_n3A_97 = arith.constant true
      %select_n3A_98 = arith.select %select_n3A_97, %add3A_96, %select_n3A_93 : i32
      %eq3A_99 = arith.constant 40 : i32
      %eq3A_100 = arith.cmpi eq, %select_n3A_98, %eq3A_99 : i32
      %select_n3A_101 = arith.constant 0 : i32
      %select_n3A_102 = arith.select %eq3A_100, %select_n3A_101, %select_n3A_98 : i32
      %add3A_103 = arith.addi %select_n3A_102, %mul3A_6 : i32
      "tpu.trace_start"() <{level = 10 : i32, message = "ep_finalize"}> : () -> ()
      %rem3A_104 = arith.constant 2 : i32
      %rem3A_105 = arith.remui %scan3A_67#3, %rem3A_104 : i32
      %mul3A_106 = arith.constant 128 : i32
      %mul3A_107 = arith.muli %mul3A_106, %add3A_76 : i32
      %dma_wait3A = arith.constant 0 : i32
      %dma_wait3A_108 = arith.constant 0 : i32
      %dma_wait3A_109 = tpu.memref_slice %run_scoped3A_8[%rem3A_105, %dma_wait3A, %dma_wait3A_108] : memref<2x128x128xf32, #tpu.memory_space<vmem>> -> memref<1x128x128xf32, #tpu.memory_space<vmem>>
      %dma_wait3A_110 = tpu.memref_squeeze %dma_wait3A_109 : memref<1x128x128xf32, #tpu.memory_space<vmem>> -> memref<128x128xf32, #tpu.memory_space<vmem>>
      %dma_wait3A_111 = arith.constant 0 : i32
      %dma_wait3A_112 = tpu.memref_slice %arg4[%mul3A_107, %dma_wait3A_111] : memref<163840x128xf32, #tpu.memory_space<hbm>> -> memref<128x128xf32, #tpu.memory_space<hbm>>
      %dma_wait3A_113 = tpu.memref_slice %run_scoped3A_9[%rem3A_105] : memref<2x!tpu.dma_semaphore, #tpu.memory_space<semaphore_mem>> -> memref<1x!tpu.dma_semaphore, #tpu.memory_space<semaphore_mem>>
      %dma_wait3A_114 = tpu.memref_squeeze %dma_wait3A_113 : memref<1x!tpu.dma_semaphore, #tpu.memory_space<semaphore_mem>> -> memref<!tpu.dma_semaphore, #tpu.memory_space<semaphore_mem>>
      %dma_wait3A_115 = arith.constant 0 : i32
      %dma_wait3A_116 = tpu.memref_slice %arg4[%mul3A_107, %dma_wait3A_115] : memref<163840x128xf32, #tpu.memory_space<hbm>> -> memref<128x128xf32, #tpu.memory_space<hbm>>
      %dma_wait3A_117 = arith.constant 0 : i32
      %dma_wait3A_118 = arith.constant 0 : i32
      %dma_wait3A_119 = tpu.memref_slice %run_scoped3A_8[%rem3A_105, %dma_wait3A_117, %dma_wait3A_118] : memref<2x128x128xf32, #tpu.memory_space<vmem>> -> memref<1x128x128xf32, #tpu.memory_space<vmem>>
      %dma_wait3A_120 = tpu.memref_squeeze %dma_wait3A_119 : memref<1x128x128xf32, #tpu.memory_space<vmem>> -> memref<128x128xf32, #tpu.memory_space<vmem>>
      tpu.wait_dma2 semaphore(%dma_wait3A_114 : memref<!tpu.dma_semaphore, #tpu.memory_space<semaphore_mem>>) src(%dma_wait3A_120 : memref<128x128xf32, #tpu.memory_space<vmem>>) dst(%dma_wait3A_116 : memref<128x128xf32, #tpu.memory_space<hbm>>)
      "tpu.trace_stop"() : () -> ()
      tpu.yield
    }) : () -> ()
    return
  }
}

#map = affine_map<(d0, d1) -> (0, 0)>
module attributes {stable_mosaic.version = 14 : i64} {
  func.func @k(%arg0: i32, %arg1: i32, %arg2: memref<20000x128xf32, #tpu.memory_space<hbm>>, %arg3: memref<4x163840xi32, #tpu.memory_space<hbm>>, %arg4: memref<163840x128xf32, #tpu.memory_space<hbm>>) attributes {dimension_semantics = [#tpu.dimension_semantics<core_parallel>, #tpu.dimension_semantics<subcore_parallel>], iteration_bounds = array<i64: 2, 16>, scalar_prefetch = 0 : i64, scratch_operands = 0 : i64, tpu.core_type = #tpu.core_type<sc_vector_subcore>, window_params = [{transform_indices = #map}, {transform_indices = #map}, {transform_indices = #map}]} {
    %mul3A = arith.constant 1 : i32
    %mul3A_0 = arith.muli %arg1, %mul3A : i32
    %add3A = arith.constant 0 : i32
    %add3A_1 = arith.addi %add3A, %mul3A_0 : i32
    %mul3A_2 = arith.constant 16 : i32
    %mul3A_3 = arith.muli %arg0, %mul3A_2 : i32
    %add3A_4 = arith.addi %add3A_1, %mul3A_3 : i32
    %mul3A_5 = arith.constant 40 : i32
    %mul3A_6 = arith.muli %add3A_4, %mul3A_5 : i32
    "tpu.region"() ({
      %run_scoped3A = memref.alloca() : memref<2x1x128xi32, #tpu.memory_space<vmem>>
      %run_scoped3A_7 = tpu.sem_alloc : memref<2x!tpu.dma_semaphore, #tpu.memory_space<semaphore_mem>>
      %run_scoped3A_8 = memref.alloca() : memref<2x128x128xf32, #tpu.memory_space<vmem>>
      %run_scoped3A_9 = tpu.sem_alloc : memref<2x!tpu.dma_semaphore, #tpu.memory_space<semaphore_mem>>
      %add3A_10 = arith.constant 0 : i32
      %add3A_11 = arith.addi %add3A_10, %mul3A_6 : i32
      %select_n3A = arith.constant true
      %select_n3A_12 = arith.constant 0 : i32
      %select_n3A_13 = arith.constant -1 : i32
      %select_n3A_14 = arith.select %select_n3A, %select_n3A_13, %select_n3A_12 : i32
      %eq3A = arith.constant -1 : i32
      %eq3A_15 = arith.cmpi eq, %select_n3A_14, %eq3A : i32
      %select_n3A_16 = arith.constant 39 : i32
      %select_n3A_17 = arith.select %eq3A_15, %select_n3A_16, %select_n3A_14 : i32
      %add3A_18 = arith.addi %select_n3A_17, %mul3A_6 : i32
      %select_n3A_19 = arith.constant true
      %select_n3A_20 = arith.constant 0 : i32
      %select_n3A_21 = arith.constant 1 : i32
      %select_n3A_22 = arith.select %select_n3A_19, %select_n3A_21, %select_n3A_20 : i32
      %eq3A_23 = arith.constant 40 : i32
      %eq3A_24 = arith.cmpi eq, %select_n3A_22, %eq3A_23 : i32
      %select_n3A_25 = arith.constant 0 : i32
      %select_n3A_26 = arith.select %eq3A_24, %select_n3A_25, %select_n3A_22 : i32
      %add3A_27 = arith.addi %select_n3A_26, %mul3A_6 : i32
      %add3A_28 = arith.constant 1 : i32
      %add3A_29 = arith.addi %select_n3A_26, %add3A_28 : i32
      %select_n3A_30 = arith.constant true
      %select_n3A_31 = arith.select %select_n3A_30, %add3A_29, %select_n3A_26 : i32
      %eq3A_32 = arith.constant 40 : i32
      %eq3A_33 = arith.cmpi eq, %select_n3A_31, %eq3A_32 : i32
      %select_n3A_34 = arith.constant 0 : i32
      %select_n3A_35 = arith.select %eq3A_33, %select_n3A_34, %select_n3A_31 : i32
      %add3A_36 = arith.addi %select_n3A_35, %mul3A_6 : i32
      "tpu.trace_start"() <{level = 10 : i32, message = "ep_initialize_0"}> : () -> ()
      %rem3A = arith.constant 0 : i32
      %rem3A_37 = arith.constant 2 : i32
      %rem3A_38 = arith.remui %rem3A, %rem3A_37 : i32
      %mul3A_39 = arith.constant 128 : i32
      %mul3A_40 = arith.muli %mul3A_39, %add3A_11 : i32
      %dma_start3A = arith.constant 0 : i32
      %dma_start3A_41 = arith.constant 0 : i32
      %dma_start3A_42 = tpu.memref_slice %run_scoped3A[%rem3A_38, %dma_start3A, %dma_start3A_41] : memref<2x1x128xi32, #tpu.memory_space<vmem>> -> memref<1x1x128xi32, #tpu.memory_space<vmem>>
      %dma_start3A_43 = tpu.memref_squeeze %dma_start3A_42 : memref<1x1x128xi32, #tpu.memory_space<vmem>> -> memref<1x128xi32, #tpu.memory_space<vmem>>
      %dma_start3A_44 = arith.constant 2 : i32
      %dma_start3A_45 = tpu.memref_slice %arg3[%dma_start3A_44, %mul3A_40] : memref<4x163840xi32, #tpu.memory_space<hbm>> -> memref<1x128xi32, #tpu.memory_space<hbm>>
      %dma_start3A_46 = tpu.memref_slice %run_scoped3A_7[%rem3A_38] : memref<2x!tpu.dma_semaphore, #tpu.memory_space<semaphore_mem>> -> memref<1x!tpu.dma_semaphore, #tpu.memory_space<semaphore_mem>>
      %dma_start3A_47 = tpu.memref_squeeze %dma_start3A_46 : memref<1x!tpu.dma_semaphore, #tpu.memory_space<semaphore_mem>> -> memref<!tpu.dma_semaphore, #tpu.memory_space<semaphore_mem>>
      %dma_start3A_48 = arith.constant 0 : i32
      %dma_start3A_49 = arith.constant 0 : i32
      %dma_start3A_50 = tpu.memref_slice %run_scoped3A[%rem3A_38, %dma_start3A_48, %dma_start3A_49] : memref<2x1x128xi32, #tpu.memory_space<vmem>> -> memref<1x1x128xi32, #tpu.memory_space<vmem>>
      %dma_start3A_51 = tpu.memref_squeeze %dma_start3A_50 : memref<1x1x128xi32, #tpu.memory_space<vmem>> -> memref<1x128xi32, #tpu.memory_space<vmem>>
      %dma_start3A_52 = arith.constant 2 : i32
      %dma_start3A_53 = tpu.memref_slice %arg3[%dma_start3A_52, %mul3A_40] : memref<4x163840xi32, #tpu.memory_space<hbm>> -> memref<1x128xi32, #tpu.memory_space<hbm>>
      tpu.enqueue_dma source(%dma_start3A_53 : memref<1x128xi32, #tpu.memory_space<hbm>>) target(%dma_start3A_51 : memref<1x128xi32, #tpu.memory_space<vmem>>) target_semaphore(%dma_start3A_47 : memref<!tpu.dma_semaphore, #tpu.memory_space<semaphore_mem>>)
      %add3A_54 = arith.constant 0 : i32
      %add3A_55 = arith.constant 1 : i32
      %add3A_56 = arith.addi %add3A_54, %add3A_55 : i32
      %select_n3A_57 = arith.constant true
      %select_n3A_58 = arith.constant 0 : i32
      %select_n3A_59 = arith.select %select_n3A_57, %add3A_56, %select_n3A_58 : i32
      "tpu.trace_stop"() : () -> ()
      %scan3A = arith.constant 0 : i32
      %scan3A_60 = arith.constant 0 : i32
      %scan3A_61 = arith.constant 0 : i32
      %scan3A_62 = arith.constant 0 : i32
      %scan3A_63 = arith.constant 0 : i32
      %scan3A_64 = arith.constant 40 : i32
      %scan3A_65 = arith.addi %scan3A_63, %scan3A_64 : i32
      %scan3A_66 = arith.constant 1 : i32
      %scan3A_67:5 = scf.for %scan3A_121 = %scan3A_63 to %scan3A_65 step %scan3A_66 iter_args(%scan3A_122 = %select_n3A_59, %scan3A_123 = %scan3A, %scan3A_124 = %scan3A_60, %scan3A_125 = %scan3A_61, %scan3A_126 = %scan3A_62) -> (i32, i32, i32, i32, i32)  : i32 {
        %eq3A_127 = arith.constant 0 : i32
        %eq3A_128 = arith.cmpi eq, %scan3A_121, %eq3A_127 : i32
        %eq3A_129 = arith.constant 39 : i32
        %eq3A_130 = arith.cmpi eq, %scan3A_121, %eq3A_129 : i32
        %add3A_131 = arith.addi %scan3A_126, %mul3A_6 : i32
        %sub3A_132 = arith.constant 1 : i32
        %sub3A_133 = arith.subi %scan3A_126, %sub3A_132 : i32
        %select_n3A_134 = arith.constant true
        %select_n3A_135 = arith.select %select_n3A_134, %sub3A_133, %scan3A_126 : i32
        %eq3A_136 = arith.constant -1 : i32
        %eq3A_137 = arith.cmpi eq, %select_n3A_135, %eq3A_136 : i32
        %select_n3A_138 = arith.constant 39 : i32
        %select_n3A_139 = arith.select %eq3A_137, %select_n3A_138, %select_n3A_135 : i32
        %add3A_140 = arith.addi %select_n3A_139, %mul3A_6 : i32
        %add3A_141 = arith.constant 1 : i32
        %add3A_142 = arith.addi %scan3A_126, %add3A_141 : i32
        %select_n3A_143 = arith.constant true
        %select_n3A_144 = arith.select %select_n3A_143, %add3A_142, %scan3A_126 : i32
        %eq3A_145 = arith.constant 40 : i32
        %eq3A_146 = arith.cmpi eq, %select_n3A_144, %eq3A_145 : i32
        %select_n3A_147 = arith.constant 0 : i32
        %select_n3A_148 = arith.select %eq3A_146, %select_n3A_147, %select_n3A_144 : i32
        %add3A_149 = arith.addi %select_n3A_148, %mul3A_6 : i32
        %add3A_150 = arith.constant 1 : i32
        %add3A_151 = arith.addi %select_n3A_148, %add3A_150 : i32
        %select_n3A_152 = arith.constant true
        %select_n3A_153 = arith.select %select_n3A_152, %add3A_151, %select_n3A_148 : i32
        %eq3A_154 = arith.constant 40 : i32
        %eq3A_155 = arith.cmpi eq, %select_n3A_153, %eq3A_154 : i32
        %select_n3A_156 = arith.constant 0 : i32
        %select_n3A_157 = arith.select %eq3A_155, %select_n3A_156, %select_n3A_153 : i32
        %add3A_158 = arith.addi %select_n3A_157, %mul3A_6 : i32
        %ne3A = arith.cmpi ne, %add3A_131, %add3A_149 : i32
        %or3A = arith.constant false
        %or3A_159 = arith.ori %or3A, %ne3A : i1
        %ge3A = arith.constant 39 : i32
        %ge3A_160 = arith.cmpi sge, %scan3A_121, %ge3A : i32
        %not3A = arith.constant true
        %not3A_161 = arith.xori %ge3A_160, %not3A : i1
        %and3A = arith.andi %or3A_159, %not3A_161 : i1
        %convert_element_type3A = arith.extui %and3A : i1 to i32
        %cond3A = arith.constant 0 : i32
        %cond3A_162 = arith.cmpi ne, %convert_element_type3A, %cond3A : i32
        scf.if %cond3A_162 {
          "tpu.trace_start"() <{level = 10 : i32, message = "ep_copy_in"}> : () -> ()
          %rem3A_264 = arith.constant 2 : i32
          %rem3A_265 = arith.remui %scan3A_122, %rem3A_264 : i32
          %mul3A_266 = arith.constant 128 : i32
          %mul3A_267 = arith.muli %mul3A_266, %add3A_149 : i32
          %dma_start3A_268 = arith.constant 0 : i32
          %dma_start3A_269 = arith.constant 0 : i32
          %dma_start3A_270 = tpu.memref_slice %run_scoped3A[%rem3A_265, %dma_start3A_268, %dma_start3A_269] : memref<2x1x128xi32, #tpu.memory_space<vmem>> -> memref<1x1x128xi32, #tpu.memory_space<vmem>>
          %dma_start3A_271 = tpu.memref_squeeze %dma_start3A_270 : memref<1x1x128xi32, #tpu.memory_space<vmem>> -> memref<1x128xi32, #tpu.memory_space<vmem>>
          %dma_start3A_272 = arith.constant 2 : i32
          %dma_start3A_273 = tpu.memref_slice %arg3[%dma_start3A_272, %mul3A_267] : memref<4x163840xi32, #tpu.memory_space<hbm>> -> memref<1x128xi32, #tpu.memory_space<hbm>>
          %dma_start3A_274 = tpu.memref_slice %run_scoped3A_7[%rem3A_265] : memref<2x!tpu.dma_semaphore, #tpu.memory_space<semaphore_mem>> -> memref<1x!tpu.dma_semaphore, #tpu.memory_space<semaphore_mem>>
          %dma_start3A_275 = tpu.memref_squeeze %dma_start3A_274 : memref<1x!tpu.dma_semaphore, #tpu.memory_space<semaphore_mem>> -> memref<!tpu.dma_semaphore, #tpu.memory_space<semaphore_mem>>
          %dma_start3A_276 = arith.constant 0 : i32
          %dma_start3A_277 = arith.constant 0 : i32
          %dma_start3A_278 = tpu.memref_slice %run_scoped3A[%rem3A_265, %dma_start3A_276, %dma_start3A_277] : memref<2x1x128xi32, #tpu.memory_space<vmem>> -> memref<1x1x128xi32, #tpu.memory_space<vmem>>
          %dma_start3A_279 = tpu.memref_squeeze %dma_start3A_278 : memref<1x1x128xi32, #tpu.memory_space<vmem>> -> memref<1x128xi32, #tpu.memory_space<vmem>>
          %dma_start3A_280 = arith.constant 2 : i32
          %dma_start3A_281 = tpu.memref_slice %arg3[%dma_start3A_280, %mul3A_267] : memref<4x163840xi32, #tpu.memory_space<hbm>> -> memref<1x128xi32, #tpu.memory_space<hbm>>
          tpu.enqueue_dma source(%dma_start3A_281 : memref<1x128xi32, #tpu.memory_space<hbm>>) target(%dma_start3A_279 : memref<1x128xi32, #tpu.memory_space<vmem>>) target_semaphore(%dma_start3A_275 : memref<!tpu.dma_semaphore, #tpu.memory_space<semaphore_mem>>)
          "tpu.trace_stop"() : () -> ()
        } else {
        }
        %and3A_163 = arith.constant true
        %and3A_164 = arith.andi %and3A, %and3A_163 : i1
        %add3A_165 = arith.constant 1 : i32
        %add3A_166 = arith.addi %scan3A_122, %add3A_165 : i32
        %select_n3A_167 = arith.select %and3A_164, %add3A_166, %scan3A_122 : i32
        %ne3A_168 = arith.cmpi ne, %add3A_131, %add3A_149 : i32
        %or3A_169 = arith.constant false
        %or3A_170 = arith.ori %or3A_169, %ne3A_168 : i1
        %or3A_171 = arith.constant false
        %or3A_172 = arith.ori %or3A_170, %or3A_171 : i1
        %ge3A_173 = arith.constant 39 : i32
        %ge3A_174 = arith.cmpi sge, %scan3A_121, %ge3A_173 : i32
        %not3A_175 = arith.constant true
        %not3A_176 = arith.xori %ge3A_174, %not3A_175 : i1
        %and3A_177 = arith.andi %or3A_172, %not3A_176 : i1
        %ne3A_178 = arith.cmpi ne, %add3A_131, %add3A_140 : i32
        %or3A_179 = arith.constant false
        %or3A_180 = arith.ori %or3A_179, %ne3A_178 : i1
        %or3A_181 = arith.ori %or3A_180, %eq3A_128 : i1
        %convert_element_type3A_182 = arith.extui %or3A_181 : i1 to i32
        %cond3A_183 = arith.constant 0 : i32
        %cond3A_184 = arith.cmpi ne, %convert_element_type3A_182, %cond3A_183 : i32
        scf.if %cond3A_184 {
          "tpu.trace_start"() <{level = 10 : i32, message = "ep_wait_in"}> : () -> ()
          %mul3A_264 = arith.constant 128 : i32
          %mul3A_265 = arith.muli %mul3A_264, %add3A_131 : i32
          %rem3A_266 = arith.constant 2 : i32
          %rem3A_267 = arith.remui %scan3A_123, %rem3A_266 : i32
          %dma_wait3A_268 = arith.constant 0 : i32
          %dma_wait3A_269 = arith.constant 0 : i32
          %dma_wait3A_270 = tpu.memref_slice %run_scoped3A[%rem3A_267, %dma_wait3A_268, %dma_wait3A_269] : memref<2x1x128xi32, #tpu.memory_space<vmem>> -> memref<1x1x128xi32, #tpu.memory_space<vmem>>
          %dma_wait3A_271 = tpu.memref_squeeze %dma_wait3A_270 : memref<1x1x128xi32, #tpu.memory_space<vmem>> -> memref<1x128xi32, #tpu.memory_space<vmem>>
          %dma_wait3A_272 = arith.constant 2 : i32
          %dma_wait3A_273 = tpu.memref_slice %arg3[%dma_wait3A_272, %mul3A_265] : memref<4x163840xi32, #tpu.memory_space<hbm>> -> memref<1x128xi32, #tpu.memory_space<hbm>>
          %dma_wait3A_274 = tpu.memref_slice %run_scoped3A_7[%rem3A_267] : memref<2x!tpu.dma_semaphore, #tpu.memory_space<semaphore_mem>> -> memref<1x!tpu.dma_semaphore, #tpu.memory_space<semaphore_mem>>
          %dma_wait3A_275 = tpu.memref_squeeze %dma_wait3A_274 : memref<1x!tpu.dma_semaphore, #tpu.memory_space<semaphore_mem>> -> memref<!tpu.dma_semaphore, #tpu.memory_space<semaphore_mem>>
          %dma_wait3A_276 = arith.constant 0 : i32
          %dma_wait3A_277 = arith.constant 0 : i32
          %dma_wait3A_278 = tpu.memref_slice %run_scoped3A[%rem3A_267, %dma_wait3A_276, %dma_wait3A_277] : memref<2x1x128xi32, #tpu.memory_space<vmem>> -> memref<1x1x128xi32, #tpu.memory_space<vmem>>
          %dma_wait3A_279 = tpu.memref_squeeze %dma_wait3A_278 : memref<1x1x128xi32, #tpu.memory_space<vmem>> -> memref<1x128xi32, #tpu.memory_space<vmem>>
          %dma_wait3A_280 = arith.constant 2 : i32
          %dma_wait3A_281 = tpu.memref_slice %arg3[%dma_wait3A_280, %mul3A_265] : memref<4x163840xi32, #tpu.memory_space<hbm>> -> memref<1x128xi32, #tpu.memory_space<hbm>>
          tpu.wait_dma2 semaphore(%dma_wait3A_275 : memref<!tpu.dma_semaphore, #tpu.memory_space<semaphore_mem>>) src(%dma_wait3A_281 : memref<1x128xi32, #tpu.memory_space<hbm>>) dst(%dma_wait3A_279 : memref<1x128xi32, #tpu.memory_space<vmem>>)
          "tpu.trace_stop"() : () -> ()
        } else {
        }
        %ne3A_185 = arith.cmpi ne, %add3A_131, %add3A_140 : i32
        %or3A_186 = arith.constant false
        %or3A_187 = arith.ori %or3A_186, %ne3A_185 : i1
        %or3A_188 = arith.constant false
        %or3A_189 = arith.ori %or3A_187, %or3A_188 : i1
        %or3A_190 = arith.ori %or3A_189, %eq3A_128 : i1
        %convert_element_type3A_191 = arith.extui %or3A_190 : i1 to i32
        %cond3A_192 = arith.constant 0 : i32
        %cond3A_193 = arith.cmpi ne, %convert_element_type3A_191, %cond3A_192 : i32
        scf.if %cond3A_193 {
        } else {
        }
        %rem3A_194 = arith.constant 2 : i32
        %rem3A_195 = arith.remui %scan3A_123, %rem3A_194 : i32
        %rem3A_196 = arith.constant 2 : i32
        %rem3A_197 = arith.remui %scan3A_124, %rem3A_196 : i32
        %run_scoped3A_198 = arith.constant 0 : i32
        "tpu.trace_start"() <{level = 10 : i32, message = "ep_run_kernel"}> : () -> ()
        "tpu.region"() ({
          %run_scoped3A_264 = tpu.sem_alloc : memref<!tpu.dma_semaphore, #tpu.memory_space<semaphore_mem>>
          %dma_start3A_265 = arith.constant 0 : i32
          %dma_start3A_266 = arith.constant 0 : i32
          %dma_start3A_267 = tpu.memref_slice %run_scoped3A_8[%rem3A_197, %dma_start3A_265, %dma_start3A_266] : memref<2x128x128xf32, #tpu.memory_space<vmem>> -> memref<1x128x128xf32, #tpu.memory_space<vmem>>
          %dma_start3A_268 = tpu.memref_squeeze %dma_start3A_267 : memref<1x128x128xf32, #tpu.memory_space<vmem>> -> memref<128x128xf32, #tpu.memory_space<vmem>>
          %dma_start3A_269 = arith.constant 0 : i32
          %dma_start3A_270 = arith.constant 0 : i32
          %dma_start3A_271 = tpu.memref_slice %run_scoped3A[%rem3A_195, %dma_start3A_269, %dma_start3A_270] : memref<2x1x128xi32, #tpu.memory_space<vmem>> -> memref<1x1x128xi32, #tpu.memory_space<vmem>>
          %dma_start3A_272 = tpu.memref_squeeze %dma_start3A_271 : memref<1x1x128xi32, #tpu.memory_space<vmem>> -> memref<1x128xi32, #tpu.memory_space<vmem>>
          %dma_start3A_273 = arith.constant 0 : i32
          %dma_start3A_274 = tpu.memref_slice %dma_start3A_272[%run_scoped3A_198, %dma_start3A_273] : memref<1x128xi32, #tpu.memory_space<vmem>> -> memref<1x128xi32, #tpu.memory_space<vmem>>
          %dma_start3A_275 = tpu.memref_squeeze %dma_start3A_274 : memref<1x128xi32, #tpu.memory_space<vmem>> -> memref<128xi32, #tpu.memory_space<vmem>>
          %dma_start3A_276 = arith.constant 0 : i32
          %dma_start3A_277 = arith.constant 0 : i32
          %dma_start3A_278 = tpu.memref_slice %arg2[%dma_start3A_276, %dma_start3A_277] : memref<20000x128xf32, #tpu.memory_space<hbm>> -> memref<20000x128xf32, #tpu.memory_space<hbm>>
          tpu.enqueue_indirect_dma source(%dma_start3A_278 : memref<20000x128xf32, #tpu.memory_space<hbm>>) target(%dma_start3A_268 : memref<128x128xf32, #tpu.memory_space<vmem>>) offsets(%dma_start3A_275 : memref<128xi32, #tpu.memory_space<vmem>>) semaphore(%run_scoped3A_264 : memref<!tpu.dma_semaphore, #tpu.memory_space<semaphore_mem>>)
          %dma_wait3A_279 = arith.constant 0 : i32
          %dma_wait3A_280 = arith.constant 0 : i32
          %dma_wait3A_281 = tpu.memref_slice %run_scoped3A_8[%rem3A_197, %dma_wait3A_279, %dma_wait3A_280] : memref<2x128x128xf32, #tpu.memory_space<vmem>> -> memref<1x128x128xf32, #tpu.memory_space<vmem>>
          %dma_wait3A_282 = tpu.memref_squeeze %dma_wait3A_281 : memref<1x128x128xf32, #tpu.memory_space<vmem>> -> memref<128x128xf32, #tpu.memory_space<vmem>>
          %dma_wait3A_283 = arith.constant 0 : i32
          %dma_wait3A_284 = arith.constant 0 : i32
          %dma_wait3A_285 = tpu.memref_slice %run_scoped3A[%rem3A_195, %dma_wait3A_283, %dma_wait3A_284] : memref<2x1x128xi32, #tpu.memory_space<vmem>> -> memref<1x1x128xi32, #tpu.memory_space<vmem>>
          %dma_wait3A_286 = tpu.memref_squeeze %dma_wait3A_285 : memref<1x1x128xi32, #tpu.memory_space<vmem>> -> memref<1x128xi32, #tpu.memory_space<vmem>>
          %dma_wait3A_287 = arith.constant 0 : i32
          %dma_wait3A_288 = tpu.memref_slice %dma_wait3A_286[%run_scoped3A_198, %dma_wait3A_287] : memref<1x128xi32, #tpu.memory_space<vmem>> -> memref<1x128xi32, #tpu.memory_space<vmem>>
          %dma_wait3A_289 = tpu.memref_squeeze %dma_wait3A_288 : memref<1x128xi32, #tpu.memory_space<vmem>> -> memref<128xi32, #tpu.memory_space<vmem>>
          %dma_wait3A_290 = arith.constant 0 : i32
          %dma_wait3A_291 = arith.constant 0 : i32
          %dma_wait3A_292 = tpu.memref_slice %arg2[%dma_wait3A_290, %dma_wait3A_291] : memref<20000x128xf32, #tpu.memory_space<hbm>> -> memref<20000x128xf32, #tpu.memory_space<hbm>>
          tpu.wait_indirect_dma semaphore(%run_scoped3A_264 : memref<!tpu.dma_semaphore, #tpu.memory_space<semaphore_mem>>) src(%dma_wait3A_292 : memref<20000x128xf32, #tpu.memory_space<hbm>>) dst(%dma_wait3A_282 : memref<128x128xf32, #tpu.memory_space<vmem>>)
          tpu.yield
        }) : () -> ()
        "tpu.trace_stop"() : () -> ()
        %ne3A_199 = arith.cmpi ne, %add3A_131, %add3A_149 : i32
        %or3A_200 = arith.constant false
        %or3A_201 = arith.ori %or3A_200, %ne3A_199 : i1
        %or3A_202 = arith.ori %or3A_201, %eq3A_130 : i1
        %convert_element_type3A_203 = arith.extui %or3A_202 : i1 to i32
        %cond3A_204 = arith.constant 0 : i32
        %cond3A_205 = arith.cmpi ne, %convert_element_type3A_203, %cond3A_204 : i32
        scf.if %cond3A_205 {
        } else {
        }
        %and3A_206 = arith.constant false
        %and3A_207 = arith.andi %or3A_202, %and3A_206 : i1
        %ne3A_208 = arith.cmpi ne, %add3A_131, %add3A_149 : i32
        %or3A_209 = arith.constant false
        %or3A_210 = arith.ori %or3A_209, %ne3A_208 : i1
        %or3A_211 = arith.constant false
        %or3A_212 = arith.ori %or3A_210, %or3A_211 : i1
        %or3A_213 = arith.ori %or3A_212, %eq3A_130 : i1
        %convert_element_type3A_214 = arith.extui %or3A_213 : i1 to i32
        %cond3A_215 = arith.constant 0 : i32
        %cond3A_216 = arith.cmpi ne, %convert_element_type3A_214, %cond3A_215 : i32
        scf.if %cond3A_216 {
          "tpu.trace_start"() <{level = 10 : i32, message = "ep_copy_out"}> : () -> ()
          %rem3A_264 = arith.constant 2 : i32
          %rem3A_265 = arith.remui %scan3A_124, %rem3A_264 : i32
          %mul3A_266 = arith.constant 128 : i32
          %mul3A_267 = arith.muli %mul3A_266, %add3A_131 : i32
          %dma_start3A_268 = arith.constant 0 : i32
          %dma_start3A_269 = arith.constant 0 : i32
          %dma_start3A_270 = tpu.memref_slice %run_scoped3A_8[%rem3A_265, %dma_start3A_268, %dma_start3A_269] : memref<2x128x128xf32, #tpu.memory_space<vmem>> -> memref<1x128x128xf32, #tpu.memory_space<vmem>>
          %dma_start3A_271 = tpu.memref_squeeze %dma_start3A_270 : memref<1x128x128xf32, #tpu.memory_space<vmem>> -> memref<128x128xf32, #tpu.memory_space<vmem>>
          %dma_start3A_272 = arith.constant 0 : i32
          %dma_start3A_273 = tpu.memref_slice %arg4[%mul3A_267, %dma_start3A_272] : memref<163840x128xf32, #tpu.memory_space<hbm>> -> memref<128x128xf32, #tpu.memory_space<hbm>>
          %dma_start3A_274 = tpu.memref_slice %run_scoped3A_9[%rem3A_265] : memref<2x!tpu.dma_semaphore, #tpu.memory_space<semaphore_mem>> -> memref<1x!tpu.dma_semaphore, #tpu.memory_space<semaphore_mem>>
          %dma_start3A_275 = tpu.memref_squeeze %dma_start3A_274 : memref<1x!tpu.dma_semaphore, #tpu.memory_space<semaphore_mem>> -> memref<!tpu.dma_semaphore, #tpu.memory_space<semaphore_mem>>
          %dma_start3A_276 = arith.constant 0 : i32
          %dma_start3A_277 = tpu.memref_slice %arg4[%mul3A_267, %dma_start3A_276] : memref<163840x128xf32, #tpu.memory_space<hbm>> -> memref<128x128xf32, #tpu.memory_space<hbm>>
          %dma_start3A_278 = arith.constant 0 : i32
          %dma_start3A_279 = arith.constant 0 : i32
          %dma_start3A_280 = tpu.memref_slice %run_scoped3A_8[%rem3A_265, %dma_start3A_278, %dma_start3A_279] : memref<2x128x128xf32, #tpu.memory_space<vmem>> -> memref<1x128x128xf32, #tpu.memory_space<vmem>>
          %dma_start3A_281 = tpu.memref_squeeze %dma_start3A_280 : memref<1x128x128xf32, #tpu.memory_space<vmem>> -> memref<128x128xf32, #tpu.memory_space<vmem>>
          tpu.enqueue_dma source(%dma_start3A_281 : memref<128x128xf32, #tpu.memory_space<vmem>>) target(%dma_start3A_277 : memref<128x128xf32, #tpu.memory_space<hbm>>) target_semaphore(%dma_start3A_275 : memref<!tpu.dma_semaphore, #tpu.memory_space<semaphore_mem>>)
          "tpu.trace_stop"() : () -> ()
        } else {
        }
        %and3A_217 = arith.constant true
        %and3A_218 = arith.andi %or3A_213, %and3A_217 : i1
        %add3A_219 = arith.constant 1 : i32
        %add3A_220 = arith.addi %scan3A_124, %add3A_219 : i32
        %select_n3A_221 = arith.select %and3A_218, %add3A_220, %scan3A_124 : i32
        %ne3A_222 = arith.cmpi ne, %add3A_131, %add3A_140 : i32
        %or3A_223 = arith.constant false
        %or3A_224 = arith.ori %or3A_223, %ne3A_222 : i1
        %not3A_225 = arith.constant true
        %not3A_226 = arith.xori %eq3A_128, %not3A_225 : i1
        %and3A_227 = arith.andi %or3A_224, %not3A_226 : i1
        %convert_element_type3A_228 = arith.extui %and3A_227 : i1 to i32
        %cond3A_229 = arith.constant 0 : i32
        %cond3A_230 = arith.cmpi ne, %convert_element_type3A_228, %cond3A_229 : i32
        scf.if %cond3A_230 {
        } else {
        }
        %and3A_231 = arith.constant false
        %and3A_232 = arith.andi %and3A_227, %and3A_231 : i1
        %ne3A_233 = arith.cmpi ne, %add3A_131, %add3A_140 : i32
        %or3A_234 = arith.constant false
        %or3A_235 = arith.ori %or3A_234, %ne3A_233 : i1
        %or3A_236 = arith.constant false
        %or3A_237 = arith.ori %or3A_235, %or3A_236 : i1
        %not3A_238 = arith.constant true
        %not3A_239 = arith.xori %eq3A_128, %not3A_238 : i1
        %and3A_240 = arith.andi %or3A_237, %not3A_239 : i1
        %convert_element_type3A_241 = arith.extui %and3A_240 : i1 to i32
        %cond3A_242 = arith.constant 0 : i32
        %cond3A_243 = arith.cmpi ne, %convert_element_type3A_241, %cond3A_242 : i32
        scf.if %cond3A_243 {
          "tpu.trace_start"() <{level = 10 : i32, message = "ep_wait_out"}> : () -> ()
          %rem3A_264 = arith.constant 2 : i32
          %rem3A_265 = arith.remui %scan3A_125, %rem3A_264 : i32
          %mul3A_266 = arith.constant 128 : i32
          %mul3A_267 = arith.muli %mul3A_266, %add3A_140 : i32
          %dma_wait3A_268 = arith.constant 0 : i32
          %dma_wait3A_269 = arith.constant 0 : i32
          %dma_wait3A_270 = tpu.memref_slice %run_scoped3A_8[%rem3A_265, %dma_wait3A_268, %dma_wait3A_269] : memref<2x128x128xf32, #tpu.memory_space<vmem>> -> memref<1x128x128xf32, #tpu.memory_space<vmem>>
          %dma_wait3A_271 = tpu.memref_squeeze %dma_wait3A_270 : memref<1x128x128xf32, #tpu.memory_space<vmem>> -> memref<128x128xf32, #tpu.memory_space<vmem>>
          %dma_wait3A_272 = arith.constant 0 : i32
          %dma_wait3A_273 = tpu.memref_slice %arg4[%mul3A_267, %dma_wait3A_272] : memref<163840x128xf32, #tpu.memory_space<hbm>> -> memref<128x128xf32, #tpu.memory_space<hbm>>
          %dma_wait3A_274 = tpu.memref_slice %run_scoped3A_9[%rem3A_265] : memref<2x!tpu.dma_semaphore, #tpu.memory_space<semaphore_mem>> -> memref<1x!tpu.dma_semaphore, #tpu.memory_space<semaphore_mem>>
          %dma_wait3A_275 = tpu.memref_squeeze %dma_wait3A_274 : memref<1x!tpu.dma_semaphore, #tpu.memory_space<semaphore_mem>> -> memref<!tpu.dma_semaphore, #tpu.memory_space<semaphore_mem>>
          %dma_wait3A_276 = arith.constant 0 : i32
          %dma_wait3A_277 = tpu.memref_slice %arg4[%mul3A_267, %dma_wait3A_276] : memref<163840x128xf32, #tpu.memory_space<hbm>> -> memref<128x128xf32, #tpu.memory_space<hbm>>
          %dma_wait3A_278 = arith.constant 0 : i32
          %dma_wait3A_279 = arith.constant 0 : i32
          %dma_wait3A_280 = tpu.memref_slice %run_scoped3A_8[%rem3A_265, %dma_wait3A_278, %dma_wait3A_279] : memref<2x128x128xf32, #tpu.memory_space<vmem>> -> memref<1x128x128xf32, #tpu.memory_space<vmem>>
          %dma_wait3A_281 = tpu.memref_squeeze %dma_wait3A_280 : memref<1x128x128xf32, #tpu.memory_space<vmem>> -> memref<128x128xf32, #tpu.memory_space<vmem>>
          tpu.wait_dma2 semaphore(%dma_wait3A_275 : memref<!tpu.dma_semaphore, #tpu.memory_space<semaphore_mem>>) src(%dma_wait3A_281 : memref<128x128xf32, #tpu.memory_space<vmem>>) dst(%dma_wait3A_277 : memref<128x128xf32, #tpu.memory_space<hbm>>)
          "tpu.trace_stop"() : () -> ()
        } else {
        }
        %and3A_244 = arith.constant true
        %and3A_245 = arith.andi %and3A_240, %and3A_244 : i1
        %add3A_246 = arith.constant 1 : i32
        %add3A_247 = arith.addi %scan3A_125, %add3A_246 : i32
        %select_n3A_248 = arith.select %and3A_245, %add3A_247, %scan3A_125 : i32
        %ne3A_249 = arith.cmpi ne, %add3A_131, %add3A_149 : i32
        %or3A_250 = arith.constant false
        %or3A_251 = arith.ori %or3A_250, %ne3A_249 : i1
        %or3A_252 = arith.ori %or3A_251, %eq3A_130 : i1
        %add3A_253 = arith.constant 1 : i32
        %add3A_254 = arith.addi %scan3A_123, %add3A_253 : i32
        %select_n3A_255 = arith.select %or3A_252, %add3A_254, %scan3A_123 : i32
        %add3A_256 = arith.constant 1 : i32
        %add3A_257 = arith.addi %scan3A_126, %add3A_256 : i32
        %select_n3A_258 = arith.constant true
        %select_n3A_259 = arith.select %select_n3A_258, %add3A_257, %scan3A_126 : i32
        %eq3A_260 = arith.constant 40 : i32
        %eq3A_261 = arith.cmpi eq, %select_n3A_259, %eq3A_260 : i32
        %select_n3A_262 = arith.constant 0 : i32
        %select_n3A_263 = arith.select %eq3A_261, %select_n3A_262, %select_n3A_259 : i32
        scf.yield %select_n3A_167, %select_n3A_255, %select_n3A_221, %select_n3A_248, %select_n3A_263 : i32, i32, i32, i32, i32
      }
      %scan3A_68 = arith.constant 40 : i32
      %sub3A = arith.constant 1 : i32
      %sub3A_69 = arith.subi %scan3A_67#4, %sub3A : i32
      %select_n3A_70 = arith.constant true
      %select_n3A_71 = arith.select %select_n3A_70, %sub3A_69, %scan3A_67#4 : i32
      %eq3A_72 = arith.constant -1 : i32
      %eq3A_73 = arith.cmpi eq, %select_n3A_71, %eq3A_72 : i32
      %select_n3A_74 = arith.constant 39 : i32
      %select_n3A_75 = arith.select %eq3A_73, %select_n3A_74, %select_n3A_71 : i32
      %add3A_76 = arith.addi %select_n3A_75, %mul3A_6 : i32
      %sub3A_77 = arith.constant 1 : i32
      %sub3A_78 = arith.subi %select_n3A_75, %sub3A_77 : i32
      %select_n3A_79 = arith.constant true
      %select_n3A_80 = arith.select %select_n3A_79, %sub3A_78, %select_n3A_75 : i32
      %eq3A_81 = arith.constant -1 : i32
      %eq3A_82 = arith.cmpi eq, %select_n3A_80, %eq3A_81 : i32
      %select_n3A_83 = arith.constant 39 : i32
      %select_n3A_84 = arith.select %eq3A_82, %select_n3A_83, %select_n3A_80 : i32
      %add3A_85 = arith.addi %select_n3A_84, %mul3A_6 : i32
      %add3A_86 = arith.constant 1 : i32
      %add3A_87 = arith.addi %select_n3A_75, %add3A_86 : i32
      %select_n3A_88 = arith.constant true
      %select_n3A_89 = arith.select %select_n3A_88, %add3A_87, %select_n3A_75 : i32
      %eq3A_90 = arith.constant 40 : i32
      %eq3A_91 = arith.cmpi eq, %select_n3A_89, %eq3A_90 : i32
      %select_n3A_92 = arith.constant 0 : i32
      %select_n3A_93 = arith.select %eq3A_91, %select_n3A_92, %select_n3A_89 : i32
      %add3A_94 = arith.addi %select_n3A_93, %mul3A_6 : i32
      %add3A_95 = arith.constant 1 : i32
      %add3A_96 = arith.addi %select_n3A_93, %add3A_95 : i32
      %select_n3A_97 = arith.constant true
      %select_n3A_98 = arith.select %select_n3A_97, %add3A_96, %select_n3A_93 : i32
      %eq3A_99 = arith.constant 40 : i32
      %eq3A_100 = arith.cmpi eq, %select_n3A_98, %eq3A_99 : i32
      %select_n3A_101 = arith.constant 0 : i32
      %select_n3A_102 = arith.select %eq3A_100, %select_n3A_101, %select_n3A_98 : i32
      %add3A_103 = arith.addi %select_n3A_102, %mul3A_6 : i32
      "tpu.trace_start"() <{level = 10 : i32, message = "ep_finalize"}> : () -> ()
      %rem3A_104 = arith.constant 2 : i32
      %rem3A_105 = arith.remui %scan3A_67#3, %rem3A_104 : i32
      %mul3A_106 = arith.constant 128 : i32
      %mul3A_107 = arith.muli %mul3A_106, %add3A_76 : i32
      %dma_wait3A = arith.constant 0 : i32
      %dma_wait3A_108 = arith.constant 0 : i32
      %dma_wait3A_109 = tpu.memref_slice %run_scoped3A_8[%rem3A_105, %dma_wait3A, %dma_wait3A_108] : memref<2x128x128xf32, #tpu.memory_space<vmem>> -> memref<1x128x128xf32, #tpu.memory_space<vmem>>
      %dma_wait3A_110 = tpu.memref_squeeze %dma_wait3A_109 : memref<1x128x128xf32, #tpu.memory_space<vmem>> -> memref<128x128xf32, #tpu.memory_space<vmem>>
      %dma_wait3A_111 = arith.constant 0 : i32
      %dma_wait3A_112 = tpu.memref_slice %arg4[%mul3A_107, %dma_wait3A_111] : memref<163840x128xf32, #tpu.memory_space<hbm>> -> memref<128x128xf32, #tpu.memory_space<hbm>>
      %dma_wait3A_113 = tpu.memref_slice %run_scoped3A_9[%rem3A_105] : memref<2x!tpu.dma_semaphore, #tpu.memory_space<semaphore_mem>> -> memref<1x!tpu.dma_semaphore, #tpu.memory_space<semaphore_mem>>
      %dma_wait3A_114 = tpu.memref_squeeze %dma_wait3A_113 : memref<1x!tpu.dma_semaphore, #tpu.memory_space<semaphore_mem>> -> memref<!tpu.dma_semaphore, #tpu.memory_space<semaphore_mem>>
      %dma_wait3A_115 = arith.constant 0 : i32
      %dma_wait3A_116 = tpu.memref_slice %arg4[%mul3A_107, %dma_wait3A_115] : memref<163840x128xf32, #tpu.memory_space<hbm>> -> memref<128x128xf32, #tpu.memory_space<hbm>>
      %dma_wait3A_117 = arith.constant 0 : i32
      %dma_wait3A_118 = arith.constant 0 : i32
      %dma_wait3A_119 = tpu.memref_slice %run_scoped3A_8[%rem3A_105, %dma_wait3A_117, %dma_wait3A_118] : memref<2x128x128xf32, #tpu.memory_space<vmem>> -> memref<1x128x128xf32, #tpu.memory_space<vmem>>
      %dma_wait3A_120 = tpu.memref_squeeze %dma_wait3A_119 : memref<1x128x128xf32, #tpu.memory_space<vmem>> -> memref<128x128xf32, #tpu.memory_space<vmem>>
      tpu.wait_dma2 semaphore(%dma_wait3A_114 : memref<!tpu.dma_semaphore, #tpu.memory_space<semaphore_mem>>) src(%dma_wait3A_120 : memref<128x128xf32, #tpu.memory_space<vmem>>) dst(%dma_wait3A_116 : memref<128x128xf32, #tpu.memory_space<hbm>>)
      "tpu.trace_stop"() : () -> ()
      tpu.yield
    }) : () -> ()
    return
  }
}

#map = affine_map<(d0, d1) -> (0, 0)>
module attributes {stable_mosaic.version = 14 : i64} {
  func.func @k(%arg0: i32, %arg1: i32, %arg2: memref<20000x128xf32, #tpu.memory_space<hbm>>, %arg3: memref<4x163840xi32, #tpu.memory_space<hbm>>, %arg4: memref<163840x128xf32, #tpu.memory_space<hbm>>) attributes {dimension_semantics = [#tpu.dimension_semantics<core_parallel>, #tpu.dimension_semantics<subcore_parallel>], iteration_bounds = array<i64: 2, 16>, scalar_prefetch = 0 : i64, scratch_operands = 0 : i64, tpu.core_type = #tpu.core_type<sc_vector_subcore>, window_params = [{transform_indices = #map}, {transform_indices = #map}, {transform_indices = #map}]} {
    %mul3A = arith.constant 1 : i32
    %mul3A_0 = arith.muli %arg1, %mul3A : i32
    %add3A = arith.constant 0 : i32
    %add3A_1 = arith.addi %add3A, %mul3A_0 : i32
    %mul3A_2 = arith.constant 16 : i32
    %mul3A_3 = arith.muli %arg0, %mul3A_2 : i32
    %add3A_4 = arith.addi %add3A_1, %mul3A_3 : i32
    %mul3A_5 = arith.constant 40 : i32
    %mul3A_6 = arith.muli %add3A_4, %mul3A_5 : i32
    "tpu.region"() ({
      %run_scoped3A = memref.alloca() : memref<2x1x128xi32, #tpu.memory_space<vmem>>
      %run_scoped3A_7 = tpu.sem_alloc : memref<2x!tpu.dma_semaphore, #tpu.memory_space<semaphore_mem>>
      %run_scoped3A_8 = memref.alloca() : memref<2x128x128xf32, #tpu.memory_space<vmem>>
      %run_scoped3A_9 = tpu.sem_alloc : memref<2x!tpu.dma_semaphore, #tpu.memory_space<semaphore_mem>>
      %add3A_10 = arith.constant 0 : i32
      %add3A_11 = arith.addi %add3A_10, %mul3A_6 : i32
      %select_n3A = arith.constant true
      %select_n3A_12 = arith.constant 0 : i32
      %select_n3A_13 = arith.constant -1 : i32
      %select_n3A_14 = arith.select %select_n3A, %select_n3A_13, %select_n3A_12 : i32
      %eq3A = arith.constant -1 : i32
      %eq3A_15 = arith.cmpi eq, %select_n3A_14, %eq3A : i32
      %select_n3A_16 = arith.constant 39 : i32
      %select_n3A_17 = arith.select %eq3A_15, %select_n3A_16, %select_n3A_14 : i32
      %add3A_18 = arith.addi %select_n3A_17, %mul3A_6 : i32
      %select_n3A_19 = arith.constant true
      %select_n3A_20 = arith.constant 0 : i32
      %select_n3A_21 = arith.constant 1 : i32
      %select_n3A_22 = arith.select %select_n3A_19, %select_n3A_21, %select_n3A_20 : i32
      %eq3A_23 = arith.constant 40 : i32
      %eq3A_24 = arith.cmpi eq, %select_n3A_22, %eq3A_23 : i32
      %select_n3A_25 = arith.constant 0 : i32
      %select_n3A_26 = arith.select %eq3A_24, %select_n3A_25, %select_n3A_22 : i32
      %add3A_27 = arith.addi %select_n3A_26, %mul3A_6 : i32
      %add3A_28 = arith.constant 1 : i32
      %add3A_29 = arith.addi %select_n3A_26, %add3A_28 : i32
      %select_n3A_30 = arith.constant true
      %select_n3A_31 = arith.select %select_n3A_30, %add3A_29, %select_n3A_26 : i32
      %eq3A_32 = arith.constant 40 : i32
      %eq3A_33 = arith.cmpi eq, %select_n3A_31, %eq3A_32 : i32
      %select_n3A_34 = arith.constant 0 : i32
      %select_n3A_35 = arith.select %eq3A_33, %select_n3A_34, %select_n3A_31 : i32
      %add3A_36 = arith.addi %select_n3A_35, %mul3A_6 : i32
      "tpu.trace_start"() <{level = 10 : i32, message = "ep_initialize_0"}> : () -> ()
      %rem3A = arith.constant 0 : i32
      %rem3A_37 = arith.constant 2 : i32
      %rem3A_38 = arith.remui %rem3A, %rem3A_37 : i32
      %mul3A_39 = arith.constant 128 : i32
      %mul3A_40 = arith.muli %mul3A_39, %add3A_11 : i32
      %dma_start3A = arith.constant 0 : i32
      %dma_start3A_41 = arith.constant 0 : i32
      %dma_start3A_42 = tpu.memref_slice %run_scoped3A[%rem3A_38, %dma_start3A, %dma_start3A_41] : memref<2x1x128xi32, #tpu.memory_space<vmem>> -> memref<1x1x128xi32, #tpu.memory_space<vmem>>
      %dma_start3A_43 = tpu.memref_squeeze %dma_start3A_42 : memref<1x1x128xi32, #tpu.memory_space<vmem>> -> memref<1x128xi32, #tpu.memory_space<vmem>>
      %dma_start3A_44 = arith.constant 0 : i32
      %dma_start3A_45 = tpu.memref_slice %arg3[%dma_start3A_44, %mul3A_40] : memref<4x163840xi32, #tpu.memory_space<hbm>> -> memref<1x128xi32, #tpu.memory_space<hbm>>
      %dma_start3A_46 = tpu.memref_slice %run_scoped3A_7[%rem3A_38] : memref<2x!tpu.dma_semaphore, #tpu.memory_space<semaphore_mem>> -> memref<1x!tpu.dma_semaphore, #tpu.memory_space<semaphore_mem>>
      %dma_start3A_47 = tpu.memref_squeeze %dma_start3A_46 : memref<1x!tpu.dma_semaphore, #tpu.memory_space<semaphore_mem>> -> memref<!tpu.dma_semaphore, #tpu.memory_space<semaphore_mem>>
      %dma_start3A_48 = arith.constant 0 : i32
      %dma_start3A_49 = arith.constant 0 : i32
      %dma_start3A_50 = tpu.memref_slice %run_scoped3A[%rem3A_38, %dma_start3A_48, %dma_start3A_49] : memref<2x1x128xi32, #tpu.memory_space<vmem>> -> memref<1x1x128xi32, #tpu.memory_space<vmem>>
      %dma_start3A_51 = tpu.memref_squeeze %dma_start3A_50 : memref<1x1x128xi32, #tpu.memory_space<vmem>> -> memref<1x128xi32, #tpu.memory_space<vmem>>
      %dma_start3A_52 = arith.constant 0 : i32
      %dma_start3A_53 = tpu.memref_slice %arg3[%dma_start3A_52, %mul3A_40] : memref<4x163840xi32, #tpu.memory_space<hbm>> -> memref<1x128xi32, #tpu.memory_space<hbm>>
      tpu.enqueue_dma source(%dma_start3A_53 : memref<1x128xi32, #tpu.memory_space<hbm>>) target(%dma_start3A_51 : memref<1x128xi32, #tpu.memory_space<vmem>>) target_semaphore(%dma_start3A_47 : memref<!tpu.dma_semaphore, #tpu.memory_space<semaphore_mem>>)
      %add3A_54 = arith.constant 0 : i32
      %add3A_55 = arith.constant 1 : i32
      %add3A_56 = arith.addi %add3A_54, %add3A_55 : i32
      %select_n3A_57 = arith.constant true
      %select_n3A_58 = arith.constant 0 : i32
      %select_n3A_59 = arith.select %select_n3A_57, %add3A_56, %select_n3A_58 : i32
      "tpu.trace_stop"() : () -> ()
      %scan3A = arith.constant 0 : i32
      %scan3A_60 = arith.constant 0 : i32
      %scan3A_61 = arith.constant 0 : i32
      %scan3A_62 = arith.constant 0 : i32
      %scan3A_63 = arith.constant 0 : i32
      %scan3A_64 = arith.constant 40 : i32
      %scan3A_65 = arith.addi %scan3A_63, %scan3A_64 : i32
      %scan3A_66 = arith.constant 1 : i32
      %scan3A_67:5 = scf.for %scan3A_121 = %scan3A_63 to %scan3A_65 step %scan3A_66 iter_args(%scan3A_122 = %select_n3A_59, %scan3A_123 = %scan3A, %scan3A_124 = %scan3A_60, %scan3A_125 = %scan3A_61, %scan3A_126 = %scan3A_62) -> (i32, i32, i32, i32, i32)  : i32 {
        %eq3A_127 = arith.constant 0 : i32
        %eq3A_128 = arith.cmpi eq, %scan3A_121, %eq3A_127 : i32
        %eq3A_129 = arith.constant 39 : i32
        %eq3A_130 = arith.cmpi eq, %scan3A_121, %eq3A_129 : i32
        %add3A_131 = arith.addi %scan3A_126, %mul3A_6 : i32
        %sub3A_132 = arith.constant 1 : i32
        %sub3A_133 = arith.subi %scan3A_126, %sub3A_132 : i32
        %select_n3A_134 = arith.constant true
        %select_n3A_135 = arith.select %select_n3A_134, %sub3A_133, %scan3A_126 : i32
        %eq3A_136 = arith.constant -1 : i32
        %eq3A_137 = arith.cmpi eq, %select_n3A_135, %eq3A_136 : i32
        %select_n3A_138 = arith.constant 39 : i32
        %select_n3A_139 = arith.select %eq3A_137, %select_n3A_138, %select_n3A_135 : i32
        %add3A_140 = arith.addi %select_n3A_139, %mul3A_6 : i32
        %add3A_141 = arith.constant 1 : i32
        %add3A_142 = arith.addi %scan3A_126, %add3A_141 : i32
        %select_n3A_143 = arith.constant true
        %select_n3A_144 = arith.select %select_n3A_143, %add3A_142, %scan3A_126 : i32
        %eq3A_145 = arith.constant 40 : i32
        %eq3A_146 = arith.cmpi eq, %select_n3A_144, %eq3A_145 : i32
        %select_n3A_147 = arith.constant 0 : i32
        %select_n3A_148 = arith.select %eq3A_146, %select_n3A_147, %select_n3A_144 : i32
        %add3A_149 = arith.addi %select_n3A_148, %mul3A_6 : i32
        %add3A_150 = arith.constant 1 : i32
        %add3A_151 = arith.addi %select_n3A_148, %add3A_150 : i32
        %select_n3A_152 = arith.constant true
        %select_n3A_153 = arith.select %select_n3A_152, %add3A_151, %select_n3A_148 : i32
        %eq3A_154 = arith.constant 40 : i32
        %eq3A_155 = arith.cmpi eq, %select_n3A_153, %eq3A_154 : i32
        %select_n3A_156 = arith.constant 0 : i32
        %select_n3A_157 = arith.select %eq3A_155, %select_n3A_156, %select_n3A_153 : i32
        %add3A_158 = arith.addi %select_n3A_157, %mul3A_6 : i32
        %ne3A = arith.cmpi ne, %add3A_131, %add3A_149 : i32
        %or3A = arith.constant false
        %or3A_159 = arith.ori %or3A, %ne3A : i1
        %ge3A = arith.constant 39 : i32
        %ge3A_160 = arith.cmpi sge, %scan3A_121, %ge3A : i32
        %not3A = arith.constant true
        %not3A_161 = arith.xori %ge3A_160, %not3A : i1
        %and3A = arith.andi %or3A_159, %not3A_161 : i1
        %convert_element_type3A = arith.extui %and3A : i1 to i32
        %cond3A = arith.constant 0 : i32
        %cond3A_162 = arith.cmpi ne, %convert_element_type3A, %cond3A : i32
        scf.if %cond3A_162 {
          "tpu.trace_start"() <{level = 10 : i32, message = "ep_copy_in"}> : () -> ()
          %rem3A_264 = arith.constant 2 : i32
          %rem3A_265 = arith.remui %scan3A_122, %rem3A_264 : i32
          %mul3A_266 = arith.constant 128 : i32
          %mul3A_267 = arith.muli %mul3A_266, %add3A_149 : i32
          %dma_start3A_268 = arith.constant 0 : i32
          %dma_start3A_269 = arith.constant 0 : i32
          %dma_start3A_270 = tpu.memref_slice %run_scoped3A[%rem3A_265, %dma_start3A_268, %dma_start3A_269] : memref<2x1x128xi32, #tpu.memory_space<vmem>> -> memref<1x1x128xi32, #tpu.memory_space<vmem>>
          %dma_start3A_271 = tpu.memref_squeeze %dma_start3A_270 : memref<1x1x128xi32, #tpu.memory_space<vmem>> -> memref<1x128xi32, #tpu.memory_space<vmem>>
          %dma_start3A_272 = arith.constant 0 : i32
          %dma_start3A_273 = tpu.memref_slice %arg3[%dma_start3A_272, %mul3A_267] : memref<4x163840xi32, #tpu.memory_space<hbm>> -> memref<1x128xi32, #tpu.memory_space<hbm>>
          %dma_start3A_274 = tpu.memref_slice %run_scoped3A_7[%rem3A_265] : memref<2x!tpu.dma_semaphore, #tpu.memory_space<semaphore_mem>> -> memref<1x!tpu.dma_semaphore, #tpu.memory_space<semaphore_mem>>
          %dma_start3A_275 = tpu.memref_squeeze %dma_start3A_274 : memref<1x!tpu.dma_semaphore, #tpu.memory_space<semaphore_mem>> -> memref<!tpu.dma_semaphore, #tpu.memory_space<semaphore_mem>>
          %dma_start3A_276 = arith.constant 0 : i32
          %dma_start3A_277 = arith.constant 0 : i32
          %dma_start3A_278 = tpu.memref_slice %run_scoped3A[%rem3A_265, %dma_start3A_276, %dma_start3A_277] : memref<2x1x128xi32, #tpu.memory_space<vmem>> -> memref<1x1x128xi32, #tpu.memory_space<vmem>>
          %dma_start3A_279 = tpu.memref_squeeze %dma_start3A_278 : memref<1x1x128xi32, #tpu.memory_space<vmem>> -> memref<1x128xi32, #tpu.memory_space<vmem>>
          %dma_start3A_280 = arith.constant 0 : i32
          %dma_start3A_281 = tpu.memref_slice %arg3[%dma_start3A_280, %mul3A_267] : memref<4x163840xi32, #tpu.memory_space<hbm>> -> memref<1x128xi32, #tpu.memory_space<hbm>>
          tpu.enqueue_dma source(%dma_start3A_281 : memref<1x128xi32, #tpu.memory_space<hbm>>) target(%dma_start3A_279 : memref<1x128xi32, #tpu.memory_space<vmem>>) target_semaphore(%dma_start3A_275 : memref<!tpu.dma_semaphore, #tpu.memory_space<semaphore_mem>>)
          "tpu.trace_stop"() : () -> ()
        } else {
        }
        %and3A_163 = arith.constant true
        %and3A_164 = arith.andi %and3A, %and3A_163 : i1
        %add3A_165 = arith.constant 1 : i32
        %add3A_166 = arith.addi %scan3A_122, %add3A_165 : i32
        %select_n3A_167 = arith.select %and3A_164, %add3A_166, %scan3A_122 : i32
        %ne3A_168 = arith.cmpi ne, %add3A_131, %add3A_149 : i32
        %or3A_169 = arith.constant false
        %or3A_170 = arith.ori %or3A_169, %ne3A_168 : i1
        %or3A_171 = arith.constant false
        %or3A_172 = arith.ori %or3A_170, %or3A_171 : i1
        %ge3A_173 = arith.constant 39 : i32
        %ge3A_174 = arith.cmpi sge, %scan3A_121, %ge3A_173 : i32
        %not3A_175 = arith.constant true
        %not3A_176 = arith.xori %ge3A_174, %not3A_175 : i1
        %and3A_177 = arith.andi %or3A_172, %not3A_176 : i1
        %ne3A_178 = arith.cmpi ne, %add3A_131, %add3A_140 : i32
        %or3A_179 = arith.constant false
        %or3A_180 = arith.ori %or3A_179, %ne3A_178 : i1
        %or3A_181 = arith.ori %or3A_180, %eq3A_128 : i1
        %convert_element_type3A_182 = arith.extui %or3A_181 : i1 to i32
        %cond3A_183 = arith.constant 0 : i32
        %cond3A_184 = arith.cmpi ne, %convert_element_type3A_182, %cond3A_183 : i32
        scf.if %cond3A_184 {
          "tpu.trace_start"() <{level = 10 : i32, message = "ep_wait_in"}> : () -> ()
          %mul3A_264 = arith.constant 128 : i32
          %mul3A_265 = arith.muli %mul3A_264, %add3A_131 : i32
          %rem3A_266 = arith.constant 2 : i32
          %rem3A_267 = arith.remui %scan3A_123, %rem3A_266 : i32
          %dma_wait3A_268 = arith.constant 0 : i32
          %dma_wait3A_269 = arith.constant 0 : i32
          %dma_wait3A_270 = tpu.memref_slice %run_scoped3A[%rem3A_267, %dma_wait3A_268, %dma_wait3A_269] : memref<2x1x128xi32, #tpu.memory_space<vmem>> -> memref<1x1x128xi32, #tpu.memory_space<vmem>>
          %dma_wait3A_271 = tpu.memref_squeeze %dma_wait3A_270 : memref<1x1x128xi32, #tpu.memory_space<vmem>> -> memref<1x128xi32, #tpu.memory_space<vmem>>
          %dma_wait3A_272 = arith.constant 0 : i32
          %dma_wait3A_273 = tpu.memref_slice %arg3[%dma_wait3A_272, %mul3A_265] : memref<4x163840xi32, #tpu.memory_space<hbm>> -> memref<1x128xi32, #tpu.memory_space<hbm>>
          %dma_wait3A_274 = tpu.memref_slice %run_scoped3A_7[%rem3A_267] : memref<2x!tpu.dma_semaphore, #tpu.memory_space<semaphore_mem>> -> memref<1x!tpu.dma_semaphore, #tpu.memory_space<semaphore_mem>>
          %dma_wait3A_275 = tpu.memref_squeeze %dma_wait3A_274 : memref<1x!tpu.dma_semaphore, #tpu.memory_space<semaphore_mem>> -> memref<!tpu.dma_semaphore, #tpu.memory_space<semaphore_mem>>
          %dma_wait3A_276 = arith.constant 0 : i32
          %dma_wait3A_277 = arith.constant 0 : i32
          %dma_wait3A_278 = tpu.memref_slice %run_scoped3A[%rem3A_267, %dma_wait3A_276, %dma_wait3A_277] : memref<2x1x128xi32, #tpu.memory_space<vmem>> -> memref<1x1x128xi32, #tpu.memory_space<vmem>>
          %dma_wait3A_279 = tpu.memref_squeeze %dma_wait3A_278 : memref<1x1x128xi32, #tpu.memory_space<vmem>> -> memref<1x128xi32, #tpu.memory_space<vmem>>
          %dma_wait3A_280 = arith.constant 0 : i32
          %dma_wait3A_281 = tpu.memref_slice %arg3[%dma_wait3A_280, %mul3A_265] : memref<4x163840xi32, #tpu.memory_space<hbm>> -> memref<1x128xi32, #tpu.memory_space<hbm>>
          tpu.wait_dma2 semaphore(%dma_wait3A_275 : memref<!tpu.dma_semaphore, #tpu.memory_space<semaphore_mem>>) src(%dma_wait3A_281 : memref<1x128xi32, #tpu.memory_space<hbm>>) dst(%dma_wait3A_279 : memref<1x128xi32, #tpu.memory_space<vmem>>)
          "tpu.trace_stop"() : () -> ()
        } else {
        }
        %ne3A_185 = arith.cmpi ne, %add3A_131, %add3A_140 : i32
        %or3A_186 = arith.constant false
        %or3A_187 = arith.ori %or3A_186, %ne3A_185 : i1
        %or3A_188 = arith.constant false
        %or3A_189 = arith.ori %or3A_187, %or3A_188 : i1
        %or3A_190 = arith.ori %or3A_189, %eq3A_128 : i1
        %convert_element_type3A_191 = arith.extui %or3A_190 : i1 to i32
        %cond3A_192 = arith.constant 0 : i32
        %cond3A_193 = arith.cmpi ne, %convert_element_type3A_191, %cond3A_192 : i32
        scf.if %cond3A_193 {
        } else {
        }
        %rem3A_194 = arith.constant 2 : i32
        %rem3A_195 = arith.remui %scan3A_123, %rem3A_194 : i32
        %rem3A_196 = arith.constant 2 : i32
        %rem3A_197 = arith.remui %scan3A_124, %rem3A_196 : i32
        %run_scoped3A_198 = arith.constant 0 : i32
        "tpu.trace_start"() <{level = 10 : i32, message = "ep_run_kernel"}> : () -> ()
        "tpu.region"() ({
          %run_scoped3A_264 = tpu.sem_alloc : memref<!tpu.dma_semaphore, #tpu.memory_space<semaphore_mem>>
          %dma_start3A_265 = arith.constant 0 : i32
          %dma_start3A_266 = arith.constant 0 : i32
          %dma_start3A_267 = tpu.memref_slice %run_scoped3A_8[%rem3A_197, %dma_start3A_265, %dma_start3A_266] : memref<2x128x128xf32, #tpu.memory_space<vmem>> -> memref<1x128x128xf32, #tpu.memory_space<vmem>>
          %dma_start3A_268 = tpu.memref_squeeze %dma_start3A_267 : memref<1x128x128xf32, #tpu.memory_space<vmem>> -> memref<128x128xf32, #tpu.memory_space<vmem>>
          %dma_start3A_269 = arith.constant 0 : i32
          %dma_start3A_270 = arith.constant 0 : i32
          %dma_start3A_271 = tpu.memref_slice %run_scoped3A[%rem3A_195, %dma_start3A_269, %dma_start3A_270] : memref<2x1x128xi32, #tpu.memory_space<vmem>> -> memref<1x1x128xi32, #tpu.memory_space<vmem>>
          %dma_start3A_272 = tpu.memref_squeeze %dma_start3A_271 : memref<1x1x128xi32, #tpu.memory_space<vmem>> -> memref<1x128xi32, #tpu.memory_space<vmem>>
          %dma_start3A_273 = arith.constant 0 : i32
          %dma_start3A_274 = tpu.memref_slice %dma_start3A_272[%run_scoped3A_198, %dma_start3A_273] : memref<1x128xi32, #tpu.memory_space<vmem>> -> memref<1x128xi32, #tpu.memory_space<vmem>>
          %dma_start3A_275 = tpu.memref_squeeze %dma_start3A_274 : memref<1x128xi32, #tpu.memory_space<vmem>> -> memref<128xi32, #tpu.memory_space<vmem>>
          %dma_start3A_276 = arith.constant 0 : i32
          %dma_start3A_277 = arith.constant 0 : i32
          %dma_start3A_278 = tpu.memref_slice %arg2[%dma_start3A_276, %dma_start3A_277] : memref<20000x128xf32, #tpu.memory_space<hbm>> -> memref<20000x128xf32, #tpu.memory_space<hbm>>
          tpu.enqueue_indirect_dma source(%dma_start3A_278 : memref<20000x128xf32, #tpu.memory_space<hbm>>) target(%dma_start3A_268 : memref<128x128xf32, #tpu.memory_space<vmem>>) offsets(%dma_start3A_275 : memref<128xi32, #tpu.memory_space<vmem>>) semaphore(%run_scoped3A_264 : memref<!tpu.dma_semaphore, #tpu.memory_space<semaphore_mem>>)
          %dma_wait3A_279 = arith.constant 0 : i32
          %dma_wait3A_280 = arith.constant 0 : i32
          %dma_wait3A_281 = tpu.memref_slice %run_scoped3A_8[%rem3A_197, %dma_wait3A_279, %dma_wait3A_280] : memref<2x128x128xf32, #tpu.memory_space<vmem>> -> memref<1x128x128xf32, #tpu.memory_space<vmem>>
          %dma_wait3A_282 = tpu.memref_squeeze %dma_wait3A_281 : memref<1x128x128xf32, #tpu.memory_space<vmem>> -> memref<128x128xf32, #tpu.memory_space<vmem>>
          %dma_wait3A_283 = arith.constant 0 : i32
          %dma_wait3A_284 = arith.constant 0 : i32
          %dma_wait3A_285 = tpu.memref_slice %run_scoped3A[%rem3A_195, %dma_wait3A_283, %dma_wait3A_284] : memref<2x1x128xi32, #tpu.memory_space<vmem>> -> memref<1x1x128xi32, #tpu.memory_space<vmem>>
          %dma_wait3A_286 = tpu.memref_squeeze %dma_wait3A_285 : memref<1x1x128xi32, #tpu.memory_space<vmem>> -> memref<1x128xi32, #tpu.memory_space<vmem>>
          %dma_wait3A_287 = arith.constant 0 : i32
          %dma_wait3A_288 = tpu.memref_slice %dma_wait3A_286[%run_scoped3A_198, %dma_wait3A_287] : memref<1x128xi32, #tpu.memory_space<vmem>> -> memref<1x128xi32, #tpu.memory_space<vmem>>
          %dma_wait3A_289 = tpu.memref_squeeze %dma_wait3A_288 : memref<1x128xi32, #tpu.memory_space<vmem>> -> memref<128xi32, #tpu.memory_space<vmem>>
          %dma_wait3A_290 = arith.constant 0 : i32
          %dma_wait3A_291 = arith.constant 0 : i32
          %dma_wait3A_292 = tpu.memref_slice %arg2[%dma_wait3A_290, %dma_wait3A_291] : memref<20000x128xf32, #tpu.memory_space<hbm>> -> memref<20000x128xf32, #tpu.memory_space<hbm>>
          tpu.wait_indirect_dma semaphore(%run_scoped3A_264 : memref<!tpu.dma_semaphore, #tpu.memory_space<semaphore_mem>>) src(%dma_wait3A_292 : memref<20000x128xf32, #tpu.memory_space<hbm>>) dst(%dma_wait3A_282 : memref<128x128xf32, #tpu.memory_space<vmem>>)
          tpu.yield
        }) : () -> ()
        "tpu.trace_stop"() : () -> ()
        %ne3A_199 = arith.cmpi ne, %add3A_131, %add3A_149 : i32
        %or3A_200 = arith.constant false
        %or3A_201 = arith.ori %or3A_200, %ne3A_199 : i1
        %or3A_202 = arith.ori %or3A_201, %eq3A_130 : i1
        %convert_element_type3A_203 = arith.extui %or3A_202 : i1 to i32
        %cond3A_204 = arith.constant 0 : i32
        %cond3A_205 = arith.cmpi ne, %convert_element_type3A_203, %cond3A_204 : i32
        scf.if %cond3A_205 {
        } else {
        }
        %and3A_206 = arith.constant false
        %and3A_207 = arith.andi %or3A_202, %and3A_206 : i1
        %ne3A_208 = arith.cmpi ne, %add3A_131, %add3A_149 : i32
        %or3A_209 = arith.constant false
        %or3A_210 = arith.ori %or3A_209, %ne3A_208 : i1
        %or3A_211 = arith.constant false
        %or3A_212 = arith.ori %or3A_210, %or3A_211 : i1
        %or3A_213 = arith.ori %or3A_212, %eq3A_130 : i1
        %convert_element_type3A_214 = arith.extui %or3A_213 : i1 to i32
        %cond3A_215 = arith.constant 0 : i32
        %cond3A_216 = arith.cmpi ne, %convert_element_type3A_214, %cond3A_215 : i32
        scf.if %cond3A_216 {
          "tpu.trace_start"() <{level = 10 : i32, message = "ep_copy_out"}> : () -> ()
          %rem3A_264 = arith.constant 2 : i32
          %rem3A_265 = arith.remui %scan3A_124, %rem3A_264 : i32
          %mul3A_266 = arith.constant 128 : i32
          %mul3A_267 = arith.muli %mul3A_266, %add3A_131 : i32
          %dma_start3A_268 = arith.constant 0 : i32
          %dma_start3A_269 = arith.constant 0 : i32
          %dma_start3A_270 = tpu.memref_slice %run_scoped3A_8[%rem3A_265, %dma_start3A_268, %dma_start3A_269] : memref<2x128x128xf32, #tpu.memory_space<vmem>> -> memref<1x128x128xf32, #tpu.memory_space<vmem>>
          %dma_start3A_271 = tpu.memref_squeeze %dma_start3A_270 : memref<1x128x128xf32, #tpu.memory_space<vmem>> -> memref<128x128xf32, #tpu.memory_space<vmem>>
          %dma_start3A_272 = arith.constant 0 : i32
          %dma_start3A_273 = tpu.memref_slice %arg4[%mul3A_267, %dma_start3A_272] : memref<163840x128xf32, #tpu.memory_space<hbm>> -> memref<128x128xf32, #tpu.memory_space<hbm>>
          %dma_start3A_274 = tpu.memref_slice %run_scoped3A_9[%rem3A_265] : memref<2x!tpu.dma_semaphore, #tpu.memory_space<semaphore_mem>> -> memref<1x!tpu.dma_semaphore, #tpu.memory_space<semaphore_mem>>
          %dma_start3A_275 = tpu.memref_squeeze %dma_start3A_274 : memref<1x!tpu.dma_semaphore, #tpu.memory_space<semaphore_mem>> -> memref<!tpu.dma_semaphore, #tpu.memory_space<semaphore_mem>>
          %dma_start3A_276 = arith.constant 0 : i32
          %dma_start3A_277 = tpu.memref_slice %arg4[%mul3A_267, %dma_start3A_276] : memref<163840x128xf32, #tpu.memory_space<hbm>> -> memref<128x128xf32, #tpu.memory_space<hbm>>
          %dma_start3A_278 = arith.constant 0 : i32
          %dma_start3A_279 = arith.constant 0 : i32
          %dma_start3A_280 = tpu.memref_slice %run_scoped3A_8[%rem3A_265, %dma_start3A_278, %dma_start3A_279] : memref<2x128x128xf32, #tpu.memory_space<vmem>> -> memref<1x128x128xf32, #tpu.memory_space<vmem>>
          %dma_start3A_281 = tpu.memref_squeeze %dma_start3A_280 : memref<1x128x128xf32, #tpu.memory_space<vmem>> -> memref<128x128xf32, #tpu.memory_space<vmem>>
          tpu.enqueue_dma source(%dma_start3A_281 : memref<128x128xf32, #tpu.memory_space<vmem>>) target(%dma_start3A_277 : memref<128x128xf32, #tpu.memory_space<hbm>>) target_semaphore(%dma_start3A_275 : memref<!tpu.dma_semaphore, #tpu.memory_space<semaphore_mem>>)
          "tpu.trace_stop"() : () -> ()
        } else {
        }
        %and3A_217 = arith.constant true
        %and3A_218 = arith.andi %or3A_213, %and3A_217 : i1
        %add3A_219 = arith.constant 1 : i32
        %add3A_220 = arith.addi %scan3A_124, %add3A_219 : i32
        %select_n3A_221 = arith.select %and3A_218, %add3A_220, %scan3A_124 : i32
        %ne3A_222 = arith.cmpi ne, %add3A_131, %add3A_140 : i32
        %or3A_223 = arith.constant false
        %or3A_224 = arith.ori %or3A_223, %ne3A_222 : i1
        %not3A_225 = arith.constant true
        %not3A_226 = arith.xori %eq3A_128, %not3A_225 : i1
        %and3A_227 = arith.andi %or3A_224, %not3A_226 : i1
        %convert_element_type3A_228 = arith.extui %and3A_227 : i1 to i32
        %cond3A_229 = arith.constant 0 : i32
        %cond3A_230 = arith.cmpi ne, %convert_element_type3A_228, %cond3A_229 : i32
        scf.if %cond3A_230 {
        } else {
        }
        %and3A_231 = arith.constant false
        %and3A_232 = arith.andi %and3A_227, %and3A_231 : i1
        %ne3A_233 = arith.cmpi ne, %add3A_131, %add3A_140 : i32
        %or3A_234 = arith.constant false
        %or3A_235 = arith.ori %or3A_234, %ne3A_233 : i1
        %or3A_236 = arith.constant false
        %or3A_237 = arith.ori %or3A_235, %or3A_236 : i1
        %not3A_238 = arith.constant true
        %not3A_239 = arith.xori %eq3A_128, %not3A_238 : i1
        %and3A_240 = arith.andi %or3A_237, %not3A_239 : i1
        %convert_element_type3A_241 = arith.extui %and3A_240 : i1 to i32
        %cond3A_242 = arith.constant 0 : i32
        %cond3A_243 = arith.cmpi ne, %convert_element_type3A_241, %cond3A_242 : i32
        scf.if %cond3A_243 {
          "tpu.trace_start"() <{level = 10 : i32, message = "ep_wait_out"}> : () -> ()
          %rem3A_264 = arith.constant 2 : i32
          %rem3A_265 = arith.remui %scan3A_125, %rem3A_264 : i32
          %mul3A_266 = arith.constant 128 : i32
          %mul3A_267 = arith.muli %mul3A_266, %add3A_140 : i32
          %dma_wait3A_268 = arith.constant 0 : i32
          %dma_wait3A_269 = arith.constant 0 : i32
          %dma_wait3A_270 = tpu.memref_slice %run_scoped3A_8[%rem3A_265, %dma_wait3A_268, %dma_wait3A_269] : memref<2x128x128xf32, #tpu.memory_space<vmem>> -> memref<1x128x128xf32, #tpu.memory_space<vmem>>
          %dma_wait3A_271 = tpu.memref_squeeze %dma_wait3A_270 : memref<1x128x128xf32, #tpu.memory_space<vmem>> -> memref<128x128xf32, #tpu.memory_space<vmem>>
          %dma_wait3A_272 = arith.constant 0 : i32
          %dma_wait3A_273 = tpu.memref_slice %arg4[%mul3A_267, %dma_wait3A_272] : memref<163840x128xf32, #tpu.memory_space<hbm>> -> memref<128x128xf32, #tpu.memory_space<hbm>>
          %dma_wait3A_274 = tpu.memref_slice %run_scoped3A_9[%rem3A_265] : memref<2x!tpu.dma_semaphore, #tpu.memory_space<semaphore_mem>> -> memref<1x!tpu.dma_semaphore, #tpu.memory_space<semaphore_mem>>
          %dma_wait3A_275 = tpu.memref_squeeze %dma_wait3A_274 : memref<1x!tpu.dma_semaphore, #tpu.memory_space<semaphore_mem>> -> memref<!tpu.dma_semaphore, #tpu.memory_space<semaphore_mem>>
          %dma_wait3A_276 = arith.constant 0 : i32
          %dma_wait3A_277 = tpu.memref_slice %arg4[%mul3A_267, %dma_wait3A_276] : memref<163840x128xf32, #tpu.memory_space<hbm>> -> memref<128x128xf32, #tpu.memory_space<hbm>>
          %dma_wait3A_278 = arith.constant 0 : i32
          %dma_wait3A_279 = arith.constant 0 : i32
          %dma_wait3A_280 = tpu.memref_slice %run_scoped3A_8[%rem3A_265, %dma_wait3A_278, %dma_wait3A_279] : memref<2x128x128xf32, #tpu.memory_space<vmem>> -> memref<1x128x128xf32, #tpu.memory_space<vmem>>
          %dma_wait3A_281 = tpu.memref_squeeze %dma_wait3A_280 : memref<1x128x128xf32, #tpu.memory_space<vmem>> -> memref<128x128xf32, #tpu.memory_space<vmem>>
          tpu.wait_dma2 semaphore(%dma_wait3A_275 : memref<!tpu.dma_semaphore, #tpu.memory_space<semaphore_mem>>) src(%dma_wait3A_281 : memref<128x128xf32, #tpu.memory_space<vmem>>) dst(%dma_wait3A_277 : memref<128x128xf32, #tpu.memory_space<hbm>>)
          "tpu.trace_stop"() : () -> ()
        } else {
        }
        %and3A_244 = arith.constant true
        %and3A_245 = arith.andi %and3A_240, %and3A_244 : i1
        %add3A_246 = arith.constant 1 : i32
        %add3A_247 = arith.addi %scan3A_125, %add3A_246 : i32
        %select_n3A_248 = arith.select %and3A_245, %add3A_247, %scan3A_125 : i32
        %ne3A_249 = arith.cmpi ne, %add3A_131, %add3A_149 : i32
        %or3A_250 = arith.constant false
        %or3A_251 = arith.ori %or3A_250, %ne3A_249 : i1
        %or3A_252 = arith.ori %or3A_251, %eq3A_130 : i1
        %add3A_253 = arith.constant 1 : i32
        %add3A_254 = arith.addi %scan3A_123, %add3A_253 : i32
        %select_n3A_255 = arith.select %or3A_252, %add3A_254, %scan3A_123 : i32
        %add3A_256 = arith.constant 1 : i32
        %add3A_257 = arith.addi %scan3A_126, %add3A_256 : i32
        %select_n3A_258 = arith.constant true
        %select_n3A_259 = arith.select %select_n3A_258, %add3A_257, %scan3A_126 : i32
        %eq3A_260 = arith.constant 40 : i32
        %eq3A_261 = arith.cmpi eq, %select_n3A_259, %eq3A_260 : i32
        %select_n3A_262 = arith.constant 0 : i32
        %select_n3A_263 = arith.select %eq3A_261, %select_n3A_262, %select_n3A_259 : i32
        scf.yield %select_n3A_167, %select_n3A_255, %select_n3A_221, %select_n3A_248, %select_n3A_263 : i32, i32, i32, i32, i32
      }
      %scan3A_68 = arith.constant 40 : i32
      %sub3A = arith.constant 1 : i32
      %sub3A_69 = arith.subi %scan3A_67#4, %sub3A : i32
      %select_n3A_70 = arith.constant true
      %select_n3A_71 = arith.select %select_n3A_70, %sub3A_69, %scan3A_67#4 : i32
      %eq3A_72 = arith.constant -1 : i32
      %eq3A_73 = arith.cmpi eq, %select_n3A_71, %eq3A_72 : i32
      %select_n3A_74 = arith.constant 39 : i32
      %select_n3A_75 = arith.select %eq3A_73, %select_n3A_74, %select_n3A_71 : i32
      %add3A_76 = arith.addi %select_n3A_75, %mul3A_6 : i32
      %sub3A_77 = arith.constant 1 : i32
      %sub3A_78 = arith.subi %select_n3A_75, %sub3A_77 : i32
      %select_n3A_79 = arith.constant true
      %select_n3A_80 = arith.select %select_n3A_79, %sub3A_78, %select_n3A_75 : i32
      %eq3A_81 = arith.constant -1 : i32
      %eq3A_82 = arith.cmpi eq, %select_n3A_80, %eq3A_81 : i32
      %select_n3A_83 = arith.constant 39 : i32
      %select_n3A_84 = arith.select %eq3A_82, %select_n3A_83, %select_n3A_80 : i32
      %add3A_85 = arith.addi %select_n3A_84, %mul3A_6 : i32
      %add3A_86 = arith.constant 1 : i32
      %add3A_87 = arith.addi %select_n3A_75, %add3A_86 : i32
      %select_n3A_88 = arith.constant true
      %select_n3A_89 = arith.select %select_n3A_88, %add3A_87, %select_n3A_75 : i32
      %eq3A_90 = arith.constant 40 : i32
      %eq3A_91 = arith.cmpi eq, %select_n3A_89, %eq3A_90 : i32
      %select_n3A_92 = arith.constant 0 : i32
      %select_n3A_93 = arith.select %eq3A_91, %select_n3A_92, %select_n3A_89 : i32
      %add3A_94 = arith.addi %select_n3A_93, %mul3A_6 : i32
      %add3A_95 = arith.constant 1 : i32
      %add3A_96 = arith.addi %select_n3A_93, %add3A_95 : i32
      %select_n3A_97 = arith.constant true
      %select_n3A_98 = arith.select %select_n3A_97, %add3A_96, %select_n3A_93 : i32
      %eq3A_99 = arith.constant 40 : i32
      %eq3A_100 = arith.cmpi eq, %select_n3A_98, %eq3A_99 : i32
      %select_n3A_101 = arith.constant 0 : i32
      %select_n3A_102 = arith.select %eq3A_100, %select_n3A_101, %select_n3A_98 : i32
      %add3A_103 = arith.addi %select_n3A_102, %mul3A_6 : i32
      "tpu.trace_start"() <{level = 10 : i32, message = "ep_finalize"}> : () -> ()
      %rem3A_104 = arith.constant 2 : i32
      %rem3A_105 = arith.remui %scan3A_67#3, %rem3A_104 : i32
      %mul3A_106 = arith.constant 128 : i32
      %mul3A_107 = arith.muli %mul3A_106, %add3A_76 : i32
      %dma_wait3A = arith.constant 0 : i32
      %dma_wait3A_108 = arith.constant 0 : i32
      %dma_wait3A_109 = tpu.memref_slice %run_scoped3A_8[%rem3A_105, %dma_wait3A, %dma_wait3A_108] : memref<2x128x128xf32, #tpu.memory_space<vmem>> -> memref<1x128x128xf32, #tpu.memory_space<vmem>>
      %dma_wait3A_110 = tpu.memref_squeeze %dma_wait3A_109 : memref<1x128x128xf32, #tpu.memory_space<vmem>> -> memref<128x128xf32, #tpu.memory_space<vmem>>
      %dma_wait3A_111 = arith.constant 0 : i32
      %dma_wait3A_112 = tpu.memref_slice %arg4[%mul3A_107, %dma_wait3A_111] : memref<163840x128xf32, #tpu.memory_space<hbm>> -> memref<128x128xf32, #tpu.memory_space<hbm>>
      %dma_wait3A_113 = tpu.memref_slice %run_scoped3A_9[%rem3A_105] : memref<2x!tpu.dma_semaphore, #tpu.memory_space<semaphore_mem>> -> memref<1x!tpu.dma_semaphore, #tpu.memory_space<semaphore_mem>>
      %dma_wait3A_114 = tpu.memref_squeeze %dma_wait3A_113 : memref<1x!tpu.dma_semaphore, #tpu.memory_space<semaphore_mem>> -> memref<!tpu.dma_semaphore, #tpu.memory_space<semaphore_mem>>
      %dma_wait3A_115 = arith.constant 0 : i32
      %dma_wait3A_116 = tpu.memref_slice %arg4[%mul3A_107, %dma_wait3A_115] : memref<163840x128xf32, #tpu.memory_space<hbm>> -> memref<128x128xf32, #tpu.memory_space<hbm>>
      %dma_wait3A_117 = arith.constant 0 : i32
      %dma_wait3A_118 = arith.constant 0 : i32
      %dma_wait3A_119 = tpu.memref_slice %run_scoped3A_8[%rem3A_105, %dma_wait3A_117, %dma_wait3A_118] : memref<2x128x128xf32, #tpu.memory_space<vmem>> -> memref<1x128x128xf32, #tpu.memory_space<vmem>>
      %dma_wait3A_120 = tpu.memref_squeeze %dma_wait3A_119 : memref<1x128x128xf32, #tpu.memory_space<vmem>> -> memref<128x128xf32, #tpu.memory_space<vmem>>
      tpu.wait_dma2 semaphore(%dma_wait3A_114 : memref<!tpu.dma_semaphore, #tpu.memory_space<semaphore_mem>>) src(%dma_wait3A_120 : memref<128x128xf32, #tpu.memory_space<vmem>>) dst(%dma_wait3A_116 : memref<128x128xf32, #tpu.memory_space<hbm>>)
      "tpu.trace_stop"() : () -> ()
      tpu.yield
    }) : () -> ()
    return
  }
}

#map = affine_map<(d0, d1) -> (0, 0)>
#map1 = affine_map<(d0, d1) -> (0, 0, 0)>
module attributes {stable_mosaic.version = 14 : i64} {
  func.func @k(%arg0: i32, %arg1: i32, %arg2: memref<81920x128xf32, #tpu.memory_space<hbm>>, %arg3: memref<81920x128xf32, #tpu.memory_space<hbm>>, %arg4: memref<81920x128xf32, #tpu.memory_space<hbm>>, %arg5: memref<81920x128xf32, #tpu.memory_space<hbm>>, %arg6: memref<4x81920xi32, #tpu.memory_space<hbm>>, %arg7: memref<10240x128xf32, #tpu.memory_space<hbm>>, %arg8: memref<2x10240x128xf32, #tpu.memory_space<hbm>>, %arg9: memref<10240x128xf32, #tpu.memory_space<vmem_shared>>) attributes {dimension_semantics = [#tpu.dimension_semantics<core_parallel>, #tpu.dimension_semantics<subcore_parallel>], iteration_bounds = array<i64: 2, 16>, scalar_prefetch = 0 : i64, scratch_operands = 1 : i64, tpu.core_type = #tpu.core_type<sc_vector_subcore>, window_params = [{transform_indices = #map}, {transform_indices = #map}, {transform_indices = #map}, {transform_indices = #map}, {transform_indices = #map}, {transform_indices = #map}, {transform_indices = #map1}]} {
    %mul3A = arith.constant 640 : i32
    %mul3A_0 = arith.muli %arg1, %mul3A : i32
    "tpu.region"() ({
      %run_scoped3A = tpu.sem_alloc : memref<!tpu.dma_semaphore, #tpu.memory_space<semaphore_mem>>
      %dma_start3A = arith.constant 0 : i32
      %dma_start3A_37 = tpu.memref_slice %arg9[%mul3A_0, %dma_start3A] : memref<10240x128xf32, #tpu.memory_space<vmem_shared>> -> memref<640x128xf32, #tpu.memory_space<vmem_shared>>
      %dma_start3A_38 = arith.constant 0 : i32
      %dma_start3A_39 = tpu.memref_slice %arg7[%mul3A_0, %dma_start3A_38] : memref<10240x128xf32, #tpu.memory_space<hbm>> -> memref<640x128xf32, #tpu.memory_space<hbm>>
      tpu.enqueue_dma source(%dma_start3A_39 : memref<640x128xf32, #tpu.memory_space<hbm>>) target(%dma_start3A_37 : memref<640x128xf32, #tpu.memory_space<vmem_shared>>) target_semaphore(%run_scoped3A : memref<!tpu.dma_semaphore, #tpu.memory_space<semaphore_mem>>)
      %dma_wait3A = arith.constant 0 : i32
      %dma_wait3A_40 = tpu.memref_slice %arg9[%mul3A_0, %dma_wait3A] : memref<10240x128xf32, #tpu.memory_space<vmem_shared>> -> memref<640x128xf32, #tpu.memory_space<vmem_shared>>
      %dma_wait3A_41 = arith.constant 0 : i32
      %dma_wait3A_42 = tpu.memref_slice %arg7[%mul3A_0, %dma_wait3A_41] : memref<10240x128xf32, #tpu.memory_space<hbm>> -> memref<640x128xf32, #tpu.memory_space<hbm>>
      tpu.wait_dma2 semaphore(%run_scoped3A : memref<!tpu.dma_semaphore, #tpu.memory_space<semaphore_mem>>) src(%dma_wait3A_42 : memref<640x128xf32, #tpu.memory_space<hbm>>) dst(%dma_wait3A_40 : memref<640x128xf32, #tpu.memory_space<vmem_shared>>)
      tpu.yield
    }) : () -> ()
    %barrier3A = arith.constant 0 : index
    tpu.barrier barrier_id(%barrier3A)
    %mul3A_1 = arith.constant 1 : i32
    %mul3A_2 = arith.muli %arg1, %mul3A_1 : i32
    %add3A = arith.constant 0 : i32
    %add3A_3 = arith.addi %add3A, %mul3A_2 : i32
    %mul3A_4 = arith.constant 16 : i32
    %mul3A_5 = arith.muli %arg0, %mul3A_4 : i32
    %add3A_6 = arith.addi %add3A_3, %mul3A_5 : i32
    %mul3A_7 = arith.constant 20 : i32
    %mul3A_8 = arith.muli %add3A_6, %mul3A_7 : i32
    "tpu.region"() ({
      %run_scoped3A = memref.alloca() : memref<2x128x128xf32, #tpu.memory_space<vmem>>
      %run_scoped3A_37 = tpu.sem_alloc : memref<2x!tpu.dma_semaphore, #tpu.memory_space<semaphore_mem>>
      %run_scoped3A_38 = memref.alloca() : memref<2x1x128xi32, #tpu.memory_space<vmem>>
      %run_scoped3A_39 = tpu.sem_alloc : memref<2x!tpu.dma_semaphore, #tpu.memory_space<semaphore_mem>>
      %add3A_40 = arith.constant 0 : i32
      %add3A_41 = arith.addi %add3A_40, %mul3A_8 : i32
      %select_n3A = arith.constant true
      %select_n3A_42 = arith.constant 0 : i32
      %select_n3A_43 = arith.constant -1 : i32
      %select_n3A_44 = arith.select %select_n3A, %select_n3A_43, %select_n3A_42 : i32
      %eq3A = arith.constant -1 : i32
      %eq3A_45 = arith.cmpi eq, %select_n3A_44, %eq3A : i32
      %select_n3A_46 = arith.constant 19 : i32
      %select_n3A_47 = arith.select %eq3A_45, %select_n3A_46, %select_n3A_44 : i32
      %add3A_48 = arith.addi %select_n3A_47, %mul3A_8 : i32
      %select_n3A_49 = arith.constant true
      %select_n3A_50 = arith.constant 0 : i32
      %select_n3A_51 = arith.constant 1 : i32
      %select_n3A_52 = arith.select %select_n3A_49, %select_n3A_51, %select_n3A_50 : i32
      %eq3A_53 = arith.constant 20 : i32
      %eq3A_54 = arith.cmpi eq, %select_n3A_52, %eq3A_53 : i32
      %select_n3A_55 = arith.constant 0 : i32
      %select_n3A_56 = arith.select %eq3A_54, %select_n3A_55, %select_n3A_52 : i32
      %add3A_57 = arith.addi %select_n3A_56, %mul3A_8 : i32
      %add3A_58 = arith.constant 1 : i32
      %add3A_59 = arith.addi %select_n3A_56, %add3A_58 : i32
      %select_n3A_60 = arith.constant true
      %select_n3A_61 = arith.select %select_n3A_60, %add3A_59, %select_n3A_56 : i32
      %eq3A_62 = arith.constant 20 : i32
      %eq3A_63 = arith.cmpi eq, %select_n3A_61, %eq3A_62 : i32
      %select_n3A_64 = arith.constant 0 : i32
      %select_n3A_65 = arith.select %eq3A_63, %select_n3A_64, %select_n3A_61 : i32
      %add3A_66 = arith.addi %select_n3A_65, %mul3A_8 : i32
      "tpu.trace_start"() <{level = 10 : i32, message = "ep_initialize_0"}> : () -> ()
      %rem3A = arith.constant 0 : i32
      %rem3A_67 = arith.constant 2 : i32
      %rem3A_68 = arith.remui %rem3A, %rem3A_67 : i32
      %mul3A_69 = arith.constant 128 : i32
      %mul3A_70 = arith.muli %mul3A_69, %add3A_41 : i32
      %dma_start3A = arith.constant 0 : i32
      %dma_start3A_71 = arith.constant 0 : i32
      %dma_start3A_72 = tpu.memref_slice %run_scoped3A[%rem3A_68, %dma_start3A, %dma_start3A_71] : memref<2x128x128xf32, #tpu.memory_space<vmem>> -> memref<1x128x128xf32, #tpu.memory_space<vmem>>
      %dma_start3A_73 = tpu.memref_squeeze %dma_start3A_72 : memref<1x128x128xf32, #tpu.memory_space<vmem>> -> memref<128x128xf32, #tpu.memory_space<vmem>>
      %dma_start3A_74 = arith.constant 0 : i32
      %dma_start3A_75 = tpu.memref_slice %arg2[%mul3A_70, %dma_start3A_74] : memref<81920x128xf32, #tpu.memory_space<hbm>> -> memref<128x128xf32, #tpu.memory_space<hbm>>
      %dma_start3A_76 = tpu.memref_slice %run_scoped3A_37[%rem3A_68] : memref<2x!tpu.dma_semaphore, #tpu.memory_space<semaphore_mem>> -> memref<1x!tpu.dma_semaphore, #tpu.memory_space<semaphore_mem>>
      %dma_start3A_77 = tpu.memref_squeeze %dma_start3A_76 : memref<1x!tpu.dma_semaphore, #tpu.memory_space<semaphore_mem>> -> memref<!tpu.dma_semaphore, #tpu.memory_space<semaphore_mem>>
      %dma_start3A_78 = arith.constant 0 : i32
      %dma_start3A_79 = arith.constant 0 : i32
      %dma_start3A_80 = tpu.memref_slice %run_scoped3A[%rem3A_68, %dma_start3A_78, %dma_start3A_79] : memref<2x128x128xf32, #tpu.memory_space<vmem>> -> memref<1x128x128xf32, #tpu.memory_space<vmem>>
      %dma_start3A_81 = tpu.memref_squeeze %dma_start3A_80 : memref<1x128x128xf32, #tpu.memory_space<vmem>> -> memref<128x128xf32, #tpu.memory_space<vmem>>
      %dma_start3A_82 = arith.constant 0 : i32
      %dma_start3A_83 = tpu.memref_slice %arg2[%mul3A_70, %dma_start3A_82] : memref<81920x128xf32, #tpu.memory_space<hbm>> -> memref<128x128xf32, #tpu.memory_space<hbm>>
      tpu.enqueue_dma source(%dma_start3A_83 : memref<128x128xf32, #tpu.memory_space<hbm>>) target(%dma_start3A_81 : memref<128x128xf32, #tpu.memory_space<vmem>>) target_semaphore(%dma_start3A_77 : memref<!tpu.dma_semaphore, #tpu.memory_space<semaphore_mem>>)
      %add3A_84 = arith.constant 0 : i32
      %add3A_85 = arith.constant 1 : i32
      %add3A_86 = arith.addi %add3A_84, %add3A_85 : i32
      %select_n3A_87 = arith.constant true
      %select_n3A_88 = arith.constant 0 : i32
      %select_n3A_89 = arith.select %select_n3A_87, %add3A_86, %select_n3A_88 : i32
      %rem3A_90 = arith.constant 0 : i32
      %rem3A_91 = arith.constant 2 : i32
      %rem3A_92 = arith.remui %rem3A_90, %rem3A_91 : i32
      %mul3A_93 = arith.constant 128 : i32
      %mul3A_94 = arith.muli %mul3A_93, %add3A_41 : i32
      %dma_start3A_95 = arith.constant 0 : i32
      %dma_start3A_96 = arith.constant 0 : i32
      %dma_start3A_97 = tpu.memref_slice %run_scoped3A_38[%rem3A_92, %dma_start3A_95, %dma_start3A_96] : memref<2x1x128xi32, #tpu.memory_space<vmem>> -> memref<1x1x128xi32, #tpu.memory_space<vmem>>
      %dma_start3A_98 = tpu.memref_squeeze %dma_start3A_97 : memref<1x1x128xi32, #tpu.memory_space<vmem>> -> memref<1x128xi32, #tpu.memory_space<vmem>>
      %dma_start3A_99 = arith.constant 0 : i32
      %dma_start3A_100 = tpu.memref_slice %arg6[%dma_start3A_99, %mul3A_94] : memref<4x81920xi32, #tpu.memory_space<hbm>> -> memref<1x128xi32, #tpu.memory_space<hbm>>
      %dma_start3A_101 = tpu.memref_slice %run_scoped3A_39[%rem3A_92] : memref<2x!tpu.dma_semaphore, #tpu.memory_space<semaphore_mem>> -> memref<1x!tpu.dma_semaphore, #tpu.memory_space<semaphore_mem>>
      %dma_start3A_102 = tpu.memref_squeeze %dma_start3A_101 : memref<1x!tpu.dma_semaphore, #tpu.memory_space<semaphore_mem>> -> memref<!tpu.dma_semaphore, #tpu.memory_space<semaphore_mem>>
      %dma_start3A_103 = arith.constant 0 : i32
      %dma_start3A_104 = arith.constant 0 : i32
      %dma_start3A_105 = tpu.memref_slice %run_scoped3A_38[%rem3A_92, %dma_start3A_103, %dma_start3A_104] : memref<2x1x128xi32, #tpu.memory_space<vmem>> -> memref<1x1x128xi32, #tpu.memory_space<vmem>>
      %dma_start3A_106 = tpu.memref_squeeze %dma_start3A_105 : memref<1x1x128xi32, #tpu.memory_space<vmem>> -> memref<1x128xi32, #tpu.memory_space<vmem>>
      %dma_start3A_107 = arith.constant 0 : i32
      %dma_start3A_108 = tpu.memref_slice %arg6[%dma_start3A_107, %mul3A_94] : memref<4x81920xi32, #tpu.memory_space<hbm>> -> memref<1x128xi32, #tpu.memory_space<hbm>>
      tpu.enqueue_dma source(%dma_start3A_108 : memref<1x128xi32, #tpu.memory_space<hbm>>) target(%dma_start3A_106 : memref<1x128xi32, #tpu.memory_space<vmem>>) target_semaphore(%dma_start3A_102 : memref<!tpu.dma_semaphore, #tpu.memory_space<semaphore_mem>>)
      %add3A_109 = arith.constant 0 : i32
      %add3A_110 = arith.constant 1 : i32
      %add3A_111 = arith.addi %add3A_109, %add3A_110 : i32
      %select_n3A_112 = arith.constant true
      %select_n3A_113 = arith.constant 0 : i32
      %select_n3A_114 = arith.select %select_n3A_112, %add3A_111, %select_n3A_113 : i32
      "tpu.trace_stop"() : () -> ()
      %scan3A = arith.constant 0 : i32
      %scan3A_115 = arith.constant 0 : i32
      %scan3A_116 = arith.constant 0 : i32
      %scan3A_117 = arith.constant 0 : i32
      %scan3A_118 = arith.constant 20 : i32
      %scan3A_119 = arith.addi %scan3A_117, %scan3A_118 : i32
      %scan3A_120 = arith.constant 1 : i32
      %scan3A_121:5 = scf.for %scan3A_158 = %scan3A_117 to %scan3A_119 step %scan3A_120 iter_args(%scan3A_159 = %select_n3A_89, %scan3A_160 = %scan3A, %scan3A_161 = %select_n3A_114, %scan3A_162 = %scan3A_115, %scan3A_163 = %scan3A_116) -> (i32, i32, i32, i32, i32)  : i32 {
        %eq3A_164 = arith.constant 0 : i32
        %eq3A_165 = arith.cmpi eq, %scan3A_158, %eq3A_164 : i32
        %eq3A_166 = arith.constant 19 : i32
        %eq3A_167 = arith.cmpi eq, %scan3A_158, %eq3A_166 : i32
        %add3A_168 = arith.addi %scan3A_163, %mul3A_8 : i32
        %sub3A_169 = arith.constant 1 : i32
        %sub3A_170 = arith.subi %scan3A_163, %sub3A_169 : i32
        %select_n3A_171 = arith.constant true
        %select_n3A_172 = arith.select %select_n3A_171, %sub3A_170, %scan3A_163 : i32
        %eq3A_173 = arith.constant -1 : i32
        %eq3A_174 = arith.cmpi eq, %select_n3A_172, %eq3A_173 : i32
        %select_n3A_175 = arith.constant 19 : i32
        %select_n3A_176 = arith.select %eq3A_174, %select_n3A_175, %select_n3A_172 : i32
        %add3A_177 = arith.addi %select_n3A_176, %mul3A_8 : i32
        %add3A_178 = arith.constant 1 : i32
        %add3A_179 = arith.addi %scan3A_163, %add3A_178 : i32
        %select_n3A_180 = arith.constant true
        %select_n3A_181 = arith.select %select_n3A_180, %add3A_179, %scan3A_163 : i32
        %eq3A_182 = arith.constant 20 : i32
        %eq3A_183 = arith.cmpi eq, %select_n3A_181, %eq3A_182 : i32
        %select_n3A_184 = arith.constant 0 : i32
        %select_n3A_185 = arith.select %eq3A_183, %select_n3A_184, %select_n3A_181 : i32
        %add3A_186 = arith.addi %select_n3A_185, %mul3A_8 : i32
        %add3A_187 = arith.constant 1 : i32
        %add3A_188 = arith.addi %select_n3A_185, %add3A_187 : i32
        %select_n3A_189 = arith.constant true
        %select_n3A_190 = arith.select %select_n3A_189, %add3A_188, %select_n3A_185 : i32
        %eq3A_191 = arith.constant 20 : i32
        %eq3A_192 = arith.cmpi eq, %select_n3A_190, %eq3A_191 : i32
        %select_n3A_193 = arith.constant 0 : i32
        %select_n3A_194 = arith.select %eq3A_192, %select_n3A_193, %select_n3A_190 : i32
        %add3A_195 = arith.addi %select_n3A_194, %mul3A_8 : i32
        %ne3A = arith.cmpi ne, %add3A_168, %add3A_186 : i32
        %or3A = arith.constant false
        %or3A_196 = arith.ori %or3A, %ne3A : i1
        %or3A_197 = arith.constant false
        %or3A_198 = arith.ori %or3A_196, %or3A_197 : i1
        %ge3A = arith.constant 19 : i32
        %ge3A_199 = arith.cmpi sge, %scan3A_158, %ge3A : i32
        %not3A = arith.constant true
        %not3A_200 = arith.xori %ge3A_199, %not3A : i1
        %and3A = arith.andi %or3A_198, %not3A_200 : i1
        %convert_element_type3A = arith.extui %and3A : i1 to i32
        %cond3A = arith.constant 0 : i32
        %cond3A_201 = arith.cmpi ne, %convert_element_type3A, %cond3A : i32
        scf.if %cond3A_201 {
          "tpu.trace_start"() <{level = 10 : i32, message = "ep_copy_in"}> : () -> ()
          %rem3A_312 = arith.constant 2 : i32
          %rem3A_313 = arith.remui %scan3A_159, %rem3A_312 : i32
          %mul3A_314 = arith.constant 128 : i32
          %mul3A_315 = arith.muli %mul3A_314, %add3A_186 : i32
          %dma_start3A_316 = arith.constant 0 : i32
          %dma_start3A_317 = arith.constant 0 : i32
          %dma_start3A_318 = tpu.memref_slice %run_scoped3A[%rem3A_313, %dma_start3A_316, %dma_start3A_317] : memref<2x128x128xf32, #tpu.memory_space<vmem>> -> memref<1x128x128xf32, #tpu.memory_space<vmem>>
          %dma_start3A_319 = tpu.memref_squeeze %dma_start3A_318 : memref<1x128x128xf32, #tpu.memory_space<vmem>> -> memref<128x128xf32, #tpu.memory_space<vmem>>
          %dma_start3A_320 = arith.constant 0 : i32
          %dma_start3A_321 = tpu.memref_slice %arg2[%mul3A_315, %dma_start3A_320] : memref<81920x128xf32, #tpu.memory_space<hbm>> -> memref<128x128xf32, #tpu.memory_space<hbm>>
          %dma_start3A_322 = tpu.memref_slice %run_scoped3A_37[%rem3A_313] : memref<2x!tpu.dma_semaphore, #tpu.memory_space<semaphore_mem>> -> memref<1x!tpu.dma_semaphore, #tpu.memory_space<semaphore_mem>>
          %dma_start3A_323 = tpu.memref_squeeze %dma_start3A_322 : memref<1x!tpu.dma_semaphore, #tpu.memory_space<semaphore_mem>> -> memref<!tpu.dma_semaphore, #tpu.memory_space<semaphore_mem>>
          %dma_start3A_324 = arith.constant 0 : i32
          %dma_start3A_325 = arith.constant 0 : i32
          %dma_start3A_326 = tpu.memref_slice %run_scoped3A[%rem3A_313, %dma_start3A_324, %dma_start3A_325] : memref<2x128x128xf32, #tpu.memory_space<vmem>> -> memref<1x128x128xf32, #tpu.memory_space<vmem>>
          %dma_start3A_327 = tpu.memref_squeeze %dma_start3A_326 : memref<1x128x128xf32, #tpu.memory_space<vmem>> -> memref<128x128xf32, #tpu.memory_space<vmem>>
          %dma_start3A_328 = arith.constant 0 : i32
          %dma_start3A_329 = tpu.memref_slice %arg2[%mul3A_315, %dma_start3A_328] : memref<81920x128xf32, #tpu.memory_space<hbm>> -> memref<128x128xf32, #tpu.memory_space<hbm>>
          tpu.enqueue_dma source(%dma_start3A_329 : memref<128x128xf32, #tpu.memory_space<hbm>>) target(%dma_start3A_327 : memref<128x128xf32, #tpu.memory_space<vmem>>) target_semaphore(%dma_start3A_323 : memref<!tpu.dma_semaphore, #tpu.memory_space<semaphore_mem>>)
          "tpu.trace_stop"() : () -> ()
        } else {
        }
        %and3A_202 = arith.constant true
        %and3A_203 = arith.andi %and3A, %and3A_202 : i1
        %add3A_204 = arith.constant 1 : i32
        %add3A_205 = arith.addi %scan3A_159, %add3A_204 : i32
        %select_n3A_206 = arith.select %and3A_203, %add3A_205, %scan3A_159 : i32
        %ne3A_207 = arith.cmpi ne, %add3A_168, %add3A_186 : i32
        %or3A_208 = arith.constant false
        %or3A_209 = arith.ori %or3A_208, %ne3A_207 : i1
        %ge3A_210 = arith.constant 19 : i32
        %ge3A_211 = arith.cmpi sge, %scan3A_158, %ge3A_210 : i32
        %not3A_212 = arith.constant true
        %not3A_213 = arith.xori %ge3A_211, %not3A_212 : i1
        %and3A_214 = arith.andi %or3A_209, %not3A_213 : i1
        %convert_element_type3A_215 = arith.extui %and3A_214 : i1 to i32
        %cond3A_216 = arith.constant 0 : i32
        %cond3A_217 = arith.cmpi ne, %convert_element_type3A_215, %cond3A_216 : i32
        scf.if %cond3A_217 {
          "tpu.trace_start"() <{level = 10 : i32, message = "ep_copy_in"}> : () -> ()
          %rem3A_312 = arith.constant 2 : i32
          %rem3A_313 = arith.remui %scan3A_161, %rem3A_312 : i32
          %mul3A_314 = arith.constant 128 : i32
          %mul3A_315 = arith.muli %mul3A_314, %add3A_186 : i32
          %dma_start3A_316 = arith.constant 0 : i32
          %dma_start3A_317 = arith.constant 0 : i32
          %dma_start3A_318 = tpu.memref_slice %run_scoped3A_38[%rem3A_313, %dma_start3A_316, %dma_start3A_317] : memref<2x1x128xi32, #tpu.memory_space<vmem>> -> memref<1x1x128xi32, #tpu.memory_space<vmem>>
          %dma_start3A_319 = tpu.memref_squeeze %dma_start3A_318 : memref<1x1x128xi32, #tpu.memory_space<vmem>> -> memref<1x128xi32, #tpu.memory_space<vmem>>
          %dma_start3A_320 = arith.constant 0 : i32
          %dma_start3A_321 = tpu.memref_slice %arg6[%dma_start3A_320, %mul3A_315] : memref<4x81920xi32, #tpu.memory_space<hbm>> -> memref<1x128xi32, #tpu.memory_space<hbm>>
          %dma_start3A_322 = tpu.memref_slice %run_scoped3A_39[%rem3A_313] : memref<2x!tpu.dma_semaphore, #tpu.memory_space<semaphore_mem>> -> memref<1x!tpu.dma_semaphore, #tpu.memory_space<semaphore_mem>>
          %dma_start3A_323 = tpu.memref_squeeze %dma_start3A_322 : memref<1x!tpu.dma_semaphore, #tpu.memory_space<semaphore_mem>> -> memref<!tpu.dma_semaphore, #tpu.memory_space<semaphore_mem>>
          %dma_start3A_324 = arith.constant 0 : i32
          %dma_start3A_325 = arith.constant 0 : i32
          %dma_start3A_326 = tpu.memref_slice %run_scoped3A_38[%rem3A_313, %dma_start3A_324, %dma_start3A_325] : memref<2x1x128xi32, #tpu.memory_space<vmem>> -> memref<1x1x128xi32, #tpu.memory_space<vmem>>
          %dma_start3A_327 = tpu.memref_squeeze %dma_start3A_326 : memref<1x1x128xi32, #tpu.memory_space<vmem>> -> memref<1x128xi32, #tpu.memory_space<vmem>>
          %dma_start3A_328 = arith.constant 0 : i32
          %dma_start3A_329 = tpu.memref_slice %arg6[%dma_start3A_328, %mul3A_315] : memref<4x81920xi32, #tpu.memory_space<hbm>> -> memref<1x128xi32, #tpu.memory_space<hbm>>
          tpu.enqueue_dma source(%dma_start3A_329 : memref<1x128xi32, #tpu.memory_space<hbm>>) target(%dma_start3A_327 : memref<1x128xi32, #tpu.memory_space<vmem>>) target_semaphore(%dma_start3A_323 : memref<!tpu.dma_semaphore, #tpu.memory_space<semaphore_mem>>)
          "tpu.trace_stop"() : () -> ()
        } else {
        }
        %and3A_218 = arith.constant true
        %and3A_219 = arith.andi %and3A_214, %and3A_218 : i1
        %add3A_220 = arith.constant 1 : i32
        %add3A_221 = arith.addi %scan3A_161, %add3A_220 : i32
        %select_n3A_222 = arith.select %and3A_219, %add3A_221, %scan3A_161 : i32
        %ne3A_223 = arith.cmpi ne, %add3A_168, %add3A_177 : i32
        %or3A_224 = arith.constant false
        %or3A_225 = arith.ori %or3A_224, %ne3A_223 : i1
        %or3A_226 = arith.constant false
        %or3A_227 = arith.ori %or3A_225, %or3A_226 : i1
        %or3A_228 = arith.ori %or3A_227, %eq3A_165 : i1
        %convert_element_type3A_229 = arith.extui %or3A_228 : i1 to i32
        %cond3A_230 = arith.constant 0 : i32
        %cond3A_231 = arith.cmpi ne, %convert_element_type3A_229, %cond3A_230 : i32
        scf.if %cond3A_231 {
          "tpu.trace_start"() <{level = 10 : i32, message = "ep_wait_in"}> : () -> ()
          %mul3A_312 = arith.constant 128 : i32
          %mul3A_313 = arith.muli %mul3A_312, %add3A_168 : i32
          %rem3A_314 = arith.constant 2 : i32
          %rem3A_315 = arith.remui %scan3A_160, %rem3A_314 : i32
          %dma_wait3A = arith.constant 0 : i32
          %dma_wait3A_316 = arith.constant 0 : i32
          %dma_wait3A_317 = tpu.memref_slice %run_scoped3A[%rem3A_315, %dma_wait3A, %dma_wait3A_316] : memref<2x128x128xf32, #tpu.memory_space<vmem>> -> memref<1x128x128xf32, #tpu.memory_space<vmem>>
          %dma_wait3A_318 = tpu.memref_squeeze %dma_wait3A_317 : memref<1x128x128xf32, #tpu.memory_space<vmem>> -> memref<128x128xf32, #tpu.memory_space<vmem>>
          %dma_wait3A_319 = arith.constant 0 : i32
          %dma_wait3A_320 = tpu.memref_slice %arg2[%mul3A_313, %dma_wait3A_319] : memref<81920x128xf32, #tpu.memory_space<hbm>> -> memref<128x128xf32, #tpu.memory_space<hbm>>
          %dma_wait3A_321 = tpu.memref_slice %run_scoped3A_37[%rem3A_315] : memref<2x!tpu.dma_semaphore, #tpu.memory_space<semaphore_mem>> -> memref<1x!tpu.dma_semaphore, #tpu.memory_space<semaphore_mem>>
          %dma_wait3A_322 = tpu.memref_squeeze %dma_wait3A_321 : memref<1x!tpu.dma_semaphore, #tpu.memory_space<semaphore_mem>> -> memref<!tpu.dma_semaphore, #tpu.memory_space<semaphore_mem>>
          %dma_wait3A_323 = arith.constant 0 : i32
          %dma_wait3A_324 = arith.constant 0 : i32
          %dma_wait3A_325 = tpu.memref_slice %run_scoped3A[%rem3A_315, %dma_wait3A_323, %dma_wait3A_324] : memref<2x128x128xf32, #tpu.memory_space<vmem>> -> memref<1x128x128xf32, #tpu.memory_space<vmem>>
          %dma_wait3A_326 = tpu.memref_squeeze %dma_wait3A_325 : memref<1x128x128xf32, #tpu.memory_space<vmem>> -> memref<128x128xf32, #tpu.memory_space<vmem>>
          %dma_wait3A_327 = arith.constant 0 : i32
          %dma_wait3A_328 = tpu.memref_slice %arg2[%mul3A_313, %dma_wait3A_327] : memref<81920x128xf32, #tpu.memory_space<hbm>> -> memref<128x128xf32, #tpu.memory_space<hbm>>
          tpu.wait_dma2 semaphore(%dma_wait3A_322 : memref<!tpu.dma_semaphore, #tpu.memory_space<semaphore_mem>>) src(%dma_wait3A_328 : memref<128x128xf32, #tpu.memory_space<hbm>>) dst(%dma_wait3A_326 : memref<128x128xf32, #tpu.memory_space<vmem>>)
          "tpu.trace_stop"() : () -> ()
        } else {
        }
        %ne3A_232 = arith.cmpi ne, %add3A_168, %add3A_177 : i32
        %or3A_233 = arith.constant false
        %or3A_234 = arith.ori %or3A_233, %ne3A_232 : i1
        %or3A_235 = arith.ori %or3A_234, %eq3A_165 : i1
        %convert_element_type3A_236 = arith.extui %or3A_235 : i1 to i32
        %cond3A_237 = arith.constant 0 : i32
        %cond3A_238 = arith.cmpi ne, %convert_element_type3A_236, %cond3A_237 : i32
        scf.if %cond3A_238 {
          "tpu.trace_start"() <{level = 10 : i32, message = "ep_wait_in"}> : () -> ()
          %mul3A_312 = arith.constant 128 : i32
          %mul3A_313 = arith.muli %mul3A_312, %add3A_168 : i32
          %rem3A_314 = arith.constant 2 : i32
          %rem3A_315 = arith.remui %scan3A_162, %rem3A_314 : i32
          %dma_wait3A = arith.constant 0 : i32
          %dma_wait3A_316 = arith.constant 0 : i32
          %dma_wait3A_317 = tpu.memref_slice %run_scoped3A_38[%rem3A_315, %dma_wait3A, %dma_wait3A_316] : memref<2x1x128xi32, #tpu.memory_space<vmem>> -> memref<1x1x128xi32, #tpu.memory_space<vmem>>
          %dma_wait3A_318 = tpu.memref_squeeze %dma_wait3A_317 : memref<1x1x128xi32, #tpu.memory_space<vmem>> -> memref<1x128xi32, #tpu.memory_space<vmem>>
          %dma_wait3A_319 = arith.constant 0 : i32
          %dma_wait3A_320 = tpu.memref_slice %arg6[%dma_wait3A_319, %mul3A_313] : memref<4x81920xi32, #tpu.memory_space<hbm>> -> memref<1x128xi32, #tpu.memory_space<hbm>>
          %dma_wait3A_321 = tpu.memref_slice %run_scoped3A_39[%rem3A_315] : memref<2x!tpu.dma_semaphore, #tpu.memory_space<semaphore_mem>> -> memref<1x!tpu.dma_semaphore, #tpu.memory_space<semaphore_mem>>
          %dma_wait3A_322 = tpu.memref_squeeze %dma_wait3A_321 : memref<1x!tpu.dma_semaphore, #tpu.memory_space<semaphore_mem>> -> memref<!tpu.dma_semaphore, #tpu.memory_space<semaphore_mem>>
          %dma_wait3A_323 = arith.constant 0 : i32
          %dma_wait3A_324 = arith.constant 0 : i32
          %dma_wait3A_325 = tpu.memref_slice %run_scoped3A_38[%rem3A_315, %dma_wait3A_323, %dma_wait3A_324] : memref<2x1x128xi32, #tpu.memory_space<vmem>> -> memref<1x1x128xi32, #tpu.memory_space<vmem>>
          %dma_wait3A_326 = tpu.memref_squeeze %dma_wait3A_325 : memref<1x1x128xi32, #tpu.memory_space<vmem>> -> memref<1x128xi32, #tpu.memory_space<vmem>>
          %dma_wait3A_327 = arith.constant 0 : i32
          %dma_wait3A_328 = tpu.memref_slice %arg6[%dma_wait3A_327, %mul3A_313] : memref<4x81920xi32, #tpu.memory_space<hbm>> -> memref<1x128xi32, #tpu.memory_space<hbm>>
          tpu.wait_dma2 semaphore(%dma_wait3A_322 : memref<!tpu.dma_semaphore, #tpu.memory_space<semaphore_mem>>) src(%dma_wait3A_328 : memref<1x128xi32, #tpu.memory_space<hbm>>) dst(%dma_wait3A_326 : memref<1x128xi32, #tpu.memory_space<vmem>>)
          "tpu.trace_stop"() : () -> ()
        } else {
        }
        %rem3A_239 = arith.constant 2 : i32
        %rem3A_240 = arith.remui %scan3A_160, %rem3A_239 : i32
        %rem3A_241 = arith.constant 2 : i32
        %rem3A_242 = arith.remui %scan3A_162, %rem3A_241 : i32
        %run_scoped3A_243 = arith.constant 0 : i32
        "tpu.trace_start"() <{level = 10 : i32, message = "ep_run_kernel"}> : () -> ()
        "tpu.region"() ({
          %run_scoped3A_312 = tpu.sem_alloc : memref<!tpu.dma_semaphore, #tpu.memory_space<semaphore_mem>>
          %dma_start3A_313 = arith.constant 0 : i32
          %dma_start3A_314 = arith.constant 0 : i32
          %dma_start3A_315 = tpu.memref_slice %run_scoped3A[%rem3A_240, %dma_start3A_313, %dma_start3A_314] : memref<2x128x128xf32, #tpu.memory_space<vmem>> -> memref<1x128x128xf32, #tpu.memory_space<vmem>>
          %dma_start3A_316 = tpu.memref_squeeze %dma_start3A_315 : memref<1x128x128xf32, #tpu.memory_space<vmem>> -> memref<128x128xf32, #tpu.memory_space<vmem>>
          %dma_start3A_317 = arith.constant 0 : i32
          %dma_start3A_318 = arith.constant 0 : i32
          %dma_start3A_319 = tpu.memref_slice %run_scoped3A_38[%rem3A_242, %dma_start3A_317, %dma_start3A_318] : memref<2x1x128xi32, #tpu.memory_space<vmem>> -> memref<1x1x128xi32, #tpu.memory_space<vmem>>
          %dma_start3A_320 = tpu.memref_squeeze %dma_start3A_319 : memref<1x1x128xi32, #tpu.memory_space<vmem>> -> memref<1x128xi32, #tpu.memory_space<vmem>>
          %dma_start3A_321 = arith.constant 0 : i32
          %dma_start3A_322 = tpu.memref_slice %dma_start3A_320[%run_scoped3A_243, %dma_start3A_321] : memref<1x128xi32, #tpu.memory_space<vmem>> -> memref<1x128xi32, #tpu.memory_space<vmem>>
          %dma_start3A_323 = tpu.memref_squeeze %dma_start3A_322 : memref<1x128xi32, #tpu.memory_space<vmem>> -> memref<128xi32, #tpu.memory_space<vmem>>
          %dma_start3A_324 = arith.constant 0 : i32
          %dma_start3A_325 = arith.constant 0 : i32
          %dma_start3A_326 = tpu.memref_slice %arg9[%dma_start3A_324, %dma_start3A_325] : memref<10240x128xf32, #tpu.memory_space<vmem_shared>> -> memref<10240x128xf32, #tpu.memory_space<vmem_shared>>
          tpu.enqueue_indirect_dma source(%dma_start3A_316 : memref<128x128xf32, #tpu.memory_space<vmem>>) target(%dma_start3A_326 : memref<10240x128xf32, #tpu.memory_space<vmem_shared>>) offsets(%dma_start3A_323 : memref<128xi32, #tpu.memory_space<vmem>>) semaphore(%run_scoped3A_312 : memref<!tpu.dma_semaphore, #tpu.memory_space<semaphore_mem>>) {add = true}
          %dma_wait3A = arith.constant 0 : i32
          %dma_wait3A_327 = arith.constant 0 : i32
          %dma_wait3A_328 = tpu.memref_slice %run_scoped3A[%rem3A_240, %dma_wait3A, %dma_wait3A_327] : memref<2x128x128xf32, #tpu.memory_space<vmem>> -> memref<1x128x128xf32, #tpu.memory_space<vmem>>
          %dma_wait3A_329 = tpu.memref_squeeze %dma_wait3A_328 : memref<1x128x128xf32, #tpu.memory_space<vmem>> -> memref<128x128xf32, #tpu.memory_space<vmem>>
          %dma_wait3A_330 = arith.constant 0 : i32
          %dma_wait3A_331 = arith.constant 0 : i32
          %dma_wait3A_332 = tpu.memref_slice %run_scoped3A_38[%rem3A_242, %dma_wait3A_330, %dma_wait3A_331] : memref<2x1x128xi32, #tpu.memory_space<vmem>> -> memref<1x1x128xi32, #tpu.memory_space<vmem>>
          %dma_wait3A_333 = tpu.memref_squeeze %dma_wait3A_332 : memref<1x1x128xi32, #tpu.memory_space<vmem>> -> memref<1x128xi32, #tpu.memory_space<vmem>>
          %dma_wait3A_334 = arith.constant 0 : i32
          %dma_wait3A_335 = tpu.memref_slice %dma_wait3A_333[%run_scoped3A_243, %dma_wait3A_334] : memref<1x128xi32, #tpu.memory_space<vmem>> -> memref<1x128xi32, #tpu.memory_space<vmem>>
          %dma_wait3A_336 = tpu.memref_squeeze %dma_wait3A_335 : memref<1x128xi32, #tpu.memory_space<vmem>> -> memref<128xi32, #tpu.memory_space<vmem>>
          %dma_wait3A_337 = arith.constant 0 : i32
          %dma_wait3A_338 = arith.constant 0 : i32
          %dma_wait3A_339 = tpu.memref_slice %arg9[%dma_wait3A_337, %dma_wait3A_338] : memref<10240x128xf32, #tpu.memory_space<vmem_shared>> -> memref<10240x128xf32, #tpu.memory_space<vmem_shared>>
          tpu.wait_indirect_dma semaphore(%run_scoped3A_312 : memref<!tpu.dma_semaphore, #tpu.memory_space<semaphore_mem>>) src(%dma_wait3A_329 : memref<128x128xf32, #tpu.memory_space<vmem>>) dst(%dma_wait3A_339 : memref<10240x128xf32, #tpu.memory_space<vmem_shared>>)
          tpu.yield
        }) : () -> ()
        "tpu.trace_stop"() : () -> ()
        %ne3A_244 = arith.cmpi ne, %add3A_168, %add3A_186 : i32
        %or3A_245 = arith.constant false
        %or3A_246 = arith.ori %or3A_245, %ne3A_244 : i1
        %or3A_247 = arith.constant false
        %or3A_248 = arith.ori %or3A_246, %or3A_247 : i1
        %or3A_249 = arith.ori %or3A_248, %eq3A_167 : i1
        %convert_element_type3A_250 = arith.extui %or3A_249 : i1 to i32
        %cond3A_251 = arith.constant 0 : i32
        %cond3A_252 = arith.cmpi ne, %convert_element_type3A_250, %cond3A_251 : i32
        scf.if %cond3A_252 {
        } else {
        }
        %and3A_253 = arith.constant false
        %and3A_254 = arith.andi %or3A_249, %and3A_253 : i1
        %ne3A_255 = arith.cmpi ne, %add3A_168, %add3A_186 : i32
        %or3A_256 = arith.constant false
        %or3A_257 = arith.ori %or3A_256, %ne3A_255 : i1
        %or3A_258 = arith.ori %or3A_257, %eq3A_167 : i1
        %convert_element_type3A_259 = arith.extui %or3A_258 : i1 to i32
        %cond3A_260 = arith.constant 0 : i32
        %cond3A_261 = arith.cmpi ne, %convert_element_type3A_259, %cond3A_260 : i32
        scf.if %cond3A_261 {
        } else {
        }
        %and3A_262 = arith.constant false
        %and3A_263 = arith.andi %or3A_258, %and3A_262 : i1
        %ne3A_264 = arith.cmpi ne, %add3A_168, %add3A_177 : i32
        %or3A_265 = arith.constant false
        %or3A_266 = arith.ori %or3A_265, %ne3A_264 : i1
        %or3A_267 = arith.constant false
        %or3A_268 = arith.ori %or3A_266, %or3A_267 : i1
        %not3A_269 = arith.constant true
        %not3A_270 = arith.xori %eq3A_165, %not3A_269 : i1
        %and3A_271 = arith.andi %or3A_268, %not3A_270 : i1
        %convert_element_type3A_272 = arith.extui %and3A_271 : i1 to i32
        %cond3A_273 = arith.constant 0 : i32
        %cond3A_274 = arith.cmpi ne, %convert_element_type3A_272, %cond3A_273 : i32
        scf.if %cond3A_274 {
        } else {
        }
        %and3A_275 = arith.constant false
        %and3A_276 = arith.andi %and3A_271, %and3A_275 : i1
        %ne3A_277 = arith.cmpi ne, %add3A_168, %add3A_177 : i32
        %or3A_278 = arith.constant false
        %or3A_279 = arith.ori %or3A_278, %ne3A_277 : i1
        %not3A_280 = arith.constant true
        %not3A_281 = arith.xori %eq3A_165, %not3A_280 : i1
        %and3A_282 = arith.andi %or3A_279, %not3A_281 : i1
        %convert_element_type3A_283 = arith.extui %and3A_282 : i1 to i32
        %cond3A_284 = arith.constant 0 : i32
        %cond3A_285 = arith.cmpi ne, %convert_element_type3A_283, %cond3A_284 : i32
        scf.if %cond3A_285 {
        } else {
        }
        %and3A_286 = arith.constant false
        %and3A_287 = arith.andi %and3A_282, %and3A_286 : i1
        %ne3A_288 = arith.cmpi ne, %add3A_168, %add3A_186 : i32
        %or3A_289 = arith.constant false
        %or3A_290 = arith.ori %or3A_289, %ne3A_288 : i1
        %or3A_291 = arith.constant false
        %or3A_292 = arith.ori %or3A_290, %or3A_291 : i1
        %or3A_293 = arith.ori %or3A_292, %eq3A_167 : i1
        %add3A_294 = arith.constant 1 : i32
        %add3A_295 = arith.addi %scan3A_160, %add3A_294 : i32
        %select_n3A_296 = arith.select %or3A_293, %add3A_295, %scan3A_160 : i32
        %ne3A_297 = arith.cmpi ne, %add3A_168, %add3A_186 : i32
        %or3A_298 = arith.constant false
        %or3A_299 = arith.ori %or3A_298, %ne3A_297 : i1
        %or3A_300 = arith.ori %or3A_299, %eq3A_167 : i1
        %add3A_301 = arith.constant 1 : i32
        %add3A_302 = arith.addi %scan3A_162, %add3A_301 : i32
        %select_n3A_303 = arith.select %or3A_300, %add3A_302, %scan3A_162 : i32
        %add3A_304 = arith.constant 1 : i32
        %add3A_305 = arith.addi %scan3A_163, %add3A_304 : i32
        %select_n3A_306 = arith.constant true
        %select_n3A_307 = arith.select %select_n3A_306, %add3A_305, %scan3A_163 : i32
        %eq3A_308 = arith.constant 20 : i32
        %eq3A_309 = arith.cmpi eq, %select_n3A_307, %eq3A_308 : i32
        %select_n3A_310 = arith.constant 0 : i32
        %select_n3A_311 = arith.select %eq3A_309, %select_n3A_310, %select_n3A_307 : i32
        scf.yield %select_n3A_206, %select_n3A_296, %select_n3A_222, %select_n3A_303, %select_n3A_311 : i32, i32, i32, i32, i32
      }
      %scan3A_122 = arith.constant 20 : i32
      %sub3A = arith.constant 1 : i32
      %sub3A_123 = arith.subi %scan3A_121#4, %sub3A : i32
      %select_n3A_124 = arith.constant true
      %select_n3A_125 = arith.select %select_n3A_124, %sub3A_123, %scan3A_121#4 : i32
      %eq3A_126 = arith.constant -1 : i32
      %eq3A_127 = arith.cmpi eq, %select_n3A_125, %eq3A_126 : i32
      %select_n3A_128 = arith.constant 19 : i32
      %select_n3A_129 = arith.select %eq3A_127, %select_n3A_128, %select_n3A_125 : i32
      %add3A_130 = arith.addi %select_n3A_129, %mul3A_8 : i32
      %sub3A_131 = arith.constant 1 : i32
      %sub3A_132 = arith.subi %select_n3A_129, %sub3A_131 : i32
      %select_n3A_133 = arith.constant true
      %select_n3A_134 = arith.select %select_n3A_133, %sub3A_132, %select_n3A_129 : i32
      %eq3A_135 = arith.constant -1 : i32
      %eq3A_136 = arith.cmpi eq, %select_n3A_134, %eq3A_135 : i32
      %select_n3A_137 = arith.constant 19 : i32
      %select_n3A_138 = arith.select %eq3A_136, %select_n3A_137, %select_n3A_134 : i32
      %add3A_139 = arith.addi %select_n3A_138, %mul3A_8 : i32
      %add3A_140 = arith.constant 1 : i32
      %add3A_141 = arith.addi %select_n3A_129, %add3A_140 : i32
      %select_n3A_142 = arith.constant true
      %select_n3A_143 = arith.select %select_n3A_142, %add3A_141, %select_n3A_129 : i32
      %eq3A_144 = arith.constant 20 : i32
      %eq3A_145 = arith.cmpi eq, %select_n3A_143, %eq3A_144 : i32
      %select_n3A_146 = arith.constant 0 : i32
      %select_n3A_147 = arith.select %eq3A_145, %select_n3A_146, %select_n3A_143 : i32
      %add3A_148 = arith.addi %select_n3A_147, %mul3A_8 : i32
      %add3A_149 = arith.constant 1 : i32
      %add3A_150 = arith.addi %select_n3A_147, %add3A_149 : i32
      %select_n3A_151 = arith.constant true
      %select_n3A_152 = arith.select %select_n3A_151, %add3A_150, %select_n3A_147 : i32
      %eq3A_153 = arith.constant 20 : i32
      %eq3A_154 = arith.cmpi eq, %select_n3A_152, %eq3A_153 : i32
      %select_n3A_155 = arith.constant 0 : i32
      %select_n3A_156 = arith.select %eq3A_154, %select_n3A_155, %select_n3A_152 : i32
      %add3A_157 = arith.addi %select_n3A_156, %mul3A_8 : i32
      tpu.yield
    }) : () -> ()
    %mul3A_9 = arith.constant 1 : i32
    %mul3A_10 = arith.muli %arg1, %mul3A_9 : i32
    %add3A_11 = arith.constant 0 : i32
    %add3A_12 = arith.addi %add3A_11, %mul3A_10 : i32
    %mul3A_13 = arith.constant 16 : i32
    %mul3A_14 = arith.muli %arg0, %mul3A_13 : i32
    %add3A_15 = arith.addi %add3A_12, %mul3A_14 : i32
    %mul3A_16 = arith.constant 20 : i32
    %mul3A_17 = arith.muli %add3A_15, %mul3A_16 : i32
    "tpu.region"() ({
      %run_scoped3A = memref.alloca() : memref<2x128x128xf32, #tpu.memory_space<vmem>>
      %run_scoped3A_37 = tpu.sem_alloc : memref<2x!tpu.dma_semaphore, #tpu.memory_space<semaphore_mem>>
      %run_scoped3A_38 = memref.alloca() : memref<2x1x128xi32, #tpu.memory_space<vmem>>
      %run_scoped3A_39 = tpu.sem_alloc : memref<2x!tpu.dma_semaphore, #tpu.memory_space<semaphore_mem>>
      %add3A_40 = arith.constant 0 : i32
      %add3A_41 = arith.addi %add3A_40, %mul3A_17 : i32
      %select_n3A = arith.constant true
      %select_n3A_42 = arith.constant 0 : i32
      %select_n3A_43 = arith.constant -1 : i32
      %select_n3A_44 = arith.select %select_n3A, %select_n3A_43, %select_n3A_42 : i32
      %eq3A = arith.constant -1 : i32
      %eq3A_45 = arith.cmpi eq, %select_n3A_44, %eq3A : i32
      %select_n3A_46 = arith.constant 19 : i32
      %select_n3A_47 = arith.select %eq3A_45, %select_n3A_46, %select_n3A_44 : i32
      %add3A_48 = arith.addi %select_n3A_47, %mul3A_17 : i32
      %select_n3A_49 = arith.constant true
      %select_n3A_50 = arith.constant 0 : i32
      %select_n3A_51 = arith.constant 1 : i32
      %select_n3A_52 = arith.select %select_n3A_49, %select_n3A_51, %select_n3A_50 : i32
      %eq3A_53 = arith.constant 20 : i32
      %eq3A_54 = arith.cmpi eq, %select_n3A_52, %eq3A_53 : i32
      %select_n3A_55 = arith.constant 0 : i32
      %select_n3A_56 = arith.select %eq3A_54, %select_n3A_55, %select_n3A_52 : i32
      %add3A_57 = arith.addi %select_n3A_56, %mul3A_17 : i32
      %add3A_58 = arith.constant 1 : i32
      %add3A_59 = arith.addi %select_n3A_56, %add3A_58 : i32
      %select_n3A_60 = arith.constant true
      %select_n3A_61 = arith.select %select_n3A_60, %add3A_59, %select_n3A_56 : i32
      %eq3A_62 = arith.constant 20 : i32
      %eq3A_63 = arith.cmpi eq, %select_n3A_61, %eq3A_62 : i32
      %select_n3A_64 = arith.constant 0 : i32
      %select_n3A_65 = arith.select %eq3A_63, %select_n3A_64, %select_n3A_61 : i32
      %add3A_66 = arith.addi %select_n3A_65, %mul3A_17 : i32
      "tpu.trace_start"() <{level = 10 : i32, message = "ep_initialize_0"}> : () -> ()
      %rem3A = arith.constant 0 : i32
      %rem3A_67 = arith.constant 2 : i32
      %rem3A_68 = arith.remui %rem3A, %rem3A_67 : i32
      %mul3A_69 = arith.constant 128 : i32
      %mul3A_70 = arith.muli %mul3A_69, %add3A_41 : i32
      %dma_start3A = arith.constant 0 : i32
      %dma_start3A_71 = arith.constant 0 : i32
      %dma_start3A_72 = tpu.memref_slice %run_scoped3A[%rem3A_68, %dma_start3A, %dma_start3A_71] : memref<2x128x128xf32, #tpu.memory_space<vmem>> -> memref<1x128x128xf32, #tpu.memory_space<vmem>>
      %dma_start3A_73 = tpu.memref_squeeze %dma_start3A_72 : memref<1x128x128xf32, #tpu.memory_space<vmem>> -> memref<128x128xf32, #tpu.memory_space<vmem>>
      %dma_start3A_74 = arith.constant 0 : i32
      %dma_start3A_75 = tpu.memref_slice %arg3[%mul3A_70, %dma_start3A_74] : memref<81920x128xf32, #tpu.memory_space<hbm>> -> memref<128x128xf32, #tpu.memory_space<hbm>>
      %dma_start3A_76 = tpu.memref_slice %run_scoped3A_37[%rem3A_68] : memref<2x!tpu.dma_semaphore, #tpu.memory_space<semaphore_mem>> -> memref<1x!tpu.dma_semaphore, #tpu.memory_space<semaphore_mem>>
      %dma_start3A_77 = tpu.memref_squeeze %dma_start3A_76 : memref<1x!tpu.dma_semaphore, #tpu.memory_space<semaphore_mem>> -> memref<!tpu.dma_semaphore, #tpu.memory_space<semaphore_mem>>
      %dma_start3A_78 = arith.constant 0 : i32
      %dma_start3A_79 = arith.constant 0 : i32
      %dma_start3A_80 = tpu.memref_slice %run_scoped3A[%rem3A_68, %dma_start3A_78, %dma_start3A_79] : memref<2x128x128xf32, #tpu.memory_space<vmem>> -> memref<1x128x128xf32, #tpu.memory_space<vmem>>
      %dma_start3A_81 = tpu.memref_squeeze %dma_start3A_80 : memref<1x128x128xf32, #tpu.memory_space<vmem>> -> memref<128x128xf32, #tpu.memory_space<vmem>>
      %dma_start3A_82 = arith.constant 0 : i32
      %dma_start3A_83 = tpu.memref_slice %arg3[%mul3A_70, %dma_start3A_82] : memref<81920x128xf32, #tpu.memory_space<hbm>> -> memref<128x128xf32, #tpu.memory_space<hbm>>
      tpu.enqueue_dma source(%dma_start3A_83 : memref<128x128xf32, #tpu.memory_space<hbm>>) target(%dma_start3A_81 : memref<128x128xf32, #tpu.memory_space<vmem>>) target_semaphore(%dma_start3A_77 : memref<!tpu.dma_semaphore, #tpu.memory_space<semaphore_mem>>)
      %add3A_84 = arith.constant 0 : i32
      %add3A_85 = arith.constant 1 : i32
      %add3A_86 = arith.addi %add3A_84, %add3A_85 : i32
      %select_n3A_87 = arith.constant true
      %select_n3A_88 = arith.constant 0 : i32
      %select_n3A_89 = arith.select %select_n3A_87, %add3A_86, %select_n3A_88 : i32
      %rem3A_90 = arith.constant 0 : i32
      %rem3A_91 = arith.constant 2 : i32
      %rem3A_92 = arith.remui %rem3A_90, %rem3A_91 : i32
      %mul3A_93 = arith.constant 128 : i32
      %mul3A_94 = arith.muli %mul3A_93, %add3A_41 : i32
      %dma_start3A_95 = arith.constant 0 : i32
      %dma_start3A_96 = arith.constant 0 : i32
      %dma_start3A_97 = tpu.memref_slice %run_scoped3A_38[%rem3A_92, %dma_start3A_95, %dma_start3A_96] : memref<2x1x128xi32, #tpu.memory_space<vmem>> -> memref<1x1x128xi32, #tpu.memory_space<vmem>>
      %dma_start3A_98 = tpu.memref_squeeze %dma_start3A_97 : memref<1x1x128xi32, #tpu.memory_space<vmem>> -> memref<1x128xi32, #tpu.memory_space<vmem>>
      %dma_start3A_99 = arith.constant 1 : i32
      %dma_start3A_100 = tpu.memref_slice %arg6[%dma_start3A_99, %mul3A_94] : memref<4x81920xi32, #tpu.memory_space<hbm>> -> memref<1x128xi32, #tpu.memory_space<hbm>>
      %dma_start3A_101 = tpu.memref_slice %run_scoped3A_39[%rem3A_92] : memref<2x!tpu.dma_semaphore, #tpu.memory_space<semaphore_mem>> -> memref<1x!tpu.dma_semaphore, #tpu.memory_space<semaphore_mem>>
      %dma_start3A_102 = tpu.memref_squeeze %dma_start3A_101 : memref<1x!tpu.dma_semaphore, #tpu.memory_space<semaphore_mem>> -> memref<!tpu.dma_semaphore, #tpu.memory_space<semaphore_mem>>
      %dma_start3A_103 = arith.constant 0 : i32
      %dma_start3A_104 = arith.constant 0 : i32
      %dma_start3A_105 = tpu.memref_slice %run_scoped3A_38[%rem3A_92, %dma_start3A_103, %dma_start3A_104] : memref<2x1x128xi32, #tpu.memory_space<vmem>> -> memref<1x1x128xi32, #tpu.memory_space<vmem>>
      %dma_start3A_106 = tpu.memref_squeeze %dma_start3A_105 : memref<1x1x128xi32, #tpu.memory_space<vmem>> -> memref<1x128xi32, #tpu.memory_space<vmem>>
      %dma_start3A_107 = arith.constant 1 : i32
      %dma_start3A_108 = tpu.memref_slice %arg6[%dma_start3A_107, %mul3A_94] : memref<4x81920xi32, #tpu.memory_space<hbm>> -> memref<1x128xi32, #tpu.memory_space<hbm>>
      tpu.enqueue_dma source(%dma_start3A_108 : memref<1x128xi32, #tpu.memory_space<hbm>>) target(%dma_start3A_106 : memref<1x128xi32, #tpu.memory_space<vmem>>) target_semaphore(%dma_start3A_102 : memref<!tpu.dma_semaphore, #tpu.memory_space<semaphore_mem>>)
      %add3A_109 = arith.constant 0 : i32
      %add3A_110 = arith.constant 1 : i32
      %add3A_111 = arith.addi %add3A_109, %add3A_110 : i32
      %select_n3A_112 = arith.constant true
      %select_n3A_113 = arith.constant 0 : i32
      %select_n3A_114 = arith.select %select_n3A_112, %add3A_111, %select_n3A_113 : i32
      "tpu.trace_stop"() : () -> ()
      %scan3A = arith.constant 0 : i32
      %scan3A_115 = arith.constant 0 : i32
      %scan3A_116 = arith.constant 0 : i32
      %scan3A_117 = arith.constant 0 : i32
      %scan3A_118 = arith.constant 20 : i32
      %scan3A_119 = arith.addi %scan3A_117, %scan3A_118 : i32
      %scan3A_120 = arith.constant 1 : i32
      %scan3A_121:5 = scf.for %scan3A_158 = %scan3A_117 to %scan3A_119 step %scan3A_120 iter_args(%scan3A_159 = %select_n3A_89, %scan3A_160 = %scan3A, %scan3A_161 = %select_n3A_114, %scan3A_162 = %scan3A_115, %scan3A_163 = %scan3A_116) -> (i32, i32, i32, i32, i32)  : i32 {
        %eq3A_164 = arith.constant 0 : i32
        %eq3A_165 = arith.cmpi eq, %scan3A_158, %eq3A_164 : i32
        %eq3A_166 = arith.constant 19 : i32
        %eq3A_167 = arith.cmpi eq, %scan3A_158, %eq3A_166 : i32
        %add3A_168 = arith.addi %scan3A_163, %mul3A_17 : i32
        %sub3A_169 = arith.constant 1 : i32
        %sub3A_170 = arith.subi %scan3A_163, %sub3A_169 : i32
        %select_n3A_171 = arith.constant true
        %select_n3A_172 = arith.select %select_n3A_171, %sub3A_170, %scan3A_163 : i32
        %eq3A_173 = arith.constant -1 : i32
        %eq3A_174 = arith.cmpi eq, %select_n3A_172, %eq3A_173 : i32
        %select_n3A_175 = arith.constant 19 : i32
        %select_n3A_176 = arith.select %eq3A_174, %select_n3A_175, %select_n3A_172 : i32
        %add3A_177 = arith.addi %select_n3A_176, %mul3A_17 : i32
        %add3A_178 = arith.constant 1 : i32
        %add3A_179 = arith.addi %scan3A_163, %add3A_178 : i32
        %select_n3A_180 = arith.constant true
        %select_n3A_181 = arith.select %select_n3A_180, %add3A_179, %scan3A_163 : i32
        %eq3A_182 = arith.constant 20 : i32
        %eq3A_183 = arith.cmpi eq, %select_n3A_181, %eq3A_182 : i32
        %select_n3A_184 = arith.constant 0 : i32
        %select_n3A_185 = arith.select %eq3A_183, %select_n3A_184, %select_n3A_181 : i32
        %add3A_186 = arith.addi %select_n3A_185, %mul3A_17 : i32
        %add3A_187 = arith.constant 1 : i32
        %add3A_188 = arith.addi %select_n3A_185, %add3A_187 : i32
        %select_n3A_189 = arith.constant true
        %select_n3A_190 = arith.select %select_n3A_189, %add3A_188, %select_n3A_185 : i32
        %eq3A_191 = arith.constant 20 : i32
        %eq3A_192 = arith.cmpi eq, %select_n3A_190, %eq3A_191 : i32
        %select_n3A_193 = arith.constant 0 : i32
        %select_n3A_194 = arith.select %eq3A_192, %select_n3A_193, %select_n3A_190 : i32
        %add3A_195 = arith.addi %select_n3A_194, %mul3A_17 : i32
        %ne3A = arith.cmpi ne, %add3A_168, %add3A_186 : i32
        %or3A = arith.constant false
        %or3A_196 = arith.ori %or3A, %ne3A : i1
        %or3A_197 = arith.constant false
        %or3A_198 = arith.ori %or3A_196, %or3A_197 : i1
        %ge3A = arith.constant 19 : i32
        %ge3A_199 = arith.cmpi sge, %scan3A_158, %ge3A : i32
        %not3A = arith.constant true
        %not3A_200 = arith.xori %ge3A_199, %not3A : i1
        %and3A = arith.andi %or3A_198, %not3A_200 : i1
        %convert_element_type3A = arith.extui %and3A : i1 to i32
        %cond3A = arith.constant 0 : i32
        %cond3A_201 = arith.cmpi ne, %convert_element_type3A, %cond3A : i32
        scf.if %cond3A_201 {
          "tpu.trace_start"() <{level = 10 : i32, message = "ep_copy_in"}> : () -> ()
          %rem3A_312 = arith.constant 2 : i32
          %rem3A_313 = arith.remui %scan3A_159, %rem3A_312 : i32
          %mul3A_314 = arith.constant 128 : i32
          %mul3A_315 = arith.muli %mul3A_314, %add3A_186 : i32
          %dma_start3A_316 = arith.constant 0 : i32
          %dma_start3A_317 = arith.constant 0 : i32
          %dma_start3A_318 = tpu.memref_slice %run_scoped3A[%rem3A_313, %dma_start3A_316, %dma_start3A_317] : memref<2x128x128xf32, #tpu.memory_space<vmem>> -> memref<1x128x128xf32, #tpu.memory_space<vmem>>
          %dma_start3A_319 = tpu.memref_squeeze %dma_start3A_318 : memref<1x128x128xf32, #tpu.memory_space<vmem>> -> memref<128x128xf32, #tpu.memory_space<vmem>>
          %dma_start3A_320 = arith.constant 0 : i32
          %dma_start3A_321 = tpu.memref_slice %arg3[%mul3A_315, %dma_start3A_320] : memref<81920x128xf32, #tpu.memory_space<hbm>> -> memref<128x128xf32, #tpu.memory_space<hbm>>
          %dma_start3A_322 = tpu.memref_slice %run_scoped3A_37[%rem3A_313] : memref<2x!tpu.dma_semaphore, #tpu.memory_space<semaphore_mem>> -> memref<1x!tpu.dma_semaphore, #tpu.memory_space<semaphore_mem>>
          %dma_start3A_323 = tpu.memref_squeeze %dma_start3A_322 : memref<1x!tpu.dma_semaphore, #tpu.memory_space<semaphore_mem>> -> memref<!tpu.dma_semaphore, #tpu.memory_space<semaphore_mem>>
          %dma_start3A_324 = arith.constant 0 : i32
          %dma_start3A_325 = arith.constant 0 : i32
          %dma_start3A_326 = tpu.memref_slice %run_scoped3A[%rem3A_313, %dma_start3A_324, %dma_start3A_325] : memref<2x128x128xf32, #tpu.memory_space<vmem>> -> memref<1x128x128xf32, #tpu.memory_space<vmem>>
          %dma_start3A_327 = tpu.memref_squeeze %dma_start3A_326 : memref<1x128x128xf32, #tpu.memory_space<vmem>> -> memref<128x128xf32, #tpu.memory_space<vmem>>
          %dma_start3A_328 = arith.constant 0 : i32
          %dma_start3A_329 = tpu.memref_slice %arg3[%mul3A_315, %dma_start3A_328] : memref<81920x128xf32, #tpu.memory_space<hbm>> -> memref<128x128xf32, #tpu.memory_space<hbm>>
          tpu.enqueue_dma source(%dma_start3A_329 : memref<128x128xf32, #tpu.memory_space<hbm>>) target(%dma_start3A_327 : memref<128x128xf32, #tpu.memory_space<vmem>>) target_semaphore(%dma_start3A_323 : memref<!tpu.dma_semaphore, #tpu.memory_space<semaphore_mem>>)
          "tpu.trace_stop"() : () -> ()
        } else {
        }
        %and3A_202 = arith.constant true
        %and3A_203 = arith.andi %and3A, %and3A_202 : i1
        %add3A_204 = arith.constant 1 : i32
        %add3A_205 = arith.addi %scan3A_159, %add3A_204 : i32
        %select_n3A_206 = arith.select %and3A_203, %add3A_205, %scan3A_159 : i32
        %ne3A_207 = arith.cmpi ne, %add3A_168, %add3A_186 : i32
        %or3A_208 = arith.constant false
        %or3A_209 = arith.ori %or3A_208, %ne3A_207 : i1
        %ge3A_210 = arith.constant 19 : i32
        %ge3A_211 = arith.cmpi sge, %scan3A_158, %ge3A_210 : i32
        %not3A_212 = arith.constant true
        %not3A_213 = arith.xori %ge3A_211, %not3A_212 : i1
        %and3A_214 = arith.andi %or3A_209, %not3A_213 : i1
        %convert_element_type3A_215 = arith.extui %and3A_214 : i1 to i32
        %cond3A_216 = arith.constant 0 : i32
        %cond3A_217 = arith.cmpi ne, %convert_element_type3A_215, %cond3A_216 : i32
        scf.if %cond3A_217 {
          "tpu.trace_start"() <{level = 10 : i32, message = "ep_copy_in"}> : () -> ()
          %rem3A_312 = arith.constant 2 : i32
          %rem3A_313 = arith.remui %scan3A_161, %rem3A_312 : i32
          %mul3A_314 = arith.constant 128 : i32
          %mul3A_315 = arith.muli %mul3A_314, %add3A_186 : i32
          %dma_start3A_316 = arith.constant 0 : i32
          %dma_start3A_317 = arith.constant 0 : i32
          %dma_start3A_318 = tpu.memref_slice %run_scoped3A_38[%rem3A_313, %dma_start3A_316, %dma_start3A_317] : memref<2x1x128xi32, #tpu.memory_space<vmem>> -> memref<1x1x128xi32, #tpu.memory_space<vmem>>
          %dma_start3A_319 = tpu.memref_squeeze %dma_start3A_318 : memref<1x1x128xi32, #tpu.memory_space<vmem>> -> memref<1x128xi32, #tpu.memory_space<vmem>>
          %dma_start3A_320 = arith.constant 1 : i32
          %dma_start3A_321 = tpu.memref_slice %arg6[%dma_start3A_320, %mul3A_315] : memref<4x81920xi32, #tpu.memory_space<hbm>> -> memref<1x128xi32, #tpu.memory_space<hbm>>
          %dma_start3A_322 = tpu.memref_slice %run_scoped3A_39[%rem3A_313] : memref<2x!tpu.dma_semaphore, #tpu.memory_space<semaphore_mem>> -> memref<1x!tpu.dma_semaphore, #tpu.memory_space<semaphore_mem>>
          %dma_start3A_323 = tpu.memref_squeeze %dma_start3A_322 : memref<1x!tpu.dma_semaphore, #tpu.memory_space<semaphore_mem>> -> memref<!tpu.dma_semaphore, #tpu.memory_space<semaphore_mem>>
          %dma_start3A_324 = arith.constant 0 : i32
          %dma_start3A_325 = arith.constant 0 : i32
          %dma_start3A_326 = tpu.memref_slice %run_scoped3A_38[%rem3A_313, %dma_start3A_324, %dma_start3A_325] : memref<2x1x128xi32, #tpu.memory_space<vmem>> -> memref<1x1x128xi32, #tpu.memory_space<vmem>>
          %dma_start3A_327 = tpu.memref_squeeze %dma_start3A_326 : memref<1x1x128xi32, #tpu.memory_space<vmem>> -> memref<1x128xi32, #tpu.memory_space<vmem>>
          %dma_start3A_328 = arith.constant 1 : i32
          %dma_start3A_329 = tpu.memref_slice %arg6[%dma_start3A_328, %mul3A_315] : memref<4x81920xi32, #tpu.memory_space<hbm>> -> memref<1x128xi32, #tpu.memory_space<hbm>>
          tpu.enqueue_dma source(%dma_start3A_329 : memref<1x128xi32, #tpu.memory_space<hbm>>) target(%dma_start3A_327 : memref<1x128xi32, #tpu.memory_space<vmem>>) target_semaphore(%dma_start3A_323 : memref<!tpu.dma_semaphore, #tpu.memory_space<semaphore_mem>>)
          "tpu.trace_stop"() : () -> ()
        } else {
        }
        %and3A_218 = arith.constant true
        %and3A_219 = arith.andi %and3A_214, %and3A_218 : i1
        %add3A_220 = arith.constant 1 : i32
        %add3A_221 = arith.addi %scan3A_161, %add3A_220 : i32
        %select_n3A_222 = arith.select %and3A_219, %add3A_221, %scan3A_161 : i32
        %ne3A_223 = arith.cmpi ne, %add3A_168, %add3A_177 : i32
        %or3A_224 = arith.constant false
        %or3A_225 = arith.ori %or3A_224, %ne3A_223 : i1
        %or3A_226 = arith.constant false
        %or3A_227 = arith.ori %or3A_225, %or3A_226 : i1
        %or3A_228 = arith.ori %or3A_227, %eq3A_165 : i1
        %convert_element_type3A_229 = arith.extui %or3A_228 : i1 to i32
        %cond3A_230 = arith.constant 0 : i32
        %cond3A_231 = arith.cmpi ne, %convert_element_type3A_229, %cond3A_230 : i32
        scf.if %cond3A_231 {
          "tpu.trace_start"() <{level = 10 : i32, message = "ep_wait_in"}> : () -> ()
          %mul3A_312 = arith.constant 128 : i32
          %mul3A_313 = arith.muli %mul3A_312, %add3A_168 : i32
          %rem3A_314 = arith.constant 2 : i32
          %rem3A_315 = arith.remui %scan3A_160, %rem3A_314 : i32
          %dma_wait3A = arith.constant 0 : i32
          %dma_wait3A_316 = arith.constant 0 : i32
          %dma_wait3A_317 = tpu.memref_slice %run_scoped3A[%rem3A_315, %dma_wait3A, %dma_wait3A_316] : memref<2x128x128xf32, #tpu.memory_space<vmem>> -> memref<1x128x128xf32, #tpu.memory_space<vmem>>
          %dma_wait3A_318 = tpu.memref_squeeze %dma_wait3A_317 : memref<1x128x128xf32, #tpu.memory_space<vmem>> -> memref<128x128xf32, #tpu.memory_space<vmem>>
          %dma_wait3A_319 = arith.constant 0 : i32
          %dma_wait3A_320 = tpu.memref_slice %arg3[%mul3A_313, %dma_wait3A_319] : memref<81920x128xf32, #tpu.memory_space<hbm>> -> memref<128x128xf32, #tpu.memory_space<hbm>>
          %dma_wait3A_321 = tpu.memref_slice %run_scoped3A_37[%rem3A_315] : memref<2x!tpu.dma_semaphore, #tpu.memory_space<semaphore_mem>> -> memref<1x!tpu.dma_semaphore, #tpu.memory_space<semaphore_mem>>
          %dma_wait3A_322 = tpu.memref_squeeze %dma_wait3A_321 : memref<1x!tpu.dma_semaphore, #tpu.memory_space<semaphore_mem>> -> memref<!tpu.dma_semaphore, #tpu.memory_space<semaphore_mem>>
          %dma_wait3A_323 = arith.constant 0 : i32
          %dma_wait3A_324 = arith.constant 0 : i32
          %dma_wait3A_325 = tpu.memref_slice %run_scoped3A[%rem3A_315, %dma_wait3A_323, %dma_wait3A_324] : memref<2x128x128xf32, #tpu.memory_space<vmem>> -> memref<1x128x128xf32, #tpu.memory_space<vmem>>
          %dma_wait3A_326 = tpu.memref_squeeze %dma_wait3A_325 : memref<1x128x128xf32, #tpu.memory_space<vmem>> -> memref<128x128xf32, #tpu.memory_space<vmem>>
          %dma_wait3A_327 = arith.constant 0 : i32
          %dma_wait3A_328 = tpu.memref_slice %arg3[%mul3A_313, %dma_wait3A_327] : memref<81920x128xf32, #tpu.memory_space<hbm>> -> memref<128x128xf32, #tpu.memory_space<hbm>>
          tpu.wait_dma2 semaphore(%dma_wait3A_322 : memref<!tpu.dma_semaphore, #tpu.memory_space<semaphore_mem>>) src(%dma_wait3A_328 : memref<128x128xf32, #tpu.memory_space<hbm>>) dst(%dma_wait3A_326 : memref<128x128xf32, #tpu.memory_space<vmem>>)
          "tpu.trace_stop"() : () -> ()
        } else {
        }
        %ne3A_232 = arith.cmpi ne, %add3A_168, %add3A_177 : i32
        %or3A_233 = arith.constant false
        %or3A_234 = arith.ori %or3A_233, %ne3A_232 : i1
        %or3A_235 = arith.ori %or3A_234, %eq3A_165 : i1
        %convert_element_type3A_236 = arith.extui %or3A_235 : i1 to i32
        %cond3A_237 = arith.constant 0 : i32
        %cond3A_238 = arith.cmpi ne, %convert_element_type3A_236, %cond3A_237 : i32
        scf.if %cond3A_238 {
          "tpu.trace_start"() <{level = 10 : i32, message = "ep_wait_in"}> : () -> ()
          %mul3A_312 = arith.constant 128 : i32
          %mul3A_313 = arith.muli %mul3A_312, %add3A_168 : i32
          %rem3A_314 = arith.constant 2 : i32
          %rem3A_315 = arith.remui %scan3A_162, %rem3A_314 : i32
          %dma_wait3A = arith.constant 0 : i32
          %dma_wait3A_316 = arith.constant 0 : i32
          %dma_wait3A_317 = tpu.memref_slice %run_scoped3A_38[%rem3A_315, %dma_wait3A, %dma_wait3A_316] : memref<2x1x128xi32, #tpu.memory_space<vmem>> -> memref<1x1x128xi32, #tpu.memory_space<vmem>>
          %dma_wait3A_318 = tpu.memref_squeeze %dma_wait3A_317 : memref<1x1x128xi32, #tpu.memory_space<vmem>> -> memref<1x128xi32, #tpu.memory_space<vmem>>
          %dma_wait3A_319 = arith.constant 1 : i32
          %dma_wait3A_320 = tpu.memref_slice %arg6[%dma_wait3A_319, %mul3A_313] : memref<4x81920xi32, #tpu.memory_space<hbm>> -> memref<1x128xi32, #tpu.memory_space<hbm>>
          %dma_wait3A_321 = tpu.memref_slice %run_scoped3A_39[%rem3A_315] : memref<2x!tpu.dma_semaphore, #tpu.memory_space<semaphore_mem>> -> memref<1x!tpu.dma_semaphore, #tpu.memory_space<semaphore_mem>>
          %dma_wait3A_322 = tpu.memref_squeeze %dma_wait3A_321 : memref<1x!tpu.dma_semaphore, #tpu.memory_space<semaphore_mem>> -> memref<!tpu.dma_semaphore, #tpu.memory_space<semaphore_mem>>
          %dma_wait3A_323 = arith.constant 0 : i32
          %dma_wait3A_324 = arith.constant 0 : i32
          %dma_wait3A_325 = tpu.memref_slice %run_scoped3A_38[%rem3A_315, %dma_wait3A_323, %dma_wait3A_324] : memref<2x1x128xi32, #tpu.memory_space<vmem>> -> memref<1x1x128xi32, #tpu.memory_space<vmem>>
          %dma_wait3A_326 = tpu.memref_squeeze %dma_wait3A_325 : memref<1x1x128xi32, #tpu.memory_space<vmem>> -> memref<1x128xi32, #tpu.memory_space<vmem>>
          %dma_wait3A_327 = arith.constant 1 : i32
          %dma_wait3A_328 = tpu.memref_slice %arg6[%dma_wait3A_327, %mul3A_313] : memref<4x81920xi32, #tpu.memory_space<hbm>> -> memref<1x128xi32, #tpu.memory_space<hbm>>
          tpu.wait_dma2 semaphore(%dma_wait3A_322 : memref<!tpu.dma_semaphore, #tpu.memory_space<semaphore_mem>>) src(%dma_wait3A_328 : memref<1x128xi32, #tpu.memory_space<hbm>>) dst(%dma_wait3A_326 : memref<1x128xi32, #tpu.memory_space<vmem>>)
          "tpu.trace_stop"() : () -> ()
        } else {
        }
        %rem3A_239 = arith.constant 2 : i32
        %rem3A_240 = arith.remui %scan3A_160, %rem3A_239 : i32
        %rem3A_241 = arith.constant 2 : i32
        %rem3A_242 = arith.remui %scan3A_162, %rem3A_241 : i32
        %run_scoped3A_243 = arith.constant 0 : i32
        "tpu.trace_start"() <{level = 10 : i32, message = "ep_run_kernel"}> : () -> ()
        "tpu.region"() ({
          %run_scoped3A_312 = tpu.sem_alloc : memref<!tpu.dma_semaphore, #tpu.memory_space<semaphore_mem>>
          %dma_start3A_313 = arith.constant 0 : i32
          %dma_start3A_314 = arith.constant 0 : i32
          %dma_start3A_315 = tpu.memref_slice %run_scoped3A[%rem3A_240, %dma_start3A_313, %dma_start3A_314] : memref<2x128x128xf32, #tpu.memory_space<vmem>> -> memref<1x128x128xf32, #tpu.memory_space<vmem>>
          %dma_start3A_316 = tpu.memref_squeeze %dma_start3A_315 : memref<1x128x128xf32, #tpu.memory_space<vmem>> -> memref<128x128xf32, #tpu.memory_space<vmem>>
          %dma_start3A_317 = arith.constant 0 : i32
          %dma_start3A_318 = arith.constant 0 : i32
          %dma_start3A_319 = tpu.memref_slice %run_scoped3A_38[%rem3A_242, %dma_start3A_317, %dma_start3A_318] : memref<2x1x128xi32, #tpu.memory_space<vmem>> -> memref<1x1x128xi32, #tpu.memory_space<vmem>>
          %dma_start3A_320 = tpu.memref_squeeze %dma_start3A_319 : memref<1x1x128xi32, #tpu.memory_space<vmem>> -> memref<1x128xi32, #tpu.memory_space<vmem>>
          %dma_start3A_321 = arith.constant 0 : i32
          %dma_start3A_322 = tpu.memref_slice %dma_start3A_320[%run_scoped3A_243, %dma_start3A_321] : memref<1x128xi32, #tpu.memory_space<vmem>> -> memref<1x128xi32, #tpu.memory_space<vmem>>
          %dma_start3A_323 = tpu.memref_squeeze %dma_start3A_322 : memref<1x128xi32, #tpu.memory_space<vmem>> -> memref<128xi32, #tpu.memory_space<vmem>>
          %dma_start3A_324 = arith.constant 0 : i32
          %dma_start3A_325 = arith.constant 0 : i32
          %dma_start3A_326 = tpu.memref_slice %arg9[%dma_start3A_324, %dma_start3A_325] : memref<10240x128xf32, #tpu.memory_space<vmem_shared>> -> memref<10240x128xf32, #tpu.memory_space<vmem_shared>>
          tpu.enqueue_indirect_dma source(%dma_start3A_316 : memref<128x128xf32, #tpu.memory_space<vmem>>) target(%dma_start3A_326 : memref<10240x128xf32, #tpu.memory_space<vmem_shared>>) offsets(%dma_start3A_323 : memref<128xi32, #tpu.memory_space<vmem>>) semaphore(%run_scoped3A_312 : memref<!tpu.dma_semaphore, #tpu.memory_space<semaphore_mem>>) {add = true}
          %dma_wait3A = arith.constant 0 : i32
          %dma_wait3A_327 = arith.constant 0 : i32
          %dma_wait3A_328 = tpu.memref_slice %run_scoped3A[%rem3A_240, %dma_wait3A, %dma_wait3A_327] : memref<2x128x128xf32, #tpu.memory_space<vmem>> -> memref<1x128x128xf32, #tpu.memory_space<vmem>>
          %dma_wait3A_329 = tpu.memref_squeeze %dma_wait3A_328 : memref<1x128x128xf32, #tpu.memory_space<vmem>> -> memref<128x128xf32, #tpu.memory_space<vmem>>
          %dma_wait3A_330 = arith.constant 0 : i32
          %dma_wait3A_331 = arith.constant 0 : i32
          %dma_wait3A_332 = tpu.memref_slice %run_scoped3A_38[%rem3A_242, %dma_wait3A_330, %dma_wait3A_331] : memref<2x1x128xi32, #tpu.memory_space<vmem>> -> memref<1x1x128xi32, #tpu.memory_space<vmem>>
          %dma_wait3A_333 = tpu.memref_squeeze %dma_wait3A_332 : memref<1x1x128xi32, #tpu.memory_space<vmem>> -> memref<1x128xi32, #tpu.memory_space<vmem>>
          %dma_wait3A_334 = arith.constant 0 : i32
          %dma_wait3A_335 = tpu.memref_slice %dma_wait3A_333[%run_scoped3A_243, %dma_wait3A_334] : memref<1x128xi32, #tpu.memory_space<vmem>> -> memref<1x128xi32, #tpu.memory_space<vmem>>
          %dma_wait3A_336 = tpu.memref_squeeze %dma_wait3A_335 : memref<1x128xi32, #tpu.memory_space<vmem>> -> memref<128xi32, #tpu.memory_space<vmem>>
          %dma_wait3A_337 = arith.constant 0 : i32
          %dma_wait3A_338 = arith.constant 0 : i32
          %dma_wait3A_339 = tpu.memref_slice %arg9[%dma_wait3A_337, %dma_wait3A_338] : memref<10240x128xf32, #tpu.memory_space<vmem_shared>> -> memref<10240x128xf32, #tpu.memory_space<vmem_shared>>
          tpu.wait_indirect_dma semaphore(%run_scoped3A_312 : memref<!tpu.dma_semaphore, #tpu.memory_space<semaphore_mem>>) src(%dma_wait3A_329 : memref<128x128xf32, #tpu.memory_space<vmem>>) dst(%dma_wait3A_339 : memref<10240x128xf32, #tpu.memory_space<vmem_shared>>)
          tpu.yield
        }) : () -> ()
        "tpu.trace_stop"() : () -> ()
        %ne3A_244 = arith.cmpi ne, %add3A_168, %add3A_186 : i32
        %or3A_245 = arith.constant false
        %or3A_246 = arith.ori %or3A_245, %ne3A_244 : i1
        %or3A_247 = arith.constant false
        %or3A_248 = arith.ori %or3A_246, %or3A_247 : i1
        %or3A_249 = arith.ori %or3A_248, %eq3A_167 : i1
        %convert_element_type3A_250 = arith.extui %or3A_249 : i1 to i32
        %cond3A_251 = arith.constant 0 : i32
        %cond3A_252 = arith.cmpi ne, %convert_element_type3A_250, %cond3A_251 : i32
        scf.if %cond3A_252 {
        } else {
        }
        %and3A_253 = arith.constant false
        %and3A_254 = arith.andi %or3A_249, %and3A_253 : i1
        %ne3A_255 = arith.cmpi ne, %add3A_168, %add3A_186 : i32
        %or3A_256 = arith.constant false
        %or3A_257 = arith.ori %or3A_256, %ne3A_255 : i1
        %or3A_258 = arith.ori %or3A_257, %eq3A_167 : i1
        %convert_element_type3A_259 = arith.extui %or3A_258 : i1 to i32
        %cond3A_260 = arith.constant 0 : i32
        %cond3A_261 = arith.cmpi ne, %convert_element_type3A_259, %cond3A_260 : i32
        scf.if %cond3A_261 {
        } else {
        }
        %and3A_262 = arith.constant false
        %and3A_263 = arith.andi %or3A_258, %and3A_262 : i1
        %ne3A_264 = arith.cmpi ne, %add3A_168, %add3A_177 : i32
        %or3A_265 = arith.constant false
        %or3A_266 = arith.ori %or3A_265, %ne3A_264 : i1
        %or3A_267 = arith.constant false
        %or3A_268 = arith.ori %or3A_266, %or3A_267 : i1
        %not3A_269 = arith.constant true
        %not3A_270 = arith.xori %eq3A_165, %not3A_269 : i1
        %and3A_271 = arith.andi %or3A_268, %not3A_270 : i1
        %convert_element_type3A_272 = arith.extui %and3A_271 : i1 to i32
        %cond3A_273 = arith.constant 0 : i32
        %cond3A_274 = arith.cmpi ne, %convert_element_type3A_272, %cond3A_273 : i32
        scf.if %cond3A_274 {
        } else {
        }
        %and3A_275 = arith.constant false
        %and3A_276 = arith.andi %and3A_271, %and3A_275 : i1
        %ne3A_277 = arith.cmpi ne, %add3A_168, %add3A_177 : i32
        %or3A_278 = arith.constant false
        %or3A_279 = arith.ori %or3A_278, %ne3A_277 : i1
        %not3A_280 = arith.constant true
        %not3A_281 = arith.xori %eq3A_165, %not3A_280 : i1
        %and3A_282 = arith.andi %or3A_279, %not3A_281 : i1
        %convert_element_type3A_283 = arith.extui %and3A_282 : i1 to i32
        %cond3A_284 = arith.constant 0 : i32
        %cond3A_285 = arith.cmpi ne, %convert_element_type3A_283, %cond3A_284 : i32
        scf.if %cond3A_285 {
        } else {
        }
        %and3A_286 = arith.constant false
        %and3A_287 = arith.andi %and3A_282, %and3A_286 : i1
        %ne3A_288 = arith.cmpi ne, %add3A_168, %add3A_186 : i32
        %or3A_289 = arith.constant false
        %or3A_290 = arith.ori %or3A_289, %ne3A_288 : i1
        %or3A_291 = arith.constant false
        %or3A_292 = arith.ori %or3A_290, %or3A_291 : i1
        %or3A_293 = arith.ori %or3A_292, %eq3A_167 : i1
        %add3A_294 = arith.constant 1 : i32
        %add3A_295 = arith.addi %scan3A_160, %add3A_294 : i32
        %select_n3A_296 = arith.select %or3A_293, %add3A_295, %scan3A_160 : i32
        %ne3A_297 = arith.cmpi ne, %add3A_168, %add3A_186 : i32
        %or3A_298 = arith.constant false
        %or3A_299 = arith.ori %or3A_298, %ne3A_297 : i1
        %or3A_300 = arith.ori %or3A_299, %eq3A_167 : i1
        %add3A_301 = arith.constant 1 : i32
        %add3A_302 = arith.addi %scan3A_162, %add3A_301 : i32
        %select_n3A_303 = arith.select %or3A_300, %add3A_302, %scan3A_162 : i32
        %add3A_304 = arith.constant 1 : i32
        %add3A_305 = arith.addi %scan3A_163, %add3A_304 : i32
        %select_n3A_306 = arith.constant true
        %select_n3A_307 = arith.select %select_n3A_306, %add3A_305, %scan3A_163 : i32
        %eq3A_308 = arith.constant 20 : i32
        %eq3A_309 = arith.cmpi eq, %select_n3A_307, %eq3A_308 : i32
        %select_n3A_310 = arith.constant 0 : i32
        %select_n3A_311 = arith.select %eq3A_309, %select_n3A_310, %select_n3A_307 : i32
        scf.yield %select_n3A_206, %select_n3A_296, %select_n3A_222, %select_n3A_303, %select_n3A_311 : i32, i32, i32, i32, i32
      }
      %scan3A_122 = arith.constant 20 : i32
      %sub3A = arith.constant 1 : i32
      %sub3A_123 = arith.subi %scan3A_121#4, %sub3A : i32
      %select_n3A_124 = arith.constant true
      %select_n3A_125 = arith.select %select_n3A_124, %sub3A_123, %scan3A_121#4 : i32
      %eq3A_126 = arith.constant -1 : i32
      %eq3A_127 = arith.cmpi eq, %select_n3A_125, %eq3A_126 : i32
      %select_n3A_128 = arith.constant 19 : i32
      %select_n3A_129 = arith.select %eq3A_127, %select_n3A_128, %select_n3A_125 : i32
      %add3A_130 = arith.addi %select_n3A_129, %mul3A_17 : i32
      %sub3A_131 = arith.constant 1 : i32
      %sub3A_132 = arith.subi %select_n3A_129, %sub3A_131 : i32
      %select_n3A_133 = arith.constant true
      %select_n3A_134 = arith.select %select_n3A_133, %sub3A_132, %select_n3A_129 : i32
      %eq3A_135 = arith.constant -1 : i32
      %eq3A_136 = arith.cmpi eq, %select_n3A_134, %eq3A_135 : i32
      %select_n3A_137 = arith.constant 19 : i32
      %select_n3A_138 = arith.select %eq3A_136, %select_n3A_137, %select_n3A_134 : i32
      %add3A_139 = arith.addi %select_n3A_138, %mul3A_17 : i32
      %add3A_140 = arith.constant 1 : i32
      %add3A_141 = arith.addi %select_n3A_129, %add3A_140 : i32
      %select_n3A_142 = arith.constant true
      %select_n3A_143 = arith.select %select_n3A_142, %add3A_141, %select_n3A_129 : i32
      %eq3A_144 = arith.constant 20 : i32
      %eq3A_145 = arith.cmpi eq, %select_n3A_143, %eq3A_144 : i32
      %select_n3A_146 = arith.constant 0 : i32
      %select_n3A_147 = arith.select %eq3A_145, %select_n3A_146, %select_n3A_143 : i32
      %add3A_148 = arith.addi %select_n3A_147, %mul3A_17 : i32
      %add3A_149 = arith.constant 1 : i32
      %add3A_150 = arith.addi %select_n3A_147, %add3A_149 : i32
      %select_n3A_151 = arith.constant true
      %select_n3A_152 = arith.select %select_n3A_151, %add3A_150, %select_n3A_147 : i32
      %eq3A_153 = arith.constant 20 : i32
      %eq3A_154 = arith.cmpi eq, %select_n3A_152, %eq3A_153 : i32
      %select_n3A_155 = arith.constant 0 : i32
      %select_n3A_156 = arith.select %eq3A_154, %select_n3A_155, %select_n3A_152 : i32
      %add3A_157 = arith.addi %select_n3A_156, %mul3A_17 : i32
      tpu.yield
    }) : () -> ()
    %mul3A_18 = arith.constant 1 : i32
    %mul3A_19 = arith.muli %arg1, %mul3A_18 : i32
    %add3A_20 = arith.constant 0 : i32
    %add3A_21 = arith.addi %add3A_20, %mul3A_19 : i32
    %mul3A_22 = arith.constant 16 : i32
    %mul3A_23 = arith.muli %arg0, %mul3A_22 : i32
    %add3A_24 = arith.addi %add3A_21, %mul3A_23 : i32
    %mul3A_25 = arith.constant 20 : i32
    %mul3A_26 = arith.muli %add3A_24, %mul3A_25 : i32
    "tpu.region"() ({
      %run_scoped3A = memref.alloca() : memref<2x128x128xf32, #tpu.memory_space<vmem>>
      %run_scoped3A_37 = tpu.sem_alloc : memref<2x!tpu.dma_semaphore, #tpu.memory_space<semaphore_mem>>
      %run_scoped3A_38 = memref.alloca() : memref<2x1x128xi32, #tpu.memory_space<vmem>>
      %run_scoped3A_39 = tpu.sem_alloc : memref<2x!tpu.dma_semaphore, #tpu.memory_space<semaphore_mem>>
      %add3A_40 = arith.constant 0 : i32
      %add3A_41 = arith.addi %add3A_40, %mul3A_26 : i32
      %select_n3A = arith.constant true
      %select_n3A_42 = arith.constant 0 : i32
      %select_n3A_43 = arith.constant -1 : i32
      %select_n3A_44 = arith.select %select_n3A, %select_n3A_43, %select_n3A_42 : i32
      %eq3A = arith.constant -1 : i32
      %eq3A_45 = arith.cmpi eq, %select_n3A_44, %eq3A : i32
      %select_n3A_46 = arith.constant 19 : i32
      %select_n3A_47 = arith.select %eq3A_45, %select_n3A_46, %select_n3A_44 : i32
      %add3A_48 = arith.addi %select_n3A_47, %mul3A_26 : i32
      %select_n3A_49 = arith.constant true
      %select_n3A_50 = arith.constant 0 : i32
      %select_n3A_51 = arith.constant 1 : i32
      %select_n3A_52 = arith.select %select_n3A_49, %select_n3A_51, %select_n3A_50 : i32
      %eq3A_53 = arith.constant 20 : i32
      %eq3A_54 = arith.cmpi eq, %select_n3A_52, %eq3A_53 : i32
      %select_n3A_55 = arith.constant 0 : i32
      %select_n3A_56 = arith.select %eq3A_54, %select_n3A_55, %select_n3A_52 : i32
      %add3A_57 = arith.addi %select_n3A_56, %mul3A_26 : i32
      %add3A_58 = arith.constant 1 : i32
      %add3A_59 = arith.addi %select_n3A_56, %add3A_58 : i32
      %select_n3A_60 = arith.constant true
      %select_n3A_61 = arith.select %select_n3A_60, %add3A_59, %select_n3A_56 : i32
      %eq3A_62 = arith.constant 20 : i32
      %eq3A_63 = arith.cmpi eq, %select_n3A_61, %eq3A_62 : i32
      %select_n3A_64 = arith.constant 0 : i32
      %select_n3A_65 = arith.select %eq3A_63, %select_n3A_64, %select_n3A_61 : i32
      %add3A_66 = arith.addi %select_n3A_65, %mul3A_26 : i32
      "tpu.trace_start"() <{level = 10 : i32, message = "ep_initialize_0"}> : () -> ()
      %rem3A = arith.constant 0 : i32
      %rem3A_67 = arith.constant 2 : i32
      %rem3A_68 = arith.remui %rem3A, %rem3A_67 : i32
      %mul3A_69 = arith.constant 128 : i32
      %mul3A_70 = arith.muli %mul3A_69, %add3A_41 : i32
      %dma_start3A = arith.constant 0 : i32
      %dma_start3A_71 = arith.constant 0 : i32
      %dma_start3A_72 = tpu.memref_slice %run_scoped3A[%rem3A_68, %dma_start3A, %dma_start3A_71] : memref<2x128x128xf32, #tpu.memory_space<vmem>> -> memref<1x128x128xf32, #tpu.memory_space<vmem>>
      %dma_start3A_73 = tpu.memref_squeeze %dma_start3A_72 : memref<1x128x128xf32, #tpu.memory_space<vmem>> -> memref<128x128xf32, #tpu.memory_space<vmem>>
      %dma_start3A_74 = arith.constant 0 : i32
      %dma_start3A_75 = tpu.memref_slice %arg4[%mul3A_70, %dma_start3A_74] : memref<81920x128xf32, #tpu.memory_space<hbm>> -> memref<128x128xf32, #tpu.memory_space<hbm>>
      %dma_start3A_76 = tpu.memref_slice %run_scoped3A_37[%rem3A_68] : memref<2x!tpu.dma_semaphore, #tpu.memory_space<semaphore_mem>> -> memref<1x!tpu.dma_semaphore, #tpu.memory_space<semaphore_mem>>
      %dma_start3A_77 = tpu.memref_squeeze %dma_start3A_76 : memref<1x!tpu.dma_semaphore, #tpu.memory_space<semaphore_mem>> -> memref<!tpu.dma_semaphore, #tpu.memory_space<semaphore_mem>>
      %dma_start3A_78 = arith.constant 0 : i32
      %dma_start3A_79 = arith.constant 0 : i32
      %dma_start3A_80 = tpu.memref_slice %run_scoped3A[%rem3A_68, %dma_start3A_78, %dma_start3A_79] : memref<2x128x128xf32, #tpu.memory_space<vmem>> -> memref<1x128x128xf32, #tpu.memory_space<vmem>>
      %dma_start3A_81 = tpu.memref_squeeze %dma_start3A_80 : memref<1x128x128xf32, #tpu.memory_space<vmem>> -> memref<128x128xf32, #tpu.memory_space<vmem>>
      %dma_start3A_82 = arith.constant 0 : i32
      %dma_start3A_83 = tpu.memref_slice %arg4[%mul3A_70, %dma_start3A_82] : memref<81920x128xf32, #tpu.memory_space<hbm>> -> memref<128x128xf32, #tpu.memory_space<hbm>>
      tpu.enqueue_dma source(%dma_start3A_83 : memref<128x128xf32, #tpu.memory_space<hbm>>) target(%dma_start3A_81 : memref<128x128xf32, #tpu.memory_space<vmem>>) target_semaphore(%dma_start3A_77 : memref<!tpu.dma_semaphore, #tpu.memory_space<semaphore_mem>>)
      %add3A_84 = arith.constant 0 : i32
      %add3A_85 = arith.constant 1 : i32
      %add3A_86 = arith.addi %add3A_84, %add3A_85 : i32
      %select_n3A_87 = arith.constant true
      %select_n3A_88 = arith.constant 0 : i32
      %select_n3A_89 = arith.select %select_n3A_87, %add3A_86, %select_n3A_88 : i32
      %rem3A_90 = arith.constant 0 : i32
      %rem3A_91 = arith.constant 2 : i32
      %rem3A_92 = arith.remui %rem3A_90, %rem3A_91 : i32
      %mul3A_93 = arith.constant 128 : i32
      %mul3A_94 = arith.muli %mul3A_93, %add3A_41 : i32
      %dma_start3A_95 = arith.constant 0 : i32
      %dma_start3A_96 = arith.constant 0 : i32
      %dma_start3A_97 = tpu.memref_slice %run_scoped3A_38[%rem3A_92, %dma_start3A_95, %dma_start3A_96] : memref<2x1x128xi32, #tpu.memory_space<vmem>> -> memref<1x1x128xi32, #tpu.memory_space<vmem>>
      %dma_start3A_98 = tpu.memref_squeeze %dma_start3A_97 : memref<1x1x128xi32, #tpu.memory_space<vmem>> -> memref<1x128xi32, #tpu.memory_space<vmem>>
      %dma_start3A_99 = arith.constant 2 : i32
      %dma_start3A_100 = tpu.memref_slice %arg6[%dma_start3A_99, %mul3A_94] : memref<4x81920xi32, #tpu.memory_space<hbm>> -> memref<1x128xi32, #tpu.memory_space<hbm>>
      %dma_start3A_101 = tpu.memref_slice %run_scoped3A_39[%rem3A_92] : memref<2x!tpu.dma_semaphore, #tpu.memory_space<semaphore_mem>> -> memref<1x!tpu.dma_semaphore, #tpu.memory_space<semaphore_mem>>
      %dma_start3A_102 = tpu.memref_squeeze %dma_start3A_101 : memref<1x!tpu.dma_semaphore, #tpu.memory_space<semaphore_mem>> -> memref<!tpu.dma_semaphore, #tpu.memory_space<semaphore_mem>>
      %dma_start3A_103 = arith.constant 0 : i32
      %dma_start3A_104 = arith.constant 0 : i32
      %dma_start3A_105 = tpu.memref_slice %run_scoped3A_38[%rem3A_92, %dma_start3A_103, %dma_start3A_104] : memref<2x1x128xi32, #tpu.memory_space<vmem>> -> memref<1x1x128xi32, #tpu.memory_space<vmem>>
      %dma_start3A_106 = tpu.memref_squeeze %dma_start3A_105 : memref<1x1x128xi32, #tpu.memory_space<vmem>> -> memref<1x128xi32, #tpu.memory_space<vmem>>
      %dma_start3A_107 = arith.constant 2 : i32
      %dma_start3A_108 = tpu.memref_slice %arg6[%dma_start3A_107, %mul3A_94] : memref<4x81920xi32, #tpu.memory_space<hbm>> -> memref<1x128xi32, #tpu.memory_space<hbm>>
      tpu.enqueue_dma source(%dma_start3A_108 : memref<1x128xi32, #tpu.memory_space<hbm>>) target(%dma_start3A_106 : memref<1x128xi32, #tpu.memory_space<vmem>>) target_semaphore(%dma_start3A_102 : memref<!tpu.dma_semaphore, #tpu.memory_space<semaphore_mem>>)
      %add3A_109 = arith.constant 0 : i32
      %add3A_110 = arith.constant 1 : i32
      %add3A_111 = arith.addi %add3A_109, %add3A_110 : i32
      %select_n3A_112 = arith.constant true
      %select_n3A_113 = arith.constant 0 : i32
      %select_n3A_114 = arith.select %select_n3A_112, %add3A_111, %select_n3A_113 : i32
      "tpu.trace_stop"() : () -> ()
      %scan3A = arith.constant 0 : i32
      %scan3A_115 = arith.constant 0 : i32
      %scan3A_116 = arith.constant 0 : i32
      %scan3A_117 = arith.constant 0 : i32
      %scan3A_118 = arith.constant 20 : i32
      %scan3A_119 = arith.addi %scan3A_117, %scan3A_118 : i32
      %scan3A_120 = arith.constant 1 : i32
      %scan3A_121:5 = scf.for %scan3A_158 = %scan3A_117 to %scan3A_119 step %scan3A_120 iter_args(%scan3A_159 = %select_n3A_89, %scan3A_160 = %scan3A, %scan3A_161 = %select_n3A_114, %scan3A_162 = %scan3A_115, %scan3A_163 = %scan3A_116) -> (i32, i32, i32, i32, i32)  : i32 {
        %eq3A_164 = arith.constant 0 : i32
        %eq3A_165 = arith.cmpi eq, %scan3A_158, %eq3A_164 : i32
        %eq3A_166 = arith.constant 19 : i32
        %eq3A_167 = arith.cmpi eq, %scan3A_158, %eq3A_166 : i32
        %add3A_168 = arith.addi %scan3A_163, %mul3A_26 : i32
        %sub3A_169 = arith.constant 1 : i32
        %sub3A_170 = arith.subi %scan3A_163, %sub3A_169 : i32
        %select_n3A_171 = arith.constant true
        %select_n3A_172 = arith.select %select_n3A_171, %sub3A_170, %scan3A_163 : i32
        %eq3A_173 = arith.constant -1 : i32
        %eq3A_174 = arith.cmpi eq, %select_n3A_172, %eq3A_173 : i32
        %select_n3A_175 = arith.constant 19 : i32
        %select_n3A_176 = arith.select %eq3A_174, %select_n3A_175, %select_n3A_172 : i32
        %add3A_177 = arith.addi %select_n3A_176, %mul3A_26 : i32
        %add3A_178 = arith.constant 1 : i32
        %add3A_179 = arith.addi %scan3A_163, %add3A_178 : i32
        %select_n3A_180 = arith.constant true
        %select_n3A_181 = arith.select %select_n3A_180, %add3A_179, %scan3A_163 : i32
        %eq3A_182 = arith.constant 20 : i32
        %eq3A_183 = arith.cmpi eq, %select_n3A_181, %eq3A_182 : i32
        %select_n3A_184 = arith.constant 0 : i32
        %select_n3A_185 = arith.select %eq3A_183, %select_n3A_184, %select_n3A_181 : i32
        %add3A_186 = arith.addi %select_n3A_185, %mul3A_26 : i32
        %add3A_187 = arith.constant 1 : i32
        %add3A_188 = arith.addi %select_n3A_185, %add3A_187 : i32
        %select_n3A_189 = arith.constant true
        %select_n3A_190 = arith.select %select_n3A_189, %add3A_188, %select_n3A_185 : i32
        %eq3A_191 = arith.constant 20 : i32
        %eq3A_192 = arith.cmpi eq, %select_n3A_190, %eq3A_191 : i32
        %select_n3A_193 = arith.constant 0 : i32
        %select_n3A_194 = arith.select %eq3A_192, %select_n3A_193, %select_n3A_190 : i32
        %add3A_195 = arith.addi %select_n3A_194, %mul3A_26 : i32
        %ne3A = arith.cmpi ne, %add3A_168, %add3A_186 : i32
        %or3A = arith.constant false
        %or3A_196 = arith.ori %or3A, %ne3A : i1
        %or3A_197 = arith.constant false
        %or3A_198 = arith.ori %or3A_196, %or3A_197 : i1
        %ge3A = arith.constant 19 : i32
        %ge3A_199 = arith.cmpi sge, %scan3A_158, %ge3A : i32
        %not3A = arith.constant true
        %not3A_200 = arith.xori %ge3A_199, %not3A : i1
        %and3A = arith.andi %or3A_198, %not3A_200 : i1
        %convert_element_type3A = arith.extui %and3A : i1 to i32
        %cond3A = arith.constant 0 : i32
        %cond3A_201 = arith.cmpi ne, %convert_element_type3A, %cond3A : i32
        scf.if %cond3A_201 {
          "tpu.trace_start"() <{level = 10 : i32, message = "ep_copy_in"}> : () -> ()
          %rem3A_312 = arith.constant 2 : i32
          %rem3A_313 = arith.remui %scan3A_159, %rem3A_312 : i32
          %mul3A_314 = arith.constant 128 : i32
          %mul3A_315 = arith.muli %mul3A_314, %add3A_186 : i32
          %dma_start3A_316 = arith.constant 0 : i32
          %dma_start3A_317 = arith.constant 0 : i32
          %dma_start3A_318 = tpu.memref_slice %run_scoped3A[%rem3A_313, %dma_start3A_316, %dma_start3A_317] : memref<2x128x128xf32, #tpu.memory_space<vmem>> -> memref<1x128x128xf32, #tpu.memory_space<vmem>>
          %dma_start3A_319 = tpu.memref_squeeze %dma_start3A_318 : memref<1x128x128xf32, #tpu.memory_space<vmem>> -> memref<128x128xf32, #tpu.memory_space<vmem>>
          %dma_start3A_320 = arith.constant 0 : i32
          %dma_start3A_321 = tpu.memref_slice %arg4[%mul3A_315, %dma_start3A_320] : memref<81920x128xf32, #tpu.memory_space<hbm>> -> memref<128x128xf32, #tpu.memory_space<hbm>>
          %dma_start3A_322 = tpu.memref_slice %run_scoped3A_37[%rem3A_313] : memref<2x!tpu.dma_semaphore, #tpu.memory_space<semaphore_mem>> -> memref<1x!tpu.dma_semaphore, #tpu.memory_space<semaphore_mem>>
          %dma_start3A_323 = tpu.memref_squeeze %dma_start3A_322 : memref<1x!tpu.dma_semaphore, #tpu.memory_space<semaphore_mem>> -> memref<!tpu.dma_semaphore, #tpu.memory_space<semaphore_mem>>
          %dma_start3A_324 = arith.constant 0 : i32
          %dma_start3A_325 = arith.constant 0 : i32
          %dma_start3A_326 = tpu.memref_slice %run_scoped3A[%rem3A_313, %dma_start3A_324, %dma_start3A_325] : memref<2x128x128xf32, #tpu.memory_space<vmem>> -> memref<1x128x128xf32, #tpu.memory_space<vmem>>
          %dma_start3A_327 = tpu.memref_squeeze %dma_start3A_326 : memref<1x128x128xf32, #tpu.memory_space<vmem>> -> memref<128x128xf32, #tpu.memory_space<vmem>>
          %dma_start3A_328 = arith.constant 0 : i32
          %dma_start3A_329 = tpu.memref_slice %arg4[%mul3A_315, %dma_start3A_328] : memref<81920x128xf32, #tpu.memory_space<hbm>> -> memref<128x128xf32, #tpu.memory_space<hbm>>
          tpu.enqueue_dma source(%dma_start3A_329 : memref<128x128xf32, #tpu.memory_space<hbm>>) target(%dma_start3A_327 : memref<128x128xf32, #tpu.memory_space<vmem>>) target_semaphore(%dma_start3A_323 : memref<!tpu.dma_semaphore, #tpu.memory_space<semaphore_mem>>)
          "tpu.trace_stop"() : () -> ()
        } else {
        }
        %and3A_202 = arith.constant true
        %and3A_203 = arith.andi %and3A, %and3A_202 : i1
        %add3A_204 = arith.constant 1 : i32
        %add3A_205 = arith.addi %scan3A_159, %add3A_204 : i32
        %select_n3A_206 = arith.select %and3A_203, %add3A_205, %scan3A_159 : i32
        %ne3A_207 = arith.cmpi ne, %add3A_168, %add3A_186 : i32
        %or3A_208 = arith.constant false
        %or3A_209 = arith.ori %or3A_208, %ne3A_207 : i1
        %ge3A_210 = arith.constant 19 : i32
        %ge3A_211 = arith.cmpi sge, %scan3A_158, %ge3A_210 : i32
        %not3A_212 = arith.constant true
        %not3A_213 = arith.xori %ge3A_211, %not3A_212 : i1
        %and3A_214 = arith.andi %or3A_209, %not3A_213 : i1
        %convert_element_type3A_215 = arith.extui %and3A_214 : i1 to i32
        %cond3A_216 = arith.constant 0 : i32
        %cond3A_217 = arith.cmpi ne, %convert_element_type3A_215, %cond3A_216 : i32
        scf.if %cond3A_217 {
          "tpu.trace_start"() <{level = 10 : i32, message = "ep_copy_in"}> : () -> ()
          %rem3A_312 = arith.constant 2 : i32
          %rem3A_313 = arith.remui %scan3A_161, %rem3A_312 : i32
          %mul3A_314 = arith.constant 128 : i32
          %mul3A_315 = arith.muli %mul3A_314, %add3A_186 : i32
          %dma_start3A_316 = arith.constant 0 : i32
          %dma_start3A_317 = arith.constant 0 : i32
          %dma_start3A_318 = tpu.memref_slice %run_scoped3A_38[%rem3A_313, %dma_start3A_316, %dma_start3A_317] : memref<2x1x128xi32, #tpu.memory_space<vmem>> -> memref<1x1x128xi32, #tpu.memory_space<vmem>>
          %dma_start3A_319 = tpu.memref_squeeze %dma_start3A_318 : memref<1x1x128xi32, #tpu.memory_space<vmem>> -> memref<1x128xi32, #tpu.memory_space<vmem>>
          %dma_start3A_320 = arith.constant 2 : i32
          %dma_start3A_321 = tpu.memref_slice %arg6[%dma_start3A_320, %mul3A_315] : memref<4x81920xi32, #tpu.memory_space<hbm>> -> memref<1x128xi32, #tpu.memory_space<hbm>>
          %dma_start3A_322 = tpu.memref_slice %run_scoped3A_39[%rem3A_313] : memref<2x!tpu.dma_semaphore, #tpu.memory_space<semaphore_mem>> -> memref<1x!tpu.dma_semaphore, #tpu.memory_space<semaphore_mem>>
          %dma_start3A_323 = tpu.memref_squeeze %dma_start3A_322 : memref<1x!tpu.dma_semaphore, #tpu.memory_space<semaphore_mem>> -> memref<!tpu.dma_semaphore, #tpu.memory_space<semaphore_mem>>
          %dma_start3A_324 = arith.constant 0 : i32
          %dma_start3A_325 = arith.constant 0 : i32
          %dma_start3A_326 = tpu.memref_slice %run_scoped3A_38[%rem3A_313, %dma_start3A_324, %dma_start3A_325] : memref<2x1x128xi32, #tpu.memory_space<vmem>> -> memref<1x1x128xi32, #tpu.memory_space<vmem>>
          %dma_start3A_327 = tpu.memref_squeeze %dma_start3A_326 : memref<1x1x128xi32, #tpu.memory_space<vmem>> -> memref<1x128xi32, #tpu.memory_space<vmem>>
          %dma_start3A_328 = arith.constant 2 : i32
          %dma_start3A_329 = tpu.memref_slice %arg6[%dma_start3A_328, %mul3A_315] : memref<4x81920xi32, #tpu.memory_space<hbm>> -> memref<1x128xi32, #tpu.memory_space<hbm>>
          tpu.enqueue_dma source(%dma_start3A_329 : memref<1x128xi32, #tpu.memory_space<hbm>>) target(%dma_start3A_327 : memref<1x128xi32, #tpu.memory_space<vmem>>) target_semaphore(%dma_start3A_323 : memref<!tpu.dma_semaphore, #tpu.memory_space<semaphore_mem>>)
          "tpu.trace_stop"() : () -> ()
        } else {
        }
        %and3A_218 = arith.constant true
        %and3A_219 = arith.andi %and3A_214, %and3A_218 : i1
        %add3A_220 = arith.constant 1 : i32
        %add3A_221 = arith.addi %scan3A_161, %add3A_220 : i32
        %select_n3A_222 = arith.select %and3A_219, %add3A_221, %scan3A_161 : i32
        %ne3A_223 = arith.cmpi ne, %add3A_168, %add3A_177 : i32
        %or3A_224 = arith.constant false
        %or3A_225 = arith.ori %or3A_224, %ne3A_223 : i1
        %or3A_226 = arith.constant false
        %or3A_227 = arith.ori %or3A_225, %or3A_226 : i1
        %or3A_228 = arith.ori %or3A_227, %eq3A_165 : i1
        %convert_element_type3A_229 = arith.extui %or3A_228 : i1 to i32
        %cond3A_230 = arith.constant 0 : i32
        %cond3A_231 = arith.cmpi ne, %convert_element_type3A_229, %cond3A_230 : i32
        scf.if %cond3A_231 {
          "tpu.trace_start"() <{level = 10 : i32, message = "ep_wait_in"}> : () -> ()
          %mul3A_312 = arith.constant 128 : i32
          %mul3A_313 = arith.muli %mul3A_312, %add3A_168 : i32
          %rem3A_314 = arith.constant 2 : i32
          %rem3A_315 = arith.remui %scan3A_160, %rem3A_314 : i32
          %dma_wait3A = arith.constant 0 : i32
          %dma_wait3A_316 = arith.constant 0 : i32
          %dma_wait3A_317 = tpu.memref_slice %run_scoped3A[%rem3A_315, %dma_wait3A, %dma_wait3A_316] : memref<2x128x128xf32, #tpu.memory_space<vmem>> -> memref<1x128x128xf32, #tpu.memory_space<vmem>>
          %dma_wait3A_318 = tpu.memref_squeeze %dma_wait3A_317 : memref<1x128x128xf32, #tpu.memory_space<vmem>> -> memref<128x128xf32, #tpu.memory_space<vmem>>
          %dma_wait3A_319 = arith.constant 0 : i32
          %dma_wait3A_320 = tpu.memref_slice %arg4[%mul3A_313, %dma_wait3A_319] : memref<81920x128xf32, #tpu.memory_space<hbm>> -> memref<128x128xf32, #tpu.memory_space<hbm>>
          %dma_wait3A_321 = tpu.memref_slice %run_scoped3A_37[%rem3A_315] : memref<2x!tpu.dma_semaphore, #tpu.memory_space<semaphore_mem>> -> memref<1x!tpu.dma_semaphore, #tpu.memory_space<semaphore_mem>>
          %dma_wait3A_322 = tpu.memref_squeeze %dma_wait3A_321 : memref<1x!tpu.dma_semaphore, #tpu.memory_space<semaphore_mem>> -> memref<!tpu.dma_semaphore, #tpu.memory_space<semaphore_mem>>
          %dma_wait3A_323 = arith.constant 0 : i32
          %dma_wait3A_324 = arith.constant 0 : i32
          %dma_wait3A_325 = tpu.memref_slice %run_scoped3A[%rem3A_315, %dma_wait3A_323, %dma_wait3A_324] : memref<2x128x128xf32, #tpu.memory_space<vmem>> -> memref<1x128x128xf32, #tpu.memory_space<vmem>>
          %dma_wait3A_326 = tpu.memref_squeeze %dma_wait3A_325 : memref<1x128x128xf32, #tpu.memory_space<vmem>> -> memref<128x128xf32, #tpu.memory_space<vmem>>
          %dma_wait3A_327 = arith.constant 0 : i32
          %dma_wait3A_328 = tpu.memref_slice %arg4[%mul3A_313, %dma_wait3A_327] : memref<81920x128xf32, #tpu.memory_space<hbm>> -> memref<128x128xf32, #tpu.memory_space<hbm>>
          tpu.wait_dma2 semaphore(%dma_wait3A_322 : memref<!tpu.dma_semaphore, #tpu.memory_space<semaphore_mem>>) src(%dma_wait3A_328 : memref<128x128xf32, #tpu.memory_space<hbm>>) dst(%dma_wait3A_326 : memref<128x128xf32, #tpu.memory_space<vmem>>)
          "tpu.trace_stop"() : () -> ()
        } else {
        }
        %ne3A_232 = arith.cmpi ne, %add3A_168, %add3A_177 : i32
        %or3A_233 = arith.constant false
        %or3A_234 = arith.ori %or3A_233, %ne3A_232 : i1
        %or3A_235 = arith.ori %or3A_234, %eq3A_165 : i1
        %convert_element_type3A_236 = arith.extui %or3A_235 : i1 to i32
        %cond3A_237 = arith.constant 0 : i32
        %cond3A_238 = arith.cmpi ne, %convert_element_type3A_236, %cond3A_237 : i32
        scf.if %cond3A_238 {
          "tpu.trace_start"() <{level = 10 : i32, message = "ep_wait_in"}> : () -> ()
          %mul3A_312 = arith.constant 128 : i32
          %mul3A_313 = arith.muli %mul3A_312, %add3A_168 : i32
          %rem3A_314 = arith.constant 2 : i32
          %rem3A_315 = arith.remui %scan3A_162, %rem3A_314 : i32
          %dma_wait3A = arith.constant 0 : i32
          %dma_wait3A_316 = arith.constant 0 : i32
          %dma_wait3A_317 = tpu.memref_slice %run_scoped3A_38[%rem3A_315, %dma_wait3A, %dma_wait3A_316] : memref<2x1x128xi32, #tpu.memory_space<vmem>> -> memref<1x1x128xi32, #tpu.memory_space<vmem>>
          %dma_wait3A_318 = tpu.memref_squeeze %dma_wait3A_317 : memref<1x1x128xi32, #tpu.memory_space<vmem>> -> memref<1x128xi32, #tpu.memory_space<vmem>>
          %dma_wait3A_319 = arith.constant 2 : i32
          %dma_wait3A_320 = tpu.memref_slice %arg6[%dma_wait3A_319, %mul3A_313] : memref<4x81920xi32, #tpu.memory_space<hbm>> -> memref<1x128xi32, #tpu.memory_space<hbm>>
          %dma_wait3A_321 = tpu.memref_slice %run_scoped3A_39[%rem3A_315] : memref<2x!tpu.dma_semaphore, #tpu.memory_space<semaphore_mem>> -> memref<1x!tpu.dma_semaphore, #tpu.memory_space<semaphore_mem>>
          %dma_wait3A_322 = tpu.memref_squeeze %dma_wait3A_321 : memref<1x!tpu.dma_semaphore, #tpu.memory_space<semaphore_mem>> -> memref<!tpu.dma_semaphore, #tpu.memory_space<semaphore_mem>>
          %dma_wait3A_323 = arith.constant 0 : i32
          %dma_wait3A_324 = arith.constant 0 : i32
          %dma_wait3A_325 = tpu.memref_slice %run_scoped3A_38[%rem3A_315, %dma_wait3A_323, %dma_wait3A_324] : memref<2x1x128xi32, #tpu.memory_space<vmem>> -> memref<1x1x128xi32, #tpu.memory_space<vmem>>
          %dma_wait3A_326 = tpu.memref_squeeze %dma_wait3A_325 : memref<1x1x128xi32, #tpu.memory_space<vmem>> -> memref<1x128xi32, #tpu.memory_space<vmem>>
          %dma_wait3A_327 = arith.constant 2 : i32
          %dma_wait3A_328 = tpu.memref_slice %arg6[%dma_wait3A_327, %mul3A_313] : memref<4x81920xi32, #tpu.memory_space<hbm>> -> memref<1x128xi32, #tpu.memory_space<hbm>>
          tpu.wait_dma2 semaphore(%dma_wait3A_322 : memref<!tpu.dma_semaphore, #tpu.memory_space<semaphore_mem>>) src(%dma_wait3A_328 : memref<1x128xi32, #tpu.memory_space<hbm>>) dst(%dma_wait3A_326 : memref<1x128xi32, #tpu.memory_space<vmem>>)
          "tpu.trace_stop"() : () -> ()
        } else {
        }
        %rem3A_239 = arith.constant 2 : i32
        %rem3A_240 = arith.remui %scan3A_160, %rem3A_239 : i32
        %rem3A_241 = arith.constant 2 : i32
        %rem3A_242 = arith.remui %scan3A_162, %rem3A_241 : i32
        %run_scoped3A_243 = arith.constant 0 : i32
        "tpu.trace_start"() <{level = 10 : i32, message = "ep_run_kernel"}> : () -> ()
        "tpu.region"() ({
          %run_scoped3A_312 = tpu.sem_alloc : memref<!tpu.dma_semaphore, #tpu.memory_space<semaphore_mem>>
          %dma_start3A_313 = arith.constant 0 : i32
          %dma_start3A_314 = arith.constant 0 : i32
          %dma_start3A_315 = tpu.memref_slice %run_scoped3A[%rem3A_240, %dma_start3A_313, %dma_start3A_314] : memref<2x128x128xf32, #tpu.memory_space<vmem>> -> memref<1x128x128xf32, #tpu.memory_space<vmem>>
          %dma_start3A_316 = tpu.memref_squeeze %dma_start3A_315 : memref<1x128x128xf32, #tpu.memory_space<vmem>> -> memref<128x128xf32, #tpu.memory_space<vmem>>
          %dma_start3A_317 = arith.constant 0 : i32
          %dma_start3A_318 = arith.constant 0 : i32
          %dma_start3A_319 = tpu.memref_slice %run_scoped3A_38[%rem3A_242, %dma_start3A_317, %dma_start3A_318] : memref<2x1x128xi32, #tpu.memory_space<vmem>> -> memref<1x1x128xi32, #tpu.memory_space<vmem>>
          %dma_start3A_320 = tpu.memref_squeeze %dma_start3A_319 : memref<1x1x128xi32, #tpu.memory_space<vmem>> -> memref<1x128xi32, #tpu.memory_space<vmem>>
          %dma_start3A_321 = arith.constant 0 : i32
          %dma_start3A_322 = tpu.memref_slice %dma_start3A_320[%run_scoped3A_243, %dma_start3A_321] : memref<1x128xi32, #tpu.memory_space<vmem>> -> memref<1x128xi32, #tpu.memory_space<vmem>>
          %dma_start3A_323 = tpu.memref_squeeze %dma_start3A_322 : memref<1x128xi32, #tpu.memory_space<vmem>> -> memref<128xi32, #tpu.memory_space<vmem>>
          %dma_start3A_324 = arith.constant 0 : i32
          %dma_start3A_325 = arith.constant 0 : i32
          %dma_start3A_326 = tpu.memref_slice %arg9[%dma_start3A_324, %dma_start3A_325] : memref<10240x128xf32, #tpu.memory_space<vmem_shared>> -> memref<10240x128xf32, #tpu.memory_space<vmem_shared>>
          tpu.enqueue_indirect_dma source(%dma_start3A_316 : memref<128x128xf32, #tpu.memory_space<vmem>>) target(%dma_start3A_326 : memref<10240x128xf32, #tpu.memory_space<vmem_shared>>) offsets(%dma_start3A_323 : memref<128xi32, #tpu.memory_space<vmem>>) semaphore(%run_scoped3A_312 : memref<!tpu.dma_semaphore, #tpu.memory_space<semaphore_mem>>) {add = true}
          %dma_wait3A = arith.constant 0 : i32
          %dma_wait3A_327 = arith.constant 0 : i32
          %dma_wait3A_328 = tpu.memref_slice %run_scoped3A[%rem3A_240, %dma_wait3A, %dma_wait3A_327] : memref<2x128x128xf32, #tpu.memory_space<vmem>> -> memref<1x128x128xf32, #tpu.memory_space<vmem>>
          %dma_wait3A_329 = tpu.memref_squeeze %dma_wait3A_328 : memref<1x128x128xf32, #tpu.memory_space<vmem>> -> memref<128x128xf32, #tpu.memory_space<vmem>>
          %dma_wait3A_330 = arith.constant 0 : i32
          %dma_wait3A_331 = arith.constant 0 : i32
          %dma_wait3A_332 = tpu.memref_slice %run_scoped3A_38[%rem3A_242, %dma_wait3A_330, %dma_wait3A_331] : memref<2x1x128xi32, #tpu.memory_space<vmem>> -> memref<1x1x128xi32, #tpu.memory_space<vmem>>
          %dma_wait3A_333 = tpu.memref_squeeze %dma_wait3A_332 : memref<1x1x128xi32, #tpu.memory_space<vmem>> -> memref<1x128xi32, #tpu.memory_space<vmem>>
          %dma_wait3A_334 = arith.constant 0 : i32
          %dma_wait3A_335 = tpu.memref_slice %dma_wait3A_333[%run_scoped3A_243, %dma_wait3A_334] : memref<1x128xi32, #tpu.memory_space<vmem>> -> memref<1x128xi32, #tpu.memory_space<vmem>>
          %dma_wait3A_336 = tpu.memref_squeeze %dma_wait3A_335 : memref<1x128xi32, #tpu.memory_space<vmem>> -> memref<128xi32, #tpu.memory_space<vmem>>
          %dma_wait3A_337 = arith.constant 0 : i32
          %dma_wait3A_338 = arith.constant 0 : i32
          %dma_wait3A_339 = tpu.memref_slice %arg9[%dma_wait3A_337, %dma_wait3A_338] : memref<10240x128xf32, #tpu.memory_space<vmem_shared>> -> memref<10240x128xf32, #tpu.memory_space<vmem_shared>>
          tpu.wait_indirect_dma semaphore(%run_scoped3A_312 : memref<!tpu.dma_semaphore, #tpu.memory_space<semaphore_mem>>) src(%dma_wait3A_329 : memref<128x128xf32, #tpu.memory_space<vmem>>) dst(%dma_wait3A_339 : memref<10240x128xf32, #tpu.memory_space<vmem_shared>>)
          tpu.yield
        }) : () -> ()
        "tpu.trace_stop"() : () -> ()
        %ne3A_244 = arith.cmpi ne, %add3A_168, %add3A_186 : i32
        %or3A_245 = arith.constant false
        %or3A_246 = arith.ori %or3A_245, %ne3A_244 : i1
        %or3A_247 = arith.constant false
        %or3A_248 = arith.ori %or3A_246, %or3A_247 : i1
        %or3A_249 = arith.ori %or3A_248, %eq3A_167 : i1
        %convert_element_type3A_250 = arith.extui %or3A_249 : i1 to i32
        %cond3A_251 = arith.constant 0 : i32
        %cond3A_252 = arith.cmpi ne, %convert_element_type3A_250, %cond3A_251 : i32
        scf.if %cond3A_252 {
        } else {
        }
        %and3A_253 = arith.constant false
        %and3A_254 = arith.andi %or3A_249, %and3A_253 : i1
        %ne3A_255 = arith.cmpi ne, %add3A_168, %add3A_186 : i32
        %or3A_256 = arith.constant false
        %or3A_257 = arith.ori %or3A_256, %ne3A_255 : i1
        %or3A_258 = arith.ori %or3A_257, %eq3A_167 : i1
        %convert_element_type3A_259 = arith.extui %or3A_258 : i1 to i32
        %cond3A_260 = arith.constant 0 : i32
        %cond3A_261 = arith.cmpi ne, %convert_element_type3A_259, %cond3A_260 : i32
        scf.if %cond3A_261 {
        } else {
        }
        %and3A_262 = arith.constant false
        %and3A_263 = arith.andi %or3A_258, %and3A_262 : i1
        %ne3A_264 = arith.cmpi ne, %add3A_168, %add3A_177 : i32
        %or3A_265 = arith.constant false
        %or3A_266 = arith.ori %or3A_265, %ne3A_264 : i1
        %or3A_267 = arith.constant false
        %or3A_268 = arith.ori %or3A_266, %or3A_267 : i1
        %not3A_269 = arith.constant true
        %not3A_270 = arith.xori %eq3A_165, %not3A_269 : i1
        %and3A_271 = arith.andi %or3A_268, %not3A_270 : i1
        %convert_element_type3A_272 = arith.extui %and3A_271 : i1 to i32
        %cond3A_273 = arith.constant 0 : i32
        %cond3A_274 = arith.cmpi ne, %convert_element_type3A_272, %cond3A_273 : i32
        scf.if %cond3A_274 {
        } else {
        }
        %and3A_275 = arith.constant false
        %and3A_276 = arith.andi %and3A_271, %and3A_275 : i1
        %ne3A_277 = arith.cmpi ne, %add3A_168, %add3A_177 : i32
        %or3A_278 = arith.constant false
        %or3A_279 = arith.ori %or3A_278, %ne3A_277 : i1
        %not3A_280 = arith.constant true
        %not3A_281 = arith.xori %eq3A_165, %not3A_280 : i1
        %and3A_282 = arith.andi %or3A_279, %not3A_281 : i1
        %convert_element_type3A_283 = arith.extui %and3A_282 : i1 to i32
        %cond3A_284 = arith.constant 0 : i32
        %cond3A_285 = arith.cmpi ne, %convert_element_type3A_283, %cond3A_284 : i32
        scf.if %cond3A_285 {
        } else {
        }
        %and3A_286 = arith.constant false
        %and3A_287 = arith.andi %and3A_282, %and3A_286 : i1
        %ne3A_288 = arith.cmpi ne, %add3A_168, %add3A_186 : i32
        %or3A_289 = arith.constant false
        %or3A_290 = arith.ori %or3A_289, %ne3A_288 : i1
        %or3A_291 = arith.constant false
        %or3A_292 = arith.ori %or3A_290, %or3A_291 : i1
        %or3A_293 = arith.ori %or3A_292, %eq3A_167 : i1
        %add3A_294 = arith.constant 1 : i32
        %add3A_295 = arith.addi %scan3A_160, %add3A_294 : i32
        %select_n3A_296 = arith.select %or3A_293, %add3A_295, %scan3A_160 : i32
        %ne3A_297 = arith.cmpi ne, %add3A_168, %add3A_186 : i32
        %or3A_298 = arith.constant false
        %or3A_299 = arith.ori %or3A_298, %ne3A_297 : i1
        %or3A_300 = arith.ori %or3A_299, %eq3A_167 : i1
        %add3A_301 = arith.constant 1 : i32
        %add3A_302 = arith.addi %scan3A_162, %add3A_301 : i32
        %select_n3A_303 = arith.select %or3A_300, %add3A_302, %scan3A_162 : i32
        %add3A_304 = arith.constant 1 : i32
        %add3A_305 = arith.addi %scan3A_163, %add3A_304 : i32
        %select_n3A_306 = arith.constant true
        %select_n3A_307 = arith.select %select_n3A_306, %add3A_305, %scan3A_163 : i32
        %eq3A_308 = arith.constant 20 : i32
        %eq3A_309 = arith.cmpi eq, %select_n3A_307, %eq3A_308 : i32
        %select_n3A_310 = arith.constant 0 : i32
        %select_n3A_311 = arith.select %eq3A_309, %select_n3A_310, %select_n3A_307 : i32
        scf.yield %select_n3A_206, %select_n3A_296, %select_n3A_222, %select_n3A_303, %select_n3A_311 : i32, i32, i32, i32, i32
      }
      %scan3A_122 = arith.constant 20 : i32
      %sub3A = arith.constant 1 : i32
      %sub3A_123 = arith.subi %scan3A_121#4, %sub3A : i32
      %select_n3A_124 = arith.constant true
      %select_n3A_125 = arith.select %select_n3A_124, %sub3A_123, %scan3A_121#4 : i32
      %eq3A_126 = arith.constant -1 : i32
      %eq3A_127 = arith.cmpi eq, %select_n3A_125, %eq3A_126 : i32
      %select_n3A_128 = arith.constant 19 : i32
      %select_n3A_129 = arith.select %eq3A_127, %select_n3A_128, %select_n3A_125 : i32
      %add3A_130 = arith.addi %select_n3A_129, %mul3A_26 : i32
      %sub3A_131 = arith.constant 1 : i32
      %sub3A_132 = arith.subi %select_n3A_129, %sub3A_131 : i32
      %select_n3A_133 = arith.constant true
      %select_n3A_134 = arith.select %select_n3A_133, %sub3A_132, %select_n3A_129 : i32
      %eq3A_135 = arith.constant -1 : i32
      %eq3A_136 = arith.cmpi eq, %select_n3A_134, %eq3A_135 : i32
      %select_n3A_137 = arith.constant 19 : i32
      %select_n3A_138 = arith.select %eq3A_136, %select_n3A_137, %select_n3A_134 : i32
      %add3A_139 = arith.addi %select_n3A_138, %mul3A_26 : i32
      %add3A_140 = arith.constant 1 : i32
      %add3A_141 = arith.addi %select_n3A_129, %add3A_140 : i32
      %select_n3A_142 = arith.constant true
      %select_n3A_143 = arith.select %select_n3A_142, %add3A_141, %select_n3A_129 : i32
      %eq3A_144 = arith.constant 20 : i32
      %eq3A_145 = arith.cmpi eq, %select_n3A_143, %eq3A_144 : i32
      %select_n3A_146 = arith.constant 0 : i32
      %select_n3A_147 = arith.select %eq3A_145, %select_n3A_146, %select_n3A_143 : i32
      %add3A_148 = arith.addi %select_n3A_147, %mul3A_26 : i32
      %add3A_149 = arith.constant 1 : i32
      %add3A_150 = arith.addi %select_n3A_147, %add3A_149 : i32
      %select_n3A_151 = arith.constant true
      %select_n3A_152 = arith.select %select_n3A_151, %add3A_150, %select_n3A_147 : i32
      %eq3A_153 = arith.constant 20 : i32
      %eq3A_154 = arith.cmpi eq, %select_n3A_152, %eq3A_153 : i32
      %select_n3A_155 = arith.constant 0 : i32
      %select_n3A_156 = arith.select %eq3A_154, %select_n3A_155, %select_n3A_152 : i32
      %add3A_157 = arith.addi %select_n3A_156, %mul3A_26 : i32
      tpu.yield
    }) : () -> ()
    %mul3A_27 = arith.constant 1 : i32
    %mul3A_28 = arith.muli %arg1, %mul3A_27 : i32
    %add3A_29 = arith.constant 0 : i32
    %add3A_30 = arith.addi %add3A_29, %mul3A_28 : i32
    %mul3A_31 = arith.constant 16 : i32
    %mul3A_32 = arith.muli %arg0, %mul3A_31 : i32
    %add3A_33 = arith.addi %add3A_30, %mul3A_32 : i32
    %mul3A_34 = arith.constant 20 : i32
    %mul3A_35 = arith.muli %add3A_33, %mul3A_34 : i32
    "tpu.region"() ({
      %run_scoped3A = memref.alloca() : memref<2x128x128xf32, #tpu.memory_space<vmem>>
      %run_scoped3A_37 = tpu.sem_alloc : memref<2x!tpu.dma_semaphore, #tpu.memory_space<semaphore_mem>>
      %run_scoped3A_38 = memref.alloca() : memref<2x1x128xi32, #tpu.memory_space<vmem>>
      %run_scoped3A_39 = tpu.sem_alloc : memref<2x!tpu.dma_semaphore, #tpu.memory_space<semaphore_mem>>
      %add3A_40 = arith.constant 0 : i32
      %add3A_41 = arith.addi %add3A_40, %mul3A_35 : i32
      %select_n3A = arith.constant true
      %select_n3A_42 = arith.constant 0 : i32
      %select_n3A_43 = arith.constant -1 : i32
      %select_n3A_44 = arith.select %select_n3A, %select_n3A_43, %select_n3A_42 : i32
      %eq3A = arith.constant -1 : i32
      %eq3A_45 = arith.cmpi eq, %select_n3A_44, %eq3A : i32
      %select_n3A_46 = arith.constant 19 : i32
      %select_n3A_47 = arith.select %eq3A_45, %select_n3A_46, %select_n3A_44 : i32
      %add3A_48 = arith.addi %select_n3A_47, %mul3A_35 : i32
      %select_n3A_49 = arith.constant true
      %select_n3A_50 = arith.constant 0 : i32
      %select_n3A_51 = arith.constant 1 : i32
      %select_n3A_52 = arith.select %select_n3A_49, %select_n3A_51, %select_n3A_50 : i32
      %eq3A_53 = arith.constant 20 : i32
      %eq3A_54 = arith.cmpi eq, %select_n3A_52, %eq3A_53 : i32
      %select_n3A_55 = arith.constant 0 : i32
      %select_n3A_56 = arith.select %eq3A_54, %select_n3A_55, %select_n3A_52 : i32
      %add3A_57 = arith.addi %select_n3A_56, %mul3A_35 : i32
      %add3A_58 = arith.constant 1 : i32
      %add3A_59 = arith.addi %select_n3A_56, %add3A_58 : i32
      %select_n3A_60 = arith.constant true
      %select_n3A_61 = arith.select %select_n3A_60, %add3A_59, %select_n3A_56 : i32
      %eq3A_62 = arith.constant 20 : i32
      %eq3A_63 = arith.cmpi eq, %select_n3A_61, %eq3A_62 : i32
      %select_n3A_64 = arith.constant 0 : i32
      %select_n3A_65 = arith.select %eq3A_63, %select_n3A_64, %select_n3A_61 : i32
      %add3A_66 = arith.addi %select_n3A_65, %mul3A_35 : i32
      "tpu.trace_start"() <{level = 10 : i32, message = "ep_initialize_0"}> : () -> ()
      %rem3A = arith.constant 0 : i32
      %rem3A_67 = arith.constant 2 : i32
      %rem3A_68 = arith.remui %rem3A, %rem3A_67 : i32
      %mul3A_69 = arith.constant 128 : i32
      %mul3A_70 = arith.muli %mul3A_69, %add3A_41 : i32
      %dma_start3A = arith.constant 0 : i32
      %dma_start3A_71 = arith.constant 0 : i32
      %dma_start3A_72 = tpu.memref_slice %run_scoped3A[%rem3A_68, %dma_start3A, %dma_start3A_71] : memref<2x128x128xf32, #tpu.memory_space<vmem>> -> memref<1x128x128xf32, #tpu.memory_space<vmem>>
      %dma_start3A_73 = tpu.memref_squeeze %dma_start3A_72 : memref<1x128x128xf32, #tpu.memory_space<vmem>> -> memref<128x128xf32, #tpu.memory_space<vmem>>
      %dma_start3A_74 = arith.constant 0 : i32
      %dma_start3A_75 = tpu.memref_slice %arg5[%mul3A_70, %dma_start3A_74] : memref<81920x128xf32, #tpu.memory_space<hbm>> -> memref<128x128xf32, #tpu.memory_space<hbm>>
      %dma_start3A_76 = tpu.memref_slice %run_scoped3A_37[%rem3A_68] : memref<2x!tpu.dma_semaphore, #tpu.memory_space<semaphore_mem>> -> memref<1x!tpu.dma_semaphore, #tpu.memory_space<semaphore_mem>>
      %dma_start3A_77 = tpu.memref_squeeze %dma_start3A_76 : memref<1x!tpu.dma_semaphore, #tpu.memory_space<semaphore_mem>> -> memref<!tpu.dma_semaphore, #tpu.memory_space<semaphore_mem>>
      %dma_start3A_78 = arith.constant 0 : i32
      %dma_start3A_79 = arith.constant 0 : i32
      %dma_start3A_80 = tpu.memref_slice %run_scoped3A[%rem3A_68, %dma_start3A_78, %dma_start3A_79] : memref<2x128x128xf32, #tpu.memory_space<vmem>> -> memref<1x128x128xf32, #tpu.memory_space<vmem>>
      %dma_start3A_81 = tpu.memref_squeeze %dma_start3A_80 : memref<1x128x128xf32, #tpu.memory_space<vmem>> -> memref<128x128xf32, #tpu.memory_space<vmem>>
      %dma_start3A_82 = arith.constant 0 : i32
      %dma_start3A_83 = tpu.memref_slice %arg5[%mul3A_70, %dma_start3A_82] : memref<81920x128xf32, #tpu.memory_space<hbm>> -> memref<128x128xf32, #tpu.memory_space<hbm>>
      tpu.enqueue_dma source(%dma_start3A_83 : memref<128x128xf32, #tpu.memory_space<hbm>>) target(%dma_start3A_81 : memref<128x128xf32, #tpu.memory_space<vmem>>) target_semaphore(%dma_start3A_77 : memref<!tpu.dma_semaphore, #tpu.memory_space<semaphore_mem>>)
      %add3A_84 = arith.constant 0 : i32
      %add3A_85 = arith.constant 1 : i32
      %add3A_86 = arith.addi %add3A_84, %add3A_85 : i32
      %select_n3A_87 = arith.constant true
      %select_n3A_88 = arith.constant 0 : i32
      %select_n3A_89 = arith.select %select_n3A_87, %add3A_86, %select_n3A_88 : i32
      %rem3A_90 = arith.constant 0 : i32
      %rem3A_91 = arith.constant 2 : i32
      %rem3A_92 = arith.remui %rem3A_90, %rem3A_91 : i32
      %mul3A_93 = arith.constant 128 : i32
      %mul3A_94 = arith.muli %mul3A_93, %add3A_41 : i32
      %dma_start3A_95 = arith.constant 0 : i32
      %dma_start3A_96 = arith.constant 0 : i32
      %dma_start3A_97 = tpu.memref_slice %run_scoped3A_38[%rem3A_92, %dma_start3A_95, %dma_start3A_96] : memref<2x1x128xi32, #tpu.memory_space<vmem>> -> memref<1x1x128xi32, #tpu.memory_space<vmem>>
      %dma_start3A_98 = tpu.memref_squeeze %dma_start3A_97 : memref<1x1x128xi32, #tpu.memory_space<vmem>> -> memref<1x128xi32, #tpu.memory_space<vmem>>
      %dma_start3A_99 = arith.constant 3 : i32
      %dma_start3A_100 = tpu.memref_slice %arg6[%dma_start3A_99, %mul3A_94] : memref<4x81920xi32, #tpu.memory_space<hbm>> -> memref<1x128xi32, #tpu.memory_space<hbm>>
      %dma_start3A_101 = tpu.memref_slice %run_scoped3A_39[%rem3A_92] : memref<2x!tpu.dma_semaphore, #tpu.memory_space<semaphore_mem>> -> memref<1x!tpu.dma_semaphore, #tpu.memory_space<semaphore_mem>>
      %dma_start3A_102 = tpu.memref_squeeze %dma_start3A_101 : memref<1x!tpu.dma_semaphore, #tpu.memory_space<semaphore_mem>> -> memref<!tpu.dma_semaphore, #tpu.memory_space<semaphore_mem>>
      %dma_start3A_103 = arith.constant 0 : i32
      %dma_start3A_104 = arith.constant 0 : i32
      %dma_start3A_105 = tpu.memref_slice %run_scoped3A_38[%rem3A_92, %dma_start3A_103, %dma_start3A_104] : memref<2x1x128xi32, #tpu.memory_space<vmem>> -> memref<1x1x128xi32, #tpu.memory_space<vmem>>
      %dma_start3A_106 = tpu.memref_squeeze %dma_start3A_105 : memref<1x1x128xi32, #tpu.memory_space<vmem>> -> memref<1x128xi32, #tpu.memory_space<vmem>>
      %dma_start3A_107 = arith.constant 3 : i32
      %dma_start3A_108 = tpu.memref_slice %arg6[%dma_start3A_107, %mul3A_94] : memref<4x81920xi32, #tpu.memory_space<hbm>> -> memref<1x128xi32, #tpu.memory_space<hbm>>
      tpu.enqueue_dma source(%dma_start3A_108 : memref<1x128xi32, #tpu.memory_space<hbm>>) target(%dma_start3A_106 : memref<1x128xi32, #tpu.memory_space<vmem>>) target_semaphore(%dma_start3A_102 : memref<!tpu.dma_semaphore, #tpu.memory_space<semaphore_mem>>)
      %add3A_109 = arith.constant 0 : i32
      %add3A_110 = arith.constant 1 : i32
      %add3A_111 = arith.addi %add3A_109, %add3A_110 : i32
      %select_n3A_112 = arith.constant true
      %select_n3A_113 = arith.constant 0 : i32
      %select_n3A_114 = arith.select %select_n3A_112, %add3A_111, %select_n3A_113 : i32
      "tpu.trace_stop"() : () -> ()
      %scan3A = arith.constant 0 : i32
      %scan3A_115 = arith.constant 0 : i32
      %scan3A_116 = arith.constant 0 : i32
      %scan3A_117 = arith.constant 0 : i32
      %scan3A_118 = arith.constant 20 : i32
      %scan3A_119 = arith.addi %scan3A_117, %scan3A_118 : i32
      %scan3A_120 = arith.constant 1 : i32
      %scan3A_121:5 = scf.for %scan3A_158 = %scan3A_117 to %scan3A_119 step %scan3A_120 iter_args(%scan3A_159 = %select_n3A_89, %scan3A_160 = %scan3A, %scan3A_161 = %select_n3A_114, %scan3A_162 = %scan3A_115, %scan3A_163 = %scan3A_116) -> (i32, i32, i32, i32, i32)  : i32 {
        %eq3A_164 = arith.constant 0 : i32
        %eq3A_165 = arith.cmpi eq, %scan3A_158, %eq3A_164 : i32
        %eq3A_166 = arith.constant 19 : i32
        %eq3A_167 = arith.cmpi eq, %scan3A_158, %eq3A_166 : i32
        %add3A_168 = arith.addi %scan3A_163, %mul3A_35 : i32
        %sub3A_169 = arith.constant 1 : i32
        %sub3A_170 = arith.subi %scan3A_163, %sub3A_169 : i32
        %select_n3A_171 = arith.constant true
        %select_n3A_172 = arith.select %select_n3A_171, %sub3A_170, %scan3A_163 : i32
        %eq3A_173 = arith.constant -1 : i32
        %eq3A_174 = arith.cmpi eq, %select_n3A_172, %eq3A_173 : i32
        %select_n3A_175 = arith.constant 19 : i32
        %select_n3A_176 = arith.select %eq3A_174, %select_n3A_175, %select_n3A_172 : i32
        %add3A_177 = arith.addi %select_n3A_176, %mul3A_35 : i32
        %add3A_178 = arith.constant 1 : i32
        %add3A_179 = arith.addi %scan3A_163, %add3A_178 : i32
        %select_n3A_180 = arith.constant true
        %select_n3A_181 = arith.select %select_n3A_180, %add3A_179, %scan3A_163 : i32
        %eq3A_182 = arith.constant 20 : i32
        %eq3A_183 = arith.cmpi eq, %select_n3A_181, %eq3A_182 : i32
        %select_n3A_184 = arith.constant 0 : i32
        %select_n3A_185 = arith.select %eq3A_183, %select_n3A_184, %select_n3A_181 : i32
        %add3A_186 = arith.addi %select_n3A_185, %mul3A_35 : i32
        %add3A_187 = arith.constant 1 : i32
        %add3A_188 = arith.addi %select_n3A_185, %add3A_187 : i32
        %select_n3A_189 = arith.constant true
        %select_n3A_190 = arith.select %select_n3A_189, %add3A_188, %select_n3A_185 : i32
        %eq3A_191 = arith.constant 20 : i32
        %eq3A_192 = arith.cmpi eq, %select_n3A_190, %eq3A_191 : i32
        %select_n3A_193 = arith.constant 0 : i32
        %select_n3A_194 = arith.select %eq3A_192, %select_n3A_193, %select_n3A_190 : i32
        %add3A_195 = arith.addi %select_n3A_194, %mul3A_35 : i32
        %ne3A = arith.cmpi ne, %add3A_168, %add3A_186 : i32
        %or3A = arith.constant false
        %or3A_196 = arith.ori %or3A, %ne3A : i1
        %or3A_197 = arith.constant false
        %or3A_198 = arith.ori %or3A_196, %or3A_197 : i1
        %ge3A = arith.constant 19 : i32
        %ge3A_199 = arith.cmpi sge, %scan3A_158, %ge3A : i32
        %not3A = arith.constant true
        %not3A_200 = arith.xori %ge3A_199, %not3A : i1
        %and3A = arith.andi %or3A_198, %not3A_200 : i1
        %convert_element_type3A = arith.extui %and3A : i1 to i32
        %cond3A = arith.constant 0 : i32
        %cond3A_201 = arith.cmpi ne, %convert_element_type3A, %cond3A : i32
        scf.if %cond3A_201 {
          "tpu.trace_start"() <{level = 10 : i32, message = "ep_copy_in"}> : () -> ()
          %rem3A_312 = arith.constant 2 : i32
          %rem3A_313 = arith.remui %scan3A_159, %rem3A_312 : i32
          %mul3A_314 = arith.constant 128 : i32
          %mul3A_315 = arith.muli %mul3A_314, %add3A_186 : i32
          %dma_start3A_316 = arith.constant 0 : i32
          %dma_start3A_317 = arith.constant 0 : i32
          %dma_start3A_318 = tpu.memref_slice %run_scoped3A[%rem3A_313, %dma_start3A_316, %dma_start3A_317] : memref<2x128x128xf32, #tpu.memory_space<vmem>> -> memref<1x128x128xf32, #tpu.memory_space<vmem>>
          %dma_start3A_319 = tpu.memref_squeeze %dma_start3A_318 : memref<1x128x128xf32, #tpu.memory_space<vmem>> -> memref<128x128xf32, #tpu.memory_space<vmem>>
          %dma_start3A_320 = arith.constant 0 : i32
          %dma_start3A_321 = tpu.memref_slice %arg5[%mul3A_315, %dma_start3A_320] : memref<81920x128xf32, #tpu.memory_space<hbm>> -> memref<128x128xf32, #tpu.memory_space<hbm>>
          %dma_start3A_322 = tpu.memref_slice %run_scoped3A_37[%rem3A_313] : memref<2x!tpu.dma_semaphore, #tpu.memory_space<semaphore_mem>> -> memref<1x!tpu.dma_semaphore, #tpu.memory_space<semaphore_mem>>
          %dma_start3A_323 = tpu.memref_squeeze %dma_start3A_322 : memref<1x!tpu.dma_semaphore, #tpu.memory_space<semaphore_mem>> -> memref<!tpu.dma_semaphore, #tpu.memory_space<semaphore_mem>>
          %dma_start3A_324 = arith.constant 0 : i32
          %dma_start3A_325 = arith.constant 0 : i32
          %dma_start3A_326 = tpu.memref_slice %run_scoped3A[%rem3A_313, %dma_start3A_324, %dma_start3A_325] : memref<2x128x128xf32, #tpu.memory_space<vmem>> -> memref<1x128x128xf32, #tpu.memory_space<vmem>>
          %dma_start3A_327 = tpu.memref_squeeze %dma_start3A_326 : memref<1x128x128xf32, #tpu.memory_space<vmem>> -> memref<128x128xf32, #tpu.memory_space<vmem>>
          %dma_start3A_328 = arith.constant 0 : i32
          %dma_start3A_329 = tpu.memref_slice %arg5[%mul3A_315, %dma_start3A_328] : memref<81920x128xf32, #tpu.memory_space<hbm>> -> memref<128x128xf32, #tpu.memory_space<hbm>>
          tpu.enqueue_dma source(%dma_start3A_329 : memref<128x128xf32, #tpu.memory_space<hbm>>) target(%dma_start3A_327 : memref<128x128xf32, #tpu.memory_space<vmem>>) target_semaphore(%dma_start3A_323 : memref<!tpu.dma_semaphore, #tpu.memory_space<semaphore_mem>>)
          "tpu.trace_stop"() : () -> ()
        } else {
        }
        %and3A_202 = arith.constant true
        %and3A_203 = arith.andi %and3A, %and3A_202 : i1
        %add3A_204 = arith.constant 1 : i32
        %add3A_205 = arith.addi %scan3A_159, %add3A_204 : i32
        %select_n3A_206 = arith.select %and3A_203, %add3A_205, %scan3A_159 : i32
        %ne3A_207 = arith.cmpi ne, %add3A_168, %add3A_186 : i32
        %or3A_208 = arith.constant false
        %or3A_209 = arith.ori %or3A_208, %ne3A_207 : i1
        %ge3A_210 = arith.constant 19 : i32
        %ge3A_211 = arith.cmpi sge, %scan3A_158, %ge3A_210 : i32
        %not3A_212 = arith.constant true
        %not3A_213 = arith.xori %ge3A_211, %not3A_212 : i1
        %and3A_214 = arith.andi %or3A_209, %not3A_213 : i1
        %convert_element_type3A_215 = arith.extui %and3A_214 : i1 to i32
        %cond3A_216 = arith.constant 0 : i32
        %cond3A_217 = arith.cmpi ne, %convert_element_type3A_215, %cond3A_216 : i32
        scf.if %cond3A_217 {
          "tpu.trace_start"() <{level = 10 : i32, message = "ep_copy_in"}> : () -> ()
          %rem3A_312 = arith.constant 2 : i32
          %rem3A_313 = arith.remui %scan3A_161, %rem3A_312 : i32
          %mul3A_314 = arith.constant 128 : i32
          %mul3A_315 = arith.muli %mul3A_314, %add3A_186 : i32
          %dma_start3A_316 = arith.constant 0 : i32
          %dma_start3A_317 = arith.constant 0 : i32
          %dma_start3A_318 = tpu.memref_slice %run_scoped3A_38[%rem3A_313, %dma_start3A_316, %dma_start3A_317] : memref<2x1x128xi32, #tpu.memory_space<vmem>> -> memref<1x1x128xi32, #tpu.memory_space<vmem>>
          %dma_start3A_319 = tpu.memref_squeeze %dma_start3A_318 : memref<1x1x128xi32, #tpu.memory_space<vmem>> -> memref<1x128xi32, #tpu.memory_space<vmem>>
          %dma_start3A_320 = arith.constant 3 : i32
          %dma_start3A_321 = tpu.memref_slice %arg6[%dma_start3A_320, %mul3A_315] : memref<4x81920xi32, #tpu.memory_space<hbm>> -> memref<1x128xi32, #tpu.memory_space<hbm>>
          %dma_start3A_322 = tpu.memref_slice %run_scoped3A_39[%rem3A_313] : memref<2x!tpu.dma_semaphore, #tpu.memory_space<semaphore_mem>> -> memref<1x!tpu.dma_semaphore, #tpu.memory_space<semaphore_mem>>
          %dma_start3A_323 = tpu.memref_squeeze %dma_start3A_322 : memref<1x!tpu.dma_semaphore, #tpu.memory_space<semaphore_mem>> -> memref<!tpu.dma_semaphore, #tpu.memory_space<semaphore_mem>>
          %dma_start3A_324 = arith.constant 0 : i32
          %dma_start3A_325 = arith.constant 0 : i32
          %dma_start3A_326 = tpu.memref_slice %run_scoped3A_38[%rem3A_313, %dma_start3A_324, %dma_start3A_325] : memref<2x1x128xi32, #tpu.memory_space<vmem>> -> memref<1x1x128xi32, #tpu.memory_space<vmem>>
          %dma_start3A_327 = tpu.memref_squeeze %dma_start3A_326 : memref<1x1x128xi32, #tpu.memory_space<vmem>> -> memref<1x128xi32, #tpu.memory_space<vmem>>
          %dma_start3A_328 = arith.constant 3 : i32
          %dma_start3A_329 = tpu.memref_slice %arg6[%dma_start3A_328, %mul3A_315] : memref<4x81920xi32, #tpu.memory_space<hbm>> -> memref<1x128xi32, #tpu.memory_space<hbm>>
          tpu.enqueue_dma source(%dma_start3A_329 : memref<1x128xi32, #tpu.memory_space<hbm>>) target(%dma_start3A_327 : memref<1x128xi32, #tpu.memory_space<vmem>>) target_semaphore(%dma_start3A_323 : memref<!tpu.dma_semaphore, #tpu.memory_space<semaphore_mem>>)
          "tpu.trace_stop"() : () -> ()
        } else {
        }
        %and3A_218 = arith.constant true
        %and3A_219 = arith.andi %and3A_214, %and3A_218 : i1
        %add3A_220 = arith.constant 1 : i32
        %add3A_221 = arith.addi %scan3A_161, %add3A_220 : i32
        %select_n3A_222 = arith.select %and3A_219, %add3A_221, %scan3A_161 : i32
        %ne3A_223 = arith.cmpi ne, %add3A_168, %add3A_177 : i32
        %or3A_224 = arith.constant false
        %or3A_225 = arith.ori %or3A_224, %ne3A_223 : i1
        %or3A_226 = arith.constant false
        %or3A_227 = arith.ori %or3A_225, %or3A_226 : i1
        %or3A_228 = arith.ori %or3A_227, %eq3A_165 : i1
        %convert_element_type3A_229 = arith.extui %or3A_228 : i1 to i32
        %cond3A_230 = arith.constant 0 : i32
        %cond3A_231 = arith.cmpi ne, %convert_element_type3A_229, %cond3A_230 : i32
        scf.if %cond3A_231 {
          "tpu.trace_start"() <{level = 10 : i32, message = "ep_wait_in"}> : () -> ()
          %mul3A_312 = arith.constant 128 : i32
          %mul3A_313 = arith.muli %mul3A_312, %add3A_168 : i32
          %rem3A_314 = arith.constant 2 : i32
          %rem3A_315 = arith.remui %scan3A_160, %rem3A_314 : i32
          %dma_wait3A = arith.constant 0 : i32
          %dma_wait3A_316 = arith.constant 0 : i32
          %dma_wait3A_317 = tpu.memref_slice %run_scoped3A[%rem3A_315, %dma_wait3A, %dma_wait3A_316] : memref<2x128x128xf32, #tpu.memory_space<vmem>> -> memref<1x128x128xf32, #tpu.memory_space<vmem>>
          %dma_wait3A_318 = tpu.memref_squeeze %dma_wait3A_317 : memref<1x128x128xf32, #tpu.memory_space<vmem>> -> memref<128x128xf32, #tpu.memory_space<vmem>>
          %dma_wait3A_319 = arith.constant 0 : i32
          %dma_wait3A_320 = tpu.memref_slice %arg5[%mul3A_313, %dma_wait3A_319] : memref<81920x128xf32, #tpu.memory_space<hbm>> -> memref<128x128xf32, #tpu.memory_space<hbm>>
          %dma_wait3A_321 = tpu.memref_slice %run_scoped3A_37[%rem3A_315] : memref<2x!tpu.dma_semaphore, #tpu.memory_space<semaphore_mem>> -> memref<1x!tpu.dma_semaphore, #tpu.memory_space<semaphore_mem>>
          %dma_wait3A_322 = tpu.memref_squeeze %dma_wait3A_321 : memref<1x!tpu.dma_semaphore, #tpu.memory_space<semaphore_mem>> -> memref<!tpu.dma_semaphore, #tpu.memory_space<semaphore_mem>>
          %dma_wait3A_323 = arith.constant 0 : i32
          %dma_wait3A_324 = arith.constant 0 : i32
          %dma_wait3A_325 = tpu.memref_slice %run_scoped3A[%rem3A_315, %dma_wait3A_323, %dma_wait3A_324] : memref<2x128x128xf32, #tpu.memory_space<vmem>> -> memref<1x128x128xf32, #tpu.memory_space<vmem>>
          %dma_wait3A_326 = tpu.memref_squeeze %dma_wait3A_325 : memref<1x128x128xf32, #tpu.memory_space<vmem>> -> memref<128x128xf32, #tpu.memory_space<vmem>>
          %dma_wait3A_327 = arith.constant 0 : i32
          %dma_wait3A_328 = tpu.memref_slice %arg5[%mul3A_313, %dma_wait3A_327] : memref<81920x128xf32, #tpu.memory_space<hbm>> -> memref<128x128xf32, #tpu.memory_space<hbm>>
          tpu.wait_dma2 semaphore(%dma_wait3A_322 : memref<!tpu.dma_semaphore, #tpu.memory_space<semaphore_mem>>) src(%dma_wait3A_328 : memref<128x128xf32, #tpu.memory_space<hbm>>) dst(%dma_wait3A_326 : memref<128x128xf32, #tpu.memory_space<vmem>>)
          "tpu.trace_stop"() : () -> ()
        } else {
        }
        %ne3A_232 = arith.cmpi ne, %add3A_168, %add3A_177 : i32
        %or3A_233 = arith.constant false
        %or3A_234 = arith.ori %or3A_233, %ne3A_232 : i1
        %or3A_235 = arith.ori %or3A_234, %eq3A_165 : i1
        %convert_element_type3A_236 = arith.extui %or3A_235 : i1 to i32
        %cond3A_237 = arith.constant 0 : i32
        %cond3A_238 = arith.cmpi ne, %convert_element_type3A_236, %cond3A_237 : i32
        scf.if %cond3A_238 {
          "tpu.trace_start"() <{level = 10 : i32, message = "ep_wait_in"}> : () -> ()
          %mul3A_312 = arith.constant 128 : i32
          %mul3A_313 = arith.muli %mul3A_312, %add3A_168 : i32
          %rem3A_314 = arith.constant 2 : i32
          %rem3A_315 = arith.remui %scan3A_162, %rem3A_314 : i32
          %dma_wait3A = arith.constant 0 : i32
          %dma_wait3A_316 = arith.constant 0 : i32
          %dma_wait3A_317 = tpu.memref_slice %run_scoped3A_38[%rem3A_315, %dma_wait3A, %dma_wait3A_316] : memref<2x1x128xi32, #tpu.memory_space<vmem>> -> memref<1x1x128xi32, #tpu.memory_space<vmem>>
          %dma_wait3A_318 = tpu.memref_squeeze %dma_wait3A_317 : memref<1x1x128xi32, #tpu.memory_space<vmem>> -> memref<1x128xi32, #tpu.memory_space<vmem>>
          %dma_wait3A_319 = arith.constant 3 : i32
          %dma_wait3A_320 = tpu.memref_slice %arg6[%dma_wait3A_319, %mul3A_313] : memref<4x81920xi32, #tpu.memory_space<hbm>> -> memref<1x128xi32, #tpu.memory_space<hbm>>
          %dma_wait3A_321 = tpu.memref_slice %run_scoped3A_39[%rem3A_315] : memref<2x!tpu.dma_semaphore, #tpu.memory_space<semaphore_mem>> -> memref<1x!tpu.dma_semaphore, #tpu.memory_space<semaphore_mem>>
          %dma_wait3A_322 = tpu.memref_squeeze %dma_wait3A_321 : memref<1x!tpu.dma_semaphore, #tpu.memory_space<semaphore_mem>> -> memref<!tpu.dma_semaphore, #tpu.memory_space<semaphore_mem>>
          %dma_wait3A_323 = arith.constant 0 : i32
          %dma_wait3A_324 = arith.constant 0 : i32
          %dma_wait3A_325 = tpu.memref_slice %run_scoped3A_38[%rem3A_315, %dma_wait3A_323, %dma_wait3A_324] : memref<2x1x128xi32, #tpu.memory_space<vmem>> -> memref<1x1x128xi32, #tpu.memory_space<vmem>>
          %dma_wait3A_326 = tpu.memref_squeeze %dma_wait3A_325 : memref<1x1x128xi32, #tpu.memory_space<vmem>> -> memref<1x128xi32, #tpu.memory_space<vmem>>
          %dma_wait3A_327 = arith.constant 3 : i32
          %dma_wait3A_328 = tpu.memref_slice %arg6[%dma_wait3A_327, %mul3A_313] : memref<4x81920xi32, #tpu.memory_space<hbm>> -> memref<1x128xi32, #tpu.memory_space<hbm>>
          tpu.wait_dma2 semaphore(%dma_wait3A_322 : memref<!tpu.dma_semaphore, #tpu.memory_space<semaphore_mem>>) src(%dma_wait3A_328 : memref<1x128xi32, #tpu.memory_space<hbm>>) dst(%dma_wait3A_326 : memref<1x128xi32, #tpu.memory_space<vmem>>)
          "tpu.trace_stop"() : () -> ()
        } else {
        }
        %rem3A_239 = arith.constant 2 : i32
        %rem3A_240 = arith.remui %scan3A_160, %rem3A_239 : i32
        %rem3A_241 = arith.constant 2 : i32
        %rem3A_242 = arith.remui %scan3A_162, %rem3A_241 : i32
        %run_scoped3A_243 = arith.constant 0 : i32
        "tpu.trace_start"() <{level = 10 : i32, message = "ep_run_kernel"}> : () -> ()
        "tpu.region"() ({
          %run_scoped3A_312 = tpu.sem_alloc : memref<!tpu.dma_semaphore, #tpu.memory_space<semaphore_mem>>
          %dma_start3A_313 = arith.constant 0 : i32
          %dma_start3A_314 = arith.constant 0 : i32
          %dma_start3A_315 = tpu.memref_slice %run_scoped3A[%rem3A_240, %dma_start3A_313, %dma_start3A_314] : memref<2x128x128xf32, #tpu.memory_space<vmem>> -> memref<1x128x128xf32, #tpu.memory_space<vmem>>
          %dma_start3A_316 = tpu.memref_squeeze %dma_start3A_315 : memref<1x128x128xf32, #tpu.memory_space<vmem>> -> memref<128x128xf32, #tpu.memory_space<vmem>>
          %dma_start3A_317 = arith.constant 0 : i32
          %dma_start3A_318 = arith.constant 0 : i32
          %dma_start3A_319 = tpu.memref_slice %run_scoped3A_38[%rem3A_242, %dma_start3A_317, %dma_start3A_318] : memref<2x1x128xi32, #tpu.memory_space<vmem>> -> memref<1x1x128xi32, #tpu.memory_space<vmem>>
          %dma_start3A_320 = tpu.memref_squeeze %dma_start3A_319 : memref<1x1x128xi32, #tpu.memory_space<vmem>> -> memref<1x128xi32, #tpu.memory_space<vmem>>
          %dma_start3A_321 = arith.constant 0 : i32
          %dma_start3A_322 = tpu.memref_slice %dma_start3A_320[%run_scoped3A_243, %dma_start3A_321] : memref<1x128xi32, #tpu.memory_space<vmem>> -> memref<1x128xi32, #tpu.memory_space<vmem>>
          %dma_start3A_323 = tpu.memref_squeeze %dma_start3A_322 : memref<1x128xi32, #tpu.memory_space<vmem>> -> memref<128xi32, #tpu.memory_space<vmem>>
          %dma_start3A_324 = arith.constant 0 : i32
          %dma_start3A_325 = arith.constant 0 : i32
          %dma_start3A_326 = tpu.memref_slice %arg9[%dma_start3A_324, %dma_start3A_325] : memref<10240x128xf32, #tpu.memory_space<vmem_shared>> -> memref<10240x128xf32, #tpu.memory_space<vmem_shared>>
          tpu.enqueue_indirect_dma source(%dma_start3A_316 : memref<128x128xf32, #tpu.memory_space<vmem>>) target(%dma_start3A_326 : memref<10240x128xf32, #tpu.memory_space<vmem_shared>>) offsets(%dma_start3A_323 : memref<128xi32, #tpu.memory_space<vmem>>) semaphore(%run_scoped3A_312 : memref<!tpu.dma_semaphore, #tpu.memory_space<semaphore_mem>>) {add = true}
          %dma_wait3A = arith.constant 0 : i32
          %dma_wait3A_327 = arith.constant 0 : i32
          %dma_wait3A_328 = tpu.memref_slice %run_scoped3A[%rem3A_240, %dma_wait3A, %dma_wait3A_327] : memref<2x128x128xf32, #tpu.memory_space<vmem>> -> memref<1x128x128xf32, #tpu.memory_space<vmem>>
          %dma_wait3A_329 = tpu.memref_squeeze %dma_wait3A_328 : memref<1x128x128xf32, #tpu.memory_space<vmem>> -> memref<128x128xf32, #tpu.memory_space<vmem>>
          %dma_wait3A_330 = arith.constant 0 : i32
          %dma_wait3A_331 = arith.constant 0 : i32
          %dma_wait3A_332 = tpu.memref_slice %run_scoped3A_38[%rem3A_242, %dma_wait3A_330, %dma_wait3A_331] : memref<2x1x128xi32, #tpu.memory_space<vmem>> -> memref<1x1x128xi32, #tpu.memory_space<vmem>>
          %dma_wait3A_333 = tpu.memref_squeeze %dma_wait3A_332 : memref<1x1x128xi32, #tpu.memory_space<vmem>> -> memref<1x128xi32, #tpu.memory_space<vmem>>
          %dma_wait3A_334 = arith.constant 0 : i32
          %dma_wait3A_335 = tpu.memref_slice %dma_wait3A_333[%run_scoped3A_243, %dma_wait3A_334] : memref<1x128xi32, #tpu.memory_space<vmem>> -> memref<1x128xi32, #tpu.memory_space<vmem>>
          %dma_wait3A_336 = tpu.memref_squeeze %dma_wait3A_335 : memref<1x128xi32, #tpu.memory_space<vmem>> -> memref<128xi32, #tpu.memory_space<vmem>>
          %dma_wait3A_337 = arith.constant 0 : i32
          %dma_wait3A_338 = arith.constant 0 : i32
          %dma_wait3A_339 = tpu.memref_slice %arg9[%dma_wait3A_337, %dma_wait3A_338] : memref<10240x128xf32, #tpu.memory_space<vmem_shared>> -> memref<10240x128xf32, #tpu.memory_space<vmem_shared>>
          tpu.wait_indirect_dma semaphore(%run_scoped3A_312 : memref<!tpu.dma_semaphore, #tpu.memory_space<semaphore_mem>>) src(%dma_wait3A_329 : memref<128x128xf32, #tpu.memory_space<vmem>>) dst(%dma_wait3A_339 : memref<10240x128xf32, #tpu.memory_space<vmem_shared>>)
          tpu.yield
        }) : () -> ()
        "tpu.trace_stop"() : () -> ()
        %ne3A_244 = arith.cmpi ne, %add3A_168, %add3A_186 : i32
        %or3A_245 = arith.constant false
        %or3A_246 = arith.ori %or3A_245, %ne3A_244 : i1
        %or3A_247 = arith.constant false
        %or3A_248 = arith.ori %or3A_246, %or3A_247 : i1
        %or3A_249 = arith.ori %or3A_248, %eq3A_167 : i1
        %convert_element_type3A_250 = arith.extui %or3A_249 : i1 to i32
        %cond3A_251 = arith.constant 0 : i32
        %cond3A_252 = arith.cmpi ne, %convert_element_type3A_250, %cond3A_251 : i32
        scf.if %cond3A_252 {
        } else {
        }
        %and3A_253 = arith.constant false
        %and3A_254 = arith.andi %or3A_249, %and3A_253 : i1
        %ne3A_255 = arith.cmpi ne, %add3A_168, %add3A_186 : i32
        %or3A_256 = arith.constant false
        %or3A_257 = arith.ori %or3A_256, %ne3A_255 : i1
        %or3A_258 = arith.ori %or3A_257, %eq3A_167 : i1
        %convert_element_type3A_259 = arith.extui %or3A_258 : i1 to i32
        %cond3A_260 = arith.constant 0 : i32
        %cond3A_261 = arith.cmpi ne, %convert_element_type3A_259, %cond3A_260 : i32
        scf.if %cond3A_261 {
        } else {
        }
        %and3A_262 = arith.constant false
        %and3A_263 = arith.andi %or3A_258, %and3A_262 : i1
        %ne3A_264 = arith.cmpi ne, %add3A_168, %add3A_177 : i32
        %or3A_265 = arith.constant false
        %or3A_266 = arith.ori %or3A_265, %ne3A_264 : i1
        %or3A_267 = arith.constant false
        %or3A_268 = arith.ori %or3A_266, %or3A_267 : i1
        %not3A_269 = arith.constant true
        %not3A_270 = arith.xori %eq3A_165, %not3A_269 : i1
        %and3A_271 = arith.andi %or3A_268, %not3A_270 : i1
        %convert_element_type3A_272 = arith.extui %and3A_271 : i1 to i32
        %cond3A_273 = arith.constant 0 : i32
        %cond3A_274 = arith.cmpi ne, %convert_element_type3A_272, %cond3A_273 : i32
        scf.if %cond3A_274 {
        } else {
        }
        %and3A_275 = arith.constant false
        %and3A_276 = arith.andi %and3A_271, %and3A_275 : i1
        %ne3A_277 = arith.cmpi ne, %add3A_168, %add3A_177 : i32
        %or3A_278 = arith.constant false
        %or3A_279 = arith.ori %or3A_278, %ne3A_277 : i1
        %not3A_280 = arith.constant true
        %not3A_281 = arith.xori %eq3A_165, %not3A_280 : i1
        %and3A_282 = arith.andi %or3A_279, %not3A_281 : i1
        %convert_element_type3A_283 = arith.extui %and3A_282 : i1 to i32
        %cond3A_284 = arith.constant 0 : i32
        %cond3A_285 = arith.cmpi ne, %convert_element_type3A_283, %cond3A_284 : i32
        scf.if %cond3A_285 {
        } else {
        }
        %and3A_286 = arith.constant false
        %and3A_287 = arith.andi %and3A_282, %and3A_286 : i1
        %ne3A_288 = arith.cmpi ne, %add3A_168, %add3A_186 : i32
        %or3A_289 = arith.constant false
        %or3A_290 = arith.ori %or3A_289, %ne3A_288 : i1
        %or3A_291 = arith.constant false
        %or3A_292 = arith.ori %or3A_290, %or3A_291 : i1
        %or3A_293 = arith.ori %or3A_292, %eq3A_167 : i1
        %add3A_294 = arith.constant 1 : i32
        %add3A_295 = arith.addi %scan3A_160, %add3A_294 : i32
        %select_n3A_296 = arith.select %or3A_293, %add3A_295, %scan3A_160 : i32
        %ne3A_297 = arith.cmpi ne, %add3A_168, %add3A_186 : i32
        %or3A_298 = arith.constant false
        %or3A_299 = arith.ori %or3A_298, %ne3A_297 : i1
        %or3A_300 = arith.ori %or3A_299, %eq3A_167 : i1
        %add3A_301 = arith.constant 1 : i32
        %add3A_302 = arith.addi %scan3A_162, %add3A_301 : i32
        %select_n3A_303 = arith.select %or3A_300, %add3A_302, %scan3A_162 : i32
        %add3A_304 = arith.constant 1 : i32
        %add3A_305 = arith.addi %scan3A_163, %add3A_304 : i32
        %select_n3A_306 = arith.constant true
        %select_n3A_307 = arith.select %select_n3A_306, %add3A_305, %scan3A_163 : i32
        %eq3A_308 = arith.constant 20 : i32
        %eq3A_309 = arith.cmpi eq, %select_n3A_307, %eq3A_308 : i32
        %select_n3A_310 = arith.constant 0 : i32
        %select_n3A_311 = arith.select %eq3A_309, %select_n3A_310, %select_n3A_307 : i32
        scf.yield %select_n3A_206, %select_n3A_296, %select_n3A_222, %select_n3A_303, %select_n3A_311 : i32, i32, i32, i32, i32
      }
      %scan3A_122 = arith.constant 20 : i32
      %sub3A = arith.constant 1 : i32
      %sub3A_123 = arith.subi %scan3A_121#4, %sub3A : i32
      %select_n3A_124 = arith.constant true
      %select_n3A_125 = arith.select %select_n3A_124, %sub3A_123, %scan3A_121#4 : i32
      %eq3A_126 = arith.constant -1 : i32
      %eq3A_127 = arith.cmpi eq, %select_n3A_125, %eq3A_126 : i32
      %select_n3A_128 = arith.constant 19 : i32
      %select_n3A_129 = arith.select %eq3A_127, %select_n3A_128, %select_n3A_125 : i32
      %add3A_130 = arith.addi %select_n3A_129, %mul3A_35 : i32
      %sub3A_131 = arith.constant 1 : i32
      %sub3A_132 = arith.subi %select_n3A_129, %sub3A_131 : i32
      %select_n3A_133 = arith.constant true
      %select_n3A_134 = arith.select %select_n3A_133, %sub3A_132, %select_n3A_129 : i32
      %eq3A_135 = arith.constant -1 : i32
      %eq3A_136 = arith.cmpi eq, %select_n3A_134, %eq3A_135 : i32
      %select_n3A_137 = arith.constant 19 : i32
      %select_n3A_138 = arith.select %eq3A_136, %select_n3A_137, %select_n3A_134 : i32
      %add3A_139 = arith.addi %select_n3A_138, %mul3A_35 : i32
      %add3A_140 = arith.constant 1 : i32
      %add3A_141 = arith.addi %select_n3A_129, %add3A_140 : i32
      %select_n3A_142 = arith.constant true
      %select_n3A_143 = arith.select %select_n3A_142, %add3A_141, %select_n3A_129 : i32
      %eq3A_144 = arith.constant 20 : i32
      %eq3A_145 = arith.cmpi eq, %select_n3A_143, %eq3A_144 : i32
      %select_n3A_146 = arith.constant 0 : i32
      %select_n3A_147 = arith.select %eq3A_145, %select_n3A_146, %select_n3A_143 : i32
      %add3A_148 = arith.addi %select_n3A_147, %mul3A_35 : i32
      %add3A_149 = arith.constant 1 : i32
      %add3A_150 = arith.addi %select_n3A_147, %add3A_149 : i32
      %select_n3A_151 = arith.constant true
      %select_n3A_152 = arith.select %select_n3A_151, %add3A_150, %select_n3A_147 : i32
      %eq3A_153 = arith.constant 20 : i32
      %eq3A_154 = arith.cmpi eq, %select_n3A_152, %eq3A_153 : i32
      %select_n3A_155 = arith.constant 0 : i32
      %select_n3A_156 = arith.select %eq3A_154, %select_n3A_155, %select_n3A_152 : i32
      %add3A_157 = arith.addi %select_n3A_156, %mul3A_35 : i32
      tpu.yield
    }) : () -> ()
    %barrier3A_36 = arith.constant 0 : index
    tpu.barrier barrier_id(%barrier3A_36)
    "tpu.region"() ({
      %run_scoped3A = tpu.sem_alloc : memref<!tpu.dma_semaphore, #tpu.memory_space<semaphore_mem>>
      %dma_start3A = arith.constant 0 : i32
      %dma_start3A_37 = arith.constant 0 : i32
      %dma_start3A_38 = tpu.memref_slice %arg8[%arg0, %dma_start3A, %dma_start3A_37] : memref<2x10240x128xf32, #tpu.memory_space<hbm>> -> memref<1x10240x128xf32, #tpu.memory_space<hbm>>
      %dma_start3A_39 = tpu.memref_squeeze %dma_start3A_38 : memref<1x10240x128xf32, #tpu.memory_space<hbm>> -> memref<10240x128xf32, #tpu.memory_space<hbm>>
      %dma_start3A_40 = arith.constant 0 : i32
      %dma_start3A_41 = tpu.memref_slice %dma_start3A_39[%mul3A_0, %dma_start3A_40] : memref<10240x128xf32, #tpu.memory_space<hbm>> -> memref<640x128xf32, #tpu.memory_space<hbm>>
      %dma_start3A_42 = arith.constant 0 : i32
      %dma_start3A_43 = tpu.memref_slice %arg9[%mul3A_0, %dma_start3A_42] : memref<10240x128xf32, #tpu.memory_space<vmem_shared>> -> memref<640x128xf32, #tpu.memory_space<vmem_shared>>
      tpu.enqueue_dma source(%dma_start3A_43 : memref<640x128xf32, #tpu.memory_space<vmem_shared>>) target(%dma_start3A_41 : memref<640x128xf32, #tpu.memory_space<hbm>>) target_semaphore(%run_scoped3A : memref<!tpu.dma_semaphore, #tpu.memory_space<semaphore_mem>>)
      %dma_wait3A = arith.constant 0 : i32
      %dma_wait3A_44 = arith.constant 0 : i32
      %dma_wait3A_45 = tpu.memref_slice %arg8[%arg0, %dma_wait3A, %dma_wait3A_44] : memref<2x10240x128xf32, #tpu.memory_space<hbm>> -> memref<1x10240x128xf32, #tpu.memory_space<hbm>>
      %dma_wait3A_46 = tpu.memref_squeeze %dma_wait3A_45 : memref<1x10240x128xf32, #tpu.memory_space<hbm>> -> memref<10240x128xf32, #tpu.memory_space<hbm>>
      %dma_wait3A_47 = arith.constant 0 : i32
      %dma_wait3A_48 = tpu.memref_slice %dma_wait3A_46[%mul3A_0, %dma_wait3A_47] : memref<10240x128xf32, #tpu.memory_space<hbm>> -> memref<640x128xf32, #tpu.memory_space<hbm>>
      %dma_wait3A_49 = arith.constant 0 : i32
      %dma_wait3A_50 = tpu.memref_slice %arg9[%mul3A_0, %dma_wait3A_49] : memref<10240x128xf32, #tpu.memory_space<vmem_shared>> -> memref<640x128xf32, #tpu.memory_space<vmem_shared>>
      tpu.wait_dma2 semaphore(%run_scoped3A : memref<!tpu.dma_semaphore, #tpu.memory_space<semaphore_mem>>) src(%dma_wait3A_50 : memref<640x128xf32, #tpu.memory_space<vmem_shared>>) dst(%dma_wait3A_48 : memref<640x128xf32, #tpu.memory_space<hbm>>)
      tpu.yield
    }) : () -> ()
    return
  }
}

module attributes {stable_mosaic.version = 14 : i64} {
  func.func @body(%arg0: i32, %arg1: memref<400x128xf32, #tpu.memory_space<vmem>>, %arg2: memref<256x128xf32, #tpu.memory_space<vmem>>, %arg3: memref<2x400x128xf32, #tpu.memory_space<vmem>>) attributes {dimension_semantics = [#tpu.dimension_semantics<arbitrary>], iteration_bounds = array<i64: 25>, scalar_prefetch = 0 : i64, scratch_operands = 0 : i64, tpu.core_type = #tpu.core_type<tc>, window_params = [{transform_indices = @transform_0, window_bounds = array<i64: 400, 128>}, {pipeline_mode = #tpu.pipeline_mode<synchronous>, transform_indices = @transform_1, window_bounds = array<i64: 256, 128>}, {transform_indices = @transform_2, window_bounds = array<i64: 2, 400, 128>}]} {
    %get3A = arith.constant 0 : index
    %get3A_0 = arith.constant 0 : index
    %get3A_1 = vector.load %arg1[%get3A, %get3A_0] : memref<400x128xf32, #tpu.memory_space<vmem>>, vector<400x128xf32>
    %get3A_2 = arith.constant 0 : index
    %get3A_3 = arith.constant 0 : index
    %get3A_4 = vector.load %arg2[%get3A_2, %get3A_3] : memref<256x128xf32, #tpu.memory_space<vmem>>, vector<128x128xf32>
    %dot_general3A = arith.constant dense<0.000000e+00> : vector<400x128xf32>
    %dot_general3A_5 = tpu.matmul %get3A_1, %get3A_4, %dot_general3A {dimension_numbers = #tpu.dot_dimension_numbers<[1], [0], [0], [1], [0, 0, 1, 1], [], []>, transpose_lhs_hint = false} : vector<400x128xf32>, vector<128x128xf32>, vector<400x128xf32> -> vector<400x128xf32>
    %swap3A = arith.constant 0 : index
    %swap3A_6 = arith.constant 0 : index
    %swap3A_7 = arith.constant 0 : index
    %swap3A_8 = vector.load %arg3[%swap3A, %swap3A_6, %swap3A_7] : memref<2x400x128xf32, #tpu.memory_space<vmem>>, vector<1x400x128xf32>
    %swap3A_9 = vector.shape_cast %swap3A_8 : vector<1x400x128xf32> to vector<400x128xf32>
    %swap3A_10 = vector.shape_cast %dot_general3A_5 : vector<400x128xf32> to vector<1x400x128xf32>
    tpu.vector_store %arg3[%swap3A, %swap3A_6, %swap3A_7], %swap3A_10 {strides = array<i32>} : memref<2x400x128xf32, #tpu.memory_space<vmem>>, vector<1x400x128xf32>,
    %get3A_11 = arith.constant 128 : index
    %get3A_12 = arith.constant 0 : index
    %get3A_13 = vector.load %arg2[%get3A_11, %get3A_12] : memref<256x128xf32, #tpu.memory_space<vmem>>, vector<128x128xf32>
    %dot_general3A_14 = arith.constant dense<0.000000e+00> : vector<400x128xf32>
    %dot_general3A_15 = tpu.matmul %get3A_1, %get3A_13, %dot_general3A_14 {dimension_numbers = #tpu.dot_dimension_numbers<[1], [0], [0], [1], [0, 0, 1, 1], [], []>, transpose_lhs_hint = false} : vector<400x128xf32>, vector<128x128xf32>, vector<400x128xf32> -> vector<400x128xf32>
    %swap3A_16 = arith.constant 1 : index
    %swap3A_17 = arith.constant 0 : index
    %swap3A_18 = arith.constant 0 : index
    %swap3A_19 = vector.load %arg3[%swap3A_16, %swap3A_17, %swap3A_18] : memref<2x400x128xf32, #tpu.memory_space<vmem>>, vector<1x400x128xf32>
    %swap3A_20 = vector.shape_cast %swap3A_19 : vector<1x400x128xf32> to vector<400x128xf32>
    %swap3A_21 = vector.shape_cast %dot_general3A_15 : vector<400x128xf32> to vector<1x400x128xf32>
    tpu.vector_store %arg3[%swap3A_16, %swap3A_17, %swap3A_18], %swap3A_21 {strides = array<i32>} : memref<2x400x128xf32, #tpu.memory_space<vmem>>, vector<1x400x128xf32>,
    return
  }
  func.func @transform_0(%arg0: i32) -> (i32, i32) {
    %c0_i32 = arith.constant 0 : i32
    %c0_i32_0 = arith.constant 0 : i32
    return %arg0, %c0_i32 : i32, i32
  }
  func.func @transform_1(%arg0: i32) -> (i32, i32) {
    %c0_i32 = arith.constant 0 : i32
    %c0_i32_0 = arith.constant 0 : i32
    %c0_i32_1 = arith.constant 0 : i32
    return %c0_i32, %c0_i32_0 : i32, i32
  }
  func.func @transform_2(%arg0: i32) -> (i32, i32, i32) {
    %c0_i32 = arith.constant 0 : i32
    %c0_i32_0 = arith.constant 0 : i32
    %c0_i32_1 = arith.constant 0 : i32
    return %c0_i32, %arg0, %c0_i32_0 : i32, i32, i32
  }
}

module attributes {stable_mosaic.version = 14 : i64} {
  func.func @body(%arg0: i32, %arg1: memref<1280x128xf32, #tpu.memory_space<vmem>>, %arg2: memref<2x1280x128xf32, #tpu.memory_space<vmem>>, %arg3: memref<128x128xf32, #tpu.memory_space<vmem>>, %arg4: memref<1x128xf32, #tpu.memory_space<vmem>>, %arg5: memref<1x128xf32, #tpu.memory_space<vmem>>, %arg6: memref<1280x128xf32, #tpu.memory_space<vmem>>, %arg7: memref<1280x128xf32, #tpu.memory_space<vmem>>) attributes {dimension_semantics = [#tpu.dimension_semantics<arbitrary>], iteration_bounds = array<i64: 64>, scalar_prefetch = 0 : i64, scratch_operands = 0 : i64, tpu.core_type = #tpu.core_type<tc>, window_params = [{transform_indices = @transform_0, window_bounds = array<i64: 1280, 128>}, {transform_indices = @transform_1, window_bounds = array<i64: 2, 1280, 128>}, {pipeline_mode = #tpu.pipeline_mode<synchronous>, transform_indices = @transform_2, window_bounds = array<i64: 128, 128>}, {pipeline_mode = #tpu.pipeline_mode<synchronous>, transform_indices = @transform_3, window_bounds = array<i64: 1, 128>}, {pipeline_mode = #tpu.pipeline_mode<synchronous>, transform_indices = @transform_4, window_bounds = array<i64: 1, 128>}, {transform_indices = @transform_5, window_bounds = array<i64: 1280, 128>}, {transform_indices = @transform_6, window_bounds = array<i64: 1280, 128>}]} {
    %get3A = arith.constant 0 : index
    %get3A_0 = arith.constant 0 : index
    %get3A_1 = vector.load %arg1[%get3A, %get3A_0] : memref<1280x128xf32, #tpu.memory_space<vmem>>, vector<1280x128xf32>
    %get3A_2 = arith.constant 0 : index
    %get3A_3 = arith.constant 0 : index
    %get3A_4 = vector.load %arg3[%get3A_2, %get3A_3] : memref<128x128xf32, #tpu.memory_space<vmem>>, vector<128x128xf32>
    %dot_general3A = arith.constant dense<0.000000e+00> : vector<1280x128xf32>
    %dot_general3A_5 = tpu.matmul %get3A_1, %get3A_4, %dot_general3A {dimension_numbers = #tpu.dot_dimension_numbers<[1], [0], [0], [1], [0, 0, 1, 1], [], []>, transpose_lhs_hint = false} : vector<1280x128xf32>, vector<128x128xf32>, vector<1280x128xf32> -> vector<1280x128xf32>
    %get3A_6 = arith.constant 0 : index
    %get3A_7 = arith.constant 0 : index
    %get3A_8 = arith.constant 0 : index
    %get3A_9 = vector.load %arg2[%get3A_6, %get3A_7, %get3A_8] : memref<2x1280x128xf32, #tpu.memory_space<vmem>>, vector<1x1280x128xf32>
    %get3A_10 = vector.shape_cast %get3A_9 : vector<1x1280x128xf32> to vector<1280x128xf32>
    %add3A = arith.addf %dot_general3A_5, %get3A_10 : vector<1280x128xf32>
    %get3A_11 = arith.constant 1 : index
    %get3A_12 = arith.constant 0 : index
    %get3A_13 = arith.constant 0 : index
    %get3A_14 = vector.load %arg2[%get3A_11, %get3A_12, %get3A_13] : memref<2x1280x128xf32, #tpu.memory_space<vmem>>, vector<1x1280x128xf32>
    %get3A_15 = vector.shape_cast %get3A_14 : vector<1x1280x128xf32> to vector<1280x128xf32>
    %add3A_16 = arith.addf %add3A, %get3A_15 : vector<1280x128xf32>
    %tanh3A = math.tanh %add3A_16 : vector<1280x128xf32>
    %reduce_sum3A = arith.constant dense<0.000000e+00> : vector<1280xf32>
    %reduce_sum3A_17 = vector.multi_reduction <add>, %tanh3A, %reduce_sum3A [1] : vector<1280x128xf32> to vector<1280xf32>
    %broadcast_in_dim3A = vector.shape_cast %reduce_sum3A_17 : vector<1280xf32> to vector<1280x1xf32>
    %div3A = arith.constant 1.280000e+02 : f32
    %div3A_18 = vector.broadcast %div3A : f32 to vector<1280x1xf32>
    %div3A_19 = arith.divf %broadcast_in_dim3A, %div3A_18 : vector<1280x1xf32>
    %sub3A = vector.broadcast %div3A_19 : vector<1280x1xf32> to vector<1280x128xf32>
    %sub3A_20 = arith.subf %tanh3A, %sub3A : vector<1280x128xf32>
    %integer_pow3A = arith.mulf %sub3A_20, %sub3A_20 : vector<1280x128xf32>
    %reduce_sum3A_21 = arith.constant dense<0.000000e+00> : vector<1280xf32>
    %reduce_sum3A_22 = vector.multi_reduction <add>, %integer_pow3A, %reduce_sum3A_21 [1] : vector<1280x128xf32> to vector<1280xf32>
    %broadcast_in_dim3A_23 = vector.shape_cast %reduce_sum3A_22 : vector<1280xf32> to vector<1280x1xf32>
    %div3A_24 = arith.constant 1.280000e+02 : f32
    %div3A_25 = vector.broadcast %div3A_24 : f32 to vector<1280x1xf32>
    %div3A_26 = arith.divf %broadcast_in_dim3A_23, %div3A_25 : vector<1280x1xf32>
    %sub3A_27 = vector.broadcast %div3A_19 : vector<1280x1xf32> to vector<1280x128xf32>
    %sub3A_28 = arith.subf %tanh3A, %sub3A_27 : vector<1280x128xf32>
    %add3A_29 = arith.constant 9.99999974E-6 : f32
    %add3A_30 = vector.broadcast %add3A_29 : f32 to vector<1280x1xf32>
    %add3A_31 = arith.addf %div3A_26, %add3A_30 : vector<1280x1xf32>
    %sqrt3A = math.sqrt %add3A_31 : vector<1280x1xf32>
    %div3A_32 = vector.broadcast %sqrt3A : vector<1280x1xf32> to vector<1280x128xf32>
    %div3A_33 = arith.divf %sub3A_28, %div3A_32 : vector<1280x128xf32>
    %get3A_34 = arith.constant 0 : index
    %get3A_35 = arith.constant 0 : index
    %get3A_36 = vector.load %arg4[%get3A_34, %get3A_35] : memref<1x128xf32, #tpu.memory_space<vmem>>, vector<1x128xf32>
    %mul3A = vector.broadcast %get3A_36 : vector<1x128xf32> to vector<1280x128xf32>
    %mul3A_37 = arith.mulf %div3A_33, %mul3A : vector<1280x128xf32>
    %get3A_38 = arith.constant 0 : index
    %get3A_39 = arith.constant 0 : index
    %get3A_40 = vector.load %arg5[%get3A_38, %get3A_39] : memref<1x128xf32, #tpu.memory_space<vmem>>, vector<1x128xf32>
    %add3A_41 = vector.broadcast %get3A_40 : vector<1x128xf32> to vector<1280x128xf32>
    %add3A_42 = arith.addf %mul3A_37, %add3A_41 : vector<1280x128xf32>
    %swap3A = arith.constant 0 : index
    %swap3A_43 = arith.constant 0 : index
    %swap3A_44 = vector.load %arg7[%swap3A, %swap3A_43] : memref<1280x128xf32, #tpu.memory_space<vmem>>, vector<1280x128xf32>
    tpu.vector_store %arg7[%swap3A, %swap3A_43], %add3A_42 {strides = array<i32>} : memref<1280x128xf32, #tpu.memory_space<vmem>>, vector<1280x128xf32>,
    %add3A_45 = arith.addf %get3A_1, %add3A_42 : vector<1280x128xf32>
    %swap3A_46 = arith.constant 0 : index
    %swap3A_47 = arith.constant 0 : index
    %swap3A_48 = vector.load %arg6[%swap3A_46, %swap3A_47] : memref<1280x128xf32, #tpu.memory_space<vmem>>, vector<1280x128xf32>
    tpu.vector_store %arg6[%swap3A_46, %swap3A_47], %add3A_45 {strides = array<i32>} : memref<1280x128xf32, #tpu.memory_space<vmem>>, vector<1280x128xf32>,
    return
  }
  func.func @transform_0(%arg0: i32) -> (i32, i32) {
    %add3A = arith.constant 0 : i32
    %add3A_0 = arith.addi %arg0, %add3A : i32
    %c0_i32 = arith.constant 0 : i32
    %c0_i32_1 = arith.constant 0 : i32
    return %add3A_0, %c0_i32 : i32, i32
  }
  func.func @transform_1(%arg0: i32) -> (i32, i32, i32) {
    %c0_i32 = arith.constant 0 : i32
    %c0_i32_0 = arith.constant 0 : i32
    %c0_i32_1 = arith.constant 0 : i32
    return %c0_i32, %arg0, %c0_i32_0 : i32, i32, i32
  }
  func.func @transform_2(%arg0: i32) -> (i32, i32) {
    %c0_i32 = arith.constant 0 : i32
    %c0_i32_0 = arith.constant 0 : i32
    %c0_i32_1 = arith.constant 0 : i32
    return %c0_i32, %c0_i32_0 : i32, i32
  }
  func.func @transform_3(%arg0: i32) -> (i32, i32) {
    %c0_i32 = arith.constant 0 : i32
    %c0_i32_0 = arith.constant 0 : i32
    %c0_i32_1 = arith.constant 0 : i32
    return %c0_i32, %c0_i32_0 : i32, i32
  }
  func.func @transform_4(%arg0: i32) -> (i32, i32) {
    %c0_i32 = arith.constant 0 : i32
    %c0_i32_0 = arith.constant 0 : i32
    %c0_i32_1 = arith.constant 0 : i32
    return %c0_i32, %c0_i32_0 : i32, i32
  }
  func.func @transform_5(%arg0: i32) -> (i32, i32) {
    %c0_i32 = arith.constant 0 : i32
    %c0_i32_0 = arith.constant 0 : i32
    return %arg0, %c0_i32 : i32, i32
  }
  func.func @transform_6(%arg0: i32) -> (i32, i32) {
    %c0_i32 = arith.constant 0 : i32
    %c0_i32_0 = arith.constant 0 : i32
    return %arg0, %c0_i32 : i32, i32
  }
}

module attributes {stable_mosaic.version = 14 : i64} {
  func.func @body(%arg0: i32, %arg1: memref<1280x128xf32, #tpu.memory_space<vmem>>, %arg2: memref<2x1280x128xf32, #tpu.memory_space<vmem>>, %arg3: memref<128x128xf32, #tpu.memory_space<vmem>>, %arg4: memref<1x128xf32, #tpu.memory_space<vmem>>, %arg5: memref<1x128xf32, #tpu.memory_space<vmem>>, %arg6: memref<1280x128xf32, #tpu.memory_space<vmem>>, %arg7: memref<1280x128xf32, #tpu.memory_space<vmem>>) attributes {dimension_semantics = [#tpu.dimension_semantics<arbitrary>], iteration_bounds = array<i64: 64>, scalar_prefetch = 0 : i64, scratch_operands = 0 : i64, tpu.core_type = #tpu.core_type<tc>, window_params = [{transform_indices = @transform_0, window_bounds = array<i64: 1280, 128>}, {transform_indices = @transform_1, window_bounds = array<i64: 2, 1280, 128>}, {pipeline_mode = #tpu.pipeline_mode<synchronous>, transform_indices = @transform_2, window_bounds = array<i64: 128, 128>}, {pipeline_mode = #tpu.pipeline_mode<synchronous>, transform_indices = @transform_3, window_bounds = array<i64: 1, 128>}, {pipeline_mode = #tpu.pipeline_mode<synchronous>, transform_indices = @transform_4, window_bounds = array<i64: 1, 128>}, {transform_indices = @transform_5, window_bounds = array<i64: 1280, 128>}, {transform_indices = @transform_6, window_bounds = array<i64: 1280, 128>}]} {
    %get3A = arith.constant 0 : index
    %get3A_0 = arith.constant 0 : index
    %get3A_1 = vector.load %arg1[%get3A, %get3A_0] : memref<1280x128xf32, #tpu.memory_space<vmem>>, vector<1280x128xf32>
    %get3A_2 = arith.constant 0 : index
    %get3A_3 = arith.constant 0 : index
    %get3A_4 = vector.load %arg3[%get3A_2, %get3A_3] : memref<128x128xf32, #tpu.memory_space<vmem>>, vector<128x128xf32>
    %dot_general3A = arith.constant dense<0.000000e+00> : vector<1280x128xf32>
    %dot_general3A_5 = tpu.matmul %get3A_1, %get3A_4, %dot_general3A {dimension_numbers = #tpu.dot_dimension_numbers<[1], [0], [0], [1], [0, 0, 1, 1], [], []>, transpose_lhs_hint = false} : vector<1280x128xf32>, vector<128x128xf32>, vector<1280x128xf32> -> vector<1280x128xf32>
    %get3A_6 = arith.constant 0 : index
    %get3A_7 = arith.constant 0 : index
    %get3A_8 = arith.constant 0 : index
    %get3A_9 = vector.load %arg2[%get3A_6, %get3A_7, %get3A_8] : memref<2x1280x128xf32, #tpu.memory_space<vmem>>, vector<1x1280x128xf32>
    %get3A_10 = vector.shape_cast %get3A_9 : vector<1x1280x128xf32> to vector<1280x128xf32>
    %add3A = arith.addf %dot_general3A_5, %get3A_10 : vector<1280x128xf32>
    %get3A_11 = arith.constant 1 : index
    %get3A_12 = arith.constant 0 : index
    %get3A_13 = arith.constant 0 : index
    %get3A_14 = vector.load %arg2[%get3A_11, %get3A_12, %get3A_13] : memref<2x1280x128xf32, #tpu.memory_space<vmem>>, vector<1x1280x128xf32>
    %get3A_15 = vector.shape_cast %get3A_14 : vector<1x1280x128xf32> to vector<1280x128xf32>
    %add3A_16 = arith.addf %add3A, %get3A_15 : vector<1280x128xf32>
    %tanh3A = math.tanh %add3A_16 : vector<1280x128xf32>
    %reduce_sum3A = arith.constant dense<0.000000e+00> : vector<1280xf32>
    %reduce_sum3A_17 = vector.multi_reduction <add>, %tanh3A, %reduce_sum3A [1] : vector<1280x128xf32> to vector<1280xf32>
    %broadcast_in_dim3A = vector.shape_cast %reduce_sum3A_17 : vector<1280xf32> to vector<1280x1xf32>
    %div3A = arith.constant 1.280000e+02 : f32
    %div3A_18 = vector.broadcast %div3A : f32 to vector<1280x1xf32>
    %div3A_19 = arith.divf %broadcast_in_dim3A, %div3A_18 : vector<1280x1xf32>
    %sub3A = vector.broadcast %div3A_19 : vector<1280x1xf32> to vector<1280x128xf32>
    %sub3A_20 = arith.subf %tanh3A, %sub3A : vector<1280x128xf32>
    %integer_pow3A = arith.mulf %sub3A_20, %sub3A_20 : vector<1280x128xf32>
    %reduce_sum3A_21 = arith.constant dense<0.000000e+00> : vector<1280xf32>
    %reduce_sum3A_22 = vector.multi_reduction <add>, %integer_pow3A, %reduce_sum3A_21 [1] : vector<1280x128xf32> to vector<1280xf32>
    %broadcast_in_dim3A_23 = vector.shape_cast %reduce_sum3A_22 : vector<1280xf32> to vector<1280x1xf32>
    %div3A_24 = arith.constant 1.280000e+02 : f32
    %div3A_25 = vector.broadcast %div3A_24 : f32 to vector<1280x1xf32>
    %div3A_26 = arith.divf %broadcast_in_dim3A_23, %div3A_25 : vector<1280x1xf32>
    %sub3A_27 = vector.broadcast %div3A_19 : vector<1280x1xf32> to vector<1280x128xf32>
    %sub3A_28 = arith.subf %tanh3A, %sub3A_27 : vector<1280x128xf32>
    %add3A_29 = arith.constant 9.99999974E-6 : f32
    %add3A_30 = vector.broadcast %add3A_29 : f32 to vector<1280x1xf32>
    %add3A_31 = arith.addf %div3A_26, %add3A_30 : vector<1280x1xf32>
    %sqrt3A = math.sqrt %add3A_31 : vector<1280x1xf32>
    %div3A_32 = vector.broadcast %sqrt3A : vector<1280x1xf32> to vector<1280x128xf32>
    %div3A_33 = arith.divf %sub3A_28, %div3A_32 : vector<1280x128xf32>
    %get3A_34 = arith.constant 0 : index
    %get3A_35 = arith.constant 0 : index
    %get3A_36 = vector.load %arg4[%get3A_34, %get3A_35] : memref<1x128xf32, #tpu.memory_space<vmem>>, vector<1x128xf32>
    %mul3A = vector.broadcast %get3A_36 : vector<1x128xf32> to vector<1280x128xf32>
    %mul3A_37 = arith.mulf %div3A_33, %mul3A : vector<1280x128xf32>
    %get3A_38 = arith.constant 0 : index
    %get3A_39 = arith.constant 0 : index
    %get3A_40 = vector.load %arg5[%get3A_38, %get3A_39] : memref<1x128xf32, #tpu.memory_space<vmem>>, vector<1x128xf32>
    %add3A_41 = vector.broadcast %get3A_40 : vector<1x128xf32> to vector<1280x128xf32>
    %add3A_42 = arith.addf %mul3A_37, %add3A_41 : vector<1280x128xf32>
    %swap3A = arith.constant 0 : index
    %swap3A_43 = arith.constant 0 : index
    %swap3A_44 = vector.load %arg7[%swap3A, %swap3A_43] : memref<1280x128xf32, #tpu.memory_space<vmem>>, vector<1280x128xf32>
    tpu.vector_store %arg7[%swap3A, %swap3A_43], %add3A_42 {strides = array<i32>} : memref<1280x128xf32, #tpu.memory_space<vmem>>, vector<1280x128xf32>,
    %add3A_45 = arith.addf %get3A_1, %add3A_42 : vector<1280x128xf32>
    %swap3A_46 = arith.constant 0 : index
    %swap3A_47 = arith.constant 0 : index
    %swap3A_48 = vector.load %arg6[%swap3A_46, %swap3A_47] : memref<1280x128xf32, #tpu.memory_space<vmem>>, vector<1280x128xf32>
    tpu.vector_store %arg6[%swap3A_46, %swap3A_47], %add3A_45 {strides = array<i32>} : memref<1280x128xf32, #tpu.memory_space<vmem>>, vector<1280x128xf32>,
    return
  }
  func.func @transform_0(%arg0: i32) -> (i32, i32) {
    %add3A = arith.constant 64 : i32
    %add3A_0 = arith.addi %arg0, %add3A : i32
    %c0_i32 = arith.constant 0 : i32
    %c0_i32_1 = arith.constant 0 : i32
    return %add3A_0, %c0_i32 : i32, i32
  }
  func.func @transform_1(%arg0: i32) -> (i32, i32, i32) {
    %c0_i32 = arith.constant 0 : i32
    %c0_i32_0 = arith.constant 0 : i32
    %c0_i32_1 = arith.constant 0 : i32
    return %c0_i32, %arg0, %c0_i32_0 : i32, i32, i32
  }
  func.func @transform_2(%arg0: i32) -> (i32, i32) {
    %c0_i32 = arith.constant 0 : i32
    %c0_i32_0 = arith.constant 0 : i32
    %c0_i32_1 = arith.constant 0 : i32
    return %c0_i32, %c0_i32_0 : i32, i32
  }
  func.func @transform_3(%arg0: i32) -> (i32, i32) {
    %c0_i32 = arith.constant 0 : i32
    %c0_i32_0 = arith.constant 0 : i32
    %c0_i32_1 = arith.constant 0 : i32
    return %c0_i32, %c0_i32_0 : i32, i32
  }
  func.func @transform_4(%arg0: i32) -> (i32, i32) {
    %c0_i32 = arith.constant 0 : i32
    %c0_i32_0 = arith.constant 0 : i32
    %c0_i32_1 = arith.constant 0 : i32
    return %c0_i32, %c0_i32_0 : i32, i32
  }
  func.func @transform_5(%arg0: i32) -> (i32, i32) {
    %c0_i32 = arith.constant 0 : i32
    %c0_i32_0 = arith.constant 0 : i32
    return %arg0, %c0_i32 : i32, i32
  }
  func.func @transform_6(%arg0: i32) -> (i32, i32) {
    %c0_i32 = arith.constant 0 : i32
    %c0_i32_0 = arith.constant 0 : i32
    return %arg0, %c0_i32 : i32, i32
  }
}

module attributes {stable_mosaic.version = 14 : i64} {
  func.func @body(%arg0: i32, %arg1: memref<1280x128xf32, #tpu.memory_space<vmem>>, %arg2: memref<2x1280x128xf32, #tpu.memory_space<vmem>>, %arg3: memref<128x128xf32, #tpu.memory_space<vmem>>, %arg4: memref<1x128xf32, #tpu.memory_space<vmem>>, %arg5: memref<1x128xf32, #tpu.memory_space<vmem>>, %arg6: memref<1280x128xf32, #tpu.memory_space<vmem>>, %arg7: memref<1280x128xf32, #tpu.memory_space<vmem>>) attributes {dimension_semantics = [#tpu.dimension_semantics<arbitrary>], iteration_bounds = array<i64: 64>, scalar_prefetch = 0 : i64, scratch_operands = 0 : i64, tpu.core_type = #tpu.core_type<tc>, window_params = [{transform_indices = @transform_0, window_bounds = array<i64: 1280, 128>}, {transform_indices = @transform_1, window_bounds = array<i64: 2, 1280, 128>}, {pipeline_mode = #tpu.pipeline_mode<synchronous>, transform_indices = @transform_2, window_bounds = array<i64: 128, 128>}, {pipeline_mode = #tpu.pipeline_mode<synchronous>, transform_indices = @transform_3, window_bounds = array<i64: 1, 128>}, {pipeline_mode = #tpu.pipeline_mode<synchronous>, transform_indices = @transform_4, window_bounds = array<i64: 1, 128>}, {transform_indices = @transform_5, window_bounds = array<i64: 1280, 128>}, {transform_indices = @transform_6, window_bounds = array<i64: 1280, 128>}]} {
    %get3A = arith.constant 0 : index
    %get3A_0 = arith.constant 0 : index
    %get3A_1 = vector.load %arg1[%get3A, %get3A_0] : memref<1280x128xf32, #tpu.memory_space<vmem>>, vector<1280x128xf32>
    %get3A_2 = arith.constant 0 : index
    %get3A_3 = arith.constant 0 : index
    %get3A_4 = vector.load %arg3[%get3A_2, %get3A_3] : memref<128x128xf32, #tpu.memory_space<vmem>>, vector<128x128xf32>
    %dot_general3A = arith.constant dense<0.000000e+00> : vector<1280x128xf32>
    %dot_general3A_5 = tpu.matmul %get3A_1, %get3A_4, %dot_general3A {dimension_numbers = #tpu.dot_dimension_numbers<[1], [0], [0], [1], [0, 0, 1, 1], [], []>, transpose_lhs_hint = false} : vector<1280x128xf32>, vector<128x128xf32>, vector<1280x128xf32> -> vector<1280x128xf32>
    %get3A_6 = arith.constant 0 : index
    %get3A_7 = arith.constant 0 : index
    %get3A_8 = arith.constant 0 : index
    %get3A_9 = vector.load %arg2[%get3A_6, %get3A_7, %get3A_8] : memref<2x1280x128xf32, #tpu.memory_space<vmem>>, vector<1x1280x128xf32>
    %get3A_10 = vector.shape_cast %get3A_9 : vector<1x1280x128xf32> to vector<1280x128xf32>
    %add3A = arith.addf %dot_general3A_5, %get3A_10 : vector<1280x128xf32>
    %get3A_11 = arith.constant 1 : index
    %get3A_12 = arith.constant 0 : index
    %get3A_13 = arith.constant 0 : index
    %get3A_14 = vector.load %arg2[%get3A_11, %get3A_12, %get3A_13] : memref<2x1280x128xf32, #tpu.memory_space<vmem>>, vector<1x1280x128xf32>
    %get3A_15 = vector.shape_cast %get3A_14 : vector<1x1280x128xf32> to vector<1280x128xf32>
    %add3A_16 = arith.addf %add3A, %get3A_15 : vector<1280x128xf32>
    %tanh3A = math.tanh %add3A_16 : vector<1280x128xf32>
    %reduce_sum3A = arith.constant dense<0.000000e+00> : vector<1280xf32>
    %reduce_sum3A_17 = vector.multi_reduction <add>, %tanh3A, %reduce_sum3A [1] : vector<1280x128xf32> to vector<1280xf32>
    %broadcast_in_dim3A = vector.shape_cast %reduce_sum3A_17 : vector<1280xf32> to vector<1280x1xf32>
    %div3A = arith.constant 1.280000e+02 : f32
    %div3A_18 = vector.broadcast %div3A : f32 to vector<1280x1xf32>
    %div3A_19 = arith.divf %broadcast_in_dim3A, %div3A_18 : vector<1280x1xf32>
    %sub3A = vector.broadcast %div3A_19 : vector<1280x1xf32> to vector<1280x128xf32>
    %sub3A_20 = arith.subf %tanh3A, %sub3A : vector<1280x128xf32>
    %integer_pow3A = arith.mulf %sub3A_20, %sub3A_20 : vector<1280x128xf32>
    %reduce_sum3A_21 = arith.constant dense<0.000000e+00> : vector<1280xf32>
    %reduce_sum3A_22 = vector.multi_reduction <add>, %integer_pow3A, %reduce_sum3A_21 [1] : vector<1280x128xf32> to vector<1280xf32>
    %broadcast_in_dim3A_23 = vector.shape_cast %reduce_sum3A_22 : vector<1280xf32> to vector<1280x1xf32>
    %div3A_24 = arith.constant 1.280000e+02 : f32
    %div3A_25 = vector.broadcast %div3A_24 : f32 to vector<1280x1xf32>
    %div3A_26 = arith.divf %broadcast_in_dim3A_23, %div3A_25 : vector<1280x1xf32>
    %sub3A_27 = vector.broadcast %div3A_19 : vector<1280x1xf32> to vector<1280x128xf32>
    %sub3A_28 = arith.subf %tanh3A, %sub3A_27 : vector<1280x128xf32>
    %add3A_29 = arith.constant 9.99999974E-6 : f32
    %add3A_30 = vector.broadcast %add3A_29 : f32 to vector<1280x1xf32>
    %add3A_31 = arith.addf %div3A_26, %add3A_30 : vector<1280x1xf32>
    %sqrt3A = math.sqrt %add3A_31 : vector<1280x1xf32>
    %div3A_32 = vector.broadcast %sqrt3A : vector<1280x1xf32> to vector<1280x128xf32>
    %div3A_33 = arith.divf %sub3A_28, %div3A_32 : vector<1280x128xf32>
    %get3A_34 = arith.constant 0 : index
    %get3A_35 = arith.constant 0 : index
    %get3A_36 = vector.load %arg4[%get3A_34, %get3A_35] : memref<1x128xf32, #tpu.memory_space<vmem>>, vector<1x128xf32>
    %mul3A = vector.broadcast %get3A_36 : vector<1x128xf32> to vector<1280x128xf32>
    %mul3A_37 = arith.mulf %div3A_33, %mul3A : vector<1280x128xf32>
    %get3A_38 = arith.constant 0 : index
    %get3A_39 = arith.constant 0 : index
    %get3A_40 = vector.load %arg5[%get3A_38, %get3A_39] : memref<1x128xf32, #tpu.memory_space<vmem>>, vector<1x128xf32>
    %add3A_41 = vector.broadcast %get3A_40 : vector<1x128xf32> to vector<1280x128xf32>
    %add3A_42 = arith.addf %mul3A_37, %add3A_41 : vector<1280x128xf32>
    %swap3A = arith.constant 0 : index
    %swap3A_43 = arith.constant 0 : index
    %swap3A_44 = vector.load %arg7[%swap3A, %swap3A_43] : memref<1280x128xf32, #tpu.memory_space<vmem>>, vector<1280x128xf32>
    tpu.vector_store %arg7[%swap3A, %swap3A_43], %add3A_42 {strides = array<i32>} : memref<1280x128xf32, #tpu.memory_space<vmem>>, vector<1280x128xf32>,
    %add3A_45 = arith.addf %get3A_1, %add3A_42 : vector<1280x128xf32>
    %swap3A_46 = arith.constant 0 : index
    %swap3A_47 = arith.constant 0 : index
    %swap3A_48 = vector.load %arg6[%swap3A_46, %swap3A_47] : memref<1280x128xf32, #tpu.memory_space<vmem>>, vector<1280x128xf32>
    tpu.vector_store %arg6[%swap3A_46, %swap3A_47], %add3A_45 {strides = array<i32>} : memref<1280x128xf32, #tpu.memory_space<vmem>>, vector<1280x128xf32>,
    return
  }
  func.func @transform_0(%arg0: i32) -> (i32, i32) {
    %add3A = arith.constant 128 : i32
    %add3A_0 = arith.addi %arg0, %add3A : i32
    %c0_i32 = arith.constant 0 : i32
    %c0_i32_1 = arith.constant 0 : i32
    return %add3A_0, %c0_i32 : i32, i32
  }
  func.func @transform_1(%arg0: i32) -> (i32, i32, i32) {
    %c0_i32 = arith.constant 0 : i32
    %c0_i32_0 = arith.constant 0 : i32
    %c0_i32_1 = arith.constant 0 : i32
    return %c0_i32, %arg0, %c0_i32_0 : i32, i32, i32
  }
  func.func @transform_2(%arg0: i32) -> (i32, i32) {
    %c0_i32 = arith.constant 0 : i32
    %c0_i32_0 = arith.constant 0 : i32
    %c0_i32_1 = arith.constant 0 : i32
    return %c0_i32, %c0_i32_0 : i32, i32
  }
  func.func @transform_3(%arg0: i32) -> (i32, i32) {
    %c0_i32 = arith.constant 0 : i32
    %c0_i32_0 = arith.constant 0 : i32
    %c0_i32_1 = arith.constant 0 : i32
    return %c0_i32, %c0_i32_0 : i32, i32
  }
  func.func @transform_4(%arg0: i32) -> (i32, i32) {
    %c0_i32 = arith.constant 0 : i32
    %c0_i32_0 = arith.constant 0 : i32
    %c0_i32_1 = arith.constant 0 : i32
    return %c0_i32, %c0_i32_0 : i32, i32
  }
  func.func @transform_5(%arg0: i32) -> (i32, i32) {
    %c0_i32 = arith.constant 0 : i32
    %c0_i32_0 = arith.constant 0 : i32
    return %arg0, %c0_i32 : i32, i32
  }
  func.func @transform_6(%arg0: i32) -> (i32, i32) {
    %c0_i32 = arith.constant 0 : i32
    %c0_i32_0 = arith.constant 0 : i32
    return %arg0, %c0_i32 : i32, i32
  }
}

module attributes {stable_mosaic.version = 14 : i64} {
  func.func @body(%arg0: i32, %arg1: memref<1280x128xf32, #tpu.memory_space<vmem>>, %arg2: memref<2x1280x128xf32, #tpu.memory_space<vmem>>, %arg3: memref<128x128xf32, #tpu.memory_space<vmem>>, %arg4: memref<1x128xf32, #tpu.memory_space<vmem>>, %arg5: memref<1x128xf32, #tpu.memory_space<vmem>>, %arg6: memref<1280x128xf32, #tpu.memory_space<vmem>>, %arg7: memref<1280x128xf32, #tpu.memory_space<vmem>>) attributes {dimension_semantics = [#tpu.dimension_semantics<arbitrary>], iteration_bounds = array<i64: 58>, scalar_prefetch = 0 : i64, scratch_operands = 0 : i64, tpu.core_type = #tpu.core_type<tc>, window_params = [{transform_indices = @transform_0, window_bounds = array<i64: 1280, 128>}, {transform_indices = @transform_1, window_bounds = array<i64: 2, 1280, 128>}, {pipeline_mode = #tpu.pipeline_mode<synchronous>, transform_indices = @transform_2, window_bounds = array<i64: 128, 128>}, {pipeline_mode = #tpu.pipeline_mode<synchronous>, transform_indices = @transform_3, window_bounds = array<i64: 1, 128>}, {pipeline_mode = #tpu.pipeline_mode<synchronous>, transform_indices = @transform_4, window_bounds = array<i64: 1, 128>}, {transform_indices = @transform_5, window_bounds = array<i64: 1280, 128>}, {transform_indices = @transform_6, window_bounds = array<i64: 1280, 128>}]} {
    %get3A = arith.constant 0 : index
    %get3A_0 = arith.constant 0 : index
    %get3A_1 = vector.load %arg1[%get3A, %get3A_0] : memref<1280x128xf32, #tpu.memory_space<vmem>>, vector<1280x128xf32>
    %get3A_2 = arith.constant 0 : index
    %get3A_3 = arith.constant 0 : index
    %get3A_4 = vector.load %arg3[%get3A_2, %get3A_3] : memref<128x128xf32, #tpu.memory_space<vmem>>, vector<128x128xf32>
    %dot_general3A = arith.constant dense<0.000000e+00> : vector<1280x128xf32>
    %dot_general3A_5 = tpu.matmul %get3A_1, %get3A_4, %dot_general3A {dimension_numbers = #tpu.dot_dimension_numbers<[1], [0], [0], [1], [0, 0, 1, 1], [], []>, transpose_lhs_hint = false} : vector<1280x128xf32>, vector<128x128xf32>, vector<1280x128xf32> -> vector<1280x128xf32>
    %get3A_6 = arith.constant 0 : index
    %get3A_7 = arith.constant 0 : index
    %get3A_8 = arith.constant 0 : index
    %get3A_9 = vector.load %arg2[%get3A_6, %get3A_7, %get3A_8] : memref<2x1280x128xf32, #tpu.memory_space<vmem>>, vector<1x1280x128xf32>
    %get3A_10 = vector.shape_cast %get3A_9 : vector<1x1280x128xf32> to vector<1280x128xf32>
    %add3A = arith.addf %dot_general3A_5, %get3A_10 : vector<1280x128xf32>
    %get3A_11 = arith.constant 1 : index
    %get3A_12 = arith.constant 0 : index
    %get3A_13 = arith.constant 0 : index
    %get3A_14 = vector.load %arg2[%get3A_11, %get3A_12, %get3A_13] : memref<2x1280x128xf32, #tpu.memory_space<vmem>>, vector<1x1280x128xf32>
    %get3A_15 = vector.shape_cast %get3A_14 : vector<1x1280x128xf32> to vector<1280x128xf32>
    %add3A_16 = arith.addf %add3A, %get3A_15 : vector<1280x128xf32>
    %tanh3A = math.tanh %add3A_16 : vector<1280x128xf32>
    %reduce_sum3A = arith.constant dense<0.000000e+00> : vector<1280xf32>
    %reduce_sum3A_17 = vector.multi_reduction <add>, %tanh3A, %reduce_sum3A [1] : vector<1280x128xf32> to vector<1280xf32>
    %broadcast_in_dim3A = vector.shape_cast %reduce_sum3A_17 : vector<1280xf32> to vector<1280x1xf32>
    %div3A = arith.constant 1.280000e+02 : f32
    %div3A_18 = vector.broadcast %div3A : f32 to vector<1280x1xf32>
    %div3A_19 = arith.divf %broadcast_in_dim3A, %div3A_18 : vector<1280x1xf32>
    %sub3A = vector.broadcast %div3A_19 : vector<1280x1xf32> to vector<1280x128xf32>
    %sub3A_20 = arith.subf %tanh3A, %sub3A : vector<1280x128xf32>
    %integer_pow3A = arith.mulf %sub3A_20, %sub3A_20 : vector<1280x128xf32>
    %reduce_sum3A_21 = arith.constant dense<0.000000e+00> : vector<1280xf32>
    %reduce_sum3A_22 = vector.multi_reduction <add>, %integer_pow3A, %reduce_sum3A_21 [1] : vector<1280x128xf32> to vector<1280xf32>
    %broadcast_in_dim3A_23 = vector.shape_cast %reduce_sum3A_22 : vector<1280xf32> to vector<1280x1xf32>
    %div3A_24 = arith.constant 1.280000e+02 : f32
    %div3A_25 = vector.broadcast %div3A_24 : f32 to vector<1280x1xf32>
    %div3A_26 = arith.divf %broadcast_in_dim3A_23, %div3A_25 : vector<1280x1xf32>
    %sub3A_27 = vector.broadcast %div3A_19 : vector<1280x1xf32> to vector<1280x128xf32>
    %sub3A_28 = arith.subf %tanh3A, %sub3A_27 : vector<1280x128xf32>
    %add3A_29 = arith.constant 9.99999974E-6 : f32
    %add3A_30 = vector.broadcast %add3A_29 : f32 to vector<1280x1xf32>
    %add3A_31 = arith.addf %div3A_26, %add3A_30 : vector<1280x1xf32>
    %sqrt3A = math.sqrt %add3A_31 : vector<1280x1xf32>
    %div3A_32 = vector.broadcast %sqrt3A : vector<1280x1xf32> to vector<1280x128xf32>
    %div3A_33 = arith.divf %sub3A_28, %div3A_32 : vector<1280x128xf32>
    %get3A_34 = arith.constant 0 : index
    %get3A_35 = arith.constant 0 : index
    %get3A_36 = vector.load %arg4[%get3A_34, %get3A_35] : memref<1x128xf32, #tpu.memory_space<vmem>>, vector<1x128xf32>
    %mul3A = vector.broadcast %get3A_36 : vector<1x128xf32> to vector<1280x128xf32>
    %mul3A_37 = arith.mulf %div3A_33, %mul3A : vector<1280x128xf32>
    %get3A_38 = arith.constant 0 : index
    %get3A_39 = arith.constant 0 : index
    %get3A_40 = vector.load %arg5[%get3A_38, %get3A_39] : memref<1x128xf32, #tpu.memory_space<vmem>>, vector<1x128xf32>
    %add3A_41 = vector.broadcast %get3A_40 : vector<1x128xf32> to vector<1280x128xf32>
    %add3A_42 = arith.addf %mul3A_37, %add3A_41 : vector<1280x128xf32>
    %swap3A = arith.constant 0 : index
    %swap3A_43 = arith.constant 0 : index
    %swap3A_44 = vector.load %arg7[%swap3A, %swap3A_43] : memref<1280x128xf32, #tpu.memory_space<vmem>>, vector<1280x128xf32>
    tpu.vector_store %arg7[%swap3A, %swap3A_43], %add3A_42 {strides = array<i32>} : memref<1280x128xf32, #tpu.memory_space<vmem>>, vector<1280x128xf32>,
    %add3A_45 = arith.addf %get3A_1, %add3A_42 : vector<1280x128xf32>
    %swap3A_46 = arith.constant 0 : index
    %swap3A_47 = arith.constant 0 : index
    %swap3A_48 = vector.load %arg6[%swap3A_46, %swap3A_47] : memref<1280x128xf32, #tpu.memory_space<vmem>>, vector<1280x128xf32>
    tpu.vector_store %arg6[%swap3A_46, %swap3A_47], %add3A_45 {strides = array<i32>} : memref<1280x128xf32, #tpu.memory_space<vmem>>, vector<1280x128xf32>,
    return
  }
  func.func @transform_0(%arg0: i32) -> (i32, i32) {
    %add3A = arith.constant 192 : i32
    %add3A_0 = arith.addi %arg0, %add3A : i32
    %c0_i32 = arith.constant 0 : i32
    %c0_i32_1 = arith.constant 0 : i32
    return %add3A_0, %c0_i32 : i32, i32
  }
  func.func @transform_1(%arg0: i32) -> (i32, i32, i32) {
    %c0_i32 = arith.constant 0 : i32
    %c0_i32_0 = arith.constant 0 : i32
    %c0_i32_1 = arith.constant 0 : i32
    return %c0_i32, %arg0, %c0_i32_0 : i32, i32, i32
  }
  func.func @transform_2(%arg0: i32) -> (i32, i32) {
    %c0_i32 = arith.constant 0 : i32
    %c0_i32_0 = arith.constant 0 : i32
    %c0_i32_1 = arith.constant 0 : i32
    return %c0_i32, %c0_i32_0 : i32, i32
  }
  func.func @transform_3(%arg0: i32) -> (i32, i32) {
    %c0_i32 = arith.constant 0 : i32
    %c0_i32_0 = arith.constant 0 : i32
    %c0_i32_1 = arith.constant 0 : i32
    return %c0_i32, %c0_i32_0 : i32, i32
  }
  func.func @transform_4(%arg0: i32) -> (i32, i32) {
    %c0_i32 = arith.constant 0 : i32
    %c0_i32_0 = arith.constant 0 : i32
    %c0_i32_1 = arith.constant 0 : i32
    return %c0_i32, %c0_i32_0 : i32, i32
  }
  func.func @transform_5(%arg0: i32) -> (i32, i32) {
    %c0_i32 = arith.constant 0 : i32
    %c0_i32_0 = arith.constant 0 : i32
    return %arg0, %c0_i32 : i32, i32
  }
  func.func @transform_6(%arg0: i32) -> (i32, i32) {
    %c0_i32 = arith.constant 0 : i32
    %c0_i32_0 = arith.constant 0 : i32
    return %arg0, %c0_i32 : i32, i32
  }
}

module attributes {stable_mosaic.version = 14 : i64} {
  func.func @body(%arg0: i32, %arg1: memref<400x128xf32, #tpu.memory_space<vmem>>, %arg2: memref<2x400x128xf32, #tpu.memory_space<vmem>>, %arg3: memref<400x1xf32, #tpu.memory_space<vmem>>, %arg4: memref<256x128xf32, #tpu.memory_space<vmem>>, %arg5: memref<1x128xf32, #tpu.memory_space<vmem>>, %arg6: memref<1x128xf32, #tpu.memory_space<vmem>>, %arg7: memref<400x128xf32, #tpu.memory_space<vmem>>) attributes {dimension_semantics = [#tpu.dimension_semantics<arbitrary>], iteration_bounds = array<i64: 25>, scalar_prefetch = 0 : i64, scratch_operands = 0 : i64, tpu.core_type = #tpu.core_type<tc>, window_params = [{transform_indices = @transform_0, window_bounds = array<i64: 400, 128>}, {transform_indices = @transform_1, window_bounds = array<i64: 2, 400, 128>}, {transform_indices = @transform_2, window_bounds = array<i64: 400, 1>}, {pipeline_mode = #tpu.pipeline_mode<synchronous>, transform_indices = @transform_3, window_bounds = array<i64: 256, 128>}, {pipeline_mode = #tpu.pipeline_mode<synchronous>, transform_indices = @transform_4, window_bounds = array<i64: 1, 128>}, {pipeline_mode = #tpu.pipeline_mode<synchronous>, transform_indices = @transform_5, window_bounds = array<i64: 1, 128>}, {transform_indices = @transform_6, window_bounds = array<i64: 400, 128>}]} {
    %get3A = arith.constant 0 : index
    %get3A_0 = arith.constant 0 : index
    %get3A_1 = vector.load %arg1[%get3A, %get3A_0] : memref<400x128xf32, #tpu.memory_space<vmem>>, vector<400x128xf32>
    %get3A_2 = arith.constant 0 : index
    %get3A_3 = arith.constant 0 : index
    %get3A_4 = arith.constant 0 : index
    %get3A_5 = vector.load %arg2[%get3A_2, %get3A_3, %get3A_4] : memref<2x400x128xf32, #tpu.memory_space<vmem>>, vector<1x400x128xf32>
    %get3A_6 = vector.shape_cast %get3A_5 : vector<1x400x128xf32> to vector<400x128xf32>
    %get3A_7 = arith.constant 1 : index
    %get3A_8 = arith.constant 0 : index
    %get3A_9 = arith.constant 0 : index
    %get3A_10 = vector.load %arg2[%get3A_7, %get3A_8, %get3A_9] : memref<2x400x128xf32, #tpu.memory_space<vmem>>, vector<1x400x128xf32>
    %get3A_11 = vector.shape_cast %get3A_10 : vector<1x400x128xf32> to vector<400x128xf32>
    %add3A = arith.addf %get3A_6, %get3A_11 : vector<400x128xf32>
    %get3A_12 = arith.constant 0 : index
    %get3A_13 = arith.constant 0 : index
    %get3A_14 = vector.load %arg3[%get3A_12, %get3A_13] : memref<400x1xf32, #tpu.memory_space<vmem>>, vector<400x1xf32>
    %div3A = vector.broadcast %get3A_14 : vector<400x1xf32> to vector<400x128xf32>
    %div3A_15 = arith.divf %add3A, %div3A : vector<400x128xf32>
    %get3A_16 = arith.constant 0 : index
    %get3A_17 = arith.constant 0 : index
    %get3A_18 = vector.load %arg4[%get3A_16, %get3A_17] : memref<256x128xf32, #tpu.memory_space<vmem>>, vector<128x128xf32>
    %dot_general3A = arith.constant dense<0.000000e+00> : vector<400x128xf32>
    %dot_general3A_19 = tpu.matmul %get3A_1, %get3A_18, %dot_general3A {dimension_numbers = #tpu.dot_dimension_numbers<[1], [0], [0], [1], [0, 0, 1, 1], [], []>, transpose_lhs_hint = false} : vector<400x128xf32>, vector<128x128xf32>, vector<400x128xf32> -> vector<400x128xf32>
    %get3A_20 = arith.constant 128 : index
    %get3A_21 = arith.constant 0 : index
    %get3A_22 = vector.load %arg4[%get3A_20, %get3A_21] : memref<256x128xf32, #tpu.memory_space<vmem>>, vector<128x128xf32>
    %dot_general3A_23 = arith.constant dense<0.000000e+00> : vector<400x128xf32>
    %dot_general3A_24 = tpu.matmul %div3A_15, %get3A_22, %dot_general3A_23 {dimension_numbers = #tpu.dot_dimension_numbers<[1], [0], [0], [1], [0, 0, 1, 1], [], []>, transpose_lhs_hint = false} : vector<400x128xf32>, vector<128x128xf32>, vector<400x128xf32> -> vector<400x128xf32>
    %add3A_25 = arith.addf %dot_general3A_19, %dot_general3A_24 : vector<400x128xf32>
    %tanh3A = math.tanh %add3A_25 : vector<400x128xf32>
    %reduce_sum3A = arith.constant dense<0.000000e+00> : vector<400xf32>
    %reduce_sum3A_26 = vector.multi_reduction <add>, %tanh3A, %reduce_sum3A [1] : vector<400x128xf32> to vector<400xf32>
    %broadcast_in_dim3A = vector.shape_cast %reduce_sum3A_26 : vector<400xf32> to vector<400x1xf32>
    %div3A_27 = arith.constant 1.280000e+02 : f32
    %div3A_28 = vector.broadcast %div3A_27 : f32 to vector<400x1xf32>
    %div3A_29 = arith.divf %broadcast_in_dim3A, %div3A_28 : vector<400x1xf32>
    %sub3A = vector.broadcast %div3A_29 : vector<400x1xf32> to vector<400x128xf32>
    %sub3A_30 = arith.subf %tanh3A, %sub3A : vector<400x128xf32>
    %integer_pow3A = arith.mulf %sub3A_30, %sub3A_30 : vector<400x128xf32>
    %reduce_sum3A_31 = arith.constant dense<0.000000e+00> : vector<400xf32>
    %reduce_sum3A_32 = vector.multi_reduction <add>, %integer_pow3A, %reduce_sum3A_31 [1] : vector<400x128xf32> to vector<400xf32>
    %broadcast_in_dim3A_33 = vector.shape_cast %reduce_sum3A_32 : vector<400xf32> to vector<400x1xf32>
    %div3A_34 = arith.constant 1.280000e+02 : f32
    %div3A_35 = vector.broadcast %div3A_34 : f32 to vector<400x1xf32>
    %div3A_36 = arith.divf %broadcast_in_dim3A_33, %div3A_35 : vector<400x1xf32>
    %sub3A_37 = vector.broadcast %div3A_29 : vector<400x1xf32> to vector<400x128xf32>
    %sub3A_38 = arith.subf %tanh3A, %sub3A_37 : vector<400x128xf32>
    %add3A_39 = arith.constant 9.99999974E-6 : f32
    %add3A_40 = vector.broadcast %add3A_39 : f32 to vector<400x1xf32>
    %add3A_41 = arith.addf %div3A_36, %add3A_40 : vector<400x1xf32>
    %sqrt3A = math.sqrt %add3A_41 : vector<400x1xf32>
    %div3A_42 = vector.broadcast %sqrt3A : vector<400x1xf32> to vector<400x128xf32>
    %div3A_43 = arith.divf %sub3A_38, %div3A_42 : vector<400x128xf32>
    %get3A_44 = arith.constant 0 : index
    %get3A_45 = arith.constant 0 : index
    %get3A_46 = vector.load %arg5[%get3A_44, %get3A_45] : memref<1x128xf32, #tpu.memory_space<vmem>>, vector<1x128xf32>
    %mul3A = vector.broadcast %get3A_46 : vector<1x128xf32> to vector<400x128xf32>
    %mul3A_47 = arith.mulf %div3A_43, %mul3A : vector<400x128xf32>
    %add3A_48 = arith.addf %get3A_1, %mul3A_47 : vector<400x128xf32>
    %get3A_49 = arith.constant 0 : index
    %get3A_50 = arith.constant 0 : index
    %get3A_51 = vector.load %arg6[%get3A_49, %get3A_50] : memref<1x128xf32, #tpu.memory_space<vmem>>, vector<1x128xf32>
    %add3A_52 = vector.broadcast %get3A_51 : vector<1x128xf32> to vector<400x128xf32>
    %add3A_53 = arith.addf %add3A_48, %add3A_52 : vector<400x128xf32>
    %swap3A = arith.constant 0 : index
    %swap3A_54 = arith.constant 0 : index
    %swap3A_55 = vector.load %arg7[%swap3A, %swap3A_54] : memref<400x128xf32, #tpu.memory_space<vmem>>, vector<400x128xf32>
    tpu.vector_store %arg7[%swap3A, %swap3A_54], %add3A_53 {strides = array<i32>} : memref<400x128xf32, #tpu.memory_space<vmem>>, vector<400x128xf32>,
    return
  }
  func.func @transform_0(%arg0: i32) -> (i32, i32) {
    %c0_i32 = arith.constant 0 : i32
    %c0_i32_0 = arith.constant 0 : i32
    return %arg0, %c0_i32 : i32, i32
  }
  func.func @transform_1(%arg0: i32) -> (i32, i32, i32) {
    %c0_i32 = arith.constant 0 : i32
    %c0_i32_0 = arith.constant 0 : i32
    %c0_i32_1 = arith.constant 0 : i32
    return %c0_i32, %arg0, %c0_i32_0 : i32, i32, i32
  }
  func.func @transform_2(%arg0: i32) -> (i32, i32) {
    %c0_i32 = arith.constant 0 : i32
    %c0_i32_0 = arith.constant 0 : i32
    return %arg0, %c0_i32 : i32, i32
  }
  func.func @transform_3(%arg0: i32) -> (i32, i32) {
    %c0_i32 = arith.constant 0 : i32
    %c0_i32_0 = arith.constant 0 : i32
    %c0_i32_1 = arith.constant 0 : i32
    return %c0_i32, %c0_i32_0 : i32, i32
  }
  func.func @transform_4(%arg0: i32) -> (i32, i32) {
    %c0_i32 = arith.constant 0 : i32
    %c0_i32_0 = arith.constant 0 : i32
    %c0_i32_1 = arith.constant 0 : i32
    return %c0_i32, %c0_i32_0 : i32, i32
  }
  func.func @transform_5(%arg0: i32) -> (i32, i32) {
    %c0_i32 = arith.constant 0 : i32
    %c0_i32_0 = arith.constant 0 : i32
    %c0_i32_1 = arith.constant 0 : i32
    return %c0_i32, %c0_i32_0 : i32, i32
  }
  func.func @transform_6(%arg0: i32) -> (i32, i32) {
    %c0_i32 = arith.constant 0 : i32
    %c0_i32_0 = arith.constant 0 : i32
    return %arg0, %c0_i32 : i32, i32
  }
}

</mosaic_0001>

<sc_bundles>
// kernel: kernel.13.cloned.1.call-start
scs
__scs_entry_jumppad:
0x0: {  	(pc) =	sbr.rel $0x88, $3  }
0x1: {  	(tag) =	ssettag $0x0;
	lr =	simm.s32 $0x1  }
0x2: {  	[smem:$0x3F97] =	sst lr;
	_ =	strace $0xD0000000  }
0x3: {  	_ = 	snop  }
0x4: {  	_ = 	snop  }
0x5: {  	_ = 	snop  }
0x6: {  	_ = 	snop  }
0x7: {  	_ = 	snop  }
__scs_overlays_trampoline_lowered:
0x8: {  	[smem:$0x3FA6] =	sst s0  }
0x9: {  	[smem:$0x3FA7] =	sst s1  }
0xa: {  	[smem:$0x3FA8] =	sst s2  }
0xb: {  	[smem:$0x3FA9] =	sst s3  }
0xc: {  	[smem:$0x3FAA] =	sst s4  }
0xd: {  	[smem:$0x3FAB] =	sst s5  }
0xe: {  	[smem:$0x3FAC] =	sst s6  }
0xf: {  	[smem:$0x3FAD] =	sst s7  }
0x10: {  	[smem:$0x3FAE] =	sst s8  }
0x11: {  	[smem:$0x3FAF] =	sst s9;
	s0 =	simm.s32 @!p0 $0x0  }
0x12: {  	s1 =	sld [smem:$0x3F95];
	s0 =	simm.s32 @p0 $0x1  }
0x13: {  	[smem:$0x3FB0] =	sst s0;
	s0 =	simm.s32 @!p1 $0x0  }
0x14: {  	s2 =	sld [smem:$0x3F94];
	s0 =	simm.s32 @p1 $0x1  }
0x15: {  	[smem:$0x3FB1] =	sst s0;
	s0 =	simm.s32 @!p2 $0x0  }
0x16: {  	s3 =	sld [smem:$0x3FDB];
	s0 =	simm.s32 @p2 $0x1  }
0x17: {  	s4 =	simm.s32 $0x1BF5;
	[smem:$0x3FB3] =	sst s0  }
0x18: {  	s0 =	sld [smem:$0x3F96];
	_ =	swait.ge [sflag:s4], $0x0  }
0x19: {  	s7 =	sld [smem:$0x3F97]  }
0x1a: {  	s8 =	sadd.s32 $0xFFFFE003, lr  }
0x1b: {  	s9 =	sadd.s32 $0xFFFFFEF7, lr;
	s5 =	simm.s32 $0xFFFFFFFF;
	p2 =	slt.u32 s8, $0xFFFFF086  }
0x1c: {  	p1 =	slt.u32 s9, $0xF7A;
	s5 =	simm.s32 @!p2 $0x0  }
0x1d: {  	s5 =	simm.s32 @p1 $0x1;
	p0 =	seq.s32 s7, s2  }
0x1e: {  	s7 =	smul.u32 @!p0 $0xF7A, s2;
	p2 =	seq.s32 @!p0 s5, $0x0  }
0x1f: {  	s9 =	smul.u32 $0xF7A, s1;
	s8 =	simm.s32 @!p0 $0x1BF5;
	p2 =	por !p2, p0  }
0x20: {  	[sflag:s8] =	ssyncset.s32 @!p0 $0xFFFFF086;
	s6 =	sadd.s32 @!p0 s3, s7;
	s7 =	simm.s32 @!p0 $0x108  }
0x21: {  	s3 =	sadd.s32 s3, s9;
	s6 =	sadd.s32 @!p0 $0x88, s6;
	s7 =	simm.s32 @p2 $0x1082  }
0x22: {  	[simem:s7], [sflag:s8] =	dma.local @!p0 [hbm:s6], $0xF7A  }
0x23: {  	s9 =	sor.u32 $0xD0000000, s2;
	s6 =	simm.s32 $0x108;
	_ =	swait.ge @!p0 [sflag:s8], $0x0  }
0x24: {  	s3 =	sadd.s32 $0x88, s3;
	s6 =	simm.s32 @!p1 $0x1082;
	[sflag:s4] =	ssyncset.s32 $0xFFFFF086  }
0x25: {  	[simem:s6], [sflag:s4] =	dma.local [hbm:s3], $0xF7A  }
0x26: {  	[smem:$0x3F97] =	sst s1;
	(tag) =	ssettag s2;
	_ =	strace s9  }
0x27: {  	s1 =	sld [smem:$0x3FA7]  }
0x28: {  	s2 =	sld [smem:$0x3FA8]  }
0x29: {  	s4 =	sld [smem:$0x3FAA]  }
0x2a: {  	p0 =	seq.s32 s5, $0x0;
	s5 =	sld [smem:$0x3FAB]  }
0x2b: {  	s6 =	sld [smem:$0x3FAC]  }
0x2c: {  	s7 =	sld [smem:$0x3FAD]  }
0x2d: {  	s3 =	simm.s32 $0x108;
	s8 =	sld [smem:$0x3FAE]  }
0x2e: {  	s3 =	simm.s32 @!p0 $0x1082;
	s9 =	sld [smem:$0x3FAF]  }
0x2f: {  	lr =	sadd.s32 s0, s3;
	s0 =	sld [smem:$0x3FA6]  }
0x30: {  	s3 =	sld [smem:$0x3FA9]  }
0x31: {  	[smem:$0x3FB2] =	sst s10  }
0x32: {  	s10 =	sld [smem:$0x3FB0];
	_ =	sdelay $0x3  }
0x33: {  	p0 =	seq.s32 s10, $0x1;
	s10 =	sld [smem:$0x3FB2];
	_ =	sdelay $0x3  }
0x34: {  	[smem:$0x3FB2] =	sst s10  }
0x35: {  	s10 =	sld [smem:$0x3FB1];
	_ =	sdelay $0x3  }
0x36: {  	p1 =	seq.s32 s10, $0x1;
	s10 =	sld [smem:$0x3FB2];
	_ =	sdelay $0x3  }
0x37: {  	[smem:$0x3FB2] =	sst s10  }
0x38: {  	s10 =	sld [smem:$0x3FB3]  }
0x39: {  	_ = 	snop;
	(pc) =	sbr.ind lr, $3  }
0x3a: {  	_ = 	snop  }
0x3b: {  	_ = 	snop  }
0x3c: {  	p2 =	seq.s32 s10, $0x1;
	s10 =	sld [smem:$0x3FB2]  }
0x3d: {  	_ =	shalt  }
0x3e: {  	_ =	shalt  }
0x3f: {  	_ =	shalt  }
0x40: {  	_ =	shalt  }
0x41: {  	_ =	shalt  }
0x42: {  	_ =	shalt  }
0x43: {  	_ =	shalt  }
0x44: {  	_ =	shalt  }
0x45: {  	_ =	shalt  }
0x46: {  	_ =	shalt  }
0x47: {  	_ =	shalt  }
0x48: {  	_ =	shalt  }
0x49: {  	_ =	shalt  }
0x4a: {  	_ =	shalt  }
0x4b: {  	_ =	shalt  }
0x4c: {  	_ =	shalt  }
0x4d: {  	_ =	shalt  }
0x4e: {  	_ =	shalt  }
0x4f: {  	_ =	shalt  }
0x50: {  	_ =	shalt  }
0x51: {  	_ =	shalt  }
0x52: {  	_ =	shalt  }
0x53: {  	_ =	shalt  }
0x54: {  	_ =	shalt  }
0x55: {  	_ =	shalt  }
0x56: {  	_ =	shalt  }
0x57: {  	_ =	shalt  }
0x58: {  	_ =	shalt  }
0x59: {  	_ =	shalt  }
0x5a: {  	_ =	shalt  }
0x5b: {  	_ =	shalt  }
0x5c: {  	_ =	shalt  }
0x5d: {  	_ =	shalt  }
0x5e: {  	_ =	shalt  }
0x5f: {  	_ =	shalt  }
0x60: {  	_ =	shalt  }
0x61: {  	_ =	shalt  }
0x62: {  	_ =	shalt  }
0x63: {  	_ =	shalt  }
0x64: {  	_ =	shalt  }
0x65: {  	_ =	shalt  }
0x66: {  	_ =	shalt  }
0x67: {  	_ =	shalt  }
0x68: {  	_ =	shalt  }
0x69: {  	_ =	shalt  }
0x6a: {  	_ =	shalt  }
0x6b: {  	_ =	shalt  }
0x6c: {  	_ =	shalt  }
0x6d: {  	_ =	shalt  }
0x6e: {  	_ =	shalt  }
0x6f: {  	_ =	shalt  }
0x70: {  	_ =	shalt  }
0x71: {  	_ =	shalt  }
0x72: {  	_ =	shalt  }
0x73: {  	_ =	shalt  }
0x74: {  	_ =	shalt  }
0x75: {  	_ =	shalt  }
0x76: {  	_ =	shalt  }
0x77: {  	_ =	shalt  }
0x78: {  	_ =	shalt  }
0x79: {  	_ =	shalt  }
0x7a: {  	_ =	shalt  }
0x7b: {  	_ =	shalt  }
0x7c: {  	_ =	shalt  }
0x7d: {  	_ =	shalt  }
0x7e: {  	_ =	shalt  }
0x7f: {  	_ =	shalt  }
0x80: {  	_ =	shalt  }
0x81: {  	_ =	shalt  }
0x82: {  	_ =	shalt  }
0x83: {  	_ =	shalt  }
0x84: {  	_ =	shalt  }
0x85: {  	_ =	shalt  }
0x86: {  	_ =	shalt  }
0x87: {  	_ =	shalt  }
.Lfunc_end0:
.L_simem_size_0:
called_computation_lowered:
.L_overlay_start_0:
0x88: {  	s2 =	sld [smem:$0x3FD9]  }
0x89: {  	s3 =	sld [smem:$0x3FFE];
	_ =	sdelay $0x1  }
0x8a: {  	s1 =	srdreg.scid  }
0x8b: {  	s0 =	sand.u32 $0x1, s1  }
0x8c: {  	s14 =	sshll.u32 s0, $0xA;
	s2 =	sadd.s32 s3, s2  }
0x8d: {  	s2 =	sadd.s32 s2, s14  }
0x8e: {  	[smem:$0x3FBE] =	sst s2  }
0x8f: {  	_ = 	snop  }
0x90: {  	s2 =	sld [smem:$0x3FD0];
	_ =	sdelay $0x2  }
0x91: {  	s15 =	simm.s32 $0xD;
	s4 =	simm.s32 $0x10  }
0x92: {  	[smem:s4], [sflag:s15] =	dma.local [hbm:s2], $0x1  }
0x93: {  	_ =	swait.eq [sflag:s15], $0x1  }
0x94: {  	[sflag:s15] =	ssyncset.done $0x0  }
0x95: {  	[sflag:s15] =	ssyncadd.s32 $0xFFFFFFFF  }
0x96: {  	s16 =	sld [smem:$0x11];
	(tm) =	ssettm $0x1  }
0x97: {  	s17 =	sld [smem:$0x3FFB];
	_ =	sdelay $0x3  }
0x98: {  	_ =	strace s17  }
0x99: {  	s3 =	sld [smem:$0x3FFC];
	_ =	sdelay $0x3  }
0x9a: {  	_ =	strace s3  }
0x9b: {  	s3 =	sld [smem:$0x3FFD];
	_ =	sdelay $0x3  }
0x9c: {  	_ =	strace s3  }
0x9d: {  	_ =	strace $0x8FFFFFFF  }
0x9e: {  	s18 =	sld [smem:$0x3FDB];
	_ =	sdelay $0x1  }
0x9f: {  	s19 =	simm.s32 $_scs_section_size  }
0xa0: {  	s5 =	simm.s32 $_size__tile_overlayer_lowered;
	s6 =	simm.s32 $_tile_overlayer_lowered  }
0xa1: {  	s22 =	simm.s32 $0x1BFF;
	s21 =	sshll.u32 s6, $0x1;
	s3 =	sadd.s32 s19, s18  }
0xa2: {  	s7 =	simm.s32 $0x0;
	s20 =	sshll.u32 s5, $0x1;
	s5 =	sadd.s32 s21, s3  }
0xa3: {  	[timem:s7], [sflag:s22] =	dma.local [hbm:s5], s20  }
0xa4: {  	_ =	swait.ge [sflag:s22], s20  }
0xa5: {  	s4 =	ssub.s32 $0x0, s20;
	[sflag:s22] =	ssyncset.done $0x0  }
0xa6: {  	[sflag:s22] =	ssyncadd.s32 s4;
	_ =	sdelay $0x1  }
0xa7: {  	s23 =	simm.s32 $0x1B8B  }
0xa8: {  	_ =	swait.ge [sflag:s23], $0x1  }
0xa9: {  	[sflag:s23] =	ssyncset.done $0x0  }
0xaa: {  	s25 =	simm.s32 $0x1B8E;
	s24 =	sld [smem:$0x3FFE];
	[sflag:s23] =	ssyncadd.s32 $0xFFFFFFFF  }
0xab: {  	s26 =	simm.s32 $execute0_lowered;
	[smem:$0x3FD2] =	sst s25  }
0xac: {  	s5 =	sshll.u32 s26, $0x1;
	_ =	strace $0x80000046;
	[dreg:$0x1] =	wrdreg $0xFFFFFFFF  }
0xad: {  	s28 =	simm.s32 $_size_execute0_lowered;
	s3 =	sadd.s32 s3, s5;
	[dreg:$0x0] =	wrdreg $0x0  }
0xae: {  	s5 =	sshll.u32 s28, $0x1;
	[dreg:$0x2] =	wrdreg s3  }
0xaf: {  	[dreg:$0x3] =	wrdreg s5  }
0xb0: {  	[dreg:$0x4] =	wrdreg $0xC0  }
0xb1: {  	_ =	task [dreg:s7], $0x5FFFF  }
0xb2: {  	[dreg:$0x1] =	wrdreg $0xFFFFFFFF  }
0xb3: {  	[dreg:$0x0] =	wrdreg $0x60  }
0xb4: {  	[dreg:$0x2] =	wrdreg s24  }
0xb5: {  	[dreg:$0x3] =	wrdreg s16  }
0xb6: {  	[dreg:$0x4] =	wrdreg $0x9  }
0xb7: {  	_ =	task.clear_ibuf [dreg:s7], $0x5FFFF;
	_ =	strace $0x90000046  }
0xb8: {  	s29 =	simm.s32 $0x9;
	_ =	strace $0x8000004F  }
0xb9: {  	_ =	swait.ge [sflag:s29], $0x1  }
0xba: {  	[sflag:s29] =	ssyncadd.s32 $0xFFFFFFFF  }
0xbb: {  	_ =	strace $0x9000004F  }
0xbc: {  	_ =	sfence  }
0xbd: {  	s30 =	sld [smem:$0x0];
	_ =	sdelay $0x2  }
0xbe: {  	s31 =	sshll.u32 s1, $0xD;
	s1 =	sshrl.u32 s1, $0x2  }
0xbf: {  	s3 =	sand.u32 $0x4000, s31;
	s1 =	sadd.s32 s1, s30  }
0xc0: {  	s0 =	sor.u32 s3, s0;
	s1 =	sshll.u32 s1, $0x11  }
0xc1: {  	s0 =	sor.u32 s1, s0  }
0xc2: {  	s0 =	sadd.s32 $0x8F2B, s0  }
0xc3: {  	[sflag:s0] =	ssyncadd.remote.s32 $0x1  }
0xc4: {  	_ =	sfence.sel $0xFFFF  }
0xc5: {  	[dreg:$0x0] =	wrdreg $0xFFFFFFFF;
	(pc) =	sbr.abs _section_cstart, $3  }
0xc6: {  	[dreg:$0x1] =	wrdreg $0xFFFFFFFF  }
0xc7: {  	_ =	task.clear_ibuf [dreg:s7], $0x2FFFF;
	_ =	strace $0x9FFFFFFF  }
0xc8: {  	(tm) =	ssettm $0x7FFFFFFF  }
0xc9: {  	_ =	shalt  }
tec
execute0_lowered:
.L_overlay_start_1:
0x0: {  	(tag) =	ssettag $0x1  }
0x1: {  	s4 =	rddreg [dreg:$0x0]  }
0x2: {  	s1 =	rddreg [dreg:$0x1]  }
0x3: {  	s0 =	rddreg [dreg:$0x2];
	s2 =	simm.s32 $0x0  }
0x4: {  	s3 =	srdreg.scid;
	s31 =	simm.s32 $0x80;
	s9 =	simm.s32 $0x4  }
0x5: {  	s10 =	simm.s32 $0x0;
	[smem:$0x7FF] =	sst s2;
	s5 =	sand.u32 $0x1, s3  }
0x6: {  	s6 =	sadd.s32 $0xDC00, s4;
	s3 =	stileid.u32;
	s4 =	sadd.s32 $0x5BE00, s4  }
0x7: {  	_ =	strace $0x80000047;
	s7 =	sshll.u32 s5, $0x4;
	s5 =	ssub.s32 $0x2, s5  }
0x8: {  	[dreg:$0x3] =	wrdreg s6;
	s29 =	sor.u32 s3, s7;
	s30 =	sshrl.u32 s5, $0x1  }
0x9: {  	[dreg:$0x5] =	wrdreg s4;
	s8 =	smul.u32 $0xA00, s29;
	s7 =	ssub.s32 s5, s30  }
0xa: {  	[dreg:$0x4] =	wrdreg s31;
	s4 =	smul.u32 $0x28, s29;
	s6 =	smax.u32 s7, $0x1  }
0xb: {  	s7 =	simm.s32 $0x1;
	s5 =	sadd.s32 s1, s8;
	s8 =	simm.s32 $0x5  }
.LBB2_1:
0xc: {  	_ =	strace $0x80000048;
	s11 =	simm.s32 $0x1;
	p0 =	por $0x0, $0x0  }
0xd: {  	[tilespmem:s2], [sflag:$0x1] =	stream.linear.gather [hbm4b:s5+s2], $0x80, $0x200038;
	[tilespmem:$0x8100] =	vst v63  }
0xe: {  	s11 =	simm.s32 @p0 $0x0  }
0xf: {  	p4 =	por $0x1, $0x1;
	s20 =	sand.u32 $0x1, s2;
	p1 =	sne.s32 s11, $0x0  }
0x10: {  	p2 =	por $0x1, $0x1;
	s18 =	simm.s32 $0x26;
	p0 =	por !p4, !p1  }
0x11: {  	s16 =	simm.s32 $0x0;
	p5 =	por $0x0, $0x0;
	p0 =	por !p0, !p0  }
0x12: {  	s23 =	sadd.s32 $0x0, s4;
	s30 =	sadd.s32 $0x1, s20;
	s12 =	sadd.s32 @p0 s4, s11  }
0x13: {  	_ =	strace $0x90000048;
	s13 =	sand.u32 @p0 $0x1, s7;
	s12 =	sshll.u32 @p0 s12, $0x6  }
0x14: {  	_ =	strace @p0 $0x80000049;
	s15 =	simm.s32 @p0 $0x0;
	s12 =	sand.u32 @p0 $0x1FFFFFC0, s12  }
0x15: {  	s14 =	sshll.u32 @p0 s13, $0x7;
	s13 =	sadd.s32 @p0 $0x1, s13;
	s12 =	sadd.s32 @p0 s1, s12  }
0x16: {  	[tilespmem:s14], [sflag:s13] =	stream.linear.gather @p0 [hbm4b:s12+s15], $0x80, $0x200038;
	[tilespmem:$0x8100] =	vst v63  }
0x17: {  	p3 =	por p2, p2;
	s21 =	sshll.u32 s20, $0xE;
	_ =	strace @p0 $0x90000049  }
0x18: {  	s16 =	sand.u32 $0x80, s16;
	p2 =	por p5, p5;
	_ =	strace $0x8000004A  }
0x19: {  	s17 =	sadd.s32 $0x1, s11;
	s22 =	sor.u32 $0x100, s21;
	_ =	swait.ge [sflag:s30], $0x80  }
0x1a: {  	s21 =	simm.s32 $0x1;
	p6 =	por p1, p1;
	[sflag:s30] =	ssyncset.done $0x0  }
0x1b: {  	p1 =	por p3, p3;
	p4 =	por $0x1, $0x1;
	[sflag:s30] =	ssyncadd.s32 $0xFFFFFF80  }
0x1c: {  	s12 =	simm.s32 $0x27;
	s15 =	sand.u32 @!p3 $0x1, s2;
	_ =	strace $0x9000004A  }
0x1d: {  	s13 =	simm.s32 $0x1;
	p3 =	seq.s32 s17, $0x28;
	_ =	strace $0x8000004B  }
0x1e: {  	s13 =	simm.s32 @!p0 $0x0;
	s17 =	simm.s32 @p3 $0x0;
	s19 =	rddreg [dreg:$0x4]  }
0x1f: {  	p0 =	por $0x0, $0x0;
	s14 =	sadd.s32 $0x1, s13;
	s31 =	rddreg [dreg:$0x3]  }
0x20: {  	[tilespmem:s22], [sflag:$0x5] =	stream.indirect.gather [hbm4b:s31+s19], $0x80, s16, s19, $0x2000b8;
	[tilespmem:$0x8100] =	vst v63  }
0x21: {  	p3 =	sne.s32 s11, s17;
	s21 =	simm.s32 @!p0 $0x0;
	_ =	swait.ge [sflag:s8], $0x4000  }
0x22: {  	p5 =	por !p4, !p3;
	p4 =	por $0x0, $0x0;
	[sflag:s8] =	ssyncset.done $0x0  }
0x23: {  	s13 =	simm.s32 $0x0;
	p6 =	por p4, p6;
	[sflag:s8] =	ssyncadd.s32 $0xFFFFC000  }
0x24: {  	s16 =	simm.s32 $0x0;
	s19 =	simm.s32 $0x0;
	_ =	strace $0x9000004B  }
.LBB2_2:
0x25: {  	_ =	strace @p6 $0x8000004C;
	s13 =	sadd.s32 s21, s13;
	s21 =	smov.u32 s12  }
0x26: {  	s12 =	smov.u32 s18;
	s18 =	sadd.s32 $0xFFFFFFFF, s18;
	p0 =	por p3, p3  }
0x27: {  	s28 =	sshll.u32 @p6 s23, $0xB;
	s20 =	sadd.s32 @p6 $0x3, s20;
	s24 =	simm.s32 @!p0 $0x0  }
0x28: {  	s25 =	rddreg [dreg:$0x5];
	s28 =	sand.u32 @p6 $0x1FFFF800, s28;
	s24 =	simm.s32 @p0 $0x1  }
0x29: {  	s25 =	sadd.s32 @p6 s25, s28;
	s28 =	simm.s32 @p6 $0x0;
	p0 =	sne.s32 s18, $0x0  }
0x2a: {  	[hbm4b:s25+s28] =	stream.linear.scatter @p6 [tilespmem:s22], [sflag:s20], $0x4000, $0x200038;
	[tilespmem:$0x8100] =	vst v63  }
0x2b: {  	s20 =	sadd.s32 @!p1 $0x3, s15;
	s15 =	simm.s32 @!p0 $0x0  }
0x2c: {  	s26 =	simm.s32 $0x1;
	[smem:$0x7FC] =	sst s24;
	s15 =	simm.s32 @p0 $0x1  }
0x2d: {  	s26 =	simm.s32 @!p6 $0x0;
	_ =	strace @p6 $0x9000004C;
	[smem:$0x7FD] =	sst s15  }
0x2e: {  	p5 =	por !p5, !p5;
	s19 =	sadd.s32 s26, s19;
	_ =	strace @!p1 $0x8000004D  }
0x2f: {  	s24 =	sand.u32 @!p2 $0x1, s13;
	s22 =	sand.u32 @p5 $0x1, s14;
	_ =	swait.ge @!p1 [sflag:s20], $0x4000  }
0x30: {  	s15 =	smov.u32 s24;
	s24 =	sadd.s32 @p5 s4, s17;
	[sflag:s20] =	ssyncset.done @!p1 $0x0  }
0x31: {  	s25 =	sshll.u32 @p5 s22, $0x7;
	s24 =	sshll.u32 @p5 s24, $0x6;
	[sflag:s20] =	ssyncadd.s32 @!p1 $0xFFFFC000  }
0x32: {  	s20 =	sadd.s32 @p5 $0x1, s22;
	s22 =	sand.u32 @p5 $0x1FFFFFC0, s24;
	_ =	strace @!p1 $0x9000004D  }
0x33: {  	s24 =	simm.s32 @p5 $0x0;
	s22 =	sadd.s32 @p5 s1, s22;
	_ =	strace @p5 $0x80000049  }
0x34: {  	[tilespmem:s25], [sflag:s20] =	stream.linear.gather @p5 [hbm4b:s22+s24], $0x80, $0x200038;
	[tilespmem:$0x8100] =	vst v63  }
0x35: {  	s16 =	sadd.s32 s26, s16;
	s26 =	sand.u32 $0x1, s19;
	_ =	strace @p5 $0x90000049  }
0x36: {  	s24 =	sadd.s32 $0x1, s26;
	_ =	strace $0x8000004A  }
0x37: {  	_ =	swait.ge [sflag:s24], $0x80  }
0x38: {  	[sflag:s24] =	ssyncset.done $0x0  }
0x39: {  	s20 =	simm.s32 $0x1;
	[sflag:s24] =	ssyncadd.s32 $0xFFFFFF80  }
0x3a: {  	s20 =	simm.s32 @!p5 $0x0;
	_ =	strace $0x9000004A  }
0x3b: {  	s14 =	sadd.s32 s20, s14;
	s20 =	sand.u32 $0x1, s16;
	_ =	strace $0x8000004B  }
0x3c: {  	s29 =	sshll.u32 s19, $0x7;
	s25 =	sshll.u32 s20, $0xE;
	s26 =	rddreg [dreg:$0x4]  }
0x3d: {  	s29 =	sand.u32 $0x80, s29;
	s22 =	sor.u32 $0x100, s25;
	s30 =	rddreg [dreg:$0x3]  }
0x3e: {  	[tilespmem:s22], [sflag:$0x5] =	stream.indirect.gather [hbm4b:s30+s26], $0x80, s29, s26, $0x2000b8;
	[tilespmem:$0x8100] =	vst v63  }
0x3f: {  	_ =	swait.ge [sflag:s8], $0x4000  }
0x40: {  	s31 =	sadd.s32 $0x1, s17;
	[sflag:s8] =	ssyncset.done $0x0  }
0x41: {  	s23 =	sadd.s32 s4, s11;
	s11 =	smov.u32 s17;
	[sflag:s8] =	ssyncadd.s32 $0xFFFFC000  }
0x42: {  	p3 =	seq.s32 s31, $0x28;
	s17 =	smov.u32 s31;
	_ =	strace $0x9000004B  }
0x43: {  	s17 =	simm.s32 @p3 $0x0;
	s31 =	sld [smem:$0x7FD]  }
0x44: {  	p6 =	sne.s32 s12, $0x1;
	p0 =	sne.s32 s21, $0x28;
	p3 =	sne.s32 s11, s17  }
0x45: {  	p5 =	por !p6, !p3;
	p6 =	seq.s32 s21, $0x1;
	s21 =	simm.s32 $0x1  }
0x46: {  	s21 =	simm.s32 @!p0 $0x0;
	p0 =	seq.s32 s31, $0x1  }
.Ltmp0:
0x47: {  	s30 =	sld [smem:$0x7FC];
	(pc) =	sbr.rel @p0 .LBB2_2-.Ltmp0, $4  }
0x48: {  	_ = 	snop  }
0x49: {  	p4 =	seq.s32 s12, $0x28  }
0x4a: {  	p1 =	por p2, p2;
	p2 =	por p4, p4;
	p4 =	seq.s32 s30, $0x1  }
0x4b: {  	p6 =	por p6, p4  }
0x4c: {  	_ =	strace @p6 $0x8000004C;
	s23 =	sshll.u32 @p6 s23, $0xB  }
0x4d: {  	s18 =	rddreg [dreg:$0x5];
	s23 =	sand.u32 @p6 $0x1FFFF800, s23  }
0x4e: {  	s20 =	sadd.s32 @p6 $0x3, s20;
	s18 =	sadd.s32 @p6 s18, s23;
	s23 =	simm.s32 @p6 $0x0  }
0x4f: {  	[hbm4b:s18+s23] =	stream.linear.scatter @p6 [tilespmem:s22], [sflag:s20], $0x4000, $0x200038;
	[tilespmem:$0x8100] =	vst v63  }
0x50: {  	p0 =	por !p5, !p5;
	_ =	strace @p6 $0x9000004C  }
0x51: {  	s15 =	sadd.s32 @!p1 $0x3, s15;
	s17 =	sadd.s32 @p0 s4, s17;
	_ =	strace @!p1 $0x8000004D  }
0x52: {  	s14 =	sand.u32 @p0 $0x1, s14;
	s17 =	sshll.u32 @p0 s17, $0x6;
	_ =	swait.ge @!p1 [sflag:s15], $0x4000  }
0x53: {  	s18 =	simm.s32 $0x1;
	s20 =	sshll.u32 @p0 s14, $0x7;
	[sflag:s15] =	ssyncset.done @!p1 $0x0  }
0x54: {  	s14 =	sadd.s32 @p0 $0x1, s14;
	s18 =	simm.s32 @!p6 $0x0;
	[sflag:s15] =	ssyncadd.s32 @!p1 $0xFFFFC000  }
0x55: {  	s19 =	sadd.s32 s18, s19;
	s15 =	sand.u32 @p0 $0x1FFFFFC0, s17;
	_ =	strace @!p1 $0x9000004D  }
0x56: {  	s17 =	simm.s32 @p0 $0x0;
	s15 =	sadd.s32 @p0 s1, s15;
	_ =	strace @p0 $0x80000049  }
0x57: {  	[tilespmem:s20], [sflag:s14] =	stream.linear.gather @p0 [hbm4b:s15+s17], $0x80, $0x200038;
	[tilespmem:$0x8100] =	vst v63  }
0x58: {  	s25 =	sand.u32 $0x1, s19;
	_ =	strace @p0 $0x90000049  }
0x59: {  	s14 =	sadd.s32 $0x1, s25;
	_ =	strace $0x8000004A  }
0x5a: {  	_ =	swait.ge [sflag:s14], $0x80  }
0x5b: {  	[sflag:s14] =	ssyncset.done $0x0  }
0x5c: {  	[sflag:s14] =	ssyncadd.s32 $0xFFFFFF80  }
0x5d: {  	s26 =	sadd.s32 s18, s16;
	_ =	strace $0x9000004A  }
0x5e: {  	s14 =	sand.u32 $0x1, s26;
	_ =	strace $0x8000004B  }
0x5f: {  	s30 =	sshll.u32 s19, $0x7;
	s31 =	sshll.u32 s14, $0xE;
	s28 =	rddreg [dreg:$0x4]  }
0x60: {  	s17 =	sand.u32 $0x80, s30;
	s18 =	sor.u32 $0x100, s31;
	s29 =	rddreg [dreg:$0x3]  }
0x61: {  	[tilespmem:s18], [sflag:$0x5] =	stream.indirect.gather [hbm4b:s29+s28], $0x80, s17, s28, $0x2000b8;
	[tilespmem:$0x8100] =	vst v63  }
0x62: {  	_ =	swait.ge [sflag:s8], $0x4000  }
0x63: {  	[sflag:s8] =	ssyncset.done $0x0  }
0x64: {  	p5 =	por p3, p3;
	p6 =	seq.s32 s12, $0x1;
	[sflag:s8] =	ssyncadd.s32 $0xFFFFC000  }
0x65: {  	s11 =	sadd.s32 s4, s11;
	p0 =	por p6, p5;
	_ =	strace $0x9000004B  }
0x66: {  	s11 =	sshll.u32 @p0 s11, $0xB;
	_ =	strace @p0 $0x8000004C  }
0x67: {  	s13 =	sadd.s32 s21, s13;
	s11 =	sand.u32 @p0 $0x1FFFF800, s11;
	s12 =	rddreg [dreg:$0x5]  }
0x68: {  	s14 =	sadd.s32 @p0 $0x3, s14;
	s11 =	sadd.s32 @p0 s12, s11;
	s12 =	simm.s32 @p0 $0x0  }
0x69: {  	[hbm4b:s11+s12] =	stream.linear.scatter @p0 [tilespmem:s18], [sflag:s14], $0x4000, $0x200038;
	[tilespmem:$0x8100] =	vst v63  }
0x6a: {  	p1 =	por p2, p2;
	s11 =	sand.u32 @!p2 $0x1, s13;
	_ =	strace @p0 $0x9000004C  }
0x6b: {  	s11 =	sadd.s32 @!p1 $0x3, s11;
	_ =	strace @!p1 $0x8000004D  }
0x6c: {  	_ =	swait.ge @!p1 [sflag:s11], $0x4000  }
0x6d: {  	[sflag:s11] =	ssyncset.done @!p1 $0x0  }
0x6e: {  	s10 =	sadd.s32 $0x1, s10;
	[sflag:s11] =	ssyncadd.s32 @!p1 $0xFFFFC000  }
0x6f: {  	p0 =	sne.s32 s10, s6;
	_ =	strace @!p1 $0x9000004D  }
.Ltmp1:
0x70: {  	_ =	strace $0x8000004E;
	(pc) =	sbr.rel @p0 .LBB2_1-.Ltmp1, $4  }
0x71: {  	_ =	swait.ge [sflag:s9], $0x4000  }
0x72: {  	[sflag:s9] =	ssyncset.done $0x0  }
0x73: {  	[sflag:s9] =	ssyncadd.s32 $0xFFFFC000  }
0x74: {  	_ =	strace $0x9000004E  }
0x75: {  	_ =	sfence.sel $0x180000  }
0x76: {  	[bflag:$0x0] =	sbarrier.arrive $0xFFFF  }
0x77: {  	p0 =	sne.s32 s3, $0x0;
	_ =	strace $0x90000047  }
0x78: {  	s0 =	sadd.s32 @!p0 $0x100000, s0;
	[bflag:$0x2] =	sbarrier.arrive $0xFFFF  }
0x79: {  	[sflag:s0] =	ssyncadd.tile.s32 @!p0 $0x1;
	_ =	shalt  }
.Lfunc_end2:
_tile_overlayer_lowered:
.L_overlay_start_2:
0x7a: {  	(tag) =	ssettag $0x2  }
0x7b: {  	s0 =	rddreg [dreg:$0x0];
	s2 =	stileid.u32  }
0x7c: {  	s1 =	rddreg [dreg:$0x1];
	p0 =	sne.s32 s2, $0x0  }
0x7d: {  	s3 =	rddreg [dreg:$0x2];
	[bflag:$0x3] =	sbarrier.arrive $0xFFFF;
	s2 =	simm.s32 @!p0 $0x1C01  }
0x7e: {  	[timem:s3], [sflag:s2] =	dma.local @!p0 [hbm:s0], s1  }
0x7f: {  	s0 =	simm.s32 @!p0 $0x1  }
0x80: {  	_ =	swait.ge @!p0 [sflag:s0], s1  }
0x81: {  	s1 =	ssub.s32 @!p0 $0x0, s1;
	[sflag:s0] =	ssyncset.done @!p0 $0x0  }
0x82: {  	[sflag:s0] =	ssyncadd.s32 @!p0 s1  }
0x83: {  	[bflag:$0x3] =	sbarrier.arrive $0xFFFF  }
0x84: {  	_ =	shalt  }

// kernel: kernel.16.cloned.1.call-start
scs
__scs_entry_jumppad:
0x0: {  	(pc) =	sbr.rel $0x88, $3  }
0x1: {  	(tag) =	ssettag $0x0;
	lr =	simm.s32 $0x1  }
0x2: {  	[smem:$0x3F97] =	sst lr;
	_ =	strace $0xD0000000  }
0x3: {  	_ = 	snop  }
0x4: {  	_ = 	snop  }
0x5: {  	_ = 	snop  }
0x6: {  	_ = 	snop  }
0x7: {  	_ = 	snop  }
__scs_overlays_trampoline_lowered:
0x8: {  	[smem:$0x3FA6] =	sst s0  }
0x9: {  	[smem:$0x3FA7] =	sst s1  }
0xa: {  	[smem:$0x3FA8] =	sst s2  }
0xb: {  	[smem:$0x3FA9] =	sst s3  }
0xc: {  	[smem:$0x3FAA] =	sst s4  }
0xd: {  	[smem:$0x3FAB] =	sst s5  }
0xe: {  	[smem:$0x3FAC] =	sst s6  }
0xf: {  	[smem:$0x3FAD] =	sst s7  }
0x10: {  	[smem:$0x3FAE] =	sst s8  }
0x11: {  	[smem:$0x3FAF] =	sst s9;
	s0 =	simm.s32 @!p0 $0x0  }
0x12: {  	s1 =	sld [smem:$0x3F95];
	s0 =	simm.s32 @p0 $0x1  }
0x13: {  	[smem:$0x3FB0] =	sst s0;
	s0 =	simm.s32 @!p1 $0x0  }
0x14: {  	s2 =	sld [smem:$0x3F94];
	s0 =	simm.s32 @p1 $0x1  }
0x15: {  	[smem:$0x3FB1] =	sst s0;
	s0 =	simm.s32 @!p2 $0x0  }
0x16: {  	s3 =	sld [smem:$0x3FDB];
	s0 =	simm.s32 @p2 $0x1  }
0x17: {  	s4 =	simm.s32 $0x1BF5;
	[smem:$0x3FB3] =	sst s0  }
0x18: {  	s0 =	sld [smem:$0x3F96];
	_ =	swait.ge [sflag:s4], $0x0  }
0x19: {  	s7 =	sld [smem:$0x3F97]  }
0x1a: {  	s8 =	sadd.s32 $0xFFFFE003, lr  }
0x1b: {  	s9 =	sadd.s32 $0xFFFFFEF7, lr;
	s5 =	simm.s32 $0xFFFFFFFF;
	p2 =	slt.u32 s8, $0xFFFFF086  }
0x1c: {  	p1 =	slt.u32 s9, $0xF7A;
	s5 =	simm.s32 @!p2 $0x0  }
0x1d: {  	s5 =	simm.s32 @p1 $0x1;
	p0 =	seq.s32 s7, s2  }
0x1e: {  	s7 =	smul.u32 @!p0 $0xF7A, s2;
	p2 =	seq.s32 @!p0 s5, $0x0  }
0x1f: {  	s9 =	smul.u32 $0xF7A, s1;
	s8 =	simm.s32 @!p0 $0x1BF5;
	p2 =	por !p2, p0  }
0x20: {  	[sflag:s8] =	ssyncset.s32 @!p0 $0xFFFFF086;
	s6 =	sadd.s32 @!p0 s3, s7;
	s7 =	simm.s32 @!p0 $0x108  }
0x21: {  	s3 =	sadd.s32 s3, s9;
	s6 =	sadd.s32 @!p0 $0x88, s6;
	s7 =	simm.s32 @p2 $0x1082  }
0x22: {  	[simem:s7], [sflag:s8] =	dma.local @!p0 [hbm:s6], $0xF7A  }
0x23: {  	s9 =	sor.u32 $0xD0000000, s2;
	s6 =	simm.s32 $0x108;
	_ =	swait.ge @!p0 [sflag:s8], $0x0  }
0x24: {  	s3 =	sadd.s32 $0x88, s3;
	s6 =	simm.s32 @!p1 $0x1082;
	[sflag:s4] =	ssyncset.s32 $0xFFFFF086  }
0x25: {  	[simem:s6], [sflag:s4] =	dma.local [hbm:s3], $0xF7A  }
0x26: {  	[smem:$0x3F97] =	sst s1;
	(tag) =	ssettag s2;
	_ =	strace s9  }
0x27: {  	s1 =	sld [smem:$0x3FA7]  }
0x28: {  	s2 =	sld [smem:$0x3FA8]  }
0x29: {  	s4 =	sld [smem:$0x3FAA]  }
0x2a: {  	p0 =	seq.s32 s5, $0x0;
	s5 =	sld [smem:$0x3FAB]  }
0x2b: {  	s6 =	sld [smem:$0x3FAC]  }
0x2c: {  	s7 =	sld [smem:$0x3FAD]  }
0x2d: {  	s3 =	simm.s32 $0x108;
	s8 =	sld [smem:$0x3FAE]  }
0x2e: {  	s3 =	simm.s32 @!p0 $0x1082;
	s9 =	sld [smem:$0x3FAF]  }
0x2f: {  	lr =	sadd.s32 s0, s3;
	s0 =	sld [smem:$0x3FA6]  }
0x30: {  	s3 =	sld [smem:$0x3FA9]  }
0x31: {  	[smem:$0x3FB2] =	sst s10  }
0x32: {  	s10 =	sld [smem:$0x3FB0];
	_ =	sdelay $0x3  }
0x33: {  	p0 =	seq.s32 s10, $0x1;
	s10 =	sld [smem:$0x3FB2];
	_ =	sdelay $0x3  }
0x34: {  	[smem:$0x3FB2] =	sst s10  }
0x35: {  	s10 =	sld [smem:$0x3FB1];
	_ =	sdelay $0x3  }
0x36: {  	p1 =	seq.s32 s10, $0x1;
	s10 =	sld [smem:$0x3FB2];
	_ =	sdelay $0x3  }
0x37: {  	[smem:$0x3FB2] =	sst s10  }
0x38: {  	s10 =	sld [smem:$0x3FB3]  }
0x39: {  	_ = 	snop;
	(pc) =	sbr.ind lr, $3  }
0x3a: {  	_ = 	snop  }
0x3b: {  	_ = 	snop  }
0x3c: {  	p2 =	seq.s32 s10, $0x1;
	s10 =	sld [smem:$0x3FB2]  }
0x3d: {  	_ =	shalt  }
0x3e: {  	_ =	shalt  }
0x3f: {  	_ =	shalt  }
0x40: {  	_ =	shalt  }
0x41: {  	_ =	shalt  }
0x42: {  	_ =	shalt  }
0x43: {  	_ =	shalt  }
0x44: {  	_ =	shalt  }
0x45: {  	_ =	shalt  }
0x46: {  	_ =	shalt  }
0x47: {  	_ =	shalt  }
0x48: {  	_ =	shalt  }
0x49: {  	_ =	shalt  }
0x4a: {  	_ =	shalt  }
0x4b: {  	_ =	shalt  }
0x4c: {  	_ =	shalt  }
0x4d: {  	_ =	shalt  }
0x4e: {  	_ =	shalt  }
0x4f: {  	_ =	shalt  }
0x50: {  	_ =	shalt  }
0x51: {  	_ =	shalt  }
0x52: {  	_ =	shalt  }
0x53: {  	_ =	shalt  }
0x54: {  	_ =	shalt  }
0x55: {  	_ =	shalt  }
0x56: {  	_ =	shalt  }
0x57: {  	_ =	shalt  }
0x58: {  	_ =	shalt  }
0x59: {  	_ =	shalt  }
0x5a: {  	_ =	shalt  }
0x5b: {  	_ =	shalt  }
0x5c: {  	_ =	shalt  }
0x5d: {  	_ =	shalt  }
0x5e: {  	_ =	shalt  }
0x5f: {  	_ =	shalt  }
0x60: {  	_ =	shalt  }
0x61: {  	_ =	shalt  }
0x62: {  	_ =	shalt  }
0x63: {  	_ =	shalt  }
0x64: {  	_ =	shalt  }
0x65: {  	_ =	shalt  }
0x66: {  	_ =	shalt  }
0x67: {  	_ =	shalt  }
0x68: {  	_ =	shalt  }
0x69: {  	_ =	shalt  }
0x6a: {  	_ =	shalt  }
0x6b: {  	_ =	shalt  }
0x6c: {  	_ =	shalt  }
0x6d: {  	_ =	shalt  }
0x6e: {  	_ =	shalt  }
0x6f: {  	_ =	shalt  }
0x70: {  	_ =	shalt  }
0x71: {  	_ =	shalt  }
0x72: {  	_ =	shalt  }
0x73: {  	_ =	shalt  }
0x74: {  	_ =	shalt  }
0x75: {  	_ =	shalt  }
0x76: {  	_ =	shalt  }
0x77: {  	_ =	shalt  }
0x78: {  	_ =	shalt  }
0x79: {  	_ =	shalt  }
0x7a: {  	_ =	shalt  }
0x7b: {  	_ =	shalt  }
0x7c: {  	_ =	shalt  }
0x7d: {  	_ =	shalt  }
0x7e: {  	_ =	shalt  }
0x7f: {  	_ =	shalt  }
0x80: {  	_ =	shalt  }
0x81: {  	_ =	shalt  }
0x82: {  	_ =	shalt  }
0x83: {  	_ =	shalt  }
0x84: {  	_ =	shalt  }
0x85: {  	_ =	shalt  }
0x86: {  	_ =	shalt  }
0x87: {  	_ =	shalt  }
.Lfunc_end0:
.L_simem_size_0:
called_computation.1_lowered:
.L_overlay_start_0:
0x88: {  	s2 =	sld [smem:$0x3FD9]  }
0x89: {  	s3 =	sld [smem:$0x3FFE];
	_ =	sdelay $0x1  }
0x8a: {  	s1 =	srdreg.scid  }
0x8b: {  	s0 =	sand.u32 $0x1, s1  }
0x8c: {  	s15 =	sshll.u32 s0, $0xA;
	s2 =	sadd.s32 s3, s2  }
0x8d: {  	s2 =	sadd.s32 s2, s15  }
0x8e: {  	[smem:$0x3FBE] =	sst s2  }
0x8f: {  	_ = 	snop  }
0x90: {  	s2 =	sld [smem:$0x3FD0];
	_ =	sdelay $0x2  }
0x91: {  	s16 =	simm.s32 $0xD;
	s4 =	simm.s32 $0x10  }
0x92: {  	[smem:s4], [sflag:s16] =	dma.local [hbm:s2], $0x1  }
0x93: {  	_ =	swait.eq [sflag:s16], $0x1  }
0x94: {  	[sflag:s16] =	ssyncset.done $0x0  }
0x95: {  	[sflag:s16] =	ssyncadd.s32 $0xFFFFFFFF  }
0x96: {  	s17 =	sld [smem:$0x11];
	(tm) =	ssettm $0x1  }
0x97: {  	s18 =	sld [smem:$0x3FFB];
	_ =	sdelay $0x3  }
0x98: {  	_ =	strace s18  }
0x99: {  	s2 =	sld [smem:$0x3FFC];
	_ =	sdelay $0x3  }
0x9a: {  	_ =	strace s2  }
0x9b: {  	s2 =	sld [smem:$0x3FFD];
	_ =	sdelay $0x3  }
0x9c: {  	_ =	strace s2  }
0x9d: {  	_ =	strace $0x8FFFFFFF  }
0x9e: {  	s19 =	sld [smem:$0x3FDB];
	_ =	sdelay $0x1  }
0x9f: {  	s20 =	simm.s32 $_scs_section_size  }
0xa0: {  	s5 =	simm.s32 $_size__tile_overlayer_lowered;
	s6 =	simm.s32 $_tile_overlayer_lowered  }
0xa1: {  	s7 =	simm.s32 $0x1BFF;
	s21 =	sshll.u32 s6, $0x1;
	s4 =	sadd.s32 s20, s19  }
0xa2: {  	s22 =	simm.s32 $0x0;
	s5 =	sshll.u32 s5, $0x1;
	s6 =	sadd.s32 s21, s4  }
0xa3: {  	[timem:s22], [sflag:s7] =	dma.local [hbm:s6], s5  }
0xa4: {  	_ =	swait.ge [sflag:s7], s5  }
0xa5: {  	s5 =	ssub.s32 $0x0, s5;
	[sflag:s7] =	ssyncset.done $0x0  }
0xa6: {  	[sflag:s7] =	ssyncadd.s32 s5;
	_ =	sdelay $0x1  }
0xa7: {  	s23 =	simm.s32 $0x1B8B  }
0xa8: {  	_ =	swait.ge [sflag:s23], $0x1  }
0xa9: {  	[sflag:s23] =	ssyncset.done $0x0  }
0xaa: {  	[sflag:s23] =	ssyncadd.s32 $0xFFFFFFFF  }
0xab: {  	s5 =	sld [smem:$0x0]  }
0xac: {  	s6 =	sand.u32 $0xFFFFFFFE, s1  }
0xad: {  	p0 =	sne.s32 s1, s6  }
0xae: {  	s6 =	sshll.u32 @p0 s6, $0xE  }
0xaf: {  	s6 =	sadd.s32 @p0 $0x11B8D, s6;
	s7 =	sshll.u32 @p0 s5, $0x11  }
0xb0: {  	s6 =	sor.u32 @p0 s7, s6  }
0xb1: {  	[sflag:s6] =	ssyncadd.remote.s32 @p0 $0x1;
	_ =	sdelay $0x1  }
0xb2: {  	s6 =	simm.s32 @p0 $0x1B8D  }
0xb3: {  	_ =	swait.eq @p0 [sflag:s6], $0x1  }
0xb4: {  	[sflag:s6] =	ssyncadd.s32 @p0 $0xFFFFFFFF  }
0xb5: {  	s7 =	sshll.u32 @!p0 s1, $0xE  }
0xb6: {  	s7 =	sor.u32 @!p0 $0x4000, s7;
	s6 =	simm.s32 @!p0 $0x1B8D  }
0xb7: {  	s5 =	sshll.u32 @!p0 s5, $0x11;
	s7 =	sadd.s32 @!p0 $0x11B8D, s7;
	_ =	swait.eq @!p0 [sflag:s6], $0x1  }
0xb8: {  	s5 =	sor.u32 @!p0 s5, s7;
	[sflag:s6] =	ssyncadd.s32 @!p0 $0xFFFFFFFF  }
0xb9: {  	s25 =	simm.s32 $0x1B8E;
	s24 =	sld [smem:$0x3FFE];
	[sflag:s5] =	ssyncadd.remote.s32 @!p0 $0x1  }
0xba: {  	s26 =	simm.s32 $execute0_lowered;
	[smem:$0x3FD2] =	sst s25  }
0xbb: {  	s6 =	sshll.u32 s26, $0x1;
	_ =	strace $0x80000050;
	[dreg:$0x1] =	wrdreg $0xFFFFFFFF  }
0xbc: {  	s28 =	simm.s32 $_size_execute0_lowered;
	s4 =	sadd.s32 s4, s6;
	[dreg:$0x0] =	wrdreg $0x0  }
0xbd: {  	s6 =	sshll.u32 s28, $0x1;
	[dreg:$0x2] =	wrdreg s4  }
0xbe: {  	[dreg:$0x3] =	wrdreg s6  }
0xbf: {  	[dreg:$0x4] =	wrdreg $0xC0  }
0xc0: {  	_ =	task [dreg:s22], $0x5FFFF  }
0xc1: {  	[dreg:$0x1] =	wrdreg $0xFFFFFFFF  }
0xc2: {  	[dreg:$0x0] =	wrdreg $0x60  }
0xc3: {  	[dreg:$0x2] =	wrdreg s24  }
0xc4: {  	[dreg:$0x3] =	wrdreg s17  }
0xc5: {  	[dreg:$0x4] =	wrdreg $0xA  }
0xc6: {  	_ =	task.clear_ibuf [dreg:s22], $0x5FFFF;
	_ =	strace $0x90000050  }
0xc7: {  	s29 =	simm.s32 $0xA;
	_ =	strace $0x80000059  }
0xc8: {  	_ =	swait.ge [sflag:s29], $0x1  }
0xc9: {  	[sflag:s29] =	ssyncadd.s32 $0xFFFFFFFF  }
0xca: {  	_ =	strace $0x90000059  }
0xcb: {  	_ =	sfence  }
0xcc: {  	s30 =	sld [smem:$0x0];
	_ =	sdelay $0x2  }
0xcd: {  	s31 =	sshll.u32 s1, $0xD;
	s1 =	sshrl.u32 s1, $0x2  }
0xce: {  	s4 =	sand.u32 $0x4000, s31;
	s1 =	sadd.s32 s1, s30  }
0xcf: {  	s0 =	sor.u32 s4, s0;
	s1 =	sshll.u32 s1, $0x11  }
0xd0: {  	s0 =	sor.u32 s1, s0  }
0xd1: {  	s0 =	sadd.s32 $0x8F2B, s0  }
0xd2: {  	[sflag:s0] =	ssyncadd.remote.s32 $0x1  }
0xd3: {  	_ =	sfence.sel $0xFFFF  }
0xd4: {  	[dreg:$0x0] =	wrdreg $0xFFFFFFFF;
	(pc) =	sbr.abs _section_cstart, $3  }
0xd5: {  	[dreg:$0x1] =	wrdreg $0xFFFFFFFF  }
0xd6: {  	_ =	task.clear_ibuf [dreg:s22], $0x2FFFF;
	_ =	strace $0x9FFFFFFF  }
0xd7: {  	(tm) =	ssettm $0x7FFFFFFF  }
tec
execute0_lowered:
.L_overlay_start_1:
0x0: {  	(tag) =	ssettag $0x1  }
0x1: {  	s3 =	rddreg [dreg:$0x0]  }
0x2: {  	s4 =	rddreg [dreg:$0x1]  }
0x3: {  	s0 =	rddreg [dreg:$0x2];
	s1 =	simm.s32 $0x0;
	s2 =	srdreg.scid  }
0x4: {  	s31 =	simm.s32 $0x80;
	s9 =	simm.s32 $0x4;
	s10 =	simm.s32 $0x0  }
0x5: {  	[smem:$0x7FF] =	sst s1;
	s5 =	sand.u32 $0x1, s2;
	s6 =	sadd.s32 $0xDC00, s3  }
0x6: {  	s2 =	stileid.u32;
	s3 =	sadd.s32 $0x2DBE00, s3;
	_ =	strace $0x80000051  }
0x7: {  	s7 =	sshll.u32 s5, $0x4;
	[dreg:$0x3] =	wrdreg s6;
	s5 =	ssub.s32 $0x2, s5  }
0x8: {  	[dreg:$0x5] =	wrdreg s3;
	s29 =	sor.u32 s2, s7;
	s30 =	sshrl.u32 s5, $0x1  }
0x9: {  	s3 =	sadd.s32 $0x10, s4;
	s8 =	smul.u32 $0xA00, s29;
	s7 =	ssub.s32 s5, s30  }
0xa: {  	[dreg:$0x4] =	wrdreg s31;
	s4 =	smul.u32 $0x28, s29;
	s6 =	smax.u32 s7, $0x1  }
0xb: {  	s7 =	simm.s32 $0x1;
	s5 =	sadd.s32 s8, s3;
	s8 =	simm.s32 $0x5  }
.LBB2_1:
0xc: {  	_ =	strace $0x80000052;
	s11 =	simm.s32 $0x1;
	p0 =	por $0x0, $0x0  }
0xd: {  	[tilespmem:s1], [sflag:$0x1] =	stream.linear.gather [hbm4b:s5+s1], $0x80, $0x200038;
	[tilespmem:$0x8100] =	vst v63  }
0xe: {  	s11 =	simm.s32 @p0 $0x0  }
0xf: {  	p4 =	por $0x1, $0x1;
	s20 =	sand.u32 $0x1, s1;
	p1 =	sne.s32 s11, $0x0  }
0x10: {  	p2 =	por $0x1, $0x1;
	s18 =	simm.s32 $0x26;
	p0 =	por !p4, !p1  }
0x11: {  	s16 =	simm.s32 $0x0;
	p5 =	por $0x0, $0x0;
	p0 =	por !p0, !p0  }
0x12: {  	s23 =	sadd.s32 $0x0, s4;
	s30 =	sadd.s32 $0x1, s20;
	s12 =	sadd.s32 @p0 s4, s11  }
0x13: {  	_ =	strace $0x90000052;
	s13 =	sand.u32 @p0 $0x1, s7;
	s12 =	sshll.u32 @p0 s12, $0x6  }
0x14: {  	_ =	strace @p0 $0x80000053;
	s15 =	simm.s32 @p0 $0x0;
	s12 =	sand.u32 @p0 $0x1FFFFFC0, s12  }
0x15: {  	s14 =	sshll.u32 @p0 s13, $0x7;
	s13 =	sadd.s32 @p0 $0x1, s13;
	s12 =	sadd.s32 @p0 s12, s3  }
0x16: {  	[tilespmem:s14], [sflag:s13] =	stream.linear.gather @p0 [hbm4b:s12+s15], $0x80, $0x200038;
	[tilespmem:$0x8100] =	vst v63  }
0x17: {  	p3 =	por p2, p2;
	s21 =	sshll.u32 s20, $0xE;
	_ =	strace @p0 $0x90000053  }
0x18: {  	s16 =	sand.u32 $0x80, s16;
	p2 =	por p5, p5;
	_ =	strace $0x80000054  }
0x19: {  	s17 =	sadd.s32 $0x1, s11;
	s22 =	sor.u32 $0x100, s21;
	_ =	swait.ge [sflag:s30], $0x80  }
0x1a: {  	s21 =	simm.s32 $0x1;
	p6 =	por p1, p1;
	[sflag:s30] =	ssyncset.done $0x0  }
0x1b: {  	p1 =	por p3, p3;
	p4 =	por $0x1, $0x1;
	[sflag:s30] =	ssyncadd.s32 $0xFFFFFF80  }
0x1c: {  	s12 =	simm.s32 $0x27;
	s15 =	sand.u32 @!p3 $0x1, s1;
	_ =	strace $0x90000054  }
0x1d: {  	s13 =	simm.s32 $0x1;
	p3 =	seq.s32 s17, $0x28;
	_ =	strace $0x80000055  }
0x1e: {  	s13 =	simm.s32 @!p0 $0x0;
	s17 =	simm.s32 @p3 $0x0;
	s19 =	rddreg [dreg:$0x4]  }
0x1f: {  	p0 =	por $0x0, $0x0;
	s14 =	sadd.s32 $0x1, s13;
	s31 =	rddreg [dreg:$0x3]  }
0x20: {  	[tilespmem:s22], [sflag:$0x5] =	stream.indirect.gather [hbm4b:s31+s19], $0x80, s16, s19, $0x2000b8;
	[tilespmem:$0x8100] =	vst v63  }
0x21: {  	p3 =	sne.s32 s11, s17;
	s21 =	simm.s32 @!p0 $0x0;
	_ =	swait.ge [sflag:s8], $0x4000  }
0x22: {  	p5 =	por !p4, !p3;
	p4 =	por $0x0, $0x0;
	[sflag:s8] =	ssyncset.done $0x0  }
0x23: {  	s13 =	simm.s32 $0x0;
	p6 =	por p4, p6;
	[sflag:s8] =	ssyncadd.s32 $0xFFFFC000  }
0x24: {  	s16 =	simm.s32 $0x0;
	s19 =	simm.s32 $0x0;
	_ =	strace $0x90000055  }
.LBB2_2:
0x25: {  	_ =	strace @p6 $0x80000056;
	s13 =	sadd.s32 s21, s13;
	s21 =	smov.u32 s12  }
0x26: {  	s12 =	smov.u32 s18;
	s18 =	sadd.s32 $0xFFFFFFFF, s18;
	p0 =	por p3, p3  }
0x27: {  	s28 =	sshll.u32 @p6 s23, $0xB;
	s20 =	sadd.s32 @p6 $0x3, s20;
	s24 =	simm.s32 @!p0 $0x0  }
0x28: {  	s25 =	rddreg [dreg:$0x5];
	s28 =	sand.u32 @p6 $0x1FFFF800, s28;
	s24 =	simm.s32 @p0 $0x1  }
0x29: {  	s25 =	sadd.s32 @p6 s25, s28;
	s28 =	simm.s32 @p6 $0x0;
	p0 =	sne.s32 s18, $0x0  }
0x2a: {  	[hbm4b:s25+s28] =	stream.linear.scatter @p6 [tilespmem:s22], [sflag:s20], $0x4000, $0x200038;
	[tilespmem:$0x8100] =	vst v63  }
0x2b: {  	s20 =	sadd.s32 @!p1 $0x3, s15;
	s15 =	simm.s32 @!p0 $0x0  }
0x2c: {  	s26 =	simm.s32 $0x1;
	[smem:$0x7FC] =	sst s24;
	s15 =	simm.s32 @p0 $0x1  }
0x2d: {  	s26 =	simm.s32 @!p6 $0x0;
	_ =	strace @p6 $0x90000056;
	[smem:$0x7FD] =	sst s15  }
0x2e: {  	p5 =	por !p5, !p5;
	s19 =	sadd.s32 s26, s19;
	_ =	strace @!p1 $0x80000057  }
0x2f: {  	s24 =	sand.u32 @!p2 $0x1, s13;
	s22 =	sand.u32 @p5 $0x1, s14;
	_ =	swait.ge @!p1 [sflag:s20], $0x4000  }
0x30: {  	s15 =	smov.u32 s24;
	s24 =	sadd.s32 @p5 s4, s17;
	[sflag:s20] =	ssyncset.done @!p1 $0x0  }
0x31: {  	s25 =	sshll.u32 @p5 s22, $0x7;
	s24 =	sshll.u32 @p5 s24, $0x6;
	[sflag:s20] =	ssyncadd.s32 @!p1 $0xFFFFC000  }
0x32: {  	s20 =	sadd.s32 @p5 $0x1, s22;
	s22 =	sand.u32 @p5 $0x1FFFFFC0, s24;
	_ =	strace @!p1 $0x90000057  }
0x33: {  	s24 =	simm.s32 @p5 $0x0;
	s22 =	sadd.s32 @p5 s22, s3;
	_ =	strace @p5 $0x80000053  }
0x34: {  	[tilespmem:s25], [sflag:s20] =	stream.linear.gather @p5 [hbm4b:s22+s24], $0x80, $0x200038;
	[tilespmem:$0x8100] =	vst v63  }
0x35: {  	s16 =	sadd.s32 s26, s16;
	s26 =	sand.u32 $0x1, s19;
	_ =	strace @p5 $0x90000053  }
0x36: {  	s24 =	sadd.s32 $0x1, s26;
	_ =	strace $0x80000054  }
0x37: {  	_ =	swait.ge [sflag:s24], $0x80  }
0x38: {  	[sflag:s24] =	ssyncset.done $0x0  }
0x39: {  	s20 =	simm.s32 $0x1;
	[sflag:s24] =	ssyncadd.s32 $0xFFFFFF80  }
0x3a: {  	s20 =	simm.s32 @!p5 $0x0;
	_ =	strace $0x90000054  }
0x3b: {  	s14 =	sadd.s32 s20, s14;
	s20 =	sand.u32 $0x1, s16;
	_ =	strace $0x80000055  }
0x3c: {  	s29 =	sshll.u32 s19, $0x7;
	s25 =	sshll.u32 s20, $0xE;
	s26 =	rddreg [dreg:$0x4]  }
0x3d: {  	s29 =	sand.u32 $0x80, s29;
	s22 =	sor.u32 $0x100, s25;
	s30 =	rddreg [dreg:$0x3]  }
0x3e: {  	[tilespmem:s22], [sflag:$0x5] =	stream.indirect.gather [hbm4b:s30+s26], $0x80, s29, s26, $0x2000b8;
	[tilespmem:$0x8100] =	vst v63  }
0x3f: {  	_ =	swait.ge [sflag:s8], $0x4000  }
0x40: {  	s31 =	sadd.s32 $0x1, s17;
	[sflag:s8] =	ssyncset.done $0x0  }
0x41: {  	s23 =	sadd.s32 s4, s11;
	s11 =	smov.u32 s17;
	[sflag:s8] =	ssyncadd.s32 $0xFFFFC000  }
0x42: {  	p3 =	seq.s32 s31, $0x28;
	s17 =	smov.u32 s31;
	_ =	strace $0x90000055  }
0x43: {  	s17 =	simm.s32 @p3 $0x0;
	s31 =	sld [smem:$0x7FD]  }
0x44: {  	p6 =	sne.s32 s12, $0x1;
	p0 =	sne.s32 s21, $0x28;
	p3 =	sne.s32 s11, s17  }
0x45: {  	p5 =	por !p6, !p3;
	p6 =	seq.s32 s21, $0x1;
	s21 =	simm.s32 $0x1  }
0x46: {  	s21 =	simm.s32 @!p0 $0x0;
	p0 =	seq.s32 s31, $0x1  }
.Ltmp0:
0x47: {  	s30 =	sld [smem:$0x7FC];
	(pc) =	sbr.rel @p0 .LBB2_2-.Ltmp0, $4  }
0x48: {  	_ = 	snop  }
0x49: {  	p4 =	seq.s32 s12, $0x28  }
0x4a: {  	p1 =	por p2, p2;
	p2 =	por p4, p4;
	p4 =	seq.s32 s30, $0x1  }
0x4b: {  	p6 =	por p6, p4  }
0x4c: {  	_ =	strace @p6 $0x80000056;
	s23 =	sshll.u32 @p6 s23, $0xB  }
0x4d: {  	s18 =	rddreg [dreg:$0x5];
	s23 =	sand.u32 @p6 $0x1FFFF800, s23  }
0x4e: {  	s20 =	sadd.s32 @p6 $0x3, s20;
	s18 =	sadd.s32 @p6 s18, s23;
	s23 =	simm.s32 @p6 $0x0  }
0x4f: {  	[hbm4b:s18+s23] =	stream.linear.scatter @p6 [tilespmem:s22], [sflag:s20], $0x4000, $0x200038;
	[tilespmem:$0x8100] =	vst v63  }
0x50: {  	p0 =	por !p5, !p5;
	_ =	strace @p6 $0x90000056  }
0x51: {  	s15 =	sadd.s32 @!p1 $0x3, s15;
	s17 =	sadd.s32 @p0 s4, s17;
	_ =	strace @!p1 $0x80000057  }
0x52: {  	s14 =	sand.u32 @p0 $0x1, s14;
	s17 =	sshll.u32 @p0 s17, $0x6;
	_ =	swait.ge @!p1 [sflag:s15], $0x4000  }
0x53: {  	s18 =	simm.s32 $0x1;
	s20 =	sshll.u32 @p0 s14, $0x7;
	[sflag:s15] =	ssyncset.done @!p1 $0x0  }
0x54: {  	s14 =	sadd.s32 @p0 $0x1, s14;
	s18 =	simm.s32 @!p6 $0x0;
	[sflag:s15] =	ssyncadd.s32 @!p1 $0xFFFFC000  }
0x55: {  	s19 =	sadd.s32 s18, s19;
	s15 =	sand.u32 @p0 $0x1FFFFFC0, s17;
	_ =	strace @!p1 $0x90000057  }
0x56: {  	s17 =	simm.s32 @p0 $0x0;
	s15 =	sadd.s32 @p0 s15, s3;
	_ =	strace @p0 $0x80000053  }
0x57: {  	[tilespmem:s20], [sflag:s14] =	stream.linear.gather @p0 [hbm4b:s15+s17], $0x80, $0x200038;
	[tilespmem:$0x8100] =	vst v63  }
0x58: {  	s25 =	sand.u32 $0x1, s19;
	_ =	strace @p0 $0x90000053  }
0x59: {  	s14 =	sadd.s32 $0x1, s25;
	_ =	strace $0x80000054  }
0x5a: {  	_ =	swait.ge [sflag:s14], $0x80  }
0x5b: {  	[sflag:s14] =	ssyncset.done $0x0  }
0x5c: {  	[sflag:s14] =	ssyncadd.s32 $0xFFFFFF80  }
0x5d: {  	s26 =	sadd.s32 s18, s16;
	_ =	strace $0x90000054  }
0x5e: {  	s14 =	sand.u32 $0x1, s26;
	_ =	strace $0x80000055  }
0x5f: {  	s30 =	sshll.u32 s19, $0x7;
	s31 =	sshll.u32 s14, $0xE;
	s28 =	rddreg [dreg:$0x4]  }
0x60: {  	s17 =	sand.u32 $0x80, s30;
	s18 =	sor.u32 $0x100, s31;
	s29 =	rddreg [dreg:$0x3]  }
0x61: {  	[tilespmem:s18], [sflag:$0x5] =	stream.indirect.gather [hbm4b:s29+s28], $0x80, s17, s28, $0x2000b8;
	[tilespmem:$0x8100] =	vst v63  }
0x62: {  	_ =	swait.ge [sflag:s8], $0x4000  }
0x63: {  	[sflag:s8] =	ssyncset.done $0x0  }
0x64: {  	p5 =	por p3, p3;
	p6 =	seq.s32 s12, $0x1;
	[sflag:s8] =	ssyncadd.s32 $0xFFFFC000  }
0x65: {  	s11 =	sadd.s32 s4, s11;
	p0 =	por p6, p5;
	_ =	strace $0x90000055  }
0x66: {  	s11 =	sshll.u32 @p0 s11, $0xB;
	_ =	strace @p0 $0x80000056  }
0x67: {  	s13 =	sadd.s32 s21, s13;
	s11 =	sand.u32 @p0 $0x1FFFF800, s11;
	s12 =	rddreg [dreg:$0x5]  }
0x68: {  	s14 =	sadd.s32 @p0 $0x3, s14;
	s11 =	sadd.s32 @p0 s12, s11;
	s12 =	simm.s32 @p0 $0x0  }
0x69: {  	[hbm4b:s11+s12] =	stream.linear.scatter @p0 [tilespmem:s18], [sflag:s14], $0x4000, $0x200038;
	[tilespmem:$0x8100] =	vst v63  }
0x6a: {  	p1 =	por p2, p2;
	s11 =	sand.u32 @!p2 $0x1, s13;
	_ =	strace @p0 $0x90000056  }
0x6b: {  	s11 =	sadd.s32 @!p1 $0x3, s11;
	_ =	strace @!p1 $0x80000057  }
0x6c: {  	_ =	swait.ge @!p1 [sflag:s11], $0x4000  }
0x6d: {  	[sflag:s11] =	ssyncset.done @!p1 $0x0  }
0x6e: {  	s10 =	sadd.s32 $0x1, s10;
	[sflag:s11] =	ssyncadd.s32 @!p1 $0xFFFFC000  }
0x6f: {  	p0 =	sne.s32 s10, s6;
	_ =	strace @!p1 $0x90000057  }
.Ltmp1:
0x70: {  	_ =	strace $0x80000058;
	(pc) =	sbr.rel @p0 .LBB2_1-.Ltmp1, $4  }
0x71: {  	_ =	swait.ge [sflag:s9], $0x4000  }
0x72: {  	[sflag:s9] =	ssyncset.done $0x0  }
0x73: {  	[sflag:s9] =	ssyncadd.s32 $0xFFFFC000  }
0x74: {  	_ =	strace $0x90000058  }
0x75: {  	_ =	sfence.sel $0x180000  }
0x76: {  	[bflag:$0x0] =	sbarrier.arrive $0xFFFF  }
0x77: {  	p0 =	sne.s32 s2, $0x0;
	_ =	strace $0x90000051  }
0x78: {  	s0 =	sadd.s32 @!p0 $0x100000, s0;
	[bflag:$0x2] =	sbarrier.arrive $0xFFFF  }
0x79: {  	[sflag:s0] =	ssyncadd.tile.s32 @!p0 $0x1;
	_ =	shalt  }
.Lfunc_end2:
_tile_overlayer_lowered:
.L_overlay_start_2:
0x7a: {  	(tag) =	ssettag $0x2  }
0x7b: {  	s0 =	rddreg [dreg:$0x0];
	s2 =	stileid.u32  }
0x7c: {  	s1 =	rddreg [dreg:$0x1];
	p0 =	sne.s32 s2, $0x0  }
0x7d: {  	s3 =	rddreg [dreg:$0x2];
	[bflag:$0x3] =	sbarrier.arrive $0xFFFF;
	s2 =	simm.s32 @!p0 $0x1C01  }
0x7e: {  	[timem:s3], [sflag:s2] =	dma.local @!p0 [hbm:s0], s1  }
0x7f: {  	s0 =	simm.s32 @!p0 $0x1  }
0x80: {  	_ =	swait.ge @!p0 [sflag:s0], s1  }
0x81: {  	s1 =	ssub.s32 @!p0 $0x0, s1;
	[sflag:s0] =	ssyncset.done @!p0 $0x0  }
0x82: {  	[sflag:s0] =	ssyncadd.s32 @!p0 s1  }
0x83: {  	[bflag:$0x3] =	sbarrier.arrive $0xFFFF  }
0x84: {  	_ =	shalt  }

// kernel: kernel.19.cloned.1.call-start
scs
__scs_entry_jumppad:
0x0: {  	(pc) =	sbr.rel $0x88, $3  }
0x1: {  	(tag) =	ssettag $0x0;
	lr =	simm.s32 $0x1  }
0x2: {  	[smem:$0x3F97] =	sst lr;
	_ =	strace $0xD0000000  }
0x3: {  	_ = 	snop  }
0x4: {  	_ = 	snop  }
0x5: {  	_ = 	snop  }
0x6: {  	_ = 	snop  }
0x7: {  	_ = 	snop  }
__scs_overlays_trampoline_lowered:
0x8: {  	[smem:$0x3FA6] =	sst s0  }
0x9: {  	[smem:$0x3FA7] =	sst s1  }
0xa: {  	[smem:$0x3FA8] =	sst s2  }
0xb: {  	[smem:$0x3FA9] =	sst s3  }
0xc: {  	[smem:$0x3FAA] =	sst s4  }
0xd: {  	[smem:$0x3FAB] =	sst s5  }
0xe: {  	[smem:$0x3FAC] =	sst s6  }
0xf: {  	[smem:$0x3FAD] =	sst s7  }
0x10: {  	[smem:$0x3FAE] =	sst s8  }
0x11: {  	[smem:$0x3FAF] =	sst s9;
	s0 =	simm.s32 @!p0 $0x0  }
0x12: {  	s1 =	sld [smem:$0x3F95];
	s0 =	simm.s32 @p0 $0x1  }
0x13: {  	[smem:$0x3FB0] =	sst s0;
	s0 =	simm.s32 @!p1 $0x0  }
0x14: {  	s2 =	sld [smem:$0x3F94];
	s0 =	simm.s32 @p1 $0x1  }
0x15: {  	[smem:$0x3FB1] =	sst s0;
	s0 =	simm.s32 @!p2 $0x0  }
0x16: {  	s3 =	sld [smem:$0x3FDB];
	s0 =	simm.s32 @p2 $0x1  }
0x17: {  	s4 =	simm.s32 $0x1BF5;
	[smem:$0x3FB3] =	sst s0  }
0x18: {  	s0 =	sld [smem:$0x3F96];
	_ =	swait.ge [sflag:s4], $0x0  }
0x19: {  	s7 =	sld [smem:$0x3F97]  }
0x1a: {  	s8 =	sadd.s32 $0xFFFFE003, lr  }
0x1b: {  	s9 =	sadd.s32 $0xFFFFFEF7, lr;
	s5 =	simm.s32 $0xFFFFFFFF;
	p2 =	slt.u32 s8, $0xFFFFF086  }
0x1c: {  	p1 =	slt.u32 s9, $0xF7A;
	s5 =	simm.s32 @!p2 $0x0  }
0x1d: {  	s5 =	simm.s32 @p1 $0x1;
	p0 =	seq.s32 s7, s2  }
0x1e: {  	s7 =	smul.u32 @!p0 $0xF7A, s2;
	p2 =	seq.s32 @!p0 s5, $0x0  }
0x1f: {  	s9 =	smul.u32 $0xF7A, s1;
	s8 =	simm.s32 @!p0 $0x1BF5;
	p2 =	por !p2, p0  }
0x20: {  	[sflag:s8] =	ssyncset.s32 @!p0 $0xFFFFF086;
	s6 =	sadd.s32 @!p0 s3, s7;
	s7 =	simm.s32 @!p0 $0x108  }
0x21: {  	s3 =	sadd.s32 s3, s9;
	s6 =	sadd.s32 @!p0 $0x88, s6;
	s7 =	simm.s32 @p2 $0x1082  }
0x22: {  	[simem:s7], [sflag:s8] =	dma.local @!p0 [hbm:s6], $0xF7A  }
0x23: {  	s9 =	sor.u32 $0xD0000000, s2;
	s6 =	simm.s32 $0x108;
	_ =	swait.ge @!p0 [sflag:s8], $0x0  }
0x24: {  	s3 =	sadd.s32 $0x88, s3;
	s6 =	simm.s32 @!p1 $0x1082;
	[sflag:s4] =	ssyncset.s32 $0xFFFFF086  }
0x25: {  	[simem:s6], [sflag:s4] =	dma.local [hbm:s3], $0xF7A  }
0x26: {  	[smem:$0x3F97] =	sst s1;
	(tag) =	ssettag s2;
	_ =	strace s9  }
0x27: {  	s1 =	sld [smem:$0x3FA7]  }
0x28: {  	s2 =	sld [smem:$0x3FA8]  }
0x29: {  	s4 =	sld [smem:$0x3FAA]  }
0x2a: {  	p0 =	seq.s32 s5, $0x0;
	s5 =	sld [smem:$0x3FAB]  }
0x2b: {  	s6 =	sld [smem:$0x3FAC]  }
0x2c: {  	s7 =	sld [smem:$0x3FAD]  }
0x2d: {  	s3 =	simm.s32 $0x108;
	s8 =	sld [smem:$0x3FAE]  }
0x2e: {  	s3 =	simm.s32 @!p0 $0x1082;
	s9 =	sld [smem:$0x3FAF]  }
0x2f: {  	lr =	sadd.s32 s0, s3;
	s0 =	sld [smem:$0x3FA6]  }
0x30: {  	s3 =	sld [smem:$0x3FA9]  }
0x31: {  	[smem:$0x3FB2] =	sst s10  }
0x32: {  	s10 =	sld [smem:$0x3FB0];
	_ =	sdelay $0x3  }
0x33: {  	p0 =	seq.s32 s10, $0x1;
	s10 =	sld [smem:$0x3FB2];
	_ =	sdelay $0x3  }
0x34: {  	[smem:$0x3FB2] =	sst s10  }
0x35: {  	s10 =	sld [smem:$0x3FB1];
	_ =	sdelay $0x3  }
0x36: {  	p1 =	seq.s32 s10, $0x1;
	s10 =	sld [smem:$0x3FB2];
	_ =	sdelay $0x3  }
0x37: {  	[smem:$0x3FB2] =	sst s10  }
0x38: {  	s10 =	sld [smem:$0x3FB3]  }
0x39: {  	_ = 	snop;
	(pc) =	sbr.ind lr, $3  }
0x3a: {  	_ = 	snop  }
0x3b: {  	_ = 	snop  }
0x3c: {  	p2 =	seq.s32 s10, $0x1;
	s10 =	sld [smem:$0x3FB2]  }
0x3d: {  	_ =	shalt  }
0x3e: {  	_ =	shalt  }
0x3f: {  	_ =	shalt  }
0x40: {  	_ =	shalt  }
0x41: {  	_ =	shalt  }
0x42: {  	_ =	shalt  }
0x43: {  	_ =	shalt  }
0x44: {  	_ =	shalt  }
0x45: {  	_ =	shalt  }
0x46: {  	_ =	shalt  }
0x47: {  	_ =	shalt  }
0x48: {  	_ =	shalt  }
0x49: {  	_ =	shalt  }
0x4a: {  	_ =	shalt  }
0x4b: {  	_ =	shalt  }
0x4c: {  	_ =	shalt  }
0x4d: {  	_ =	shalt  }
0x4e: {  	_ =	shalt  }
0x4f: {  	_ =	shalt  }
0x50: {  	_ =	shalt  }
0x51: {  	_ =	shalt  }
0x52: {  	_ =	shalt  }
0x53: {  	_ =	shalt  }
0x54: {  	_ =	shalt  }
0x55: {  	_ =	shalt  }
0x56: {  	_ =	shalt  }
0x57: {  	_ =	shalt  }
0x58: {  	_ =	shalt  }
0x59: {  	_ =	shalt  }
0x5a: {  	_ =	shalt  }
0x5b: {  	_ =	shalt  }
0x5c: {  	_ =	shalt  }
0x5d: {  	_ =	shalt  }
0x5e: {  	_ =	shalt  }
0x5f: {  	_ =	shalt  }
0x60: {  	_ =	shalt  }
0x61: {  	_ =	shalt  }
0x62: {  	_ =	shalt  }
0x63: {  	_ =	shalt  }
0x64: {  	_ =	shalt  }
0x65: {  	_ =	shalt  }
0x66: {  	_ =	shalt  }
0x67: {  	_ =	shalt  }
0x68: {  	_ =	shalt  }
0x69: {  	_ =	shalt  }
0x6a: {  	_ =	shalt  }
0x6b: {  	_ =	shalt  }
0x6c: {  	_ =	shalt  }
0x6d: {  	_ =	shalt  }
0x6e: {  	_ =	shalt  }
0x6f: {  	_ =	shalt  }
0x70: {  	_ =	shalt  }
0x71: {  	_ =	shalt  }
0x72: {  	_ =	shalt  }
0x73: {  	_ =	shalt  }
0x74: {  	_ =	shalt  }
0x75: {  	_ =	shalt  }
0x76: {  	_ =	shalt  }
0x77: {  	_ =	shalt  }
0x78: {  	_ =	shalt  }
0x79: {  	_ =	shalt  }
0x7a: {  	_ =	shalt  }
0x7b: {  	_ =	shalt  }
0x7c: {  	_ =	shalt  }
0x7d: {  	_ =	shalt  }
0x7e: {  	_ =	shalt  }
0x7f: {  	_ =	shalt  }
0x80: {  	_ =	shalt  }
0x81: {  	_ =	shalt  }
0x82: {  	_ =	shalt  }
0x83: {  	_ =	shalt  }
0x84: {  	_ =	shalt  }
0x85: {  	_ =	shalt  }
0x86: {  	_ =	shalt  }
0x87: {  	_ =	shalt  }
.Lfunc_end0:
.L_simem_size_0:
called_computation.2_lowered:
.L_overlay_start_0:
0x88: {  	s2 =	sld [smem:$0x3FD9]  }
0x89: {  	s3 =	sld [smem:$0x3FFE];
	_ =	sdelay $0x1  }
0x8a: {  	s1 =	srdreg.scid  }
0x8b: {  	s0 =	sand.u32 $0x1, s1  }
0x8c: {  	s15 =	sshll.u32 s0, $0xA;
	s2 =	sadd.s32 s3, s2  }
0x8d: {  	s2 =	sadd.s32 s2, s15  }
0x8e: {  	[smem:$0x3FBE] =	sst s2  }
0x8f: {  	_ = 	snop  }
0x90: {  	s2 =	sld [smem:$0x3FD0];
	_ =	sdelay $0x2  }
0x91: {  	s16 =	simm.s32 $0xD;
	s4 =	simm.s32 $0x10  }
0x92: {  	[smem:s4], [sflag:s16] =	dma.local [hbm:s2], $0x1  }
0x93: {  	_ =	swait.eq [sflag:s16], $0x1  }
0x94: {  	[sflag:s16] =	ssyncset.done $0x0  }
0x95: {  	[sflag:s16] =	ssyncadd.s32 $0xFFFFFFFF  }
0x96: {  	s17 =	sld [smem:$0x11];
	(tm) =	ssettm $0x1  }
0x97: {  	s18 =	sld [smem:$0x3FFB];
	_ =	sdelay $0x3  }
0x98: {  	_ =	strace s18  }
0x99: {  	s2 =	sld [smem:$0x3FFC];
	_ =	sdelay $0x3  }
0x9a: {  	_ =	strace s2  }
0x9b: {  	s2 =	sld [smem:$0x3FFD];
	_ =	sdelay $0x3  }
0x9c: {  	_ =	strace s2  }
0x9d: {  	_ =	strace $0x8FFFFFFF  }
0x9e: {  	s19 =	sld [smem:$0x3FDB];
	_ =	sdelay $0x1  }
0x9f: {  	s20 =	simm.s32 $_scs_section_size  }
0xa0: {  	s5 =	simm.s32 $_size__tile_overlayer_lowered;
	s6 =	simm.s32 $_tile_overlayer_lowered  }
0xa1: {  	s7 =	simm.s32 $0x1BFF;
	s21 =	sshll.u32 s6, $0x1;
	s4 =	sadd.s32 s20, s19  }
0xa2: {  	s22 =	simm.s32 $0x0;
	s5 =	sshll.u32 s5, $0x1;
	s6 =	sadd.s32 s21, s4  }
0xa3: {  	[timem:s22], [sflag:s7] =	dma.local [hbm:s6], s5  }
0xa4: {  	_ =	swait.ge [sflag:s7], s5  }
0xa5: {  	s5 =	ssub.s32 $0x0, s5;
	[sflag:s7] =	ssyncset.done $0x0  }
0xa6: {  	[sflag:s7] =	ssyncadd.s32 s5;
	_ =	sdelay $0x1  }
0xa7: {  	s23 =	simm.s32 $0x1B8B  }
0xa8: {  	_ =	swait.ge [sflag:s23], $0x1  }
0xa9: {  	[sflag:s23] =	ssyncset.done $0x0  }
0xaa: {  	[sflag:s23] =	ssyncadd.s32 $0xFFFFFFFF  }
0xab: {  	s5 =	sld [smem:$0x0]  }
0xac: {  	s6 =	sand.u32 $0xFFFFFFFE, s1  }
0xad: {  	p0 =	sne.s32 s1, s6  }
0xae: {  	s6 =	sshll.u32 @p0 s6, $0xE  }
0xaf: {  	s6 =	sadd.s32 @p0 $0x11B8D, s6;
	s7 =	sshll.u32 @p0 s5, $0x11  }
0xb0: {  	s6 =	sor.u32 @p0 s7, s6  }
0xb1: {  	[sflag:s6] =	ssyncadd.remote.s32 @p0 $0x1;
	_ =	sdelay $0x1  }
0xb2: {  	s6 =	simm.s32 @p0 $0x1B8D  }
0xb3: {  	_ =	swait.eq @p0 [sflag:s6], $0x1  }
0xb4: {  	[sflag:s6] =	ssyncadd.s32 @p0 $0xFFFFFFFF  }
0xb5: {  	s7 =	sshll.u32 @!p0 s1, $0xE  }
0xb6: {  	s7 =	sor.u32 @!p0 $0x4000, s7;
	s6 =	simm.s32 @!p0 $0x1B8D  }
0xb7: {  	s5 =	sshll.u32 @!p0 s5, $0x11;
	s7 =	sadd.s32 @!p0 $0x11B8D, s7;
	_ =	swait.eq @!p0 [sflag:s6], $0x1  }
0xb8: {  	s5 =	sor.u32 @!p0 s5, s7;
	[sflag:s6] =	ssyncadd.s32 @!p0 $0xFFFFFFFF  }
0xb9: {  	s25 =	simm.s32 $0x1B8E;
	s24 =	sld [smem:$0x3FFE];
	[sflag:s5] =	ssyncadd.remote.s32 @!p0 $0x1  }
0xba: {  	s26 =	simm.s32 $execute0_lowered;
	[smem:$0x3FD2] =	sst s25  }
0xbb: {  	s6 =	sshll.u32 s26, $0x1;
	_ =	strace $0x8000005A;
	[dreg:$0x1] =	wrdreg $0xFFFFFFFF  }
0xbc: {  	s28 =	simm.s32 $_size_execute0_lowered;
	s4 =	sadd.s32 s4, s6;
	[dreg:$0x0] =	wrdreg $0x0  }
0xbd: {  	s6 =	sshll.u32 s28, $0x1;
	[dreg:$0x2] =	wrdreg s4  }
0xbe: {  	[dreg:$0x3] =	wrdreg s6  }
0xbf: {  	[dreg:$0x4] =	wrdreg $0xC0  }
0xc0: {  	_ =	task [dreg:s22], $0x5FFFF  }
0xc1: {  	[dreg:$0x1] =	wrdreg $0xFFFFFFFF  }
0xc2: {  	[dreg:$0x0] =	wrdreg $0x60  }
0xc3: {  	[dreg:$0x2] =	wrdreg s24  }
0xc4: {  	[dreg:$0x3] =	wrdreg s17  }
0xc5: {  	[dreg:$0x4] =	wrdreg $0xB  }
0xc6: {  	_ =	task.clear_ibuf [dreg:s22], $0x5FFFF;
	_ =	strace $0x9000005A  }
0xc7: {  	s29 =	simm.s32 $0xB;
	_ =	strace $0x80000063  }
0xc8: {  	_ =	swait.ge [sflag:s29], $0x1  }
0xc9: {  	[sflag:s29] =	ssyncadd.s32 $0xFFFFFFFF  }
0xca: {  	_ =	strace $0x90000063  }
0xcb: {  	_ =	sfence  }
0xcc: {  	s30 =	sld [smem:$0x0];
	_ =	sdelay $0x2  }
0xcd: {  	s31 =	sshll.u32 s1, $0xD;
	s1 =	sshrl.u32 s1, $0x2  }
0xce: {  	s4 =	sand.u32 $0x4000, s31;
	s1 =	sadd.s32 s1, s30  }
0xcf: {  	s0 =	sor.u32 s4, s0;
	s1 =	sshll.u32 s1, $0x11  }
0xd0: {  	s0 =	sor.u32 s1, s0  }
0xd1: {  	s0 =	sadd.s32 $0x8F2B, s0  }
0xd2: {  	[sflag:s0] =	ssyncadd.remote.s32 $0x1  }
0xd3: {  	_ =	sfence.sel $0xFFFF  }
0xd4: {  	[dreg:$0x0] =	wrdreg $0xFFFFFFFF;
	(pc) =	sbr.abs _section_cstart, $3  }
0xd5: {  	[dreg:$0x1] =	wrdreg $0xFFFFFFFF  }
0xd6: {  	_ =	task.clear_ibuf [dreg:s22], $0x2FFFF;
	_ =	strace $0x9FFFFFFF  }
0xd7: {  	(tm) =	ssettm $0x7FFFFFFF  }
tec
execute0_lowered:
.L_overlay_start_1:
0x0: {  	(tag) =	ssettag $0x1  }
0x1: {  	s3 =	rddreg [dreg:$0x0]  }
0x2: {  	s4 =	rddreg [dreg:$0x1]  }
0x3: {  	s0 =	rddreg [dreg:$0x2];
	s1 =	simm.s32 $0x0;
	s2 =	srdreg.scid  }
0x4: {  	s31 =	simm.s32 $0x80;
	s9 =	simm.s32 $0x4;
	s10 =	simm.s32 $0x0  }
0x5: {  	[smem:$0x7FF] =	sst s1;
	s5 =	sand.u32 $0x1, s2;
	s6 =	sadd.s32 $0xDC00, s3  }
0x6: {  	s2 =	stileid.u32;
	s3 =	sadd.s32 $0x55BE00, s3;
	_ =	strace $0x8000005B  }
0x7: {  	s7 =	sshll.u32 s5, $0x4;
	[dreg:$0x3] =	wrdreg s6;
	s5 =	ssub.s32 $0x2, s5  }
0x8: {  	[dreg:$0x5] =	wrdreg s3;
	s29 =	sor.u32 s2, s7;
	s30 =	sshrl.u32 s5, $0x1  }
0x9: {  	s3 =	sadd.s32 $0x20, s4;
	s8 =	smul.u32 $0xA00, s29;
	s7 =	ssub.s32 s5, s30  }
0xa: {  	[dreg:$0x4] =	wrdreg s31;
	s4 =	smul.u32 $0x28, s29;
	s6 =	smax.u32 s7, $0x1  }
0xb: {  	s7 =	simm.s32 $0x1;
	s5 =	sadd.s32 s8, s3;
	s8 =	simm.s32 $0x5  }
.LBB2_1:
0xc: {  	_ =	strace $0x8000005C;
	s11 =	simm.s32 $0x1;
	p0 =	por $0x0, $0x0  }
0xd: {  	[tilespmem:s1], [sflag:$0x1] =	stream.linear.gather [hbm4b:s5+s1], $0x80, $0x200038;
	[tilespmem:$0x8100] =	vst v63  }
0xe: {  	s11 =	simm.s32 @p0 $0x0  }
0xf: {  	p4 =	por $0x1, $0x1;
	s20 =	sand.u32 $0x1, s1;
	p1 =	sne.s32 s11, $0x0  }
0x10: {  	p2 =	por $0x1, $0x1;
	s18 =	simm.s32 $0x26;
	p0 =	por !p4, !p1  }
0x11: {  	s16 =	simm.s32 $0x0;
	p5 =	por $0x0, $0x0;
	p0 =	por !p0, !p0  }
0x12: {  	s23 =	sadd.s32 $0x0, s4;
	s30 =	sadd.s32 $0x1, s20;
	s12 =	sadd.s32 @p0 s4, s11  }
0x13: {  	_ =	strace $0x9000005C;
	s13 =	sand.u32 @p0 $0x1, s7;
	s12 =	sshll.u32 @p0 s12, $0x6  }
0x14: {  	_ =	strace @p0 $0x8000005D;
	s15 =	simm.s32 @p0 $0x0;
	s12 =	sand.u32 @p0 $0x1FFFFFC0, s12  }
0x15: {  	s14 =	sshll.u32 @p0 s13, $0x7;
	s13 =	sadd.s32 @p0 $0x1, s13;
	s12 =	sadd.s32 @p0 s12, s3  }
0x16: {  	[tilespmem:s14], [sflag:s13] =	stream.linear.gather @p0 [hbm4b:s12+s15], $0x80, $0x200038;
	[tilespmem:$0x8100] =	vst v63  }
0x17: {  	p3 =	por p2, p2;
	s21 =	sshll.u32 s20, $0xE;
	_ =	strace @p0 $0x9000005D  }
0x18: {  	s16 =	sand.u32 $0x80, s16;
	p2 =	por p5, p5;
	_ =	strace $0x8000005E  }
0x19: {  	s17 =	sadd.s32 $0x1, s11;
	s22 =	sor.u32 $0x100, s21;
	_ =	swait.ge [sflag:s30], $0x80  }
0x1a: {  	s21 =	simm.s32 $0x1;
	p6 =	por p1, p1;
	[sflag:s30] =	ssyncset.done $0x0  }
0x1b: {  	p1 =	por p3, p3;
	p4 =	por $0x1, $0x1;
	[sflag:s30] =	ssyncadd.s32 $0xFFFFFF80  }
0x1c: {  	s12 =	simm.s32 $0x27;
	s15 =	sand.u32 @!p3 $0x1, s1;
	_ =	strace $0x9000005E  }
0x1d: {  	s13 =	simm.s32 $0x1;
	p3 =	seq.s32 s17, $0x28;
	_ =	strace $0x8000005F  }
0x1e: {  	s13 =	simm.s32 @!p0 $0x0;
	s17 =	simm.s32 @p3 $0x0;
	s19 =	rddreg [dreg:$0x4]  }
0x1f: {  	p0 =	por $0x0, $0x0;
	s14 =	sadd.s32 $0x1, s13;
	s31 =	rddreg [dreg:$0x3]  }
0x20: {  	[tilespmem:s22], [sflag:$0x5] =	stream.indirect.gather [hbm4b:s31+s19], $0x80, s16, s19, $0x2000b8;
	[tilespmem:$0x8100] =	vst v63  }
0x21: {  	p3 =	sne.s32 s11, s17;
	s21 =	simm.s32 @!p0 $0x0;
	_ =	swait.ge [sflag:s8], $0x4000  }
0x22: {  	p5 =	por !p4, !p3;
	p4 =	por $0x0, $0x0;
	[sflag:s8] =	ssyncset.done $0x0  }
0x23: {  	s13 =	simm.s32 $0x0;
	p6 =	por p4, p6;
	[sflag:s8] =	ssyncadd.s32 $0xFFFFC000  }
0x24: {  	s16 =	simm.s32 $0x0;
	s19 =	simm.s32 $0x0;
	_ =	strace $0x9000005F  }
.LBB2_2:
0x25: {  	_ =	strace @p6 $0x80000060;
	s13 =	sadd.s32 s21, s13;
	s21 =	smov.u32 s12  }
0x26: {  	s12 =	smov.u32 s18;
	s18 =	sadd.s32 $0xFFFFFFFF, s18;
	p0 =	por p3, p3  }
0x27: {  	s28 =	sshll.u32 @p6 s23, $0xB;
	s20 =	sadd.s32 @p6 $0x3, s20;
	s24 =	simm.s32 @!p0 $0x0  }
0x28: {  	s25 =	rddreg [dreg:$0x5];
	s28 =	sand.u32 @p6 $0x1FFFF800, s28;
	s24 =	simm.s32 @p0 $0x1  }
0x29: {  	s25 =	sadd.s32 @p6 s25, s28;
	s28 =	simm.s32 @p6 $0x0;
	p0 =	sne.s32 s18, $0x0  }
0x2a: {  	[hbm4b:s25+s28] =	stream.linear.scatter @p6 [tilespmem:s22], [sflag:s20], $0x4000, $0x200038;
	[tilespmem:$0x8100] =	vst v63  }
0x2b: {  	s20 =	sadd.s32 @!p1 $0x3, s15;
	s15 =	simm.s32 @!p0 $0x0  }
0x2c: {  	s26 =	simm.s32 $0x1;
	[smem:$0x7FC] =	sst s24;
	s15 =	simm.s32 @p0 $0x1  }
0x2d: {  	s26 =	simm.s32 @!p6 $0x0;
	_ =	strace @p6 $0x90000060;
	[smem:$0x7FD] =	sst s15  }
0x2e: {  	p5 =	por !p5, !p5;
	s19 =	sadd.s32 s26, s19;
	_ =	strace @!p1 $0x80000061  }
0x2f: {  	s24 =	sand.u32 @!p2 $0x1, s13;
	s22 =	sand.u32 @p5 $0x1, s14;
	_ =	swait.ge @!p1 [sflag:s20], $0x4000  }
0x30: {  	s15 =	smov.u32 s24;
	s24 =	sadd.s32 @p5 s4, s17;
	[sflag:s20] =	ssyncset.done @!p1 $0x0  }
0x31: {  	s25 =	sshll.u32 @p5 s22, $0x7;
	s24 =	sshll.u32 @p5 s24, $0x6;
	[sflag:s20] =	ssyncadd.s32 @!p1 $0xFFFFC000  }
0x32: {  	s20 =	sadd.s32 @p5 $0x1, s22;
	s22 =	sand.u32 @p5 $0x1FFFFFC0, s24;
	_ =	strace @!p1 $0x90000061  }
0x33: {  	s24 =	simm.s32 @p5 $0x0;
	s22 =	sadd.s32 @p5 s22, s3;
	_ =	strace @p5 $0x8000005D  }
0x34: {  	[tilespmem:s25], [sflag:s20] =	stream.linear.gather @p5 [hbm4b:s22+s24], $0x80, $0x200038;
	[tilespmem:$0x8100] =	vst v63  }
0x35: {  	s16 =	sadd.s32 s26, s16;
	s26 =	sand.u32 $0x1, s19;
	_ =	strace @p5 $0x9000005D  }
0x36: {  	s24 =	sadd.s32 $0x1, s26;
	_ =	strace $0x8000005E  }
0x37: {  	_ =	swait.ge [sflag:s24], $0x80  }
0x38: {  	[sflag:s24] =	ssyncset.done $0x0  }
0x39: {  	s20 =	simm.s32 $0x1;
	[sflag:s24] =	ssyncadd.s32 $0xFFFFFF80  }
0x3a: {  	s20 =	simm.s32 @!p5 $0x0;
	_ =	strace $0x9000005E  }
0x3b: {  	s14 =	sadd.s32 s20, s14;
	s20 =	sand.u32 $0x1, s16;
	_ =	strace $0x8000005F  }
0x3c: {  	s29 =	sshll.u32 s19, $0x7;
	s25 =	sshll.u32 s20, $0xE;
	s26 =	rddreg [dreg:$0x4]  }
0x3d: {  	s29 =	sand.u32 $0x80, s29;
	s22 =	sor.u32 $0x100, s25;
	s30 =	rddreg [dreg:$0x3]  }
0x3e: {  	[tilespmem:s22], [sflag:$0x5] =	stream.indirect.gather [hbm4b:s30+s26], $0x80, s29, s26, $0x2000b8;
	[tilespmem:$0x8100] =	vst v63  }
0x3f: {  	_ =	swait.ge [sflag:s8], $0x4000  }
0x40: {  	s31 =	sadd.s32 $0x1, s17;
	[sflag:s8] =	ssyncset.done $0x0  }
0x41: {  	s23 =	sadd.s32 s4, s11;
	s11 =	smov.u32 s17;
	[sflag:s8] =	ssyncadd.s32 $0xFFFFC000  }
0x42: {  	p3 =	seq.s32 s31, $0x28;
	s17 =	smov.u32 s31;
	_ =	strace $0x9000005F  }
0x43: {  	s17 =	simm.s32 @p3 $0x0;
	s31 =	sld [smem:$0x7FD]  }
0x44: {  	p6 =	sne.s32 s12, $0x1;
	p0 =	sne.s32 s21, $0x28;
	p3 =	sne.s32 s11, s17  }
0x45: {  	p5 =	por !p6, !p3;
	p6 =	seq.s32 s21, $0x1;
	s21 =	simm.s32 $0x1  }
0x46: {  	s21 =	simm.s32 @!p0 $0x0;
	p0 =	seq.s32 s31, $0x1  }
.Ltmp0:
0x47: {  	s30 =	sld [smem:$0x7FC];
	(pc) =	sbr.rel @p0 .LBB2_2-.Ltmp0, $4  }
0x48: {  	_ = 	snop  }
0x49: {  	p4 =	seq.s32 s12, $0x28  }
0x4a: {  	p1 =	por p2, p2;
	p2 =	por p4, p4;
	p4 =	seq.s32 s30, $0x1  }
0x4b: {  	p6 =	por p6, p4  }
0x4c: {  	_ =	strace @p6 $0x80000060;
	s23 =	sshll.u32 @p6 s23, $0xB  }
0x4d: {  	s18 =	rddreg [dreg:$0x5];
	s23 =	sand.u32 @p6 $0x1FFFF800, s23  }
0x4e: {  	s20 =	sadd.s32 @p6 $0x3, s20;
	s18 =	sadd.s32 @p6 s18, s23;
	s23 =	simm.s32 @p6 $0x0  }
0x4f: {  	[hbm4b:s18+s23] =	stream.linear.scatter @p6 [tilespmem:s22], [sflag:s20], $0x4000, $0x200038;
	[tilespmem:$0x8100] =	vst v63  }
0x50: {  	p0 =	por !p5, !p5;
	_ =	strace @p6 $0x90000060  }
0x51: {  	s15 =	sadd.s32 @!p1 $0x3, s15;
	s17 =	sadd.s32 @p0 s4, s17;
	_ =	strace @!p1 $0x80000061  }
0x52: {  	s14 =	sand.u32 @p0 $0x1, s14;
	s17 =	sshll.u32 @p0 s17, $0x6;
	_ =	swait.ge @!p1 [sflag:s15], $0x4000  }
0x53: {  	s18 =	simm.s32 $0x1;
	s20 =	sshll.u32 @p0 s14, $0x7;
	[sflag:s15] =	ssyncset.done @!p1 $0x0  }
0x54: {  	s14 =	sadd.s32 @p0 $0x1, s14;
	s18 =	simm.s32 @!p6 $0x0;
	[sflag:s15] =	ssyncadd.s32 @!p1 $0xFFFFC000  }
0x55: {  	s19 =	sadd.s32 s18, s19;
	s15 =	sand.u32 @p0 $0x1FFFFFC0, s17;
	_ =	strace @!p1 $0x90000061  }
0x56: {  	s17 =	simm.s32 @p0 $0x0;
	s15 =	sadd.s32 @p0 s15, s3;
	_ =	strace @p0 $0x8000005D  }
0x57: {  	[tilespmem:s20], [sflag:s14] =	stream.linear.gather @p0 [hbm4b:s15+s17], $0x80, $0x200038;
	[tilespmem:$0x8100] =	vst v63  }
0x58: {  	s25 =	sand.u32 $0x1, s19;
	_ =	strace @p0 $0x9000005D  }
0x59: {  	s14 =	sadd.s32 $0x1, s25;
	_ =	strace $0x8000005E  }
0x5a: {  	_ =	swait.ge [sflag:s14], $0x80  }
0x5b: {  	[sflag:s14] =	ssyncset.done $0x0  }
0x5c: {  	[sflag:s14] =	ssyncadd.s32 $0xFFFFFF80  }
0x5d: {  	s26 =	sadd.s32 s18, s16;
	_ =	strace $0x9000005E  }
0x5e: {  	s14 =	sand.u32 $0x1, s26;
	_ =	strace $0x8000005F  }
0x5f: {  	s30 =	sshll.u32 s19, $0x7;
	s31 =	sshll.u32 s14, $0xE;
	s28 =	rddreg [dreg:$0x4]  }
0x60: {  	s17 =	sand.u32 $0x80, s30;
	s18 =	sor.u32 $0x100, s31;
	s29 =	rddreg [dreg:$0x3]  }
0x61: {  	[tilespmem:s18], [sflag:$0x5] =	stream.indirect.gather [hbm4b:s29+s28], $0x80, s17, s28, $0x2000b8;
	[tilespmem:$0x8100] =	vst v63  }
0x62: {  	_ =	swait.ge [sflag:s8], $0x4000  }
0x63: {  	[sflag:s8] =	ssyncset.done $0x0  }
0x64: {  	p5 =	por p3, p3;
	p6 =	seq.s32 s12, $0x1;
	[sflag:s8] =	ssyncadd.s32 $0xFFFFC000  }
0x65: {  	s11 =	sadd.s32 s4, s11;
	p0 =	por p6, p5;
	_ =	strace $0x9000005F  }
0x66: {  	s11 =	sshll.u32 @p0 s11, $0xB;
	_ =	strace @p0 $0x80000060  }
0x67: {  	s13 =	sadd.s32 s21, s13;
	s11 =	sand.u32 @p0 $0x1FFFF800, s11;
	s12 =	rddreg [dreg:$0x5]  }
0x68: {  	s14 =	sadd.s32 @p0 $0x3, s14;
	s11 =	sadd.s32 @p0 s12, s11;
	s12 =	simm.s32 @p0 $0x0  }
0x69: {  	[hbm4b:s11+s12] =	stream.linear.scatter @p0 [tilespmem:s18], [sflag:s14], $0x4000, $0x200038;
	[tilespmem:$0x8100] =	vst v63  }
0x6a: {  	p1 =	por p2, p2;
	s11 =	sand.u32 @!p2 $0x1, s13;
	_ =	strace @p0 $0x90000060  }
0x6b: {  	s11 =	sadd.s32 @!p1 $0x3, s11;
	_ =	strace @!p1 $0x80000061  }
0x6c: {  	_ =	swait.ge @!p1 [sflag:s11], $0x4000  }
0x6d: {  	[sflag:s11] =	ssyncset.done @!p1 $0x0  }
0x6e: {  	s10 =	sadd.s32 $0x1, s10;
	[sflag:s11] =	ssyncadd.s32 @!p1 $0xFFFFC000  }
0x6f: {  	p0 =	sne.s32 s10, s6;
	_ =	strace @!p1 $0x90000061  }
.Ltmp1:
0x70: {  	_ =	strace $0x80000062;
	(pc) =	sbr.rel @p0 .LBB2_1-.Ltmp1, $4  }
0x71: {  	_ =	swait.ge [sflag:s9], $0x4000  }
0x72: {  	[sflag:s9] =	ssyncset.done $0x0  }
0x73: {  	[sflag:s9] =	ssyncadd.s32 $0xFFFFC000  }
0x74: {  	_ =	strace $0x90000062  }
0x75: {  	_ =	sfence.sel $0x180000  }
0x76: {  	[bflag:$0x0] =	sbarrier.arrive $0xFFFF  }
0x77: {  	p0 =	sne.s32 s2, $0x0;
	_ =	strace $0x9000005B  }
0x78: {  	s0 =	sadd.s32 @!p0 $0x100000, s0;
	[bflag:$0x2] =	sbarrier.arrive $0xFFFF  }
0x79: {  	[sflag:s0] =	ssyncadd.tile.s32 @!p0 $0x1;
	_ =	shalt  }
.Lfunc_end2:
_tile_overlayer_lowered:
.L_overlay_start_2:
0x7a: {  	(tag) =	ssettag $0x2  }
0x7b: {  	s0 =	rddreg [dreg:$0x0];
	s2 =	stileid.u32  }
0x7c: {  	s1 =	rddreg [dreg:$0x1];
	p0 =	sne.s32 s2, $0x0  }
0x7d: {  	s3 =	rddreg [dreg:$0x2];
	[bflag:$0x3] =	sbarrier.arrive $0xFFFF;
	s2 =	simm.s32 @!p0 $0x1C01  }
0x7e: {  	[timem:s3], [sflag:s2] =	dma.local @!p0 [hbm:s0], s1  }
0x7f: {  	s0 =	simm.s32 @!p0 $0x1  }
0x80: {  	_ =	swait.ge @!p0 [sflag:s0], s1  }
0x81: {  	s1 =	ssub.s32 @!p0 $0x0, s1;
	[sflag:s0] =	ssyncset.done @!p0 $0x0  }
0x82: {  	[sflag:s0] =	ssyncadd.s32 @!p0 s1  }
0x83: {  	[bflag:$0x3] =	sbarrier.arrive $0xFFFF  }
0x84: {  	_ =	shalt  }

// kernel: kernel.22.cloned.1.call-start
scs
__scs_entry_jumppad:
0x0: {  	(pc) =	sbr.rel $0x88, $3  }
0x1: {  	(tag) =	ssettag $0x0;
	lr =	simm.s32 $0x1  }
0x2: {  	[smem:$0x3F97] =	sst lr;
	_ =	strace $0xD0000000  }
0x3: {  	_ = 	snop  }
0x4: {  	_ = 	snop  }
0x5: {  	_ = 	snop  }
0x6: {  	_ = 	snop  }
0x7: {  	_ = 	snop  }
__scs_overlays_trampoline_lowered:
0x8: {  	[smem:$0x3FA6] =	sst s0  }
0x9: {  	[smem:$0x3FA7] =	sst s1  }
0xa: {  	[smem:$0x3FA8] =	sst s2  }
0xb: {  	[smem:$0x3FA9] =	sst s3  }
0xc: {  	[smem:$0x3FAA] =	sst s4  }
0xd: {  	[smem:$0x3FAB] =	sst s5  }
0xe: {  	[smem:$0x3FAC] =	sst s6  }
0xf: {  	[smem:$0x3FAD] =	sst s7  }
0x10: {  	[smem:$0x3FAE] =	sst s8  }
0x11: {  	[smem:$0x3FAF] =	sst s9;
	s0 =	simm.s32 @!p0 $0x0  }
0x12: {  	s1 =	sld [smem:$0x3F95];
	s0 =	simm.s32 @p0 $0x1  }
0x13: {  	[smem:$0x3FB0] =	sst s0;
	s0 =	simm.s32 @!p1 $0x0  }
0x14: {  	s2 =	sld [smem:$0x3F94];
	s0 =	simm.s32 @p1 $0x1  }
0x15: {  	[smem:$0x3FB1] =	sst s0;
	s0 =	simm.s32 @!p2 $0x0  }
0x16: {  	s3 =	sld [smem:$0x3FDB];
	s0 =	simm.s32 @p2 $0x1  }
0x17: {  	s4 =	simm.s32 $0x1BF5;
	[smem:$0x3FB3] =	sst s0  }
0x18: {  	s0 =	sld [smem:$0x3F96];
	_ =	swait.ge [sflag:s4], $0x0  }
0x19: {  	s7 =	sld [smem:$0x3F97]  }
0x1a: {  	s8 =	sadd.s32 $0xFFFFE003, lr  }
0x1b: {  	s9 =	sadd.s32 $0xFFFFFEF7, lr;
	s5 =	simm.s32 $0xFFFFFFFF;
	p2 =	slt.u32 s8, $0xFFFFF086  }
0x1c: {  	p1 =	slt.u32 s9, $0xF7A;
	s5 =	simm.s32 @!p2 $0x0  }
0x1d: {  	s5 =	simm.s32 @p1 $0x1;
	p0 =	seq.s32 s7, s2  }
0x1e: {  	s7 =	smul.u32 @!p0 $0xF7A, s2;
	p2 =	seq.s32 @!p0 s5, $0x0  }
0x1f: {  	s9 =	smul.u32 $0xF7A, s1;
	s8 =	simm.s32 @!p0 $0x1BF5;
	p2 =	por !p2, p0  }
0x20: {  	[sflag:s8] =	ssyncset.s32 @!p0 $0xFFFFF086;
	s6 =	sadd.s32 @!p0 s3, s7;
	s7 =	simm.s32 @!p0 $0x108  }
0x21: {  	s3 =	sadd.s32 s3, s9;
	s6 =	sadd.s32 @!p0 $0x88, s6;
	s7 =	simm.s32 @p2 $0x1082  }
0x22: {  	[simem:s7], [sflag:s8] =	dma.local @!p0 [hbm:s6], $0xF7A  }
0x23: {  	s9 =	sor.u32 $0xD0000000, s2;
	s6 =	simm.s32 $0x108;
	_ =	swait.ge @!p0 [sflag:s8], $0x0  }
0x24: {  	s3 =	sadd.s32 $0x88, s3;
	s6 =	simm.s32 @!p1 $0x1082;
	[sflag:s4] =	ssyncset.s32 $0xFFFFF086  }
0x25: {  	[simem:s6], [sflag:s4] =	dma.local [hbm:s3], $0xF7A  }
0x26: {  	[smem:$0x3F97] =	sst s1;
	(tag) =	ssettag s2;
	_ =	strace s9  }
0x27: {  	s1 =	sld [smem:$0x3FA7]  }
0x28: {  	s2 =	sld [smem:$0x3FA8]  }
0x29: {  	s4 =	sld [smem:$0x3FAA]  }
0x2a: {  	p0 =	seq.s32 s5, $0x0;
	s5 =	sld [smem:$0x3FAB]  }
0x2b: {  	s6 =	sld [smem:$0x3FAC]  }
0x2c: {  	s7 =	sld [smem:$0x3FAD]  }
0x2d: {  	s3 =	simm.s32 $0x108;
	s8 =	sld [smem:$0x3FAE]  }
0x2e: {  	s3 =	simm.s32 @!p0 $0x1082;
	s9 =	sld [smem:$0x3FAF]  }
0x2f: {  	lr =	sadd.s32 s0, s3;
	s0 =	sld [smem:$0x3FA6]  }
0x30: {  	s3 =	sld [smem:$0x3FA9]  }
0x31: {  	[smem:$0x3FB2] =	sst s10  }
0x32: {  	s10 =	sld [smem:$0x3FB0];
	_ =	sdelay $0x3  }
0x33: {  	p0 =	seq.s32 s10, $0x1;
	s10 =	sld [smem:$0x3FB2];
	_ =	sdelay $0x3  }
0x34: {  	[smem:$0x3FB2] =	sst s10  }
0x35: {  	s10 =	sld [smem:$0x3FB1];
	_ =	sdelay $0x3  }
0x36: {  	p1 =	seq.s32 s10, $0x1;
	s10 =	sld [smem:$0x3FB2];
	_ =	sdelay $0x3  }
0x37: {  	[smem:$0x3FB2] =	sst s10  }
0x38: {  	s10 =	sld [smem:$0x3FB3]  }
0x39: {  	_ = 	snop;
	(pc) =	sbr.ind lr, $3  }
0x3a: {  	_ = 	snop  }
0x3b: {  	_ = 	snop  }
0x3c: {  	p2 =	seq.s32 s10, $0x1;
	s10 =	sld [smem:$0x3FB2]  }
0x3d: {  	_ =	shalt  }
0x3e: {  	_ =	shalt  }
0x3f: {  	_ =	shalt  }
0x40: {  	_ =	shalt  }
0x41: {  	_ =	shalt  }
0x42: {  	_ =	shalt  }
0x43: {  	_ =	shalt  }
0x44: {  	_ =	shalt  }
0x45: {  	_ =	shalt  }
0x46: {  	_ =	shalt  }
0x47: {  	_ =	shalt  }
0x48: {  	_ =	shalt  }
0x49: {  	_ =	shalt  }
0x4a: {  	_ =	shalt  }
0x4b: {  	_ =	shalt  }
0x4c: {  	_ =	shalt  }
0x4d: {  	_ =	shalt  }
0x4e: {  	_ =	shalt  }
0x4f: {  	_ =	shalt  }
0x50: {  	_ =	shalt  }
0x51: {  	_ =	shalt  }
0x52: {  	_ =	shalt  }
0x53: {  	_ =	shalt  }
0x54: {  	_ =	shalt  }
0x55: {  	_ =	shalt  }
0x56: {  	_ =	shalt  }
0x57: {  	_ =	shalt  }
0x58: {  	_ =	shalt  }
0x59: {  	_ =	shalt  }
0x5a: {  	_ =	shalt  }
0x5b: {  	_ =	shalt  }
0x5c: {  	_ =	shalt  }
0x5d: {  	_ =	shalt  }
0x5e: {  	_ =	shalt  }
0x5f: {  	_ =	shalt  }
0x60: {  	_ =	shalt  }
0x61: {  	_ =	shalt  }
0x62: {  	_ =	shalt  }
0x63: {  	_ =	shalt  }
0x64: {  	_ =	shalt  }
0x65: {  	_ =	shalt  }
0x66: {  	_ =	shalt  }
0x67: {  	_ =	shalt  }
0x68: {  	_ =	shalt  }
0x69: {  	_ =	shalt  }
0x6a: {  	_ =	shalt  }
0x6b: {  	_ =	shalt  }
0x6c: {  	_ =	shalt  }
0x6d: {  	_ =	shalt  }
0x6e: {  	_ =	shalt  }
0x6f: {  	_ =	shalt  }
0x70: {  	_ =	shalt  }
0x71: {  	_ =	shalt  }
0x72: {  	_ =	shalt  }
0x73: {  	_ =	shalt  }
0x74: {  	_ =	shalt  }
0x75: {  	_ =	shalt  }
0x76: {  	_ =	shalt  }
0x77: {  	_ =	shalt  }
0x78: {  	_ =	shalt  }
0x79: {  	_ =	shalt  }
0x7a: {  	_ =	shalt  }
0x7b: {  	_ =	shalt  }
0x7c: {  	_ =	shalt  }
0x7d: {  	_ =	shalt  }
0x7e: {  	_ =	shalt  }
0x7f: {  	_ =	shalt  }
0x80: {  	_ =	shalt  }
0x81: {  	_ =	shalt  }
0x82: {  	_ =	shalt  }
0x83: {  	_ =	shalt  }
0x84: {  	_ =	shalt  }
0x85: {  	_ =	shalt  }
0x86: {  	_ =	shalt  }
0x87: {  	_ =	shalt  }
.Lfunc_end0:
.L_simem_size_0:
called_computation.3_lowered:
.L_overlay_start_0:
0x88: {  	s2 =	sld [smem:$0x3FD9]  }
0x89: {  	s3 =	sld [smem:$0x3FFE];
	_ =	sdelay $0x1  }
0x8a: {  	s1 =	srdreg.scid  }
0x8b: {  	s0 =	sand.u32 $0x1, s1  }
0x8c: {  	s15 =	sshll.u32 s0, $0xA;
	s2 =	sadd.s32 s3, s2  }
0x8d: {  	s2 =	sadd.s32 s2, s15  }
0x8e: {  	[smem:$0x3FBE] =	sst s2  }
0x8f: {  	_ = 	snop  }
0x90: {  	s2 =	sld [smem:$0x3FD0];
	_ =	sdelay $0x2  }
0x91: {  	s4 =	simm.s32 $0xD;
	s16 =	simm.s32 $0x10  }
0x92: {  	[smem:s16], [sflag:s4] =	dma.local [hbm:s2], $0x1  }
0x93: {  	_ =	swait.eq [sflag:s4], $0x1  }
0x94: {  	[sflag:s4] =	ssyncset.done $0x0  }
0x95: {  	s17 =	sld [smem:$0x10];
	[sflag:s4] =	ssyncadd.s32 $0xFFFFFFFF  }
0x96: {  	s18 =	sld [smem:$0x11];
	(tm) =	ssettm $0x1  }
0x97: {  	s19 =	sld [smem:$0x3FFB];
	_ =	sdelay $0x3  }
0x98: {  	_ =	strace s19  }
0x99: {  	s2 =	sld [smem:$0x3FFC];
	_ =	sdelay $0x3  }
0x9a: {  	_ =	strace s2  }
0x9b: {  	s2 =	sld [smem:$0x3FFD];
	_ =	sdelay $0x3  }
0x9c: {  	_ =	strace s2  }
0x9d: {  	_ =	strace $0x8FFFFFFF  }
0x9e: {  	s20 =	sld [smem:$0x3FDB];
	_ =	sdelay $0x1  }
0x9f: {  	s5 =	simm.s32 $_scs_section_size  }
0xa0: {  	s6 =	simm.s32 $_size__tile_overlayer_lowered;
	s7 =	simm.s32 $_tile_overlayer_lowered  }
0xa1: {  	s8 =	simm.s32 $0x1BFF;
	s21 =	sshll.u32 s7, $0x1;
	s5 =	sadd.s32 s5, s20  }
0xa2: {  	s22 =	simm.s32 $0x0;
	s6 =	sshll.u32 s6, $0x1;
	s7 =	sadd.s32 s21, s5  }
0xa3: {  	[timem:s22], [sflag:s8] =	dma.local [hbm:s7], s6  }
0xa4: {  	_ =	swait.ge [sflag:s8], s6  }
0xa5: {  	s6 =	ssub.s32 $0x0, s6;
	[sflag:s8] =	ssyncset.done $0x0  }
0xa6: {  	[sflag:s8] =	ssyncadd.s32 s6;
	_ =	sdelay $0x1  }
0xa7: {  	s23 =	simm.s32 $0x1B8B  }
0xa8: {  	_ =	swait.ge [sflag:s23], $0x1  }
0xa9: {  	[sflag:s23] =	ssyncset.done $0x0  }
0xaa: {  	[sflag:s23] =	ssyncadd.s32 $0xFFFFFFFF  }
0xab: {  	s6 =	sld [smem:$0x0]  }
0xac: {  	s7 =	sand.u32 $0xFFFFFFFE, s1  }
0xad: {  	p0 =	sne.s32 s1, s7  }
0xae: {  	s7 =	sshll.u32 @p0 s7, $0xE  }
0xaf: {  	s7 =	sadd.s32 @p0 $0x11B8D, s7;
	s8 =	sshll.u32 @p0 s6, $0x11  }
0xb0: {  	s7 =	sor.u32 @p0 s8, s7  }
0xb1: {  	[sflag:s7] =	ssyncadd.remote.s32 @p0 $0x1;
	_ =	sdelay $0x1  }
0xb2: {  	s7 =	simm.s32 @p0 $0x1B8D  }
0xb3: {  	_ =	swait.eq @p0 [sflag:s7], $0x1  }
0xb4: {  	[sflag:s7] =	ssyncadd.s32 @p0 $0xFFFFFFFF  }
0xb5: {  	s8 =	sshll.u32 @!p0 s1, $0xE  }
0xb6: {  	s8 =	sor.u32 @!p0 $0x4000, s8;
	s7 =	simm.s32 @!p0 $0x1B8D  }
0xb7: {  	s6 =	sshll.u32 @!p0 s6, $0x11;
	s8 =	sadd.s32 @!p0 $0x11B8D, s8;
	_ =	swait.eq @!p0 [sflag:s7], $0x1  }
0xb8: {  	s6 =	sor.u32 @!p0 s6, s8;
	[sflag:s7] =	ssyncadd.s32 @!p0 $0xFFFFFFFF  }
0xb9: {  	s25 =	simm.s32 $0x1B8E;
	s24 =	sld [smem:$0x3FFE];
	[sflag:s6] =	ssyncadd.remote.s32 @!p0 $0x1  }
0xba: {  	s26 =	simm.s32 $execute0_lowered;
	[smem:$0x3FD2] =	sst s25  }
0xbb: {  	s7 =	sshll.u32 s26, $0x1;
	_ =	strace $0x80000064;
	[dreg:$0x1] =	wrdreg $0xFFFFFFFF  }
0xbc: {  	s28 =	simm.s32 $_size_execute0_lowered;
	s5 =	sadd.s32 s5, s7;
	[dreg:$0x0] =	wrdreg $0x0  }
0xbd: {  	s7 =	sshll.u32 s28, $0x1;
	[dreg:$0x2] =	wrdreg s5  }
0xbe: {  	[dreg:$0x3] =	wrdreg s7  }
0xbf: {  	[dreg:$0x4] =	wrdreg $0xC0  }
0xc0: {  	_ =	task [dreg:s22], $0x5FFFF  }
0xc1: {  	[dreg:$0x1] =	wrdreg $0xFFFFFFFF  }
0xc2: {  	[dreg:$0x0] =	wrdreg $0x60  }
0xc3: {  	[dreg:$0x2] =	wrdreg s24  }
0xc4: {  	[dreg:$0x3] =	wrdreg s18  }
0xc5: {  	[dreg:$0x4] =	wrdreg s17  }
0xc6: {  	[dreg:$0x5] =	wrdreg $0xC  }
0xc7: {  	_ =	task.clear_ibuf [dreg:s22], $0x6FFFF;
	_ =	strace $0x90000064  }
0xc8: {  	s29 =	simm.s32 $0xC;
	_ =	strace $0x8000006D  }
0xc9: {  	_ =	swait.ge [sflag:s29], $0x1  }
0xca: {  	[sflag:s29] =	ssyncadd.s32 $0xFFFFFFFF  }
0xcb: {  	_ =	strace $0x9000006D  }
0xcc: {  	_ =	sfence  }
0xcd: {  	s30 =	sld [smem:$0x0];
	_ =	sdelay $0x2  }
0xce: {  	s31 =	sshll.u32 s1, $0xD;
	s1 =	sshrl.u32 s1, $0x2  }
0xcf: {  	s4 =	sand.u32 $0x4000, s31;
	s1 =	sadd.s32 s1, s30  }
0xd0: {  	s0 =	sor.u32 s4, s0;
	s1 =	sshll.u32 s1, $0x11  }
0xd1: {  	s0 =	sor.u32 s1, s0  }
0xd2: {  	s0 =	sadd.s32 $0x8F2B, s0  }
0xd3: {  	[sflag:s0] =	ssyncadd.remote.s32 $0x1  }
0xd4: {  	_ =	sfence.sel $0xFFFF  }
0xd5: {  	[dreg:$0x0] =	wrdreg $0xFFFFFFFF;
	(pc) =	sbr.abs _section_cstart, $3  }
0xd6: {  	[dreg:$0x1] =	wrdreg $0xFFFFFFFF  }
0xd7: {  	_ =	task.clear_ibuf [dreg:s22], $0x2FFFF;
	_ =	strace $0x9FFFFFFF  }
0xd8: {  	(tm) =	ssettm $0x7FFFFFFF  }
0xd9: {  	_ =	shalt  }
tec
execute0_lowered:
.L_overlay_start_1:
0x0: {  	(tag) =	ssettag $0x1  }
0x1: {  	s3 =	rddreg [dreg:$0x0]  }
0x2: {  	s4 =	rddreg [dreg:$0x1]  }
0x3: {  	s0 =	rddreg [dreg:$0x2];
	s1 =	srdreg.scid;
	s2 =	simm.s32 $0x0  }
0x4: {  	s31 =	simm.s32 $0x80;
	s9 =	simm.s32 $0x4;
	[dreg:$0x6] =	wrdreg s0  }
0x5: {  	s10 =	simm.s32 $0x0;
	s0 =	rddreg [dreg:$0x3];
	s5 =	sand.u32 $0x1, s1  }
0x6: {  	[smem:$0x7FF] =	sst s2;
	s1 =	stileid.u32;
	s3 =	sadd.s32 $0xDC00, s3  }
0x7: {  	s6 =	sshll.u32 s5, $0x4;
	_ =	strace $0x80000065;
	s5 =	ssub.s32 $0x2, s5  }
0x8: {  	[dreg:$0x4] =	wrdreg s3;
	s6 =	sor.u32 s1, s6;
	s7 =	sshrl.u32 s5, $0x1  }
0x9: {  	s3 =	sadd.s32 $0x30, s4;
	s8 =	smul.u32 $0xA00, s6;
	s7 =	ssub.s32 s5, s7  }
0xa: {  	[dreg:$0x5] =	wrdreg s31;
	s4 =	smul.u32 $0x28, s6;
	s6 =	smax.u32 s7, $0x1  }
0xb: {  	s7 =	simm.s32 $0x1;
	s5 =	sadd.s32 s8, s3;
	s8 =	simm.s32 $0x5  }
.LBB2_1:
0xc: {  	_ =	strace $0x80000066;
	s11 =	simm.s32 $0x1;
	p0 =	por $0x0, $0x0  }
0xd: {  	[tilespmem:s2], [sflag:$0x1] =	stream.linear.gather [hbm4b:s5+s2], $0x80, $0x200038;
	[tilespmem:$0x8100] =	vst v63  }
0xe: {  	s11 =	simm.s32 @p0 $0x0  }
0xf: {  	p4 =	por $0x1, $0x1;
	s20 =	sand.u32 $0x1, s2;
	p1 =	sne.s32 s11, $0x0  }
0x10: {  	p2 =	por $0x1, $0x1;
	s18 =	simm.s32 $0x26;
	p0 =	por !p4, !p1  }
0x11: {  	s16 =	simm.s32 $0x0;
	p5 =	por $0x0, $0x0;
	p0 =	por !p0, !p0  }
0x12: {  	s23 =	sadd.s32 $0x0, s4;
	s30 =	sadd.s32 $0x1, s20;
	s12 =	sadd.s32 @p0 s4, s11  }
0x13: {  	_ =	strace $0x90000066;
	s13 =	sand.u32 @p0 $0x1, s7;
	s12 =	sshll.u32 @p0 s12, $0x6  }
0x14: {  	_ =	strace @p0 $0x80000067;
	s15 =	simm.s32 @p0 $0x0;
	s12 =	sand.u32 @p0 $0x1FFFFFC0, s12  }
0x15: {  	s14 =	sshll.u32 @p0 s13, $0x7;
	s13 =	sadd.s32 @p0 $0x1, s13;
	s12 =	sadd.s32 @p0 s12, s3  }
0x16: {  	[tilespmem:s14], [sflag:s13] =	stream.linear.gather @p0 [hbm4b:s12+s15], $0x80, $0x200038;
	[tilespmem:$0x8100] =	vst v63  }
0x17: {  	p3 =	por p2, p2;
	s21 =	sshll.u32 s20, $0xE;
	_ =	strace @p0 $0x90000067  }
0x18: {  	s16 =	sand.u32 $0x80, s16;
	p2 =	por p5, p5;
	_ =	strace $0x80000068  }
0x19: {  	s17 =	sadd.s32 $0x1, s11;
	s22 =	sor.u32 $0x100, s21;
	_ =	swait.ge [sflag:s30], $0x80  }
0x1a: {  	s21 =	simm.s32 $0x1;
	p6 =	por p1, p1;
	[sflag:s30] =	ssyncset.done $0x0  }
0x1b: {  	p1 =	por p3, p3;
	p4 =	por $0x1, $0x1;
	[sflag:s30] =	ssyncadd.s32 $0xFFFFFF80  }
0x1c: {  	s12 =	simm.s32 $0x27;
	s15 =	sand.u32 @!p3 $0x1, s2;
	_ =	strace $0x90000068  }
0x1d: {  	s13 =	simm.s32 $0x1;
	p3 =	seq.s32 s17, $0x28;
	_ =	strace $0x80000069  }
0x1e: {  	s13 =	simm.s32 @!p0 $0x0;
	s17 =	simm.s32 @p3 $0x0;
	s19 =	rddreg [dreg:$0x5]  }
0x1f: {  	p0 =	por $0x0, $0x0;
	s14 =	sadd.s32 $0x1, s13;
	s31 =	rddreg [dreg:$0x4]  }
0x20: {  	[tilespmem:s22], [sflag:$0x5] =	stream.indirect.gather [hbm4b:s31+s19], $0x80, s16, s19, $0x2000b8;
	[tilespmem:$0x8100] =	vst v63  }
0x21: {  	p3 =	sne.s32 s11, s17;
	s21 =	simm.s32 @!p0 $0x0;
	_ =	swait.ge [sflag:s8], $0x4000  }
0x22: {  	p5 =	por !p4, !p3;
	p4 =	por $0x0, $0x0;
	[sflag:s8] =	ssyncset.done $0x0  }
0x23: {  	s13 =	simm.s32 $0x0;
	p6 =	por p4, p6;
	[sflag:s8] =	ssyncadd.s32 $0xFFFFC000  }
0x24: {  	s16 =	simm.s32 $0x0;
	s19 =	simm.s32 $0x0;
	_ =	strace $0x90000069  }
.LBB2_2:
0x25: {  	_ =	strace @p6 $0x8000006A;
	s13 =	sadd.s32 s21, s13;
	s21 =	smov.u32 s12  }
0x26: {  	s12 =	smov.u32 s18;
	s18 =	sadd.s32 $0xFFFFFFFF, s18;
	p0 =	por p3, p3  }
0x27: {  	s28 =	sshll.u32 @p6 s23, $0xB;
	s20 =	sadd.s32 @p6 $0x3, s20;
	s24 =	simm.s32 @!p0 $0x0  }
0x28: {  	s25 =	rddreg [dreg:$0x6];
	s28 =	sand.u32 @p6 $0x1FFFF800, s28;
	s24 =	simm.s32 @p0 $0x1  }
0x29: {  	s25 =	sadd.s32 @p6 s25, s28;
	s28 =	simm.s32 @p6 $0x0;
	p0 =	sne.s32 s18, $0x0  }
0x2a: {  	[hbm4b:s25+s28] =	stream.linear.scatter @p6 [tilespmem:s22], [sflag:s20], $0x4000, $0x200038;
	[tilespmem:$0x8100] =	vst v63  }
0x2b: {  	s20 =	sadd.s32 @!p1 $0x3, s15;
	s15 =	simm.s32 @!p0 $0x0  }
0x2c: {  	s26 =	simm.s32 $0x1;
	[smem:$0x7FC] =	sst s24;
	s15 =	simm.s32 @p0 $0x1  }
0x2d: {  	s26 =	simm.s32 @!p6 $0x0;
	_ =	strace @p6 $0x9000006A;
	[smem:$0x7FD] =	sst s15  }
0x2e: {  	p5 =	por !p5, !p5;
	s19 =	sadd.s32 s26, s19;
	_ =	strace @!p1 $0x8000006B  }
0x2f: {  	s24 =	sand.u32 @!p2 $0x1, s13;
	s22 =	sand.u32 @p5 $0x1, s14;
	_ =	swait.ge @!p1 [sflag:s20], $0x4000  }
0x30: {  	s15 =	smov.u32 s24;
	s24 =	sadd.s32 @p5 s4, s17;
	[sflag:s20] =	ssyncset.done @!p1 $0x0  }
0x31: {  	s25 =	sshll.u32 @p5 s22, $0x7;
	s24 =	sshll.u32 @p5 s24, $0x6;
	[sflag:s20] =	ssyncadd.s32 @!p1 $0xFFFFC000  }
0x32: {  	s20 =	sadd.s32 @p5 $0x1, s22;
	s22 =	sand.u32 @p5 $0x1FFFFFC0, s24;
	_ =	strace @!p1 $0x9000006B  }
0x33: {  	s24 =	simm.s32 @p5 $0x0;
	s22 =	sadd.s32 @p5 s22, s3;
	_ =	strace @p5 $0x80000067  }
0x34: {  	[tilespmem:s25], [sflag:s20] =	stream.linear.gather @p5 [hbm4b:s22+s24], $0x80, $0x200038;
	[tilespmem:$0x8100] =	vst v63  }
0x35: {  	s16 =	sadd.s32 s26, s16;
	s26 =	sand.u32 $0x1, s19;
	_ =	strace @p5 $0x90000067  }
0x36: {  	s24 =	sadd.s32 $0x1, s26;
	_ =	strace $0x80000068  }
0x37: {  	_ =	swait.ge [sflag:s24], $0x80  }
0x38: {  	[sflag:s24] =	ssyncset.done $0x0  }
0x39: {  	s20 =	simm.s32 $0x1;
	[sflag:s24] =	ssyncadd.s32 $0xFFFFFF80  }
0x3a: {  	s20 =	simm.s32 @!p5 $0x0;
	_ =	strace $0x90000068  }
0x3b: {  	s14 =	sadd.s32 s20, s14;
	s20 =	sand.u32 $0x1, s16;
	_ =	strace $0x80000069  }
0x3c: {  	s29 =	sshll.u32 s19, $0x7;
	s25 =	sshll.u32 s20, $0xE;
	s26 =	rddreg [dreg:$0x5]  }
0x3d: {  	s29 =	sand.u32 $0x80, s29;
	s22 =	sor.u32 $0x100, s25;
	s30 =	rddreg [dreg:$0x4]  }
0x3e: {  	[tilespmem:s22], [sflag:$0x5] =	stream.indirect.gather [hbm4b:s30+s26], $0x80, s29, s26, $0x2000b8;
	[tilespmem:$0x8100] =	vst v63  }
0x3f: {  	_ =	swait.ge [sflag:s8], $0x4000  }
0x40: {  	s31 =	sadd.s32 $0x1, s17;
	[sflag:s8] =	ssyncset.done $0x0  }
0x41: {  	s23 =	sadd.s32 s4, s11;
	s11 =	smov.u32 s17;
	[sflag:s8] =	ssyncadd.s32 $0xFFFFC000  }
0x42: {  	p3 =	seq.s32 s31, $0x28;
	s17 =	smov.u32 s31;
	_ =	strace $0x90000069  }
0x43: {  	s17 =	simm.s32 @p3 $0x0;
	s31 =	sld [smem:$0x7FD]  }
0x44: {  	p6 =	sne.s32 s12, $0x1;
	p0 =	sne.s32 s21, $0x28;
	p3 =	sne.s32 s11, s17  }
0x45: {  	p5 =	por !p6, !p3;
	p6 =	seq.s32 s21, $0x1;
	s21 =	simm.s32 $0x1  }
0x46: {  	s21 =	simm.s32 @!p0 $0x0;
	p0 =	seq.s32 s31, $0x1  }
.Ltmp0:
0x47: {  	s30 =	sld [smem:$0x7FC];
	(pc) =	sbr.rel @p0 .LBB2_2-.Ltmp0, $4  }
0x48: {  	_ = 	snop  }
0x49: {  	p4 =	seq.s32 s12, $0x28  }
0x4a: {  	p1 =	por p2, p2;
	p2 =	por p4, p4;
	p4 =	seq.s32 s30, $0x1  }
0x4b: {  	p6 =	por p6, p4  }
0x4c: {  	_ =	strace @p6 $0x8000006A;
	s23 =	sshll.u32 @p6 s23, $0xB  }
0x4d: {  	s18 =	rddreg [dreg:$0x6];
	s23 =	sand.u32 @p6 $0x1FFFF800, s23  }
0x4e: {  	s20 =	sadd.s32 @p6 $0x3, s20;
	s18 =	sadd.s32 @p6 s18, s23;
	s23 =	simm.s32 @p6 $0x0  }
0x4f: {  	[hbm4b:s18+s23] =	stream.linear.scatter @p6 [tilespmem:s22], [sflag:s20], $0x4000, $0x200038;
	[tilespmem:$0x8100] =	vst v63  }
0x50: {  	p0 =	por !p5, !p5;
	_ =	strace @p6 $0x9000006A  }
0x51: {  	s15 =	sadd.s32 @!p1 $0x3, s15;
	s17 =	sadd.s32 @p0 s4, s17;
	_ =	strace @!p1 $0x8000006B  }
0x52: {  	s14 =	sand.u32 @p0 $0x1, s14;
	s17 =	sshll.u32 @p0 s17, $0x6;
	_ =	swait.ge @!p1 [sflag:s15], $0x4000  }
0x53: {  	s18 =	simm.s32 $0x1;
	s20 =	sshll.u32 @p0 s14, $0x7;
	[sflag:s15] =	ssyncset.done @!p1 $0x0  }
0x54: {  	s14 =	sadd.s32 @p0 $0x1, s14;
	s18 =	simm.s32 @!p6 $0x0;
	[sflag:s15] =	ssyncadd.s32 @!p1 $0xFFFFC000  }
0x55: {  	s19 =	sadd.s32 s18, s19;
	s15 =	sand.u32 @p0 $0x1FFFFFC0, s17;
	_ =	strace @!p1 $0x9000006B  }
0x56: {  	s17 =	simm.s32 @p0 $0x0;
	s15 =	sadd.s32 @p0 s15, s3;
	_ =	strace @p0 $0x80000067  }
0x57: {  	[tilespmem:s20], [sflag:s14] =	stream.linear.gather @p0 [hbm4b:s15+s17], $0x80, $0x200038;
	[tilespmem:$0x8100] =	vst v63  }
0x58: {  	s25 =	sand.u32 $0x1, s19;
	_ =	strace @p0 $0x90000067  }
0x59: {  	s14 =	sadd.s32 $0x1, s25;
	_ =	strace $0x80000068  }
0x5a: {  	_ =	swait.ge [sflag:s14], $0x80  }
0x5b: {  	[sflag:s14] =	ssyncset.done $0x0  }
0x5c: {  	[sflag:s14] =	ssyncadd.s32 $0xFFFFFF80  }
0x5d: {  	s26 =	sadd.s32 s18, s16;
	_ =	strace $0x90000068  }
0x5e: {  	s14 =	sand.u32 $0x1, s26;
	_ =	strace $0x80000069  }
0x5f: {  	s30 =	sshll.u32 s19, $0x7;
	s31 =	sshll.u32 s14, $0xE;
	s28 =	rddreg [dreg:$0x5]  }
0x60: {  	s17 =	sand.u32 $0x80, s30;
	s18 =	sor.u32 $0x100, s31;
	s29 =	rddreg [dreg:$0x4]  }
0x61: {  	[tilespmem:s18], [sflag:$0x5] =	stream.indirect.gather [hbm4b:s29+s28], $0x80, s17, s28, $0x2000b8;
	[tilespmem:$0x8100] =	vst v63  }
0x62: {  	_ =	swait.ge [sflag:s8], $0x4000  }
0x63: {  	[sflag:s8] =	ssyncset.done $0x0  }
0x64: {  	p5 =	por p3, p3;
	p6 =	seq.s32 s12, $0x1;
	[sflag:s8] =	ssyncadd.s32 $0xFFFFC000  }
0x65: {  	s11 =	sadd.s32 s4, s11;
	p0 =	por p6, p5;
	_ =	strace $0x90000069  }
0x66: {  	s11 =	sshll.u32 @p0 s11, $0xB;
	_ =	strace @p0 $0x8000006A  }
0x67: {  	s13 =	sadd.s32 s21, s13;
	s11 =	sand.u32 @p0 $0x1FFFF800, s11;
	s12 =	rddreg [dreg:$0x6]  }
0x68: {  	s14 =	sadd.s32 @p0 $0x3, s14;
	s11 =	sadd.s32 @p0 s12, s11;
	s12 =	simm.s32 @p0 $0x0  }
0x69: {  	[hbm4b:s11+s12] =	stream.linear.scatter @p0 [tilespmem:s18], [sflag:s14], $0x4000, $0x200038;
	[tilespmem:$0x8100] =	vst v63  }
0x6a: {  	p1 =	por p2, p2;
	s11 =	sand.u32 @!p2 $0x1, s13;
	_ =	strace @p0 $0x9000006A  }
0x6b: {  	s11 =	sadd.s32 @!p1 $0x3, s11;
	_ =	strace @!p1 $0x8000006B  }
0x6c: {  	_ =	swait.ge @!p1 [sflag:s11], $0x4000  }
0x6d: {  	[sflag:s11] =	ssyncset.done @!p1 $0x0  }
0x6e: {  	s10 =	sadd.s32 $0x1, s10;
	[sflag:s11] =	ssyncadd.s32 @!p1 $0xFFFFC000  }
0x6f: {  	p0 =	sne.s32 s10, s6;
	_ =	strace @!p1 $0x9000006B  }
.Ltmp1:
0x70: {  	_ =	strace $0x8000006C;
	(pc) =	sbr.rel @p0 .LBB2_1-.Ltmp1, $4  }
0x71: {  	_ =	swait.ge [sflag:s9], $0x4000  }
0x72: {  	[sflag:s9] =	ssyncset.done $0x0  }
0x73: {  	[sflag:s9] =	ssyncadd.s32 $0xFFFFC000  }
0x74: {  	_ =	strace $0x9000006C  }
0x75: {  	_ =	sfence.sel $0x180000  }
0x76: {  	[bflag:$0x0] =	sbarrier.arrive $0xFFFF  }
0x77: {  	p0 =	sne.s32 s1, $0x0;
	_ =	strace $0x90000065  }
0x78: {  	s0 =	sadd.s32 @!p0 $0x100000, s0;
	[bflag:$0x2] =	sbarrier.arrive $0xFFFF  }
0x79: {  	[sflag:s0] =	ssyncadd.tile.s32 @!p0 $0x1;
	_ =	shalt  }
.Lfunc_end2:
_tile_overlayer_lowered:
.L_overlay_start_2:
0x7a: {  	(tag) =	ssettag $0x2  }
0x7b: {  	s0 =	rddreg [dreg:$0x0];
	s2 =	stileid.u32  }
0x7c: {  	s1 =	rddreg [dreg:$0x1];
	p0 =	sne.s32 s2, $0x0  }
0x7d: {  	s3 =	rddreg [dreg:$0x2];
	[bflag:$0x3] =	sbarrier.arrive $0xFFFF;
	s2 =	simm.s32 @!p0 $0x1C01  }
0x7e: {  	[timem:s3], [sflag:s2] =	dma.local @!p0 [hbm:s0], s1  }
0x7f: {  	s0 =	simm.s32 @!p0 $0x1  }
0x80: {  	_ =	swait.ge @!p0 [sflag:s0], s1  }
0x81: {  	s1 =	ssub.s32 @!p0 $0x0, s1;
	[sflag:s0] =	ssyncset.done @!p0 $0x0  }
0x82: {  	[sflag:s0] =	ssyncadd.s32 @!p0 s1  }
0x83: {  	[bflag:$0x3] =	sbarrier.arrive $0xFFFF  }
0x84: {  	_ =	shalt  }

// kernel: kernel.25.cloned.1.call-start
scs
__scs_entry_jumppad:
0x0: {  	(pc) =	sbr.rel $0x88, $3  }
0x1: {  	(tag) =	ssettag $0x0;
	lr =	simm.s32 $0x1  }
0x2: {  	[smem:$0x3F97] =	sst lr;
	_ =	strace $0xD0000000  }
0x3: {  	_ = 	snop  }
0x4: {  	_ = 	snop  }
0x5: {  	_ = 	snop  }
0x6: {  	_ = 	snop  }
0x7: {  	_ = 	snop  }
__scs_overlays_trampoline_lowered:
0x8: {  	[smem:$0x3FA6] =	sst s0  }
0x9: {  	[smem:$0x3FA7] =	sst s1  }
0xa: {  	[smem:$0x3FA8] =	sst s2  }
0xb: {  	[smem:$0x3FA9] =	sst s3  }
0xc: {  	[smem:$0x3FAA] =	sst s4  }
0xd: {  	[smem:$0x3FAB] =	sst s5  }
0xe: {  	[smem:$0x3FAC] =	sst s6  }
0xf: {  	[smem:$0x3FAD] =	sst s7  }
0x10: {  	[smem:$0x3FAE] =	sst s8  }
0x11: {  	[smem:$0x3FAF] =	sst s9;
	s0 =	simm.s32 @!p0 $0x0  }
0x12: {  	s1 =	sld [smem:$0x3F95];
	s0 =	simm.s32 @p0 $0x1  }
0x13: {  	[smem:$0x3FB0] =	sst s0;
	s0 =	simm.s32 @!p1 $0x0  }
0x14: {  	s2 =	sld [smem:$0x3F94];
	s0 =	simm.s32 @p1 $0x1  }
0x15: {  	[smem:$0x3FB1] =	sst s0;
	s0 =	simm.s32 @!p2 $0x0  }
0x16: {  	s3 =	sld [smem:$0x3FDB];
	s0 =	simm.s32 @p2 $0x1  }
0x17: {  	s4 =	simm.s32 $0x1BF5;
	[smem:$0x3FB3] =	sst s0  }
0x18: {  	s0 =	sld [smem:$0x3F96];
	_ =	swait.ge [sflag:s4], $0x0  }
0x19: {  	s7 =	sld [smem:$0x3F97]  }
0x1a: {  	s8 =	sadd.s32 $0xFFFFE003, lr  }
0x1b: {  	s9 =	sadd.s32 $0xFFFFFEF7, lr;
	s5 =	simm.s32 $0xFFFFFFFF;
	p2 =	slt.u32 s8, $0xFFFFF086  }
0x1c: {  	p1 =	slt.u32 s9, $0xF7A;
	s5 =	simm.s32 @!p2 $0x0  }
0x1d: {  	s5 =	simm.s32 @p1 $0x1;
	p0 =	seq.s32 s7, s2  }
0x1e: {  	s7 =	smul.u32 @!p0 $0xF7A, s2;
	p2 =	seq.s32 @!p0 s5, $0x0  }
0x1f: {  	s9 =	smul.u32 $0xF7A, s1;
	s8 =	simm.s32 @!p0 $0x1BF5;
	p2 =	por !p2, p0  }
0x20: {  	[sflag:s8] =	ssyncset.s32 @!p0 $0xFFFFF086;
	s6 =	sadd.s32 @!p0 s3, s7;
	s7 =	simm.s32 @!p0 $0x108  }
0x21: {  	s3 =	sadd.s32 s3, s9;
	s6 =	sadd.s32 @!p0 $0x88, s6;
	s7 =	simm.s32 @p2 $0x1082  }
0x22: {  	[simem:s7], [sflag:s8] =	dma.local @!p0 [hbm:s6], $0xF7A  }
0x23: {  	s9 =	sor.u32 $0xD0000000, s2;
	s6 =	simm.s32 $0x108;
	_ =	swait.ge @!p0 [sflag:s8], $0x0  }
0x24: {  	s3 =	sadd.s32 $0x88, s3;
	s6 =	simm.s32 @!p1 $0x1082;
	[sflag:s4] =	ssyncset.s32 $0xFFFFF086  }
0x25: {  	[simem:s6], [sflag:s4] =	dma.local [hbm:s3], $0xF7A  }
0x26: {  	[smem:$0x3F97] =	sst s1;
	(tag) =	ssettag s2;
	_ =	strace s9  }
0x27: {  	s1 =	sld [smem:$0x3FA7]  }
0x28: {  	s2 =	sld [smem:$0x3FA8]  }
0x29: {  	s4 =	sld [smem:$0x3FAA]  }
0x2a: {  	p0 =	seq.s32 s5, $0x0;
	s5 =	sld [smem:$0x3FAB]  }
0x2b: {  	s6 =	sld [smem:$0x3FAC]  }
0x2c: {  	s7 =	sld [smem:$0x3FAD]  }
0x2d: {  	s3 =	simm.s32 $0x108;
	s8 =	sld [smem:$0x3FAE]  }
0x2e: {  	s3 =	simm.s32 @!p0 $0x1082;
	s9 =	sld [smem:$0x3FAF]  }
0x2f: {  	lr =	sadd.s32 s0, s3;
	s0 =	sld [smem:$0x3FA6]  }
0x30: {  	s3 =	sld [smem:$0x3FA9]  }
0x31: {  	[smem:$0x3FB2] =	sst s10  }
0x32: {  	s10 =	sld [smem:$0x3FB0];
	_ =	sdelay $0x3  }
0x33: {  	p0 =	seq.s32 s10, $0x1;
	s10 =	sld [smem:$0x3FB2];
	_ =	sdelay $0x3  }
0x34: {  	[smem:$0x3FB2] =	sst s10  }
0x35: {  	s10 =	sld [smem:$0x3FB1];
	_ =	sdelay $0x3  }
0x36: {  	p1 =	seq.s32 s10, $0x1;
	s10 =	sld [smem:$0x3FB2];
	_ =	sdelay $0x3  }
0x37: {  	[smem:$0x3FB2] =	sst s10  }
0x38: {  	s10 =	sld [smem:$0x3FB3]  }
0x39: {  	_ = 	snop;
	(pc) =	sbr.ind lr, $3  }
0x3a: {  	_ = 	snop  }
0x3b: {  	_ = 	snop  }
0x3c: {  	p2 =	seq.s32 s10, $0x1;
	s10 =	sld [smem:$0x3FB2]  }
0x3d: {  	_ =	shalt  }
0x3e: {  	_ =	shalt  }
0x3f: {  	_ =	shalt  }
0x40: {  	_ =	shalt  }
0x41: {  	_ =	shalt  }
0x42: {  	_ =	shalt  }
0x43: {  	_ =	shalt  }
0x44: {  	_ =	shalt  }
0x45: {  	_ =	shalt  }
0x46: {  	_ =	shalt  }
0x47: {  	_ =	shalt  }
0x48: {  	_ =	shalt  }
0x49: {  	_ =	shalt  }
0x4a: {  	_ =	shalt  }
0x4b: {  	_ =	shalt  }
0x4c: {  	_ =	shalt  }
0x4d: {  	_ =	shalt  }
0x4e: {  	_ =	shalt  }
0x4f: {  	_ =	shalt  }
0x50: {  	_ =	shalt  }
0x51: {  	_ =	shalt  }
0x52: {  	_ =	shalt  }
0x53: {  	_ =	shalt  }
0x54: {  	_ =	shalt  }
0x55: {  	_ =	shalt  }
0x56: {  	_ =	shalt  }
0x57: {  	_ =	shalt  }
0x58: {  	_ =	shalt  }
0x59: {  	_ =	shalt  }
0x5a: {  	_ =	shalt  }
0x5b: {  	_ =	shalt  }
0x5c: {  	_ =	shalt  }
0x5d: {  	_ =	shalt  }
0x5e: {  	_ =	shalt  }
0x5f: {  	_ =	shalt  }
0x60: {  	_ =	shalt  }
0x61: {  	_ =	shalt  }
0x62: {  	_ =	shalt  }
0x63: {  	_ =	shalt  }
0x64: {  	_ =	shalt  }
0x65: {  	_ =	shalt  }
0x66: {  	_ =	shalt  }
0x67: {  	_ =	shalt  }
0x68: {  	_ =	shalt  }
0x69: {  	_ =	shalt  }
0x6a: {  	_ =	shalt  }
0x6b: {  	_ =	shalt  }
0x6c: {  	_ =	shalt  }
0x6d: {  	_ =	shalt  }
0x6e: {  	_ =	shalt  }
0x6f: {  	_ =	shalt  }
0x70: {  	_ =	shalt  }
0x71: {  	_ =	shalt  }
0x72: {  	_ =	shalt  }
0x73: {  	_ =	shalt  }
0x74: {  	_ =	shalt  }
0x75: {  	_ =	shalt  }
0x76: {  	_ =	shalt  }
0x77: {  	_ =	shalt  }
0x78: {  	_ =	shalt  }
0x79: {  	_ =	shalt  }
0x7a: {  	_ =	shalt  }
0x7b: {  	_ =	shalt  }
0x7c: {  	_ =	shalt  }
0x7d: {  	_ =	shalt  }
0x7e: {  	_ =	shalt  }
0x7f: {  	_ =	shalt  }
0x80: {  	_ =	shalt  }
0x81: {  	_ =	shalt  }
0x82: {  	_ =	shalt  }
0x83: {  	_ =	shalt  }
0x84: {  	_ =	shalt  }
0x85: {  	_ =	shalt  }
0x86: {  	_ =	shalt  }
0x87: {  	_ =	shalt  }
.Lfunc_end0:
.L_simem_size_0:
called_computation.4_lowered:
.L_overlay_start_0:
0x88: {  	s2 =	sld [smem:$0x3FD9]  }
0x89: {  	s3 =	sld [smem:$0x3FFE];
	_ =	sdelay $0x1  }
0x8a: {  	s1 =	srdreg.scid  }
0x8b: {  	s0 =	sand.u32 $0x1, s1  }
0x8c: {  	s16 =	sshll.u32 s0, $0xA;
	s2 =	sadd.s32 s3, s2  }
0x8d: {  	s2 =	sadd.s32 s2, s16  }
0x8e: {  	[smem:$0x3FBE] =	sst s2  }
0x8f: {  	_ = 	snop  }
0x90: {  	(tm) =	ssettm $0x1  }
0x91: {  	s17 =	sld [smem:$0x3FFB];
	_ =	sdelay $0x3  }
0x92: {  	_ =	strace s17  }
0x93: {  	s2 =	sld [smem:$0x3FFC];
	_ =	sdelay $0x3  }
0x94: {  	_ =	strace s2  }
0x95: {  	s2 =	sld [smem:$0x3FFD];
	_ =	sdelay $0x3  }
0x96: {  	_ =	strace s2  }
0x97: {  	_ =	strace $0x8FFFFFFF  }
0x98: {  	s18 =	sld [smem:$0x3FDB];
	_ =	sdelay $0x1  }
0x99: {  	s19 =	simm.s32 $_scs_section_size  }
0x9a: {  	s4 =	simm.s32 $_size__tile_overlayer_lowered;
	s5 =	simm.s32 $_tile_overlayer_lowered  }
0x9b: {  	s22 =	simm.s32 $0x1BFF;
	s21 =	sshll.u32 s5, $0x1;
	s2 =	sadd.s32 s19, s18  }
0x9c: {  	s6 =	simm.s32 $0x0;
	s20 =	sshll.u32 s4, $0x1;
	s4 =	sadd.s32 s21, s2  }
0x9d: {  	[timem:s6], [sflag:s22] =	dma.local [hbm:s4], s20  }
0x9e: {  	_ =	swait.ge [sflag:s22], s20  }
0x9f: {  	s3 =	ssub.s32 $0x0, s20;
	[sflag:s22] =	ssyncset.done $0x0  }
0xa0: {  	[sflag:s22] =	ssyncadd.s32 s3;
	_ =	sdelay $0x1  }
0xa1: {  	s23 =	simm.s32 $0x1B8B  }
0xa2: {  	_ =	swait.ge [sflag:s23], $0x1  }
0xa3: {  	[sflag:s23] =	ssyncset.done $0x0  }
0xa4: {  	s25 =	simm.s32 $0x1B8E;
	s24 =	sld [smem:$0x3FFE];
	[sflag:s23] =	ssyncadd.s32 $0xFFFFFFFF  }
0xa5: {  	s26 =	simm.s32 $execute0_lowered;
	[smem:$0x3FD2] =	sst s25  }
0xa6: {  	s4 =	sshll.u32 s26, $0x1;
	_ =	strace $0x8000006E;
	[dreg:$0x1] =	wrdreg $0xFFFFFFFF  }
0xa7: {  	s28 =	simm.s32 $_size_execute0_lowered;
	s2 =	sadd.s32 s2, s4;
	[dreg:$0x0] =	wrdreg $0x0  }
0xa8: {  	s4 =	sshll.u32 s28, $0x1;
	[dreg:$0x2] =	wrdreg s2  }
0xa9: {  	[dreg:$0x3] =	wrdreg s4  }
0xaa: {  	[dreg:$0x4] =	wrdreg $0xC0  }
0xab: {  	_ =	task [dreg:s6], $0x5FFFF  }
0xac: {  	[dreg:$0x1] =	wrdreg $0xFFFFFFFF  }
0xad: {  	[dreg:$0x0] =	wrdreg $0x60  }
0xae: {  	[dreg:$0x2] =	wrdreg s24  }
0xaf: {  	[dreg:$0x3] =	wrdreg $0x0  }
0xb0: {  	[dreg:$0x4] =	wrdreg $0x9  }
0xb1: {  	_ =	task.clear_ibuf [dreg:s6], $0x5FFFF;
	_ =	strace $0x9000006E  }
0xb2: {  	s29 =	simm.s32 $0x9;
	_ =	strace $0x80000088  }
0xb3: {  	_ =	swait.ge [sflag:s29], $0x1  }
0xb4: {  	[sflag:s29] =	ssyncadd.s32 $0xFFFFFFFF  }
0xb5: {  	_ =	strace $0x90000088  }
0xb6: {  	_ =	sfence  }
0xb7: {  	s30 =	sld [smem:$0x0];
	_ =	sdelay $0x2  }
0xb8: {  	s31 =	sshll.u32 s1, $0xD;
	s1 =	sshrl.u32 s1, $0x2  }
0xb9: {  	s3 =	sand.u32 $0x4000, s31;
	s1 =	sadd.s32 s1, s30  }
0xba: {  	s0 =	sor.u32 s3, s0;
	s1 =	sshll.u32 s1, $0x11  }
0xbb: {  	s0 =	sor.u32 s1, s0  }
0xbc: {  	s0 =	sadd.s32 $0x8F2B, s0  }
0xbd: {  	[sflag:s0] =	ssyncadd.remote.s32 $0x1  }
0xbe: {  	_ =	sfence.sel $0xFFFF  }
0xbf: {  	[dreg:$0x0] =	wrdreg $0xFFFFFFFF;
	(pc) =	sbr.abs _section_cstart, $3  }
0xc0: {  	[dreg:$0x1] =	wrdreg $0xFFFFFFFF  }
0xc1: {  	_ =	task.clear_ibuf [dreg:s6], $0x2FFFF;
	_ =	strace $0x9FFFFFFF  }
0xc2: {  	(tm) =	ssettm $0x7FFFFFFF  }
0xc3: {  	_ =	shalt  }
tec
execute0_lowered:
.L_overlay_start_1:
0x0: {  	(tag) =	ssettag $0x1  }
0x1: {  	s0 =	rddreg [dreg:$0x0]  }
0x2: {  	s1 =	rddreg [dreg:$0x1]  }
0x3: {  	s2 =	simm.s32 $0x0;
	s24 =	stileid.u32;
	s3 =	srdreg.scid  }
0x4: {  	s29 =	simm.s32 $0x80;
	s30 =	simm.s32 $0x5;
	[smem:$0x7FF] =	sst s2  }
0x5: {  	s4 =	sadd.s32 $0x91BE00, s0;
	s9 =	smul.u32 $0x2800, s24;
	s3 =	sand.u32 $0x1, s3  }
0x6: {  	s13 =	smul.u32 $0x50000, s24;
	s26 =	sshll.u32 s24, $0x6;
	_ =	strace $0x8000006F  }
0x7: {  	s10 =	smul.u32 $0x28000, s3;
	s12 =	ssub.s32 $0x2, s3;
	s3 =	sshll.u32 s3, $0x4  }
0x8: {  	s11 =	sadd.s32 s9, s0;
	s14 =	sshrl.u32 s12, $0x1;
	s25 =	sshrl.u32 s13, $0x2  }
0x9: {  	s3 =	sor.u32 s24, s3;
	s15 =	ssub.s32 s12, s14;
	s12 =	sadd.s32 s25, s1  }
0xa: {  	s28 =	smul.u32 $0xA000, s3;
	s16 =	sadd.s32 $0xDC00, s11;
	[dreg:$0x3] =	wrdreg s12  }
0xb: {  	s5 =	sadd.s32 $0x19BE00, s0;
	s11 =	sor.u32 $0x1C01, s26;
	[dreg:$0x4] =	wrdreg s16  }
0xc: {  	s6 =	sadd.s32 $0x41BE00, s0;
	[dreg:$0x5] =	wrdreg s11;
	s17 =	sadd.s32 s4, s28  }
0xd: {  	s10 =	sadd.s32 s10, s0;
	s19 =	sadd.s32 s5, s28;
	[dreg:$0x6] =	wrdreg s17  }
0xe: {  	s22 =	sadd.s32 $0xA5BE00, s10;
	s21 =	sadd.s32 s6, s28;
	[dreg:$0x8] =	wrdreg s19  }
0xf: {  	s7 =	sadd.s32 $0x69BE00, s0;
	s23 =	sadd.s32 s9, s22;
	[dreg:$0xa] =	wrdreg s21  }
0x10: {  	s16 =	smul.u32 $0x500, s3;
	s25 =	sadd.s32 s7, s28;
	[dreg:$0xb] =	wrdreg s23  }
0x11: {  	s8 =	sadd.s32 $0x3C00, s0;
	s28 =	smax.u32 s15, $0x1;
	[dreg:$0xd] =	wrdreg s25  }
0x12: {  	s14 =	sadd.s32 $0x3C10, s0;
	s18 =	sadd.s32 s8, s16;
	[dreg:$0xf] =	wrdreg s28  }
0x13: {  	s22 =	sadd.s32 $0x3C30, s0;
	s20 =	sadd.s32 s16, s14;
	[dreg:$0x7] =	wrdreg s18  }
0x14: {  	s19 =	sadd.s32 $0x3C20, s0;
	s26 =	sadd.s32 s16, s22;
	[dreg:$0x9] =	wrdreg s20  }
0x15: {  	s31 =	simm.s32 $0x1;
	s24 =	sadd.s32 s16, s19;
	[dreg:$0xe] =	wrdreg s26  }
0x16: {  	s12 =	smul.u32 $0x14, s3;
	s0 =	simm.s32 $0x0;
	[dreg:$0xc] =	wrdreg s24  }
.LBB2_1:
0x17: {  	s2 =	rddreg [dreg:$0x3]  }
0x18: {  	s25 =	rddreg [dreg:$0x4];
	s3 =	sshrl.u32 s2, $0x3  }
0x19: {  	[dreg:$0x10] =	wrdreg s3  }
0x1a: {  	[spmem:s3], [sflag:s11] =	dma.local [hbm:s25], $0x2800  }
0x1b: {  	_ =	swait.ge [sflag:s31], $0x2800  }
0x1c: {  	[sflag:s31] =	ssyncset.done $0x0  }
0x1d: {  	[sflag:s31] =	ssyncadd.s32 $0xFFFFD800  }
0x1e: {  	[bflag:$0x0] =	sbarrier.arrive $0xFFFF  }
0x1f: {  	_ =	strace $0x80000070  }
0x20: {  	s26 =	simm.s32 $0x0;
	s9 =	simm.s32 $0x14000;
	s28 =	rddreg [dreg:$0x6]  }
0x21: {  	[tilespmem:s9], [sflag:$0x1] =	stream.linear.gather [hbm4b:s28+s26], $0x4000, $0x200038;
	[tilespmem:$0x1C100] =	vst v63  }
0x22: {  	s10 =	simm.s32 $0x1C000;
	s9 =	rddreg [dreg:$0x7]  }
0x23: {  	[tilespmem:s10], [sflag:$0x3] =	stream.linear.gather [hbm4b:s9+s26], $0x80, $0x200038;
	[tilespmem:$0x1C100] =	vst v63  }
0x24: {  	p0 =	por $0x0, $0x0;
	s9 =	simm.s32 $0x1  }
0x25: {  	s15 =	simm.s32 $0x11;
	s9 =	simm.s32 @p0 $0x0  }
0x26: {  	s11 =	simm.s32 $0x0;
	s25 =	simm.s32 $0x0;
	p0 =	seq.s32 s9, $0x0  }
0x27: {  	_ =	strace $0x90000070;
	s10 =	sadd.s32 @!p0 s12, s9;
	s13 =	sand.u32 @!p0 $0x1, s31  }
0x28: {  	s20 =	simm.s32 @!p0 $0x0;
	s23 =	simm.s32 @!p0 $0x1;
	_ =	strace @!p0 $0x80000071  }
0x29: {  	s16 =	sshll.u32 @!p0 s13, $0xE;
	s17 =	sshll.u32 @!p0 s10, $0xB;
	s18 =	sadd.s32 @!p0 $0x1, s13  }
0x2a: {  	s10 =	sshll.u32 @!p0 s10, $0x6;
	s21 =	sshll.u32 @!p0 s13, $0x7;
	s17 =	sand.u32 @!p0 $0x1FFFF800, s17  }
0x2b: {  	s13 =	sadd.s32 @!p0 $0x3, s13;
	s16 =	sadd.s32 @!p0 $0x14000, s16;
	s17 =	sadd.s32 @!p0 s4, s17  }
0x2c: {  	[tilespmem:s16], [sflag:s18] =	stream.linear.gather @!p0 [hbm4b:s17+s20], $0x4000, $0x200038;
	[tilespmem:$0x1C100] =	vst v63  }
0x2d: {  	s23 =	simm.s32 @p0 $0x0;
	s10 =	sand.u32 @!p0 $0x1FFFFFC0, s10;
	_ =	strace @!p0 $0x90000071  }
0x2e: {  	s21 =	sor.u32 @!p0 $0x1C000, s21;
	s10 =	sadd.s32 @!p0 s8, s10;
	_ =	strace @!p0 $0x80000072  }
0x2f: {  	[tilespmem:s21], [sflag:s13] =	stream.linear.gather @!p0 [hbm4b:s10+s20], $0x80, $0x200038;
	[tilespmem:$0x1C100] =	vst v63  }
0x30: {  	s16 =	sadd.s32 $0x1, s23;
	s23 =	sand.u32 $0x1, s26;
	_ =	strace @!p0 $0x90000072  }
0x31: {  	s24 =	sand.u32 $0x80, s25;
	s26 =	sadd.s32 $0x1, s23;
	_ =	strace $0x80000073  }
0x32: {  	s24 =	sor.u32 $0x1C000, s24;
	s28 =	sand.u32 $0x4000, s11;
	_ =	swait.ge [sflag:s26], $0x4000  }
0x33: {  	s18 =	simm.s32 @!p0 $0x2;
	s17 =	simm.s32 $0x0;
	[sflag:s26] =	ssyncset.done $0x0  }
0x34: {  	s18 =	smov.u32 @p0 s31;
	s20 =	sadd.s32 $0x3, s23;
	[sflag:s26] =	ssyncadd.s32 $0xFFFFC000  }
0x35: {  	s21 =	simm.s32 $0x1;
	s13 =	sadd.s32 $0x1, s9;
	_ =	strace $0x90000073  }
0x36: {  	s23 =	sadd.s32 $0x14000, s28;
	p0 =	sne.s32 s9, $0x0;
	_ =	strace $0x80000074  }
0x37: {  	s21 =	simm.s32 @!p0 $0x0;
	p0 =	seq.s32 s13, $0x14;
	_ =	swait.ge [sflag:s20], $0x80  }
0x38: {  	s13 =	simm.s32 @p0 $0x0;
	s10 =	sadd.s32 $0x0, s21;
	[sflag:s20] =	ssyncset.done $0x0  }
.LBB2_2:
0x39: {  	s25 =	smov.u32 s18  }
0x3a: {  	s15 =	sadd.s32 $0xFFFFFFFF, s15;
	p0 =	seq.s32 s9, s13;
	s17 =	sadd.s32 s21, s17  }
0x3b: {  	s18 =	sadd.s32 @!p0 s12, s13;
	s21 =	sand.u32 @!p0 $0x1, s25;
	[sflag:s20] =	ssyncadd.s32 $0xFFFFFF80  }
0x3c: {  	s20 =	sshll.u32 @!p0 s21, $0xE;
	s2 =	sshll.u32 @!p0 s18, $0xB;
	_ =	strace $0x90000074  }
0x3d: {  	s11 =	sand.u32 @!p0 $0x1, s16;
	s2 =	sand.u32 @!p0 $0x1FFFF800, s2;
	_ =	strace $0x80000075  }
0x3e: {  	[spmem:s1] =	stream.indirect.scatter.add.f32 [tilespmem:s23], [sflag:$0x5], $0x80, s24, s29, $0x2000b8;
	[tilespmem:$0x1C100] =	vst v63  }
0x3f: {  	s21 =	sadd.s32 @!p0 $0x1, s21;
	s18 =	sshll.u32 @!p0 s18, $0x6;
	s23 =	simm.s32 @!p0 $0x0  }
0x40: {  	s20 =	sadd.s32 @!p0 $0x14000, s20;
	s18 =	sand.u32 @!p0 $0x1FFFFFC0, s18;
	s24 =	sshll.u32 @!p0 s11, $0x7  }
0x41: {  	s26 =	simm.s32 @!p0 $0x1;
	s24 =	sor.u32 @!p0 $0x1C000, s24;
	_ =	swait.ge [sflag:s30], $0x4000  }
0x42: {  	s2 =	sadd.s32 @!p0 s4, s2;
	s11 =	sadd.s32 @!p0 $0x3, s11;
	[sflag:s30] =	ssyncset.done $0x0  }
0x43: {  	s26 =	simm.s32 @p0 $0x0;
	s28 =	sadd.s32 @!p0 s8, s18;
	[sflag:s30] =	ssyncadd.s32 $0xFFFFC000  }
0x44: {  	s16 =	sadd.s32 s16, s26;
	s26 =	sshll.u32 s17, $0xE;
	_ =	strace $0x90000075  }
0x45: {  	s3 =	sshll.u32 s10, $0x7;
	s18 =	sand.u32 $0x1, s17;
	_ =	strace @!p0 $0x80000071  }
0x46: {  	[tilespmem:s20], [sflag:s21] =	stream.linear.gather @!p0 [hbm4b:s2+s23], $0x4000, $0x200038;
	[tilespmem:$0x1C100] =	vst v63  }
0x47: {  	s3 =	sand.u32 $0x80, s3;
	s2 =	sadd.s32 $0x1, s18;
	_ =	strace @!p0 $0x90000071  }
0x48: {  	s18 =	sadd.s32 @!p0 $0x1, s25;
	s20 =	sand.u32 $0x1, s10;
	_ =	strace @!p0 $0x80000072  }
0x49: {  	[tilespmem:s24], [sflag:s11] =	stream.linear.gather @!p0 [hbm4b:s28+s23], $0x80, $0x200038;
	[tilespmem:$0x1C100] =	vst v63  }
0x4a: {  	s18 =	smov.u32 @p0 s25;
	s20 =	sadd.s32 $0x3, s20;
	_ =	strace @!p0 $0x90000072  }
0x4b: {  	p0 =	sne.s32 s15, $0x0;
	_ =	strace $0x80000073  }
0x4c: {  	p1 =	sne.s32 s9, s13;
	_ =	swait.ge [sflag:s2], $0x4000  }
0x4d: {  	s9 =	smov.u32 s13;
	s21 =	simm.s32 $0x1;
	[sflag:s2] =	ssyncset.done $0x0  }
.Ltmp0:
0x4e: {  	[sflag:s2] =	ssyncadd.s32 $0xFFFFC000;
	s2 =	sand.u32 $0x4000, s26;
	(pc) =	sbr.rel @p0 .LBB2_2-.Ltmp0, $4  }
0x4f: {  	s13 =	sadd.s32 $0x1, s13;
	s21 =	simm.s32 @!p1 $0x0;
	_ =	strace $0x90000073  }
0x50: {  	p1 =	seq.s32 s13, $0x14;
	s23 =	sadd.s32 $0x14000, s2;
	_ =	strace $0x80000074  }
0x51: {  	s13 =	simm.s32 @p1 $0x0;
	s24 =	sor.u32 $0x1C000, s3;
	_ =	swait.ge [sflag:s20], $0x80  }
0x52: {  	s10 =	sadd.s32 s21, s10;
	[sflag:s20] =	ssyncset.done $0x0  }
0x53: {  	[sflag:s20] =	ssyncadd.s32 $0xFFFFFF80  }
0x54: {  	p0 =	seq.s32 s9, s13;
	s21 =	sadd.s32 s21, s17;
	_ =	strace $0x90000074  }
0x55: {  	s2 =	sadd.s32 @!p0 s12, s13;
	s3 =	sand.u32 @!p0 $0x1, s18;
	_ =	strace $0x80000075  }
0x56: {  	[spmem:s1] =	stream.indirect.scatter.add.f32 [tilespmem:s23], [sflag:$0x5], $0x80, s24, s29, $0x2000b8;
	[tilespmem:$0x1C100] =	vst v63  }
0x57: {  	s16 =	sand.u32 @!p0 $0x1, s16;
	s18 =	simm.s32 @!p0 $0x0;
	_ =	swait.ge [sflag:s30], $0x4000  }
0x58: {  	s11 =	sshll.u32 @!p0 s2, $0xB;
	s15 =	sshll.u32 @!p0 s3, $0xE;
	[sflag:s30] =	ssyncset.done $0x0  }
0x59: {  	s3 =	sadd.s32 @!p0 $0x1, s3;
	s11 =	sand.u32 @!p0 $0x1FFFF800, s11;
	[sflag:s30] =	ssyncadd.s32 $0xFFFFC000  }
0x5a: {  	s2 =	sshll.u32 @!p0 s2, $0x6;
	s15 =	sadd.s32 @!p0 $0x14000, s15;
	_ =	strace $0x90000075  }
0x5b: {  	s2 =	sand.u32 @!p0 $0x1FFFFFC0, s2;
	s11 =	sadd.s32 @!p0 s4, s11;
	_ =	strace @!p0 $0x80000071  }
0x5c: {  	[tilespmem:s15], [sflag:s3] =	stream.linear.gather @!p0 [hbm4b:s11+s18], $0x4000, $0x200038;
	[tilespmem:$0x1C100] =	vst v63  }
0x5d: {  	s2 =	sadd.s32 @!p0 s8, s2;
	s3 =	sshll.u32 @!p0 s16, $0x7;
	_ =	strace @!p0 $0x90000071  }
0x5e: {  	s15 =	sadd.s32 @!p0 $0x3, s16;
	s3 =	sor.u32 @!p0 $0x1C000, s3;
	_ =	strace @!p0 $0x80000072  }
0x5f: {  	[tilespmem:s3], [sflag:s15] =	stream.linear.gather @!p0 [hbm4b:s2+s18], $0x80, $0x200038;
	[tilespmem:$0x1C100] =	vst v63  }
0x60: {  	s23 =	sand.u32 $0x1, s21;
	_ =	strace @!p0 $0x90000072  }
0x61: {  	s2 =	sadd.s32 $0x1, s23;
	_ =	strace $0x80000073  }
0x62: {  	_ =	swait.ge [sflag:s2], $0x4000  }
0x63: {  	[sflag:s2] =	ssyncset.done $0x0  }
0x64: {  	[sflag:s2] =	ssyncadd.s32 $0xFFFFC000  }
0x65: {  	s24 =	sand.u32 $0x1, s10;
	_ =	strace $0x90000073  }
0x66: {  	s2 =	sadd.s32 $0x3, s24;
	_ =	strace $0x80000074  }
0x67: {  	_ =	swait.ge [sflag:s2], $0x80  }
0x68: {  	[sflag:s2] =	ssyncset.done $0x0  }
0x69: {  	s26 =	sshll.u32 s10, $0x7;
	s25 =	sshll.u32 s21, $0xE;
	[sflag:s2] =	ssyncadd.s32 $0xFFFFFF80  }
0x6a: {  	s28 =	sand.u32 $0x80, s26;
	s3 =	sand.u32 $0x4000, s25;
	_ =	strace $0x90000074  }
0x6b: {  	s3 =	sadd.s32 $0x14000, s3;
	s2 =	sor.u32 $0x1C000, s28;
	_ =	strace $0x80000075  }
0x6c: {  	[spmem:s1] =	stream.indirect.scatter.add.f32 [tilespmem:s3], [sflag:$0x5], $0x80, s2, s29, $0x2000b8;
	[tilespmem:$0x1C100] =	vst v63  }
0x6d: {  	p0 =	sne.s32 s9, s13;
	s2 =	simm.s32 $0x1;
	_ =	swait.ge [sflag:s30], $0x4000  }
0x6e: {  	s2 =	simm.s32 @!p0 $0x0;
	[sflag:s30] =	ssyncset.done $0x0  }
0x6f: {  	s13 =	sadd.s32 s2, s21;
	[sflag:s30] =	ssyncadd.s32 $0xFFFFC000  }
0x70: {  	s15 =	sand.u32 $0x1, s13;
	_ =	strace $0x90000075  }
0x71: {  	s9 =	sadd.s32 $0x1, s15;
	_ =	strace $0x80000073  }
0x72: {  	_ =	swait.ge [sflag:s9], $0x4000  }
0x73: {  	[sflag:s9] =	ssyncset.done $0x0  }
0x74: {  	s2 =	sadd.s32 s2, s10;
	[sflag:s9] =	ssyncadd.s32 $0xFFFFC000  }
0x75: {  	s16 =	sand.u32 $0x1, s2;
	_ =	strace $0x90000073  }
0x76: {  	s18 =	simm.s32 $0x14000;
	s9 =	sadd.s32 $0x3, s16;
	_ =	strace $0x80000074  }
0x77: {  	s23 =	simm.s32 $0x0;
	s25 =	simm.s32 $0x0;
	_ =	swait.ge [sflag:s9], $0x80  }
0x78: {  	s28 =	sand.u32 $0x4000, s23;
	p0 =	por $0x0, $0x0;
	[sflag:s9] =	ssyncset.done $0x0  }
0x79: {  	s3 =	sshll.u32 s13, $0xE;
	s2 =	sshll.u32 s2, $0x7;
	[sflag:s9] =	ssyncadd.s32 $0xFFFFFF80  }
0x7a: {  	s3 =	sand.u32 $0x4000, s3;
	s2 =	sand.u32 $0x80, s2;
	_ =	strace $0x90000074  }
0x7b: {  	s3 =	sadd.s32 $0x14000, s3;
	s2 =	sor.u32 $0x1C000, s2;
	_ =	strace $0x80000075  }
0x7c: {  	[spmem:s1] =	stream.indirect.scatter.add.f32 [tilespmem:s3], [sflag:$0x5], $0x80, s2, s29, $0x2000b8;
	[tilespmem:$0x1C100] =	vst v63  }
0x7d: {  	s10 =	simm.s32 $0x0;
	s9 =	simm.s32 $0x1;
	_ =	swait.ge [sflag:s30], $0x4000  }
0x7e: {  	s21 =	simm.s32 $0x1C000;
	s9 =	simm.s32 @p0 $0x0;
	[sflag:s30] =	ssyncset.done $0x0  }
0x7f: {  	s24 =	sand.u32 $0x1, s10;
	p0 =	seq.s32 s9, $0x0;
	[sflag:s30] =	ssyncadd.s32 $0xFFFFC000  }
0x80: {  	s2 =	simm.s32 $0x1;
	s3 =	sadd.s32 @!p0 s12, s9;
	_ =	strace $0x90000075  }
0x81: {  	s11 =	sand.u32 @!p0 $0x1, s2;
	s13 =	sshll.u32 @!p0 s3, $0xB;
	_ =	strace $0x80000076  }
0x82: {  	s3 =	sshll.u32 @!p0 s3, $0x6;
	s15 =	sshll.u32 @!p0 s11, $0xE;
	s17 =	rddreg [dreg:$0x8]  }
0x83: {  	[tilespmem:s18], [sflag:$0x1] =	stream.linear.gather [hbm4b:s17+s10], $0x4000, $0x200038;
	[tilespmem:$0x1C100] =	vst v63  }
0x84: {  	s13 =	sand.u32 @!p0 $0x1FFFF800, s13;
	s3 =	sand.u32 @!p0 $0x1FFFFFC0, s3;
	s20 =	rddreg [dreg:$0x9]  }
0x85: {  	[tilespmem:s21], [sflag:$0x3] =	stream.linear.gather [hbm4b:s20+s10], $0x80, $0x200038;
	[tilespmem:$0x1C100] =	vst v63  }
0x86: {  	s15 =	sadd.s32 @!p0 $0x14000, s15;
	s13 =	sadd.s32 @!p0 s5, s13;
	_ =	strace $0x90000076  }
0x87: {  	s17 =	sadd.s32 @!p0 $0x1, s11;
	s18 =	simm.s32 @!p0 $0x0;
	_ =	strace @!p0 $0x80000077  }
0x88: {  	[tilespmem:s15], [sflag:s17] =	stream.linear.gather @!p0 [hbm4b:s13+s18], $0x4000, $0x200038;
	[tilespmem:$0x1C100] =	vst v63  }
0x89: {  	s3 =	sadd.s32 @!p0 s3, s14;
	s20 =	sshll.u32 @!p0 s11, $0x7;
	_ =	strace @!p0 $0x90000077  }
0x8a: {  	s11 =	sadd.s32 @!p0 $0x3, s11;
	s13 =	sor.u32 @!p0 $0x1C000, s20;
	_ =	strace @!p0 $0x80000078  }
0x8b: {  	[tilespmem:s13], [sflag:s11] =	stream.linear.gather @!p0 [hbm4b:s3+s18], $0x80, $0x200038;
	[tilespmem:$0x1C100] =	vst v63  }
0x8c: {  	s23 =	sadd.s32 $0x14000, s28;
	s26 =	sadd.s32 $0x1, s24;
	_ =	strace @!p0 $0x90000078  }
0x8d: {  	s16 =	simm.s32 $0x11;
	s15 =	simm.s32 @!p0 $0x1;
	_ =	strace $0x80000079  }
0x8e: {  	s21 =	simm.s32 $0x1;
	s15 =	simm.s32 @p0 $0x0;
	_ =	swait.ge [sflag:s26], $0x4000  }
0x8f: {  	s20 =	sadd.s32 $0x3, s24;
	s17 =	sadd.s32 $0x1, s15;
	[sflag:s26] =	ssyncset.done $0x0  }
0x90: {  	s15 =	sadd.s32 $0x1, s9;
	s18 =	simm.s32 @!p0 $0x2;
	[sflag:s26] =	ssyncadd.s32 $0xFFFFC000  }
0x91: {  	s13 =	sand.u32 $0x80, s25;
	s18 =	smov.u32 @p0 s2;
	_ =	strace $0x90000079  }
0x92: {  	p0 =	sne.s32 s9, $0x0;
	s24 =	sor.u32 $0x1C000, s13;
	_ =	strace $0x8000007A  }
0x93: {  	s21 =	simm.s32 @!p0 $0x0;
	p0 =	seq.s32 s15, $0x14;
	_ =	swait.ge [sflag:s20], $0x80  }
0x94: {  	s15 =	simm.s32 @p0 $0x0;
	s13 =	sadd.s32 $0x0, s21;
	[sflag:s20] =	ssyncset.done $0x0  }
.LBB2_4:
0x95: {  	s2 =	smov.u32 s18  }
0x96: {  	s16 =	sadd.s32 $0xFFFFFFFF, s16;
	p0 =	seq.s32 s9, s15;
	s10 =	sadd.s32 s21, s10  }
0x97: {  	s3 =	sadd.s32 @!p0 s12, s15;
	s11 =	sand.u32 @!p0 $0x1, s18;
	[sflag:s20] =	ssyncadd.s32 $0xFFFFFF80  }
0x98: {  	s18 =	sshll.u32 @!p0 s11, $0xE;
	s20 =	sshll.u32 @!p0 s3, $0xB;
	_ =	strace $0x9000007A  }
0x99: {  	s21 =	sand.u32 @!p0 $0x1, s17;
	s20 =	sand.u32 @!p0 $0x1FFFF800, s20;
	_ =	strace $0x8000007B  }
0x9a: {  	[spmem:s1] =	stream.indirect.scatter.add.f32 [tilespmem:s23], [sflag:$0x5], $0x80, s24, s29, $0x2000b8;
	[tilespmem:$0x1C100] =	vst v63  }
0x9b: {  	s11 =	sadd.s32 @!p0 $0x1, s11;
	s3 =	sshll.u32 @!p0 s3, $0x6;
	s23 =	simm.s32 @!p0 $0x0  }
0x9c: {  	s18 =	sadd.s32 @!p0 $0x14000, s18;
	s3 =	sand.u32 @!p0 $0x1FFFFFC0, s3;
	s24 =	sshll.u32 @!p0 s21, $0x7  }
0x9d: {  	s25 =	simm.s32 @!p0 $0x1;
	s24 =	sor.u32 @!p0 $0x1C000, s24;
	_ =	swait.ge [sflag:s30], $0x4000  }
0x9e: {  	s20 =	sadd.s32 @!p0 s5, s20;
	s21 =	sadd.s32 @!p0 $0x3, s21;
	[sflag:s30] =	ssyncset.done $0x0  }
0x9f: {  	s25 =	simm.s32 @p0 $0x0;
	s3 =	sadd.s32 @!p0 s3, s14;
	[sflag:s30] =	ssyncadd.s32 $0xFFFFC000  }
0xa0: {  	s17 =	sadd.s32 s17, s25;
	s25 =	sshll.u32 s10, $0xE;
	_ =	strace $0x9000007B  }
0xa1: {  	s28 =	sshll.u32 s13, $0x7;
	s26 =	sand.u32 $0x1, s10;
	_ =	strace @!p0 $0x80000077  }
0xa2: {  	[tilespmem:s18], [sflag:s11] =	stream.linear.gather @!p0 [hbm4b:s20+s23], $0x4000, $0x200038;
	[tilespmem:$0x1C100] =	vst v63  }
0xa3: {  	s11 =	sadd.s32 $0x1, s26;
	s26 =	sand.u32 $0x80, s28;
	_ =	strace @!p0 $0x90000077  }
0xa4: {  	s18 =	sadd.s32 @!p0 $0x1, s2;
	s20 =	sand.u32 $0x1, s13;
	_ =	strace @!p0 $0x80000078  }
0xa5: {  	[tilespmem:s24], [sflag:s21] =	stream.linear.gather @!p0 [hbm4b:s3+s23], $0x80, $0x200038;
	[tilespmem:$0x1C100] =	vst v63  }
0xa6: {  	s18 =	smov.u32 @p0 s2;
	s20 =	sadd.s32 $0x3, s20;
	_ =	strace @!p0 $0x90000078  }
0xa7: {  	p0 =	sne.s32 s16, $0x0;
	_ =	strace $0x80000079  }
0xa8: {  	p1 =	sne.s32 s9, s15;
	_ =	swait.ge [sflag:s11], $0x4000  }
0xa9: {  	s9 =	smov.u32 s15;
	s2 =	sand.u32 $0x4000, s25;
	[sflag:s11] =	ssyncset.done $0x0  }
.Ltmp1:
0xaa: {  	s21 =	simm.s32 $0x1;
	[sflag:s11] =	ssyncadd.s32 $0xFFFFC000;
	(pc) =	sbr.rel @p0 .LBB2_4-.Ltmp1, $4  }
0xab: {  	s15 =	sadd.s32 $0x1, s15;
	s21 =	simm.s32 @!p1 $0x0;
	_ =	strace $0x90000079  }
0xac: {  	s23 =	sadd.s32 $0x14000, s2;
	p1 =	seq.s32 s15, $0x14;
	_ =	strace $0x8000007A  }
0xad: {  	s24 =	sor.u32 $0x1C000, s26;
	s15 =	simm.s32 @p1 $0x0;
	_ =	swait.ge [sflag:s20], $0x80  }
0xae: {  	s13 =	sadd.s32 s21, s13;
	[sflag:s20] =	ssyncset.done $0x0  }
0xaf: {  	[sflag:s20] =	ssyncadd.s32 $0xFFFFFF80  }
0xb0: {  	p0 =	seq.s32 s9, s15;
	s10 =	sadd.s32 s21, s10;
	_ =	strace $0x9000007A  }
0xb1: {  	s2 =	sadd.s32 @!p0 s12, s15;
	s3 =	sand.u32 @!p0 $0x1, s18;
	_ =	strace $0x8000007B  }
0xb2: {  	[spmem:s1] =	stream.indirect.scatter.add.f32 [tilespmem:s23], [sflag:$0x5], $0x80, s24, s29, $0x2000b8;
	[tilespmem:$0x1C100] =	vst v63  }
0xb3: {  	s17 =	sand.u32 @!p0 $0x1, s17;
	s18 =	simm.s32 @!p0 $0x0;
	_ =	swait.ge [sflag:s30], $0x4000  }
0xb4: {  	s11 =	sshll.u32 @!p0 s2, $0xB;
	s16 =	sshll.u32 @!p0 s3, $0xE;
	[sflag:s30] =	ssyncset.done $0x0  }
0xb5: {  	s3 =	sadd.s32 @!p0 $0x1, s3;
	s11 =	sand.u32 @!p0 $0x1FFFF800, s11;
	[sflag:s30] =	ssyncadd.s32 $0xFFFFC000  }
0xb6: {  	s2 =	sshll.u32 @!p0 s2, $0x6;
	s16 =	sadd.s32 @!p0 $0x14000, s16;
	_ =	strace $0x9000007B  }
0xb7: {  	s2 =	sand.u32 @!p0 $0x1FFFFFC0, s2;
	s11 =	sadd.s32 @!p0 s5, s11;
	_ =	strace @!p0 $0x80000077  }
0xb8: {  	[tilespmem:s16], [sflag:s3] =	stream.linear.gather @!p0 [hbm4b:s11+s18], $0x4000, $0x200038;
	[tilespmem:$0x1C100] =	vst v63  }
0xb9: {  	s2 =	sadd.s32 @!p0 s2, s14;
	s3 =	sshll.u32 @!p0 s17, $0x7;
	_ =	strace @!p0 $0x90000077  }
0xba: {  	s11 =	sadd.s32 @!p0 $0x3, s17;
	s3 =	sor.u32 @!p0 $0x1C000, s3;
	_ =	strace @!p0 $0x80000078  }
0xbb: {  	[tilespmem:s3], [sflag:s11] =	stream.linear.gather @!p0 [hbm4b:s2+s18], $0x80, $0x200038;
	[tilespmem:$0x1C100] =	vst v63  }
0xbc: {  	s23 =	sand.u32 $0x1, s10;
	_ =	strace @!p0 $0x90000078  }
0xbd: {  	s2 =	sadd.s32 $0x1, s23;
	_ =	strace $0x80000079  }
0xbe: {  	_ =	swait.ge [sflag:s2], $0x4000  }
0xbf: {  	[sflag:s2] =	ssyncset.done $0x0  }
0xc0: {  	[sflag:s2] =	ssyncadd.s32 $0xFFFFC000  }
0xc1: {  	s24 =	sand.u32 $0x1, s13;
	_ =	strace $0x90000079  }
0xc2: {  	s2 =	sadd.s32 $0x3, s24;
	_ =	strace $0x8000007A  }
0xc3: {  	_ =	swait.ge [sflag:s2], $0x80  }
0xc4: {  	[sflag:s2] =	ssyncset.done $0x0  }
0xc5: {  	s26 =	sshll.u32 s13, $0x7;
	s25 =	sshll.u32 s10, $0xE;
	[sflag:s2] =	ssyncadd.s32 $0xFFFFFF80  }
0xc6: {  	s28 =	sand.u32 $0x80, s26;
	s3 =	sand.u32 $0x4000, s25;
	_ =	strace $0x9000007A  }
0xc7: {  	s3 =	sadd.s32 $0x14000, s3;
	s2 =	sor.u32 $0x1C000, s28;
	_ =	strace $0x8000007B  }
0xc8: {  	[spmem:s1] =	stream.indirect.scatter.add.f32 [tilespmem:s3], [sflag:$0x5], $0x80, s2, s29, $0x2000b8;
	[tilespmem:$0x1C100] =	vst v63  }
0xc9: {  	p0 =	sne.s32 s9, s15;
	s2 =	simm.s32 $0x1;
	_ =	swait.ge [sflag:s30], $0x4000  }
0xca: {  	s2 =	simm.s32 @!p0 $0x0;
	[sflag:s30] =	ssyncset.done $0x0  }
0xcb: {  	s11 =	sadd.s32 s2, s10;
	[sflag:s30] =	ssyncadd.s32 $0xFFFFC000  }
0xcc: {  	s15 =	sand.u32 $0x1, s11;
	_ =	strace $0x9000007B  }
0xcd: {  	s9 =	sadd.s32 $0x1, s15;
	_ =	strace $0x80000079  }
0xce: {  	_ =	swait.ge [sflag:s9], $0x4000  }
0xcf: {  	[sflag:s9] =	ssyncset.done $0x0  }
0xd0: {  	s2 =	sadd.s32 s2, s13;
	[sflag:s9] =	ssyncadd.s32 $0xFFFFC000  }
0xd1: {  	s16 =	sand.u32 $0x1, s2;
	_ =	strace $0x90000079  }
0xd2: {  	s21 =	simm.s32 $0x1C000;
	s9 =	sadd.s32 $0x3, s16;
	_ =	strace $0x8000007A  }
0xd3: {  	s18 =	simm.s32 $0x14000;
	s23 =	simm.s32 $0x0;
	_ =	swait.ge [sflag:s9], $0x80  }
0xd4: {  	s25 =	simm.s32 $0x0;
	s28 =	sand.u32 $0x4000, s23;
	[sflag:s9] =	ssyncset.done $0x0  }
0xd5: {  	s3 =	sshll.u32 s11, $0xE;
	s2 =	sshll.u32 s2, $0x7;
	[sflag:s9] =	ssyncadd.s32 $0xFFFFFF80  }
0xd6: {  	s3 =	sand.u32 $0x4000, s3;
	s2 =	sand.u32 $0x80, s2;
	_ =	strace $0x9000007A  }
0xd7: {  	s3 =	sadd.s32 $0x14000, s3;
	s2 =	sor.u32 $0x1C000, s2;
	_ =	strace $0x8000007B  }
0xd8: {  	[spmem:s1] =	stream.indirect.scatter.add.f32 [tilespmem:s3], [sflag:$0x5], $0x80, s2, s29, $0x2000b8;
	[tilespmem:$0x1C100] =	vst v63  }
0xd9: {  	p0 =	por $0x0, $0x0;
	s9 =	simm.s32 $0x1;
	_ =	swait.ge [sflag:s30], $0x4000  }
0xda: {  	s10 =	simm.s32 $0x0;
	s9 =	simm.s32 @p0 $0x0;
	[sflag:s30] =	ssyncset.done $0x0  }
0xdb: {  	s24 =	sand.u32 $0x1, s10;
	p0 =	seq.s32 s9, $0x0;
	[sflag:s30] =	ssyncadd.s32 $0xFFFFC000  }
0xdc: {  	s2 =	simm.s32 $0x1;
	s3 =	sadd.s32 @!p0 s12, s9;
	_ =	strace $0x9000007B  }
0xdd: {  	s11 =	sand.u32 @!p0 $0x1, s2;
	s13 =	sshll.u32 @!p0 s3, $0xB;
	_ =	strace $0x8000007C  }
0xde: {  	s3 =	sshll.u32 @!p0 s3, $0x6;
	s15 =	sshll.u32 @!p0 s11, $0xE;
	s17 =	rddreg [dreg:$0xa]  }
0xdf: {  	[tilespmem:s18], [sflag:$0x1] =	stream.linear.gather [hbm4b:s17+s10], $0x4000, $0x200038;
	[tilespmem:$0x1C100] =	vst v63  }
0xe0: {  	s13 =	sand.u32 @!p0 $0x1FFFF800, s13;
	s3 =	sand.u32 @!p0 $0x1FFFFFC0, s3;
	s20 =	rddreg [dreg:$0xc]  }
0xe1: {  	[tilespmem:s21], [sflag:$0x3] =	stream.linear.gather [hbm4b:s20+s10], $0x80, $0x200038;
	[tilespmem:$0x1C100] =	vst v63  }
0xe2: {  	s15 =	sadd.s32 @!p0 $0x14000, s15;
	s13 =	sadd.s32 @!p0 s6, s13;
	_ =	strace $0x9000007C  }
0xe3: {  	s17 =	sadd.s32 @!p0 $0x1, s11;
	s18 =	simm.s32 @!p0 $0x0;
	_ =	strace @!p0 $0x8000007D  }
0xe4: {  	[tilespmem:s15], [sflag:s17] =	stream.linear.gather @!p0 [hbm4b:s13+s18], $0x4000, $0x200038;
	[tilespmem:$0x1C100] =	vst v63  }
0xe5: {  	s3 =	sadd.s32 @!p0 s3, s19;
	s20 =	sshll.u32 @!p0 s11, $0x7;
	_ =	strace @!p0 $0x9000007D  }
0xe6: {  	s11 =	sadd.s32 @!p0 $0x3, s11;
	s13 =	sor.u32 @!p0 $0x1C000, s20;
	_ =	strace @!p0 $0x8000007E  }
0xe7: {  	[tilespmem:s13], [sflag:s11] =	stream.linear.gather @!p0 [hbm4b:s3+s18], $0x80, $0x200038;
	[tilespmem:$0x1C100] =	vst v63  }
0xe8: {  	s23 =	sadd.s32 $0x14000, s28;
	s26 =	sadd.s32 $0x1, s24;
	_ =	strace @!p0 $0x9000007E  }
0xe9: {  	s16 =	simm.s32 $0x11;
	s15 =	simm.s32 @!p0 $0x1;
	_ =	strace $0x8000007F  }
0xea: {  	s21 =	simm.s32 $0x1;
	s15 =	simm.s32 @p0 $0x0;
	_ =	swait.ge [sflag:s26], $0x4000  }
0xeb: {  	s20 =	sadd.s32 $0x3, s24;
	s17 =	sadd.s32 $0x1, s15;
	[sflag:s26] =	ssyncset.done $0x0  }
0xec: {  	s15 =	sadd.s32 $0x1, s9;
	s18 =	simm.s32 @!p0 $0x2;
	[sflag:s26] =	ssyncadd.s32 $0xFFFFC000  }
0xed: {  	s13 =	sand.u32 $0x80, s25;
	s18 =	smov.u32 @p0 s2;
	_ =	strace $0x9000007F  }
0xee: {  	p0 =	sne.s32 s9, $0x0;
	s24 =	sor.u32 $0x1C000, s13;
	_ =	strace $0x80000080  }
0xef: {  	s21 =	simm.s32 @!p0 $0x0;
	p0 =	seq.s32 s15, $0x14;
	_ =	swait.ge [sflag:s20], $0x80  }
0xf0: {  	s15 =	simm.s32 @p0 $0x0;
	s13 =	sadd.s32 $0x0, s21;
	[sflag:s20] =	ssyncset.done $0x0  }
.LBB2_6:
0xf1: {  	s2 =	smov.u32 s18  }
0xf2: {  	s16 =	sadd.s32 $0xFFFFFFFF, s16;
	p0 =	seq.s32 s9, s15;
	s10 =	sadd.s32 s21, s10  }
0xf3: {  	s3 =	sadd.s32 @!p0 s12, s15;
	s11 =	sand.u32 @!p0 $0x1, s18;
	[sflag:s20] =	ssyncadd.s32 $0xFFFFFF80  }
0xf4: {  	s18 =	sshll.u32 @!p0 s11, $0xE;
	s20 =	sshll.u32 @!p0 s3, $0xB;
	_ =	strace $0x90000080  }
0xf5: {  	s21 =	sand.u32 @!p0 $0x1, s17;
	s20 =	sand.u32 @!p0 $0x1FFFF800, s20;
	_ =	strace $0x80000081  }
0xf6: {  	[spmem:s1] =	stream.indirect.scatter.add.f32 [tilespmem:s23], [sflag:$0x5], $0x80, s24, s29, $0x2000b8;
	[tilespmem:$0x1C100] =	vst v63  }
0xf7: {  	s11 =	sadd.s32 @!p0 $0x1, s11;
	s3 =	sshll.u32 @!p0 s3, $0x6;
	s23 =	simm.s32 @!p0 $0x0  }
0xf8: {  	s18 =	sadd.s32 @!p0 $0x14000, s18;
	s3 =	sand.u32 @!p0 $0x1FFFFFC0, s3;
	s24 =	sshll.u32 @!p0 s21, $0x7  }
0xf9: {  	s25 =	simm.s32 @!p0 $0x1;
	s24 =	sor.u32 @!p0 $0x1C000, s24;
	_ =	swait.ge [sflag:s30], $0x4000  }
0xfa: {  	s20 =	sadd.s32 @!p0 s6, s20;
	s21 =	sadd.s32 @!p0 $0x3, s21;
	[sflag:s30] =	ssyncset.done $0x0  }
0xfb: {  	s25 =	simm.s32 @p0 $0x0;
	s3 =	sadd.s32 @!p0 s3, s19;
	[sflag:s30] =	ssyncadd.s32 $0xFFFFC000  }
0xfc: {  	s17 =	sadd.s32 s17, s25;
	s25 =	sshll.u32 s10, $0xE;
	_ =	strace $0x90000081  }
0xfd: {  	s28 =	sshll.u32 s13, $0x7;
	s26 =	sand.u32 $0x1, s10;
	_ =	strace @!p0 $0x8000007D  }
0xfe: {  	[tilespmem:s18], [sflag:s11] =	stream.linear.gather @!p0 [hbm4b:s20+s23], $0x4000, $0x200038;
	[tilespmem:$0x1C100] =	vst v63  }
0xff: {  	s11 =	sadd.s32 $0x1, s26;
	s26 =	sand.u32 $0x80, s28;
	_ =	strace @!p0 $0x9000007D  }
0x100: {  	s18 =	sadd.s32 @!p0 $0x1, s2;
	s20 =	sand.u32 $0x1, s13;
	_ =	strace @!p0 $0x8000007E  }
0x101: {  	[tilespmem:s24], [sflag:s21] =	stream.linear.gather @!p0 [hbm4b:s3+s23], $0x80, $0x200038;
	[tilespmem:$0x1C100] =	vst v63  }
0x102: {  	s18 =	smov.u32 @p0 s2;
	s20 =	sadd.s32 $0x3, s20;
	_ =	strace @!p0 $0x9000007E  }
0x103: {  	p0 =	sne.s32 s16, $0x0;
	_ =	strace $0x8000007F  }
0x104: {  	p1 =	sne.s32 s9, s15;
	_ =	swait.ge [sflag:s11], $0x4000  }
0x105: {  	s9 =	smov.u32 s15;
	s2 =	sand.u32 $0x4000, s25;
	[sflag:s11] =	ssyncset.done $0x0  }
.Ltmp2:
0x106: {  	s21 =	simm.s32 $0x1;
	[sflag:s11] =	ssyncadd.s32 $0xFFFFC000;
	(pc) =	sbr.rel @p0 .LBB2_6-.Ltmp2, $4  }
0x107: {  	s15 =	sadd.s32 $0x1, s15;
	s21 =	simm.s32 @!p1 $0x0;
	_ =	strace $0x9000007F  }
0x108: {  	s23 =	sadd.s32 $0x14000, s2;
	p1 =	seq.s32 s15, $0x14;
	_ =	strace $0x80000080  }
0x109: {  	s24 =	sor.u32 $0x1C000, s26;
	s15 =	simm.s32 @p1 $0x0;
	_ =	swait.ge [sflag:s20], $0x80  }
0x10a: {  	s13 =	sadd.s32 s21, s13;
	[sflag:s20] =	ssyncset.done $0x0  }
0x10b: {  	[sflag:s20] =	ssyncadd.s32 $0xFFFFFF80  }
0x10c: {  	p0 =	seq.s32 s9, s15;
	s10 =	sadd.s32 s21, s10;
	_ =	strace $0x90000080  }
0x10d: {  	s2 =	sadd.s32 @!p0 s12, s15;
	s3 =	sand.u32 @!p0 $0x1, s18;
	_ =	strace $0x80000081  }
0x10e: {  	[spmem:s1] =	stream.indirect.scatter.add.f32 [tilespmem:s23], [sflag:$0x5], $0x80, s24, s29, $0x2000b8;
	[tilespmem:$0x1C100] =	vst v63  }
0x10f: {  	s17 =	sand.u32 @!p0 $0x1, s17;
	s18 =	simm.s32 @!p0 $0x0;
	_ =	swait.ge [sflag:s30], $0x4000  }
0x110: {  	s11 =	sshll.u32 @!p0 s2, $0xB;
	s16 =	sshll.u32 @!p0 s3, $0xE;
	[sflag:s30] =	ssyncset.done $0x0  }
0x111: {  	s3 =	sadd.s32 @!p0 $0x1, s3;
	s11 =	sand.u32 @!p0 $0x1FFFF800, s11;
	[sflag:s30] =	ssyncadd.s32 $0xFFFFC000  }
0x112: {  	s2 =	sshll.u32 @!p0 s2, $0x6;
	s16 =	sadd.s32 @!p0 $0x14000, s16;
	_ =	strace $0x90000081  }
0x113: {  	s2 =	sand.u32 @!p0 $0x1FFFFFC0, s2;
	s11 =	sadd.s32 @!p0 s6, s11;
	_ =	strace @!p0 $0x8000007D  }
0x114: {  	[tilespmem:s16], [sflag:s3] =	stream.linear.gather @!p0 [hbm4b:s11+s18], $0x4000, $0x200038;
	[tilespmem:$0x1C100] =	vst v63  }
0x115: {  	s2 =	sadd.s32 @!p0 s2, s19;
	s3 =	sshll.u32 @!p0 s17, $0x7;
	_ =	strace @!p0 $0x9000007D  }
0x116: {  	s11 =	sadd.s32 @!p0 $0x3, s17;
	s3 =	sor.u32 @!p0 $0x1C000, s3;
	_ =	strace @!p0 $0x8000007E  }
0x117: {  	[tilespmem:s3], [sflag:s11] =	stream.linear.gather @!p0 [hbm4b:s2+s18], $0x80, $0x200038;
	[tilespmem:$0x1C100] =	vst v63  }
0x118: {  	s23 =	sand.u32 $0x1, s10;
	_ =	strace @!p0 $0x9000007E  }
0x119: {  	s2 =	sadd.s32 $0x1, s23;
	_ =	strace $0x8000007F  }
0x11a: {  	_ =	swait.ge [sflag:s2], $0x4000  }
0x11b: {  	[sflag:s2] =	ssyncset.done $0x0  }
0x11c: {  	[sflag:s2] =	ssyncadd.s32 $0xFFFFC000  }
0x11d: {  	s24 =	sand.u32 $0x1, s13;
	_ =	strace $0x9000007F  }
0x11e: {  	s2 =	sadd.s32 $0x3, s24;
	_ =	strace $0x80000080  }
0x11f: {  	_ =	swait.ge [sflag:s2], $0x80  }
0x120: {  	[sflag:s2] =	ssyncset.done $0x0  }
0x121: {  	s26 =	sshll.u32 s13, $0x7;
	s25 =	sshll.u32 s10, $0xE;
	[sflag:s2] =	ssyncadd.s32 $0xFFFFFF80  }
0x122: {  	s28 =	sand.u32 $0x80, s26;
	s3 =	sand.u32 $0x4000, s25;
	_ =	strace $0x90000080  }
0x123: {  	s3 =	sadd.s32 $0x14000, s3;
	s2 =	sor.u32 $0x1C000, s28;
	_ =	strace $0x80000081  }
0x124: {  	[spmem:s1] =	stream.indirect.scatter.add.f32 [tilespmem:s3], [sflag:$0x5], $0x80, s2, s29, $0x2000b8;
	[tilespmem:$0x1C100] =	vst v63  }
0x125: {  	p0 =	sne.s32 s9, s15;
	s2 =	simm.s32 $0x1;
	_ =	swait.ge [sflag:s30], $0x4000  }
0x126: {  	s2 =	simm.s32 @!p0 $0x0;
	[sflag:s30] =	ssyncset.done $0x0  }
0x127: {  	s11 =	sadd.s32 s2, s10;
	[sflag:s30] =	ssyncadd.s32 $0xFFFFC000  }
0x128: {  	s15 =	sand.u32 $0x1, s11;
	_ =	strace $0x90000081  }
0x129: {  	s9 =	sadd.s32 $0x1, s15;
	_ =	strace $0x8000007F  }
0x12a: {  	_ =	swait.ge [sflag:s9], $0x4000  }
0x12b: {  	[sflag:s9] =	ssyncset.done $0x0  }
0x12c: {  	s2 =	sadd.s32 s2, s13;
	[sflag:s9] =	ssyncadd.s32 $0xFFFFC000  }
0x12d: {  	s16 =	sand.u32 $0x1, s2;
	_ =	strace $0x9000007F  }
0x12e: {  	s21 =	simm.s32 $0x1C000;
	s9 =	sadd.s32 $0x3, s16;
	_ =	strace $0x80000080  }
0x12f: {  	s18 =	simm.s32 $0x14000;
	s23 =	simm.s32 $0x0;
	_ =	swait.ge [sflag:s9], $0x80  }
0x130: {  	s25 =	simm.s32 $0x0;
	s28 =	sand.u32 $0x4000, s23;
	[sflag:s9] =	ssyncset.done $0x0  }
0x131: {  	s3 =	sshll.u32 s11, $0xE;
	s2 =	sshll.u32 s2, $0x7;
	[sflag:s9] =	ssyncadd.s32 $0xFFFFFF80  }
0x132: {  	s3 =	sand.u32 $0x4000, s3;
	s2 =	sand.u32 $0x80, s2;
	_ =	strace $0x90000080  }
0x133: {  	s3 =	sadd.s32 $0x14000, s3;
	s2 =	sor.u32 $0x1C000, s2;
	_ =	strace $0x80000081  }
0x134: {  	[spmem:s1] =	stream.indirect.scatter.add.f32 [tilespmem:s3], [sflag:$0x5], $0x80, s2, s29, $0x2000b8;
	[tilespmem:$0x1C100] =	vst v63  }
0x135: {  	p0 =	por $0x0, $0x0;
	s9 =	simm.s32 $0x1;
	_ =	swait.ge [sflag:s30], $0x4000  }
0x136: {  	s10 =	simm.s32 $0x0;
	s9 =	simm.s32 @p0 $0x0;
	[sflag:s30] =	ssyncset.done $0x0  }
0x137: {  	s24 =	sand.u32 $0x1, s10;
	p0 =	seq.s32 s9, $0x0;
	[sflag:s30] =	ssyncadd.s32 $0xFFFFC000  }
0x138: {  	s2 =	simm.s32 $0x1;
	s3 =	sadd.s32 @!p0 s12, s9;
	_ =	strace $0x90000081  }
0x139: {  	s11 =	sand.u32 @!p0 $0x1, s2;
	s13 =	sshll.u32 @!p0 s3, $0xB;
	_ =	strace $0x80000082  }
0x13a: {  	s3 =	sshll.u32 @!p0 s3, $0x6;
	s15 =	sshll.u32 @!p0 s11, $0xE;
	s17 =	rddreg [dreg:$0xd]  }
0x13b: {  	[tilespmem:s18], [sflag:$0x1] =	stream.linear.gather [hbm4b:s17+s10], $0x4000, $0x200038;
	[tilespmem:$0x1C100] =	vst v63  }
0x13c: {  	s13 =	sand.u32 @!p0 $0x1FFFF800, s13;
	s3 =	sand.u32 @!p0 $0x1FFFFFC0, s3;
	s20 =	rddreg [dreg:$0xe]  }
0x13d: {  	[tilespmem:s21], [sflag:$0x3] =	stream.linear.gather [hbm4b:s20+s10], $0x80, $0x200038;
	[tilespmem:$0x1C100] =	vst v63  }
0x13e: {  	s15 =	sadd.s32 @!p0 $0x14000, s15;
	s13 =	sadd.s32 @!p0 s7, s13;
	_ =	strace $0x90000082  }
0x13f: {  	s17 =	sadd.s32 @!p0 $0x1, s11;
	s18 =	simm.s32 @!p0 $0x0;
	_ =	strace @!p0 $0x80000083  }
0x140: {  	[tilespmem:s15], [sflag:s17] =	stream.linear.gather @!p0 [hbm4b:s13+s18], $0x4000, $0x200038;
	[tilespmem:$0x1C100] =	vst v63  }
0x141: {  	s3 =	sadd.s32 @!p0 s3, s22;
	s20 =	sshll.u32 @!p0 s11, $0x7;
	_ =	strace @!p0 $0x90000083  }
0x142: {  	s11 =	sadd.s32 @!p0 $0x3, s11;
	s13 =	sor.u32 @!p0 $0x1C000, s20;
	_ =	strace @!p0 $0x80000084  }
0x143: {  	[tilespmem:s13], [sflag:s11] =	stream.linear.gather @!p0 [hbm4b:s3+s18], $0x80, $0x200038;
	[tilespmem:$0x1C100] =	vst v63  }
0x144: {  	s23 =	sadd.s32 $0x14000, s28;
	s26 =	sadd.s32 $0x1, s24;
	_ =	strace @!p0 $0x90000084  }
0x145: {  	s16 =	simm.s32 $0x11;
	s15 =	simm.s32 @!p0 $0x1;
	_ =	strace $0x80000085  }
0x146: {  	s21 =	simm.s32 $0x1;
	s15 =	simm.s32 @p0 $0x0;
	_ =	swait.ge [sflag:s26], $0x4000  }
0x147: {  	s20 =	sadd.s32 $0x3, s24;
	s17 =	sadd.s32 $0x1, s15;
	[sflag:s26] =	ssyncset.done $0x0  }
0x148: {  	s15 =	sadd.s32 $0x1, s9;
	s18 =	simm.s32 @!p0 $0x2;
	[sflag:s26] =	ssyncadd.s32 $0xFFFFC000  }
0x149: {  	s13 =	sand.u32 $0x80, s25;
	s18 =	smov.u32 @p0 s2;
	_ =	strace $0x90000085  }
0x14a: {  	p0 =	sne.s32 s9, $0x0;
	s24 =	sor.u32 $0x1C000, s13;
	_ =	strace $0x80000086  }
0x14b: {  	s21 =	simm.s32 @!p0 $0x0;
	p0 =	seq.s32 s15, $0x14;
	_ =	swait.ge [sflag:s20], $0x80  }
0x14c: {  	s15 =	simm.s32 @p0 $0x0;
	s13 =	sadd.s32 $0x0, s21;
	[sflag:s20] =	ssyncset.done $0x0  }
.LBB2_8:
0x14d: {  	s2 =	smov.u32 s18  }
0x14e: {  	s16 =	sadd.s32 $0xFFFFFFFF, s16;
	p0 =	seq.s32 s9, s15;
	s10 =	sadd.s32 s21, s10  }
0x14f: {  	s3 =	sadd.s32 @!p0 s12, s15;
	s11 =	sand.u32 @!p0 $0x1, s18;
	[sflag:s20] =	ssyncadd.s32 $0xFFFFFF80  }
0x150: {  	s18 =	sshll.u32 @!p0 s11, $0xE;
	s20 =	sshll.u32 @!p0 s3, $0xB;
	_ =	strace $0x90000086  }
0x151: {  	s21 =	sand.u32 @!p0 $0x1, s17;
	s20 =	sand.u32 @!p0 $0x1FFFF800, s20;
	_ =	strace $0x80000087  }
0x152: {  	[spmem:s1] =	stream.indirect.scatter.add.f32 [tilespmem:s23], [sflag:$0x5], $0x80, s24, s29, $0x2000b8;
	[tilespmem:$0x1C100] =	vst v63  }
0x153: {  	s11 =	sadd.s32 @!p0 $0x1, s11;
	s3 =	sshll.u32 @!p0 s3, $0x6;
	s23 =	simm.s32 @!p0 $0x0  }
0x154: {  	s18 =	sadd.s32 @!p0 $0x14000, s18;
	s3 =	sand.u32 @!p0 $0x1FFFFFC0, s3;
	s24 =	sshll.u32 @!p0 s21, $0x7  }
0x155: {  	s25 =	simm.s32 @!p0 $0x1;
	s24 =	sor.u32 @!p0 $0x1C000, s24;
	_ =	swait.ge [sflag:s30], $0x4000  }
0x156: {  	s20 =	sadd.s32 @!p0 s7, s20;
	s21 =	sadd.s32 @!p0 $0x3, s21;
	[sflag:s30] =	ssyncset.done $0x0  }
0x157: {  	s25 =	simm.s32 @p0 $0x0;
	s3 =	sadd.s32 @!p0 s3, s22;
	[sflag:s30] =	ssyncadd.s32 $0xFFFFC000  }
0x158: {  	s17 =	sadd.s32 s17, s25;
	s25 =	sshll.u32 s10, $0xE;
	_ =	strace $0x90000087  }
0x159: {  	s28 =	sshll.u32 s13, $0x7;
	s26 =	sand.u32 $0x1, s10;
	_ =	strace @!p0 $0x80000083  }
0x15a: {  	[tilespmem:s18], [sflag:s11] =	stream.linear.gather @!p0 [hbm4b:s20+s23], $0x4000, $0x200038;
	[tilespmem:$0x1C100] =	vst v63  }
0x15b: {  	s11 =	sadd.s32 $0x1, s26;
	s26 =	sand.u32 $0x80, s28;
	_ =	strace @!p0 $0x90000083  }
0x15c: {  	s18 =	sadd.s32 @!p0 $0x1, s2;
	s20 =	sand.u32 $0x1, s13;
	_ =	strace @!p0 $0x80000084  }
0x15d: {  	[tilespmem:s24], [sflag:s21] =	stream.linear.gather @!p0 [hbm4b:s3+s23], $0x80, $0x200038;
	[tilespmem:$0x1C100] =	vst v63  }
0x15e: {  	s18 =	smov.u32 @p0 s2;
	s20 =	sadd.s32 $0x3, s20;
	_ =	strace @!p0 $0x90000084  }
0x15f: {  	p0 =	sne.s32 s16, $0x0;
	_ =	strace $0x80000085  }
0x160: {  	p1 =	sne.s32 s9, s15;
	_ =	swait.ge [sflag:s11], $0x4000  }
0x161: {  	s9 =	smov.u32 s15;
	s2 =	sand.u32 $0x4000, s25;
	[sflag:s11] =	ssyncset.done $0x0  }
.Ltmp3:
0x162: {  	s21 =	simm.s32 $0x1;
	[sflag:s11] =	ssyncadd.s32 $0xFFFFC000;
	(pc) =	sbr.rel @p0 .LBB2_8-.Ltmp3, $4  }
0x163: {  	s15 =	sadd.s32 $0x1, s15;
	s21 =	simm.s32 @!p1 $0x0;
	_ =	strace $0x90000085  }
0x164: {  	s23 =	sadd.s32 $0x14000, s2;
	p1 =	seq.s32 s15, $0x14;
	_ =	strace $0x80000086  }
0x165: {  	s24 =	sor.u32 $0x1C000, s26;
	s15 =	simm.s32 @p1 $0x0;
	_ =	swait.ge [sflag:s20], $0x80  }
0x166: {  	s13 =	sadd.s32 s21, s13;
	[sflag:s20] =	ssyncset.done $0x0  }
0x167: {  	p0 =	seq.s32 s9, s15;
	[sflag:s20] =	ssyncadd.s32 $0xFFFFFF80  }
0x168: {  	s2 =	sadd.s32 @!p0 s12, s15;
	_ =	strace $0x90000086  }
0x169: {  	s3 =	sand.u32 @!p0 $0x1, s18;
	s17 =	sand.u32 @!p0 $0x1, s17;
	_ =	strace $0x80000087  }
0x16a: {  	[spmem:s1] =	stream.indirect.scatter.add.f32 [tilespmem:s23], [sflag:$0x5], $0x80, s24, s29, $0x2000b8;
	[tilespmem:$0x1C100] =	vst v63  }
0x16b: {  	s18 =	simm.s32 @!p0 $0x0;
	s11 =	sshll.u32 @!p0 s2, $0xB;
	_ =	swait.ge [sflag:s30], $0x4000  }
0x16c: {  	s16 =	sshll.u32 @!p0 s3, $0xE;
	s3 =	sadd.s32 @!p0 $0x1, s3;
	[sflag:s30] =	ssyncset.done $0x0  }
0x16d: {  	s2 =	sshll.u32 @!p0 s2, $0x6;
	s11 =	sand.u32 @!p0 $0x1FFFF800, s11;
	[sflag:s30] =	ssyncadd.s32 $0xFFFFC000  }
0x16e: {  	s20 =	sshll.u32 @!p0 s17, $0x7;
	s16 =	sadd.s32 @!p0 $0x14000, s16;
	_ =	strace $0x90000087  }
0x16f: {  	s2 =	sand.u32 @!p0 $0x1FFFFFC0, s2;
	s11 =	sadd.s32 @!p0 s7, s11;
	_ =	strace @!p0 $0x80000083  }
0x170: {  	[tilespmem:s16], [sflag:s3] =	stream.linear.gather @!p0 [hbm4b:s11+s18], $0x4000, $0x200038;
	[tilespmem:$0x1C100] =	vst v63  }
0x171: {  	s28 =	sadd.s32 s21, s10;
	s10 =	sor.u32 @!p0 $0x1C000, s20;
	_ =	strace @!p0 $0x90000083  }
0x172: {  	s2 =	sadd.s32 @!p0 s2, s22;
	s11 =	sadd.s32 @!p0 $0x3, s17;
	_ =	strace @!p0 $0x80000084  }
0x173: {  	[tilespmem:s10], [sflag:s11] =	stream.linear.gather @!p0 [hbm4b:s2+s18], $0x80, $0x200038;
	[tilespmem:$0x1C100] =	vst v63  }
0x174: {  	s16 =	sand.u32 $0x1, s28;
	_ =	strace @!p0 $0x90000084  }
0x175: {  	s2 =	sadd.s32 $0x1, s16;
	_ =	strace $0x80000085  }
0x176: {  	_ =	swait.ge [sflag:s2], $0x4000  }
0x177: {  	[sflag:s2] =	ssyncset.done $0x0  }
0x178: {  	[sflag:s2] =	ssyncadd.s32 $0xFFFFC000  }
0x179: {  	s17 =	sand.u32 $0x1, s13;
	_ =	strace $0x90000085  }
0x17a: {  	s2 =	sadd.s32 $0x3, s17;
	_ =	strace $0x80000086  }
0x17b: {  	_ =	swait.ge [sflag:s2], $0x80  }
0x17c: {  	[sflag:s2] =	ssyncset.done $0x0  }
0x17d: {  	s20 =	sshll.u32 s13, $0x7;
	s18 =	sshll.u32 s28, $0xE;
	[sflag:s2] =	ssyncadd.s32 $0xFFFFFF80  }
0x17e: {  	s21 =	sand.u32 $0x80, s20;
	s10 =	sand.u32 $0x4000, s18;
	_ =	strace $0x90000086  }
0x17f: {  	s10 =	sadd.s32 $0x14000, s10;
	s2 =	sor.u32 $0x1C000, s21;
	_ =	strace $0x80000087  }
0x180: {  	[spmem:s1] =	stream.indirect.scatter.add.f32 [tilespmem:s10], [sflag:$0x5], $0x80, s2, s29, $0x2000b8;
	[tilespmem:$0x1C100] =	vst v63  }
0x181: {  	p0 =	sne.s32 s9, s15;
	s2 =	simm.s32 $0x1;
	_ =	swait.ge [sflag:s30], $0x4000  }
0x182: {  	s2 =	simm.s32 @!p0 $0x0;
	[sflag:s30] =	ssyncset.done $0x0  }
0x183: {  	s3 =	sadd.s32 s2, s28;
	[sflag:s30] =	ssyncadd.s32 $0xFFFFC000  }
0x184: {  	s23 =	sand.u32 $0x1, s3;
	_ =	strace $0x90000087  }
0x185: {  	s9 =	sadd.s32 $0x1, s23;
	_ =	strace $0x80000085  }
0x186: {  	_ =	swait.ge [sflag:s9], $0x4000  }
0x187: {  	[sflag:s9] =	ssyncset.done $0x0  }
0x188: {  	s2 =	sadd.s32 s2, s13;
	[sflag:s9] =	ssyncadd.s32 $0xFFFFC000  }
0x189: {  	s24 =	sand.u32 $0x1, s2;
	_ =	strace $0x90000085  }
0x18a: {  	s9 =	sadd.s32 $0x3, s24;
	_ =	strace $0x80000086  }
0x18b: {  	_ =	swait.ge [sflag:s9], $0x80  }
0x18c: {  	[sflag:s9] =	ssyncset.done $0x0  }
0x18d: {  	s3 =	sshll.u32 s3, $0xE;
	s2 =	sshll.u32 s2, $0x7;
	[sflag:s9] =	ssyncadd.s32 $0xFFFFFF80  }
0x18e: {  	s3 =	sand.u32 $0x4000, s3;
	s2 =	sand.u32 $0x80, s2;
	_ =	strace $0x90000086  }
0x18f: {  	s3 =	sadd.s32 $0x14000, s3;
	s2 =	sor.u32 $0x1C000, s2;
	_ =	strace $0x80000087  }
0x190: {  	[spmem:s1] =	stream.indirect.scatter.add.f32 [tilespmem:s3], [sflag:$0x5], $0x80, s2, s29, $0x2000b8;
	[tilespmem:$0x1C100] =	vst v63  }
0x191: {  	_ =	swait.ge [sflag:s30], $0x4000  }
0x192: {  	[sflag:s30] =	ssyncset.done $0x0  }
0x193: {  	[sflag:s30] =	ssyncadd.s32 $0xFFFFC000  }
0x194: {  	_ =	strace $0x90000087  }
0x195: {  	[bflag:$0x0] =	sbarrier.arrive $0xFFFF  }
0x196: {  	s11 =	rddreg [dreg:$0x5]  }
0x197: {  	s25 =	rddreg [dreg:$0xb]  }
0x198: {  	s26 =	rddreg [dreg:$0x10]  }
0x199: {  	[hbm:s25], [sflag:s11] =	dma.local [spmem:s26], $0x2800  }
0x19a: {  	_ =	swait.ge [sflag:s31], $0x2800  }
0x19b: {  	s0 =	sadd.s32 $0x1, s0;
	s28 =	rddreg [dreg:$0xf]  }
0x19c: {  	p0 =	sne.s32 s0, s28  }
.Ltmp4:
0x19d: {  	_ = 	snop;
	(pc) =	sbr.rel @p0 .LBB2_1-.Ltmp4, $3  }
0x19e: {  	_ =	sdelay $0x1  }
0x19f: {  	[sflag:s31] =	ssyncset.done $0x0  }
0x1a0: {  	[sflag:s31] =	ssyncadd.s32 $0xFFFFD800  }
0x1a1: {  	_ =	sfence.sel $0x180000  }
0x1a2: {  	[bflag:$0x0] =	sbarrier.arrive $0xFFFF  }
0x1a3: {  	_ =	strace $0x9000006F  }
0x1a4: {  	s0 =	stileid.u32;
	[bflag:$0x2] =	sbarrier.arrive $0xFFFF  }
0x1a5: {  	p0 =	sne.s32 s0, $0x0;
	s0 =	rddreg [dreg:$0x2]  }
0x1a6: {  	s0 =	sadd.s32 @!p0 $0x100000, s0  }
0x1a7: {  	[sflag:s0] =	ssyncadd.tile.s32 @!p0 $0x1;
	_ =	shalt  }
.Lfunc_end2:
_tile_overlayer_lowered:
.L_overlay_start_2:
0x1a8: {  	(tag) =	ssettag $0x2  }
0x1a9: {  	s0 =	rddreg [dreg:$0x0];
	s2 =	stileid.u32  }
0x1aa: {  	s1 =	rddreg [dreg:$0x1];
	p0 =	sne.s32 s2, $0x0  }
0x1ab: {  	s3 =	rddreg [dreg:$0x2];
	[bflag:$0x3] =	sbarrier.arrive $0xFFFF;
	s2 =	simm.s32 @!p0 $0x1C01  }
0x1ac: {  	[timem:s3], [sflag:s2] =	dma.local @!p0 [hbm:s0], s1  }
0x1ad: {  	s0 =	simm.s32 @!p0 $0x1  }
0x1ae: {  	_ =	swait.ge @!p0 [sflag:s0], s1  }
0x1af: {  	s1 =	ssub.s32 @!p0 $0x0, s1;
	[sflag:s0] =	ssyncset.done @!p0 $0x0  }
0x1b0: {  	[sflag:s0] =	ssyncadd.s32 @!p0 s1  }
0x1b1: {  	[bflag:$0x3] =	sbarrier.arrive $0xFFFF  }
0x1b2: {  	_ =	shalt  }

</sc_bundles>
